<compile_context>
chip_gen: v7x
topology: tpu7x:2x2x1
jax: 0.10.2.dev20260603
libtpu: 0.0.44.dev20260713+nightly
codegen_flags: <defaults>
</compile_context>

<pallas_src>
import functools

import numpy as np
import jax
import jax.numpy as jnp
from jax import lax
from jax.experimental import pallas as pl
from jax.experimental.pallas import tpu as pltpu
from jax.experimental.pallas import tpu_sc as plsc

N_NODES = 10000
D_IN = 128
EMBED = 20
EMB_NUMBER = 32
NUM_BASIS = 8
MAX_RADIUS = 6.0
N_EDGES = 320000

TABLE_ROWS = 10016
NB = 512
LMAX = 8.0
HSTEP = LMAX / NB
INV_H = NB / LMAX
SCALE = 1.0 / np.sqrt(N_EDGES / N_NODES)

NC, NS = 2, 16
NW = NC * NS
BLK = 128
BPC = 4
CHUNKS = 20
BLOCKS_PER_TILE = BPC * CHUNKS
E_PAD = NW * BLOCKS_PER_TILE * BLK
ACC_ROWS = 10240


def _tc_prepare(x_pad, posc, W_p, b_p, f1w, f1b, f2w, f2b, table_o, lut_o):
    h = jnp.dot(x_pad[...], W_p[...], preferred_element_type=jnp.float32) + b_p[...]
    rows = lax.broadcasted_iota(jnp.int32, (TABLE_ROWS, 1), 0)
    valid = (rows < N_NODES).astype(jnp.float32)
    table_o[...] = h * valid + posc[...]

    L = lax.broadcasted_iota(jnp.int32, (NB + 8, 1), 0).astype(jnp.float32) * HSTEP
    step = MAX_RADIUS / (NUM_BASIS + 1)
    vals = (lax.broadcasted_iota(jnp.int32, (1, NUM_BASIS), 1)
            .astype(jnp.float32) + 1.0) * step
    diff = (L - vals) * (1.0 / step)
    emb = jnp.exp(-diff * diff) * (float(np.sqrt(NUM_BASIS)) / 1.12)
    hid = jnp.dot(emb, f1w[...], preferred_element_type=jnp.float32,
                  precision=lax.Precision.HIGHEST) + f1b[...]
    hid = hid / (1.0 + jnp.exp(-hid))
    w = jnp.dot(hid, f2w[...], preferred_element_type=jnp.float32,
                precision=lax.Precision.HIGHEST) + f2b[...]
    wg = w * SCALE
    base = wg[0:NB]
    slope = wg[1:NB + 1] - base
    lut_o[...] = jnp.concatenate([base, slope], axis=1)


def _tc_combine(parts, out_o):
    out_o[...] = parts[0, 0:N_NODES, 0:EMBED] + parts[1, 0:N_NODES, 0:EMBED]


def _sc_body(table, pos16, srcb, dstb, luth, part,
             lut_v, srci, dsti, rowsA, posD, msg, zbuf, accum,
             sem_g, sem_s, sem_i):
    c = lax.axis_index("c")
    s = lax.axis_index("s")
    wid = s * NC + c
    HALF = BPC * BLK

    pltpu.sync_copy(luth, lut_v)

    z = jnp.zeros((16,), jnp.float32)
    for r in range(16):
        zbuf[r, pl.ds(0, 16)] = z
        zbuf[r, pl.ds(16, 16)] = z

    def mzero(j, carry):
        msg[j, pl.ds(0, 16)] = z
        msg[j, pl.ds(16, 16)] = z
        return carry

    lax.fori_loop(0, 2 * HALF, mzero, 0)

    def bzero(j, carry):
        zbuf[j, pl.ds(0, 16)] = z
        zbuf[j, pl.ds(16, 16)] = z
        return carry

    lax.fori_loop(0, 80, bzero, 0)

    zcopies = [pltpu.async_copy(zbuf, accum.at[pl.ds(s * 640 + j * 80, 80)],
                                sem_i) for j in range(8)]
    for zc in zcopies:
        zc.wait()
    plsc.subcore_barrier()

    iota16 = lax.iota(jnp.int32, 16)

    def compute_chunk(ro):
        @plsc.parallel_loop(0, BPC * 8, 1, unroll=3)
        def group_compute(g):
            lane = ro + g * 16 + iota16

            def gath(ref, col):
                return plsc.load_gather(
                    ref, [lane, jnp.full((16,), col, jnp.int32)])

            pd0 = gath(posD, 0)
            pd1 = gath(posD, 1)
            pd2 = gath(posD, 2)
            ps0 = gath(rowsA, EMBED + 0)
            ps1 = gath(rowsA, EMBED + 1)
            ps2 = gath(rowsA, EMBED + 2)
            d0 = pd0 - ps0
            d1 = pd1 - ps1
            d2 = pd2 - ps2
            r2 = jnp.maximum(d0 * d0 + d1 * d1 + d2 * d2, 1e-24)
            bits = plsc.bitcast(r2, jnp.int32)
            yb = jnp.int32(0x5F3759DF) - lax.shift_right_arithmetic(bits, 1)
            y = plsc.bitcast(yb, jnp.float32)
            y = y * (1.5 - 0.5 * r2 * y * y)
            y = y * (1.5 - 0.5 * r2 * y * y)
            y = y * (1.5 - 0.5 * r2 * y * y)
            ln = r2 * y
            t = jnp.minimum(ln * INV_H, NB - 0.5)
            jj = t.astype(jnp.int32)
            fr = t - jj.astype(jnp.float32)

            for d in range(EMBED):
                basev = plsc.load_gather(
                    lut_v, [jj, jnp.full((16,), d, jnp.int32)])
                slopev = plsc.load_gather(
                    lut_v, [jj, jnp.full((16,), EMBED + d, jnp.int32)])
                wv = basev + fr * slopev
                hv = gath(rowsA, d)
                plsc.store_scatter(
                    msg, [lane, jnp.full((16,), d, jnp.int32)], hv * wv)

    def issue_idx(ck, po):
        blk0 = wid * BLOCKS_PER_TILE + ck * BPC
        a = pltpu.async_copy(srcb.at[pl.ds(blk0, BPC)],
                             srci.at[pl.ds(po, BPC)], sem_i)
        b = pltpu.async_copy(dstb.at[pl.ds(blk0, BPC)],
                             dsti.at[pl.ds(po, BPC)], sem_i)
        return a, b

    def wait_idx(po):
        blk0 = 0
        pltpu.make_async_copy(srcb.at[pl.ds(blk0, BPC)],
                              srci.at[pl.ds(po, BPC)], sem_i).wait()
        pltpu.make_async_copy(dstb.at[pl.ds(blk0, BPC)],
                              dsti.at[pl.ds(po, BPC)], sem_i).wait()

    def issue_gathers(po, ro):
        for b in range(BPC):
            pltpu.async_copy(table.at[srci.at[po + b]],
                             rowsA.at[pl.ds(ro + b * BLK, BLK)], sem_g)
            pltpu.async_copy(pos16.at[dsti.at[po + b]],
                             posD.at[pl.ds(ro + b * BLK, BLK)], sem_g)

    def wait_gathers(po, ro):
        for b in range(BPC):
            pltpu.make_async_copy(table.at[srci.at[po + b]],
                                  rowsA.at[pl.ds(ro + b * BLK, BLK)],
                                  sem_g).wait()
            pltpu.make_async_copy(pos16.at[dsti.at[po + b]],
                                  posD.at[pl.ds(ro + b * BLK, BLK)],
                                  sem_g).wait()

    def issue_scatters(po, ro):
        for b in range(BPC):
            pltpu.async_copy(msg.at[pl.ds(ro + b * BLK, BLK)],
                             accum.at[dsti.at[po + b]], sem_s, add=True)

    def wait_scatters(po, ro):
        for b in range(BPC):
            pltpu.make_async_copy(msg.at[pl.ds(ro + b * BLK, BLK)],
                                  accum.at[dsti.at[po + b]],
                                  sem_s).wait()

    blk0 = wid * BLOCKS_PER_TILE
    pltpu.sync_copy(srcb.at[pl.ds(blk0, BPC)], srci.at[pl.ds(0, BPC)])
    pltpu.sync_copy(dstb.at[pl.ds(blk0, BPC)], dsti.at[pl.ds(0, BPC)])
    issue_gathers(0, 0)

    def chunk_loop(ck, carry):
        p = lax.rem(ck, 2)
        po = p * BPC
        ro = p * HALF
        q = 1 - p
        qo = q * BPC
        qro = q * HALF

        @pl.when(ck >= 1)
        def _():
            wait_scatters(qo, qro)

        @pl.when(ck < CHUNKS - 1)
        def _():
            issue_idx(ck + 1, qo)

        wait_gathers(po, ro)
        compute_chunk(ro)

        @pl.when(ck < CHUNKS - 1)
        def _():
            wait_idx(qo)
            issue_gathers(qo, qro)

        issue_scatters(po, ro)
        return carry

    lax.fori_loop(0, CHUNKS, chunk_loop, 0)
    lp = (CHUNKS - 1) % 2
    wait_scatters(lp * BPC, lp * HALF)
    plsc.subcore_barrier()

    pltpu.sync_copy(accum.at[pl.ds(s * 640, 640)],
                    part.at[c, pl.ds(s * 640, 640)])


def kernel(x, pos, edge_index, W_emb, b_emb, fc1_w, fc1_b, fc2_w, fc2_b):
    f32 = jnp.float32
    i32 = jnp.int32

    x_pad = jnp.pad(x.astype(f32), ((0, TABLE_ROWS - N_NODES), (0, 0)))
    pos_pad = jnp.pad(pos.astype(f32), ((0, TABLE_ROWS - N_NODES), (0, 0)))
    posc = jnp.pad(pos_pad, ((0, 0), (EMBED, 32 - EMBED - 3)))
    pos16 = jnp.pad(pos_pad, ((0, 0), (0, 13)))
    W_p = jnp.pad(W_emb.astype(f32), ((0, 0), (0, 32 - EMBED)))
    b_p = jnp.pad(b_emb.astype(f32), (0, 32 - EMBED)).reshape(1, 32)

    ei = edge_index.astype(i32)
    pad_e = E_PAD - N_EDGES
    src_p = jnp.concatenate(
        [ei[0], jnp.full((pad_e,), N_NODES, i32)]).reshape(E_PAD // BLK, BLK)
    dst_p = jnp.concatenate(
        [ei[1], jnp.full((pad_e,), N_NODES, i32)]).reshape(E_PAD // BLK, BLK)

    table, lut = pl.pallas_call(
        _tc_prepare,
        out_shape=[
            jax.ShapeDtypeStruct((TABLE_ROWS, 32), f32),
            jax.ShapeDtypeStruct((NB, 2 * EMBED), f32),
        ],
    )(x_pad, posc, W_p, b_p,
      fc1_w.astype(f32), fc1_b.astype(f32).reshape(1, EMB_NUMBER),
      fc2_w.astype(f32), fc2_b.astype(f32).reshape(1, EMBED))

    mesh = plsc.VectorSubcoreMesh(core_axis_name="c", subcore_axis_name="s")
    parts = pl.kernel(
        _sc_body,
        out_type=jax.ShapeDtypeStruct((NC, ACC_ROWS, 32), f32),
        mesh=mesh,
        compiler_params=pltpu.CompilerParams(
            needs_layout_passes=False, use_tc_tiling_on_sc=False),
        scratch_types=[
            pltpu.VMEM((NB, 2 * EMBED), f32),
            pltpu.VMEM((2 * BPC, BLK), i32),
            pltpu.VMEM((2 * BPC, BLK), i32),
            pltpu.VMEM((2 * BPC * BLK, 32), f32),
            pltpu.VMEM((2 * BPC * BLK, 16), f32),
            pltpu.VMEM((2 * BPC * BLK, 32), f32),
            pltpu.VMEM((80, 32), f32),
            pltpu.VMEM_SHARED((ACC_ROWS, 32), f32),
            pltpu.SemaphoreType.DMA,
            pltpu.SemaphoreType.DMA,
            pltpu.SemaphoreType.DMA,
        ],
    )(table, pos16, src_p, dst_p, lut)

    out = pl.pallas_call(
        _tc_combine,
        out_shape=jax.ShapeDtypeStruct((N_NODES, EMBED), f32),
    )(parts)
    return out

# --- scband reference (transcript-rebuilt; emitter-appended) ---
"""Pipeline reference for scband-embed-net-30408368455703 (READ-ONLY COPY).

The authoritative reference and input builder live on the scoring server;
editing this copy changes nothing except your own understanding.
"""

import jax, jax.numpy as jnp
import numpy as np

N_NODES = 10000
N_EDGES = 320000
D_IN = 128
EMBED = 20
EMB_NUMBER = 32
NUM_BASIS = 8
MAX_RADIUS = 6.0


def soft_one_hot_linspace(x, start, end, number):
    # e3nn gaussian basis with cutoff=True
    values = jnp.linspace(start, end, number + 2)[1:-1]
    step = values[1] - values[0]
    diff = (x[:, None] - values[None, :]) / step
    return jnp.exp(-diff ** 2) / 1.12


def setup_inputs(seed: int = 0) -> dict:
    key = jax.random.key(seed)
    ks = jax.random.split(key, 10)
    x = jax.random.normal(ks[0], (N_NODES, D_IN), dtype=jnp.float32)
    pos = jax.random.normal(ks[1], (N_NODES, 3), dtype=jnp.float32) * 2.0
    edge_index = jax.random.randint(ks[2], (2, N_EDGES), 0, N_NODES, dtype=jnp.int64)
    W_emb = jax.random.normal(ks[3], (D_IN, EMBED), dtype=jnp.float32) / np.sqrt(D_IN)
    b_emb = jnp.zeros((EMBED,), dtype=jnp.float32)
    fc1_w = jax.random.normal(ks[4], (NUM_BASIS, EMB_NUMBER), dtype=jnp.float32) / np.sqrt(NUM_BASIS)
    fc1_b = jnp.zeros((EMB_NUMBER,), dtype=jnp.float32)
    fc2_w = jax.random.normal(ks[5], (EMB_NUMBER, EMBED), dtype=jnp.float32) / np.sqrt(EMB_NUMBER)
    fc2_b = jnp.zeros((EMBED,), dtype=jnp.float32)
    return {"x": x, "pos": pos, "edge_index": edge_index, "W_emb": W_emb, "b_emb": b_emb,
            "fc1_w": fc1_w, "fc1_b": fc1_b, "fc2_w": fc2_w, "fc2_b": fc2_b}


def reference(x, pos, edge_index, W_emb, b_emb, fc1_w, fc1_b, fc2_w, fc2_b):
    src = edge_index[0]
    dst = edge_index[1]
    # node embedding (EmbedNet.embedding linear layer)
    h = x @ W_emb + b_emb  # [N, EMBED]
    # geometric edge features (embE3Conv pattern)
    edge_vec = pos[dst] - pos[src]  # gather
    edge_len = jnp.linalg.norm(edge_vec, axis=1)
    emb = soft_one_hot_linspace(edge_len, 0.0, MAX_RADIUS, NUM_BASIS) * (NUM_BASIS ** 0.5)
    # radial MLP -> per-edge weights (e3nn FullyConnectedNet [8, 32, weight_numel] analog)
    w = jax.nn.silu(emb @ fc1_w + fc1_b) @ fc2_w + fc2_b  # [E, EMBED]
    # message = gathered source features modulated by radial weights
    msg = h[src] * w  # gather + elementwise
    num_neighbors = N_EDGES / N_NODES
    out = jnp.zeros((N_NODES, EMBED), dtype=h.dtype).at[dst].add(msg) / (num_neighbors ** 0.5)
    return out

if __name__ == "__main__":
    import jax
    _d = setup_inputs()
    print(jax.jit(kernel)(*tuple(_d.values())))

</pallas_src>

<mosaic_0001>
#map = affine_map<(d0, d1) -> (0, 0)>
#map1 = affine_map<(d0, d1) -> (0, 0, 0)>
module attributes {stable_mosaic.version = 14 : i64} {
  func.func @_sc_body(%arg0: i32, %arg1: i32, %arg2: memref<10016x32xf32, #tpu.memory_space<hbm>>, %arg3: memref<10016x16xf32, #tpu.memory_space<hbm>>, %arg4: memref<2560x128xi32, #tpu.memory_space<hbm>>, %arg5: memref<2560x128xi32, #tpu.memory_space<hbm>>, %arg6: memref<512x40xf32, #tpu.memory_space<hbm>>, %arg7: memref<2x10240x32xf32, #tpu.memory_space<hbm>>, %arg8: memref<512x40xf32, #tpu.memory_space<vmem>>, %arg9: memref<8x128xi32, #tpu.memory_space<vmem>>, %arg10: memref<8x128xi32, #tpu.memory_space<vmem>>, %arg11: memref<1024x32xf32, #tpu.memory_space<vmem>>, %arg12: memref<1024x16xf32, #tpu.memory_space<vmem>>, %arg13: memref<1024x32xf32, #tpu.memory_space<vmem>>, %arg14: memref<80x32xf32, #tpu.memory_space<vmem>>, %arg15: memref<10240x32xf32, #tpu.memory_space<vmem_shared>>, %arg16: memref<!tpu.dma_semaphore, #tpu.memory_space<semaphore_mem>>, %arg17: memref<!tpu.dma_semaphore, #tpu.memory_space<semaphore_mem>>, %arg18: memref<!tpu.dma_semaphore, #tpu.memory_space<semaphore_mem>>) attributes {dimension_semantics = [#tpu.dimension_semantics<core_parallel>, #tpu.dimension_semantics<subcore_parallel>], iteration_bounds = array<i64: 2, 16>, scalar_prefetch = 0 : i64, scratch_operands = 11 : i64, tpu.core_type = #tpu.core_type<sc_vector_subcore>, window_params = [{transform_indices = #map}, {transform_indices = #map}, {transform_indices = #map}, {transform_indices = #map}, {transform_indices = #map}, {transform_indices = #map1}]} {
    %mul3A = arith.constant 2 : i32
    %mul3A_0 = arith.muli %arg1, %mul3A : i32
    %add3A = arith.addi %mul3A_0, %arg0 : i32
    "tpu.region"() ({
      %run_scoped3A = tpu.sem_alloc : memref<!tpu.dma_semaphore, #tpu.memory_space<semaphore_mem>>
      tpu.enqueue_dma source(%arg6 : memref<512x40xf32, #tpu.memory_space<hbm>>) target(%arg8 : memref<512x40xf32, #tpu.memory_space<vmem>>) target_semaphore(%run_scoped3A : memref<!tpu.dma_semaphore, #tpu.memory_space<semaphore_mem>>)
      tpu.wait_dma2 semaphore(%run_scoped3A : memref<!tpu.dma_semaphore, #tpu.memory_space<semaphore_mem>>) src(%arg6 : memref<512x40xf32, #tpu.memory_space<hbm>>) dst(%arg8 : memref<512x40xf32, #tpu.memory_space<vmem>>)
      tpu.yield
    }) : () -> ()
    %broadcast_in_dim3A = arith.constant 0.000000e+00 : f32
    %broadcast_in_dim3A_1 = vector.broadcast %broadcast_in_dim3A : f32 to vector<16xf32>
    %swap3A = arith.constant 0 : i32
    %swap3A_2 = arith.index_cast %swap3A : i32 to index
    %swap3A_3 = arith.constant 0 : index
    %swap3A_4 = tpu.vector_load %arg14[%swap3A_2, %swap3A_3] {strides = array<i32>} : memref<80x32xf32, #tpu.memory_space<vmem>>, vector<16xf32>,
    tpu.vector_store %arg14[%swap3A_2, %swap3A_3], %broadcast_in_dim3A_1 {strides = array<i32>} : memref<80x32xf32, #tpu.memory_space<vmem>>, vector<16xf32>,
    %swap3A_5 = arith.constant 0 : i32
    %swap3A_6 = arith.index_cast %swap3A_5 : i32 to index
    %swap3A_7 = arith.constant 16 : index
    %swap3A_8 = tpu.vector_load %arg14[%swap3A_6, %swap3A_7] {strides = array<i32>} : memref<80x32xf32, #tpu.memory_space<vmem>>, vector<16xf32>,
    tpu.vector_store %arg14[%swap3A_6, %swap3A_7], %broadcast_in_dim3A_1 {strides = array<i32>} : memref<80x32xf32, #tpu.memory_space<vmem>>, vector<16xf32>,
    %swap3A_9 = arith.constant 1 : i32
    %swap3A_10 = arith.index_cast %swap3A_9 : i32 to index
    %swap3A_11 = arith.constant 0 : index
    %swap3A_12 = tpu.vector_load %arg14[%swap3A_10, %swap3A_11] {strides = array<i32>} : memref<80x32xf32, #tpu.memory_space<vmem>>, vector<16xf32>,
    tpu.vector_store %arg14[%swap3A_10, %swap3A_11], %broadcast_in_dim3A_1 {strides = array<i32>} : memref<80x32xf32, #tpu.memory_space<vmem>>, vector<16xf32>,
    %swap3A_13 = arith.constant 1 : i32
    %swap3A_14 = arith.index_cast %swap3A_13 : i32 to index
    %swap3A_15 = arith.constant 16 : index
    %swap3A_16 = tpu.vector_load %arg14[%swap3A_14, %swap3A_15] {strides = array<i32>} : memref<80x32xf32, #tpu.memory_space<vmem>>, vector<16xf32>,
    tpu.vector_store %arg14[%swap3A_14, %swap3A_15], %broadcast_in_dim3A_1 {strides = array<i32>} : memref<80x32xf32, #tpu.memory_space<vmem>>, vector<16xf32>,
    %swap3A_17 = arith.constant 2 : i32
    %swap3A_18 = arith.index_cast %swap3A_17 : i32 to index
    %swap3A_19 = arith.constant 0 : index
    %swap3A_20 = tpu.vector_load %arg14[%swap3A_18, %swap3A_19] {strides = array<i32>} : memref<80x32xf32, #tpu.memory_space<vmem>>, vector<16xf32>,
    tpu.vector_store %arg14[%swap3A_18, %swap3A_19], %broadcast_in_dim3A_1 {strides = array<i32>} : memref<80x32xf32, #tpu.memory_space<vmem>>, vector<16xf32>,
    %swap3A_21 = arith.constant 2 : i32
    %swap3A_22 = arith.index_cast %swap3A_21 : i32 to index
    %swap3A_23 = arith.constant 16 : index
    %swap3A_24 = tpu.vector_load %arg14[%swap3A_22, %swap3A_23] {strides = array<i32>} : memref<80x32xf32, #tpu.memory_space<vmem>>, vector<16xf32>,
    tpu.vector_store %arg14[%swap3A_22, %swap3A_23], %broadcast_in_dim3A_1 {strides = array<i32>} : memref<80x32xf32, #tpu.memory_space<vmem>>, vector<16xf32>,
    %swap3A_25 = arith.constant 3 : i32
    %swap3A_26 = arith.index_cast %swap3A_25 : i32 to index
    %swap3A_27 = arith.constant 0 : index
    %swap3A_28 = tpu.vector_load %arg14[%swap3A_26, %swap3A_27] {strides = array<i32>} : memref<80x32xf32, #tpu.memory_space<vmem>>, vector<16xf32>,
    tpu.vector_store %arg14[%swap3A_26, %swap3A_27], %broadcast_in_dim3A_1 {strides = array<i32>} : memref<80x32xf32, #tpu.memory_space<vmem>>, vector<16xf32>,
    %swap3A_29 = arith.constant 3 : i32
    %swap3A_30 = arith.index_cast %swap3A_29 : i32 to index
    %swap3A_31 = arith.constant 16 : index
    %swap3A_32 = tpu.vector_load %arg14[%swap3A_30, %swap3A_31] {strides = array<i32>} : memref<80x32xf32, #tpu.memory_space<vmem>>, vector<16xf32>,
    tpu.vector_store %arg14[%swap3A_30, %swap3A_31], %broadcast_in_dim3A_1 {strides = array<i32>} : memref<80x32xf32, #tpu.memory_space<vmem>>, vector<16xf32>,
    %swap3A_33 = arith.constant 4 : i32
    %swap3A_34 = arith.index_cast %swap3A_33 : i32 to index
    %swap3A_35 = arith.constant 0 : index
    %swap3A_36 = tpu.vector_load %arg14[%swap3A_34, %swap3A_35] {strides = array<i32>} : memref<80x32xf32, #tpu.memory_space<vmem>>, vector<16xf32>,
    tpu.vector_store %arg14[%swap3A_34, %swap3A_35], %broadcast_in_dim3A_1 {strides = array<i32>} : memref<80x32xf32, #tpu.memory_space<vmem>>, vector<16xf32>,
    %swap3A_37 = arith.constant 4 : i32
    %swap3A_38 = arith.index_cast %swap3A_37 : i32 to index
    %swap3A_39 = arith.constant 16 : index
    %swap3A_40 = tpu.vector_load %arg14[%swap3A_38, %swap3A_39] {strides = array<i32>} : memref<80x32xf32, #tpu.memory_space<vmem>>, vector<16xf32>,
    tpu.vector_store %arg14[%swap3A_38, %swap3A_39], %broadcast_in_dim3A_1 {strides = array<i32>} : memref<80x32xf32, #tpu.memory_space<vmem>>, vector<16xf32>,
    %swap3A_41 = arith.constant 5 : i32
    %swap3A_42 = arith.index_cast %swap3A_41 : i32 to index
    %swap3A_43 = arith.constant 0 : index
    %swap3A_44 = tpu.vector_load %arg14[%swap3A_42, %swap3A_43] {strides = array<i32>} : memref<80x32xf32, #tpu.memory_space<vmem>>, vector<16xf32>,
    tpu.vector_store %arg14[%swap3A_42, %swap3A_43], %broadcast_in_dim3A_1 {strides = array<i32>} : memref<80x32xf32, #tpu.memory_space<vmem>>, vector<16xf32>,
    %swap3A_45 = arith.constant 5 : i32
    %swap3A_46 = arith.index_cast %swap3A_45 : i32 to index
    %swap3A_47 = arith.constant 16 : index
    %swap3A_48 = tpu.vector_load %arg14[%swap3A_46, %swap3A_47] {strides = array<i32>} : memref<80x32xf32, #tpu.memory_space<vmem>>, vector<16xf32>,
    tpu.vector_store %arg14[%swap3A_46, %swap3A_47], %broadcast_in_dim3A_1 {strides = array<i32>} : memref<80x32xf32, #tpu.memory_space<vmem>>, vector<16xf32>,
    %swap3A_49 = arith.constant 6 : i32
    %swap3A_50 = arith.index_cast %swap3A_49 : i32 to index
    %swap3A_51 = arith.constant 0 : index
    %swap3A_52 = tpu.vector_load %arg14[%swap3A_50, %swap3A_51] {strides = array<i32>} : memref<80x32xf32, #tpu.memory_space<vmem>>, vector<16xf32>,
    tpu.vector_store %arg14[%swap3A_50, %swap3A_51], %broadcast_in_dim3A_1 {strides = array<i32>} : memref<80x32xf32, #tpu.memory_space<vmem>>, vector<16xf32>,
    %swap3A_53 = arith.constant 6 : i32
    %swap3A_54 = arith.index_cast %swap3A_53 : i32 to index
    %swap3A_55 = arith.constant 16 : index
    %swap3A_56 = tpu.vector_load %arg14[%swap3A_54, %swap3A_55] {strides = array<i32>} : memref<80x32xf32, #tpu.memory_space<vmem>>, vector<16xf32>,
    tpu.vector_store %arg14[%swap3A_54, %swap3A_55], %broadcast_in_dim3A_1 {strides = array<i32>} : memref<80x32xf32, #tpu.memory_space<vmem>>, vector<16xf32>,
    %swap3A_57 = arith.constant 7 : i32
    %swap3A_58 = arith.index_cast %swap3A_57 : i32 to index
    %swap3A_59 = arith.constant 0 : index
    %swap3A_60 = tpu.vector_load %arg14[%swap3A_58, %swap3A_59] {strides = array<i32>} : memref<80x32xf32, #tpu.memory_space<vmem>>, vector<16xf32>,
    tpu.vector_store %arg14[%swap3A_58, %swap3A_59], %broadcast_in_dim3A_1 {strides = array<i32>} : memref<80x32xf32, #tpu.memory_space<vmem>>, vector<16xf32>,
    %swap3A_61 = arith.constant 7 : i32
    %swap3A_62 = arith.index_cast %swap3A_61 : i32 to index
    %swap3A_63 = arith.constant 16 : index
    %swap3A_64 = tpu.vector_load %arg14[%swap3A_62, %swap3A_63] {strides = array<i32>} : memref<80x32xf32, #tpu.memory_space<vmem>>, vector<16xf32>,
    tpu.vector_store %arg14[%swap3A_62, %swap3A_63], %broadcast_in_dim3A_1 {strides = array<i32>} : memref<80x32xf32, #tpu.memory_space<vmem>>, vector<16xf32>,
    %swap3A_65 = arith.constant 8 : i32
    %swap3A_66 = arith.index_cast %swap3A_65 : i32 to index
    %swap3A_67 = arith.constant 0 : index
    %swap3A_68 = tpu.vector_load %arg14[%swap3A_66, %swap3A_67] {strides = array<i32>} : memref<80x32xf32, #tpu.memory_space<vmem>>, vector<16xf32>,
    tpu.vector_store %arg14[%swap3A_66, %swap3A_67], %broadcast_in_dim3A_1 {strides = array<i32>} : memref<80x32xf32, #tpu.memory_space<vmem>>, vector<16xf32>,
    %swap3A_69 = arith.constant 8 : i32
    %swap3A_70 = arith.index_cast %swap3A_69 : i32 to index
    %swap3A_71 = arith.constant 16 : index
    %swap3A_72 = tpu.vector_load %arg14[%swap3A_70, %swap3A_71] {strides = array<i32>} : memref<80x32xf32, #tpu.memory_space<vmem>>, vector<16xf32>,
    tpu.vector_store %arg14[%swap3A_70, %swap3A_71], %broadcast_in_dim3A_1 {strides = array<i32>} : memref<80x32xf32, #tpu.memory_space<vmem>>, vector<16xf32>,
    %swap3A_73 = arith.constant 9 : i32
    %swap3A_74 = arith.index_cast %swap3A_73 : i32 to index
    %swap3A_75 = arith.constant 0 : index
    %swap3A_76 = tpu.vector_load %arg14[%swap3A_74, %swap3A_75] {strides = array<i32>} : memref<80x32xf32, #tpu.memory_space<vmem>>, vector<16xf32>,
    tpu.vector_store %arg14[%swap3A_74, %swap3A_75], %broadcast_in_dim3A_1 {strides = array<i32>} : memref<80x32xf32, #tpu.memory_space<vmem>>, vector<16xf32>,
    %swap3A_77 = arith.constant 9 : i32
    %swap3A_78 = arith.index_cast %swap3A_77 : i32 to index
    %swap3A_79 = arith.constant 16 : index
    %swap3A_80 = tpu.vector_load %arg14[%swap3A_78, %swap3A_79] {strides = array<i32>} : memref<80x32xf32, #tpu.memory_space<vmem>>, vector<16xf32>,
    tpu.vector_store %arg14[%swap3A_78, %swap3A_79], %broadcast_in_dim3A_1 {strides = array<i32>} : memref<80x32xf32, #tpu.memory_space<vmem>>, vector<16xf32>,
    %swap3A_81 = arith.constant 10 : i32
    %swap3A_82 = arith.index_cast %swap3A_81 : i32 to index
    %swap3A_83 = arith.constant 0 : index
    %swap3A_84 = tpu.vector_load %arg14[%swap3A_82, %swap3A_83] {strides = array<i32>} : memref<80x32xf32, #tpu.memory_space<vmem>>, vector<16xf32>,
    tpu.vector_store %arg14[%swap3A_82, %swap3A_83], %broadcast_in_dim3A_1 {strides = array<i32>} : memref<80x32xf32, #tpu.memory_space<vmem>>, vector<16xf32>,
    %swap3A_85 = arith.constant 10 : i32
    %swap3A_86 = arith.index_cast %swap3A_85 : i32 to index
    %swap3A_87 = arith.constant 16 : index
    %swap3A_88 = tpu.vector_load %arg14[%swap3A_86, %swap3A_87] {strides = array<i32>} : memref<80x32xf32, #tpu.memory_space<vmem>>, vector<16xf32>,
    tpu.vector_store %arg14[%swap3A_86, %swap3A_87], %broadcast_in_dim3A_1 {strides = array<i32>} : memref<80x32xf32, #tpu.memory_space<vmem>>, vector<16xf32>,
    %swap3A_89 = arith.constant 11 : i32
    %swap3A_90 = arith.index_cast %swap3A_89 : i32 to index
    %swap3A_91 = arith.constant 0 : index
    %swap3A_92 = tpu.vector_load %arg14[%swap3A_90, %swap3A_91] {strides = array<i32>} : memref<80x32xf32, #tpu.memory_space<vmem>>, vector<16xf32>,
    tpu.vector_store %arg14[%swap3A_90, %swap3A_91], %broadcast_in_dim3A_1 {strides = array<i32>} : memref<80x32xf32, #tpu.memory_space<vmem>>, vector<16xf32>,
    %swap3A_93 = arith.constant 11 : i32
    %swap3A_94 = arith.index_cast %swap3A_93 : i32 to index
    %swap3A_95 = arith.constant 16 : index
    %swap3A_96 = tpu.vector_load %arg14[%swap3A_94, %swap3A_95] {strides = array<i32>} : memref<80x32xf32, #tpu.memory_space<vmem>>, vector<16xf32>,
    tpu.vector_store %arg14[%swap3A_94, %swap3A_95], %broadcast_in_dim3A_1 {strides = array<i32>} : memref<80x32xf32, #tpu.memory_space<vmem>>, vector<16xf32>,
    %swap3A_97 = arith.constant 12 : i32
    %swap3A_98 = arith.index_cast %swap3A_97 : i32 to index
    %swap3A_99 = arith.constant 0 : index
    %swap3A_100 = tpu.vector_load %arg14[%swap3A_98, %swap3A_99] {strides = array<i32>} : memref<80x32xf32, #tpu.memory_space<vmem>>, vector<16xf32>,
    tpu.vector_store %arg14[%swap3A_98, %swap3A_99], %broadcast_in_dim3A_1 {strides = array<i32>} : memref<80x32xf32, #tpu.memory_space<vmem>>, vector<16xf32>,
    %swap3A_101 = arith.constant 12 : i32
    %swap3A_102 = arith.index_cast %swap3A_101 : i32 to index
    %swap3A_103 = arith.constant 16 : index
    %swap3A_104 = tpu.vector_load %arg14[%swap3A_102, %swap3A_103] {strides = array<i32>} : memref<80x32xf32, #tpu.memory_space<vmem>>, vector<16xf32>,
    tpu.vector_store %arg14[%swap3A_102, %swap3A_103], %broadcast_in_dim3A_1 {strides = array<i32>} : memref<80x32xf32, #tpu.memory_space<vmem>>, vector<16xf32>,
    %swap3A_105 = arith.constant 13 : i32
    %swap3A_106 = arith.index_cast %swap3A_105 : i32 to index
    %swap3A_107 = arith.constant 0 : index
    %swap3A_108 = tpu.vector_load %arg14[%swap3A_106, %swap3A_107] {strides = array<i32>} : memref<80x32xf32, #tpu.memory_space<vmem>>, vector<16xf32>,
    tpu.vector_store %arg14[%swap3A_106, %swap3A_107], %broadcast_in_dim3A_1 {strides = array<i32>} : memref<80x32xf32, #tpu.memory_space<vmem>>, vector<16xf32>,
    %swap3A_109 = arith.constant 13 : i32
    %swap3A_110 = arith.index_cast %swap3A_109 : i32 to index
    %swap3A_111 = arith.constant 16 : index
    %swap3A_112 = tpu.vector_load %arg14[%swap3A_110, %swap3A_111] {strides = array<i32>} : memref<80x32xf32, #tpu.memory_space<vmem>>, vector<16xf32>,
    tpu.vector_store %arg14[%swap3A_110, %swap3A_111], %broadcast_in_dim3A_1 {strides = array<i32>} : memref<80x32xf32, #tpu.memory_space<vmem>>, vector<16xf32>,
    %swap3A_113 = arith.constant 14 : i32
    %swap3A_114 = arith.index_cast %swap3A_113 : i32 to index
    %swap3A_115 = arith.constant 0 : index
    %swap3A_116 = tpu.vector_load %arg14[%swap3A_114, %swap3A_115] {strides = array<i32>} : memref<80x32xf32, #tpu.memory_space<vmem>>, vector<16xf32>,
    tpu.vector_store %arg14[%swap3A_114, %swap3A_115], %broadcast_in_dim3A_1 {strides = array<i32>} : memref<80x32xf32, #tpu.memory_space<vmem>>, vector<16xf32>,
    %swap3A_117 = arith.constant 14 : i32
    %swap3A_118 = arith.index_cast %swap3A_117 : i32 to index
    %swap3A_119 = arith.constant 16 : index
    %swap3A_120 = tpu.vector_load %arg14[%swap3A_118, %swap3A_119] {strides = array<i32>} : memref<80x32xf32, #tpu.memory_space<vmem>>, vector<16xf32>,
    tpu.vector_store %arg14[%swap3A_118, %swap3A_119], %broadcast_in_dim3A_1 {strides = array<i32>} : memref<80x32xf32, #tpu.memory_space<vmem>>, vector<16xf32>,
    %swap3A_121 = arith.constant 15 : i32
    %swap3A_122 = arith.index_cast %swap3A_121 : i32 to index
    %swap3A_123 = arith.constant 0 : index
    %swap3A_124 = tpu.vector_load %arg14[%swap3A_122, %swap3A_123] {strides = array<i32>} : memref<80x32xf32, #tpu.memory_space<vmem>>, vector<16xf32>,
    tpu.vector_store %arg14[%swap3A_122, %swap3A_123], %broadcast_in_dim3A_1 {strides = array<i32>} : memref<80x32xf32, #tpu.memory_space<vmem>>, vector<16xf32>,
    %swap3A_125 = arith.constant 15 : i32
    %swap3A_126 = arith.index_cast %swap3A_125 : i32 to index
    %swap3A_127 = arith.constant 16 : index
    %swap3A_128 = tpu.vector_load %arg14[%swap3A_126, %swap3A_127] {strides = array<i32>} : memref<80x32xf32, #tpu.memory_space<vmem>>, vector<16xf32>,
    tpu.vector_store %arg14[%swap3A_126, %swap3A_127], %broadcast_in_dim3A_1 {strides = array<i32>} : memref<80x32xf32, #tpu.memory_space<vmem>>, vector<16xf32>,
    %scan3A = arith.constant 0 : i32
    %scan3A_129 = arith.constant 0 : i32
    %scan3A_130 = arith.constant 1024 : i32
    %scan3A_131 = arith.addi %scan3A_129, %scan3A_130 : i32
    %scan3A_132 = arith.constant 1 : i32
    scf.for %scan3A_367 = %scan3A_129 to %scan3A_131 step %scan3A_132  : i32 {
      %swap3A_368 = arith.index_cast %scan3A_367 : i32 to index
      %swap3A_369 = arith.constant 0 : index
      %swap3A_370 = tpu.vector_load %arg13[%swap3A_368, %swap3A_369] {strides = array<i32>} : memref<1024x32xf32, #tpu.memory_space<vmem>>, vector<16xf32>,
      tpu.vector_store %arg13[%swap3A_368, %swap3A_369], %broadcast_in_dim3A_1 {strides = array<i32>} : memref<1024x32xf32, #tpu.memory_space<vmem>>, vector<16xf32>,
      %swap3A_371 = arith.index_cast %scan3A_367 : i32 to index
      %swap3A_372 = arith.constant 16 : index
      %swap3A_373 = tpu.vector_load %arg13[%swap3A_371, %swap3A_372] {strides = array<i32>} : memref<1024x32xf32, #tpu.memory_space<vmem>>, vector<16xf32>,
      tpu.vector_store %arg13[%swap3A_371, %swap3A_372], %broadcast_in_dim3A_1 {strides = array<i32>} : memref<1024x32xf32, #tpu.memory_space<vmem>>, vector<16xf32>,
    }
    %scan3A_133 = arith.constant 1024 : i32
    %scan3A_134 = arith.constant 0 : i32
    %scan3A_135 = arith.constant 0 : i32
    %scan3A_136 = arith.constant 80 : i32
    %scan3A_137 = arith.addi %scan3A_135, %scan3A_136 : i32
    %scan3A_138 = arith.constant 1 : i32
    scf.for %scan3A_367 = %scan3A_135 to %scan3A_137 step %scan3A_138  : i32 {
      %swap3A_368 = arith.index_cast %scan3A_367 : i32 to index
      %swap3A_369 = arith.constant 0 : index
      %swap3A_370 = tpu.vector_load %arg14[%swap3A_368, %swap3A_369] {strides = array<i32>} : memref<80x32xf32, #tpu.memory_space<vmem>>, vector<16xf32>,
      tpu.vector_store %arg14[%swap3A_368, %swap3A_369], %broadcast_in_dim3A_1 {strides = array<i32>} : memref<80x32xf32, #tpu.memory_space<vmem>>, vector<16xf32>,
      %swap3A_371 = arith.index_cast %scan3A_367 : i32 to index
      %swap3A_372 = arith.constant 16 : index
      %swap3A_373 = tpu.vector_load %arg14[%swap3A_371, %swap3A_372] {strides = array<i32>} : memref<80x32xf32, #tpu.memory_space<vmem>>, vector<16xf32>,
      tpu.vector_store %arg14[%swap3A_371, %swap3A_372], %broadcast_in_dim3A_1 {strides = array<i32>} : memref<80x32xf32, #tpu.memory_space<vmem>>, vector<16xf32>,
    }
    %scan3A_139 = arith.constant 80 : i32
    %mul3A_140 = arith.constant 640 : i32
    %mul3A_141 = arith.muli %arg1, %mul3A_140 : i32
    %add3A_142 = arith.constant 0 : i32
    %add3A_143 = arith.addi %mul3A_141, %add3A_142 : i32
    %dma_start3A = arith.constant 0 : i32
    %dma_start3A_144 = tpu.memref_slice %arg15[%add3A_143, %dma_start3A] : memref<10240x32xf32, #tpu.memory_space<vmem_shared>> -> memref<80x32xf32, #tpu.memory_space<vmem_shared>>
    %dma_start3A_145 = arith.constant 0 : i32
    %dma_start3A_146 = tpu.memref_slice %arg15[%add3A_143, %dma_start3A_145] : memref<10240x32xf32, #tpu.memory_space<vmem_shared>> -> memref<80x32xf32, #tpu.memory_space<vmem_shared>>
    tpu.enqueue_dma source(%arg14 : memref<80x32xf32, #tpu.memory_space<vmem>>) target(%dma_start3A_146 : memref<80x32xf32, #tpu.memory_space<vmem_shared>>) target_semaphore(%arg18 : memref<!tpu.dma_semaphore, #tpu.memory_space<semaphore_mem>>)
    %mul3A_147 = arith.constant 640 : i32
    %mul3A_148 = arith.muli %arg1, %mul3A_147 : i32
    %add3A_149 = arith.constant 80 : i32
    %add3A_150 = arith.addi %mul3A_148, %add3A_149 : i32
    %dma_start3A_151 = arith.constant 0 : i32
    %dma_start3A_152 = tpu.memref_slice %arg15[%add3A_150, %dma_start3A_151] : memref<10240x32xf32, #tpu.memory_space<vmem_shared>> -> memref<80x32xf32, #tpu.memory_space<vmem_shared>>
    %dma_start3A_153 = arith.constant 0 : i32
    %dma_start3A_154 = tpu.memref_slice %arg15[%add3A_150, %dma_start3A_153] : memref<10240x32xf32, #tpu.memory_space<vmem_shared>> -> memref<80x32xf32, #tpu.memory_space<vmem_shared>>
    tpu.enqueue_dma source(%arg14 : memref<80x32xf32, #tpu.memory_space<vmem>>) target(%dma_start3A_154 : memref<80x32xf32, #tpu.memory_space<vmem_shared>>) target_semaphore(%arg18 : memref<!tpu.dma_semaphore, #tpu.memory_space<semaphore_mem>>)
    %mul3A_155 = arith.constant 640 : i32
    %mul3A_156 = arith.muli %arg1, %mul3A_155 : i32
    %add3A_157 = arith.constant 160 : i32
    %add3A_158 = arith.addi %mul3A_156, %add3A_157 : i32
    %dma_start3A_159 = arith.constant 0 : i32
    %dma_start3A_160 = tpu.memref_slice %arg15[%add3A_158, %dma_start3A_159] : memref<10240x32xf32, #tpu.memory_space<vmem_shared>> -> memref<80x32xf32, #tpu.memory_space<vmem_shared>>
    %dma_start3A_161 = arith.constant 0 : i32
    %dma_start3A_162 = tpu.memref_slice %arg15[%add3A_158, %dma_start3A_161] : memref<10240x32xf32, #tpu.memory_space<vmem_shared>> -> memref<80x32xf32, #tpu.memory_space<vmem_shared>>
    tpu.enqueue_dma source(%arg14 : memref<80x32xf32, #tpu.memory_space<vmem>>) target(%dma_start3A_162 : memref<80x32xf32, #tpu.memory_space<vmem_shared>>) target_semaphore(%arg18 : memref<!tpu.dma_semaphore, #tpu.memory_space<semaphore_mem>>)
    %mul3A_163 = arith.constant 640 : i32
    %mul3A_164 = arith.muli %arg1, %mul3A_163 : i32
    %add3A_165 = arith.constant 240 : i32
    %add3A_166 = arith.addi %mul3A_164, %add3A_165 : i32
    %dma_start3A_167 = arith.constant 0 : i32
    %dma_start3A_168 = tpu.memref_slice %arg15[%add3A_166, %dma_start3A_167] : memref<10240x32xf32, #tpu.memory_space<vmem_shared>> -> memref<80x32xf32, #tpu.memory_space<vmem_shared>>
    %dma_start3A_169 = arith.constant 0 : i32
    %dma_start3A_170 = tpu.memref_slice %arg15[%add3A_166, %dma_start3A_169] : memref<10240x32xf32, #tpu.memory_space<vmem_shared>> -> memref<80x32xf32, #tpu.memory_space<vmem_shared>>
    tpu.enqueue_dma source(%arg14 : memref<80x32xf32, #tpu.memory_space<vmem>>) target(%dma_start3A_170 : memref<80x32xf32, #tpu.memory_space<vmem_shared>>) target_semaphore(%arg18 : memref<!tpu.dma_semaphore, #tpu.memory_space<semaphore_mem>>)
    %mul3A_171 = arith.constant 640 : i32
    %mul3A_172 = arith.muli %arg1, %mul3A_171 : i32
    %add3A_173 = arith.constant 320 : i32
    %add3A_174 = arith.addi %mul3A_172, %add3A_173 : i32
    %dma_start3A_175 = arith.constant 0 : i32
    %dma_start3A_176 = tpu.memref_slice %arg15[%add3A_174, %dma_start3A_175] : memref<10240x32xf32, #tpu.memory_space<vmem_shared>> -> memref<80x32xf32, #tpu.memory_space<vmem_shared>>
    %dma_start3A_177 = arith.constant 0 : i32
    %dma_start3A_178 = tpu.memref_slice %arg15[%add3A_174, %dma_start3A_177] : memref<10240x32xf32, #tpu.memory_space<vmem_shared>> -> memref<80x32xf32, #tpu.memory_space<vmem_shared>>
    tpu.enqueue_dma source(%arg14 : memref<80x32xf32, #tpu.memory_space<vmem>>) target(%dma_start3A_178 : memref<80x32xf32, #tpu.memory_space<vmem_shared>>) target_semaphore(%arg18 : memref<!tpu.dma_semaphore, #tpu.memory_space<semaphore_mem>>)
    %mul3A_179 = arith.constant 640 : i32
    %mul3A_180 = arith.muli %arg1, %mul3A_179 : i32
    %add3A_181 = arith.constant 400 : i32
    %add3A_182 = arith.addi %mul3A_180, %add3A_181 : i32
    %dma_start3A_183 = arith.constant 0 : i32
    %dma_start3A_184 = tpu.memref_slice %arg15[%add3A_182, %dma_start3A_183] : memref<10240x32xf32, #tpu.memory_space<vmem_shared>> -> memref<80x32xf32, #tpu.memory_space<vmem_shared>>
    %dma_start3A_185 = arith.constant 0 : i32
    %dma_start3A_186 = tpu.memref_slice %arg15[%add3A_182, %dma_start3A_185] : memref<10240x32xf32, #tpu.memory_space<vmem_shared>> -> memref<80x32xf32, #tpu.memory_space<vmem_shared>>
    tpu.enqueue_dma source(%arg14 : memref<80x32xf32, #tpu.memory_space<vmem>>) target(%dma_start3A_186 : memref<80x32xf32, #tpu.memory_space<vmem_shared>>) target_semaphore(%arg18 : memref<!tpu.dma_semaphore, #tpu.memory_space<semaphore_mem>>)
    %mul3A_187 = arith.constant 640 : i32
    %mul3A_188 = arith.muli %arg1, %mul3A_187 : i32
    %add3A_189 = arith.constant 480 : i32
    %add3A_190 = arith.addi %mul3A_188, %add3A_189 : i32
    %dma_start3A_191 = arith.constant 0 : i32
    %dma_start3A_192 = tpu.memref_slice %arg15[%add3A_190, %dma_start3A_191] : memref<10240x32xf32, #tpu.memory_space<vmem_shared>> -> memref<80x32xf32, #tpu.memory_space<vmem_shared>>
    %dma_start3A_193 = arith.constant 0 : i32
    %dma_start3A_194 = tpu.memref_slice %arg15[%add3A_190, %dma_start3A_193] : memref<10240x32xf32, #tpu.memory_space<vmem_shared>> -> memref<80x32xf32, #tpu.memory_space<vmem_shared>>
    tpu.enqueue_dma source(%arg14 : memref<80x32xf32, #tpu.memory_space<vmem>>) target(%dma_start3A_194 : memref<80x32xf32, #tpu.memory_space<vmem_shared>>) target_semaphore(%arg18 : memref<!tpu.dma_semaphore, #tpu.memory_space<semaphore_mem>>)
    %mul3A_195 = arith.constant 640 : i32
    %mul3A_196 = arith.muli %arg1, %mul3A_195 : i32
    %add3A_197 = arith.constant 560 : i32
    %add3A_198 = arith.addi %mul3A_196, %add3A_197 : i32
    %dma_start3A_199 = arith.constant 0 : i32
    %dma_start3A_200 = tpu.memref_slice %arg15[%add3A_198, %dma_start3A_199] : memref<10240x32xf32, #tpu.memory_space<vmem_shared>> -> memref<80x32xf32, #tpu.memory_space<vmem_shared>>
    %dma_start3A_201 = arith.constant 0 : i32
    %dma_start3A_202 = tpu.memref_slice %arg15[%add3A_198, %dma_start3A_201] : memref<10240x32xf32, #tpu.memory_space<vmem_shared>> -> memref<80x32xf32, #tpu.memory_space<vmem_shared>>
    tpu.enqueue_dma source(%arg14 : memref<80x32xf32, #tpu.memory_space<vmem>>) target(%dma_start3A_202 : memref<80x32xf32, #tpu.memory_space<vmem_shared>>) target_semaphore(%arg18 : memref<!tpu.dma_semaphore, #tpu.memory_space<semaphore_mem>>)
    %dma_wait3A = arith.constant 0 : i32
    %dma_wait3A_203 = tpu.memref_slice %arg15[%add3A_143, %dma_wait3A] : memref<10240x32xf32, #tpu.memory_space<vmem_shared>> -> memref<80x32xf32, #tpu.memory_space<vmem_shared>>
    %dma_wait3A_204 = arith.constant 0 : i32
    %dma_wait3A_205 = tpu.memref_slice %arg15[%add3A_143, %dma_wait3A_204] : memref<10240x32xf32, #tpu.memory_space<vmem_shared>> -> memref<80x32xf32, #tpu.memory_space<vmem_shared>>
    tpu.wait_dma2 semaphore(%arg18 : memref<!tpu.dma_semaphore, #tpu.memory_space<semaphore_mem>>) src(%arg14 : memref<80x32xf32, #tpu.memory_space<vmem>>) dst(%dma_wait3A_205 : memref<80x32xf32, #tpu.memory_space<vmem_shared>>)
    %dma_wait3A_206 = arith.constant 0 : i32
    %dma_wait3A_207 = tpu.memref_slice %arg15[%add3A_150, %dma_wait3A_206] : memref<10240x32xf32, #tpu.memory_space<vmem_shared>> -> memref<80x32xf32, #tpu.memory_space<vmem_shared>>
    %dma_wait3A_208 = arith.constant 0 : i32
    %dma_wait3A_209 = tpu.memref_slice %arg15[%add3A_150, %dma_wait3A_208] : memref<10240x32xf32, #tpu.memory_space<vmem_shared>> -> memref<80x32xf32, #tpu.memory_space<vmem_shared>>
    tpu.wait_dma2 semaphore(%arg18 : memref<!tpu.dma_semaphore, #tpu.memory_space<semaphore_mem>>) src(%arg14 : memref<80x32xf32, #tpu.memory_space<vmem>>) dst(%dma_wait3A_209 : memref<80x32xf32, #tpu.memory_space<vmem_shared>>)
    %dma_wait3A_210 = arith.constant 0 : i32
    %dma_wait3A_211 = tpu.memref_slice %arg15[%add3A_158, %dma_wait3A_210] : memref<10240x32xf32, #tpu.memory_space<vmem_shared>> -> memref<80x32xf32, #tpu.memory_space<vmem_shared>>
    %dma_wait3A_212 = arith.constant 0 : i32
    %dma_wait3A_213 = tpu.memref_slice %arg15[%add3A_158, %dma_wait3A_212] : memref<10240x32xf32, #tpu.memory_space<vmem_shared>> -> memref<80x32xf32, #tpu.memory_space<vmem_shared>>
    tpu.wait_dma2 semaphore(%arg18 : memref<!tpu.dma_semaphore, #tpu.memory_space<semaphore_mem>>) src(%arg14 : memref<80x32xf32, #tpu.memory_space<vmem>>) dst(%dma_wait3A_213 : memref<80x32xf32, #tpu.memory_space<vmem_shared>>)
    %dma_wait3A_214 = arith.constant 0 : i32
    %dma_wait3A_215 = tpu.memref_slice %arg15[%add3A_166, %dma_wait3A_214] : memref<10240x32xf32, #tpu.memory_space<vmem_shared>> -> memref<80x32xf32, #tpu.memory_space<vmem_shared>>
    %dma_wait3A_216 = arith.constant 0 : i32
    %dma_wait3A_217 = tpu.memref_slice %arg15[%add3A_166, %dma_wait3A_216] : memref<10240x32xf32, #tpu.memory_space<vmem_shared>> -> memref<80x32xf32, #tpu.memory_space<vmem_shared>>
    tpu.wait_dma2 semaphore(%arg18 : memref<!tpu.dma_semaphore, #tpu.memory_space<semaphore_mem>>) src(%arg14 : memref<80x32xf32, #tpu.memory_space<vmem>>) dst(%dma_wait3A_217 : memref<80x32xf32, #tpu.memory_space<vmem_shared>>)
    %dma_wait3A_218 = arith.constant 0 : i32
    %dma_wait3A_219 = tpu.memref_slice %arg15[%add3A_174, %dma_wait3A_218] : memref<10240x32xf32, #tpu.memory_space<vmem_shared>> -> memref<80x32xf32, #tpu.memory_space<vmem_shared>>
    %dma_wait3A_220 = arith.constant 0 : i32
    %dma_wait3A_221 = tpu.memref_slice %arg15[%add3A_174, %dma_wait3A_220] : memref<10240x32xf32, #tpu.memory_space<vmem_shared>> -> memref<80x32xf32, #tpu.memory_space<vmem_shared>>
    tpu.wait_dma2 semaphore(%arg18 : memref<!tpu.dma_semaphore, #tpu.memory_space<semaphore_mem>>) src(%arg14 : memref<80x32xf32, #tpu.memory_space<vmem>>) dst(%dma_wait3A_221 : memref<80x32xf32, #tpu.memory_space<vmem_shared>>)
    %dma_wait3A_222 = arith.constant 0 : i32
    %dma_wait3A_223 = tpu.memref_slice %arg15[%add3A_182, %dma_wait3A_222] : memref<10240x32xf32, #tpu.memory_space<vmem_shared>> -> memref<80x32xf32, #tpu.memory_space<vmem_shared>>
    %dma_wait3A_224 = arith.constant 0 : i32
    %dma_wait3A_225 = tpu.memref_slice %arg15[%add3A_182, %dma_wait3A_224] : memref<10240x32xf32, #tpu.memory_space<vmem_shared>> -> memref<80x32xf32, #tpu.memory_space<vmem_shared>>
    tpu.wait_dma2 semaphore(%arg18 : memref<!tpu.dma_semaphore, #tpu.memory_space<semaphore_mem>>) src(%arg14 : memref<80x32xf32, #tpu.memory_space<vmem>>) dst(%dma_wait3A_225 : memref<80x32xf32, #tpu.memory_space<vmem_shared>>)
    %dma_wait3A_226 = arith.constant 0 : i32
    %dma_wait3A_227 = tpu.memref_slice %arg15[%add3A_190, %dma_wait3A_226] : memref<10240x32xf32, #tpu.memory_space<vmem_shared>> -> memref<80x32xf32, #tpu.memory_space<vmem_shared>>
    %dma_wait3A_228 = arith.constant 0 : i32
    %dma_wait3A_229 = tpu.memref_slice %arg15[%add3A_190, %dma_wait3A_228] : memref<10240x32xf32, #tpu.memory_space<vmem_shared>> -> memref<80x32xf32, #tpu.memory_space<vmem_shared>>
    tpu.wait_dma2 semaphore(%arg18 : memref<!tpu.dma_semaphore, #tpu.memory_space<semaphore_mem>>) src(%arg14 : memref<80x32xf32, #tpu.memory_space<vmem>>) dst(%dma_wait3A_229 : memref<80x32xf32, #tpu.memory_space<vmem_shared>>)
    %dma_wait3A_230 = arith.constant 0 : i32
    %dma_wait3A_231 = tpu.memref_slice %arg15[%add3A_198, %dma_wait3A_230] : memref<10240x32xf32, #tpu.memory_space<vmem_shared>> -> memref<80x32xf32, #tpu.memory_space<vmem_shared>>
    %dma_wait3A_232 = arith.constant 0 : i32
    %dma_wait3A_233 = tpu.memref_slice %arg15[%add3A_198, %dma_wait3A_232] : memref<10240x32xf32, #tpu.memory_space<vmem_shared>> -> memref<80x32xf32, #tpu.memory_space<vmem_shared>>
    tpu.wait_dma2 semaphore(%arg18 : memref<!tpu.dma_semaphore, #tpu.memory_space<semaphore_mem>>) src(%arg14 : memref<80x32xf32, #tpu.memory_space<vmem>>) dst(%dma_wait3A_233 : memref<80x32xf32, #tpu.memory_space<vmem_shared>>)
    %barrier3A = arith.constant 0 : index
    tpu.barrier barrier_id(%barrier3A)
    %iota3A = tpu.iota {dimensions = array<i32: 0>} : vector<16xi32>
    %mul3A_234 = arith.constant 80 : i32
    %mul3A_235 = arith.muli %add3A, %mul3A_234 : i32
    "tpu.region"() ({
      %run_scoped3A = tpu.sem_alloc : memref<!tpu.dma_semaphore, #tpu.memory_space<semaphore_mem>>
      %dma_start3A_367 = arith.constant 0 : i32
      %dma_start3A_368 = arith.constant 0 : i32
      %dma_start3A_369 = tpu.memref_slice %arg9[%dma_start3A_367, %dma_start3A_368] : memref<8x128xi32, #tpu.memory_space<vmem>> -> memref<4x128xi32, #tpu.memory_space<vmem>>
      %dma_start3A_370 = arith.constant 0 : i32
      %dma_start3A_371 = tpu.memref_slice %arg4[%mul3A_235, %dma_start3A_370] : memref<2560x128xi32, #tpu.memory_space<hbm>> -> memref<4x128xi32, #tpu.memory_space<hbm>>
      %dma_start3A_372 = arith.constant 0 : i32
      %dma_start3A_373 = arith.constant 0 : i32
      %dma_start3A_374 = tpu.memref_slice %arg9[%dma_start3A_372, %dma_start3A_373] : memref<8x128xi32, #tpu.memory_space<vmem>> -> memref<4x128xi32, #tpu.memory_space<vmem>>
      %dma_start3A_375 = arith.constant 0 : i32
      %dma_start3A_376 = tpu.memref_slice %arg4[%mul3A_235, %dma_start3A_375] : memref<2560x128xi32, #tpu.memory_space<hbm>> -> memref<4x128xi32, #tpu.memory_space<hbm>>
      tpu.enqueue_dma source(%dma_start3A_376 : memref<4x128xi32, #tpu.memory_space<hbm>>) target(%dma_start3A_374 : memref<4x128xi32, #tpu.memory_space<vmem>>) target_semaphore(%run_scoped3A : memref<!tpu.dma_semaphore, #tpu.memory_space<semaphore_mem>>)
      %dma_wait3A_377 = arith.constant 0 : i32
      %dma_wait3A_378 = arith.constant 0 : i32
      %dma_wait3A_379 = tpu.memref_slice %arg9[%dma_wait3A_377, %dma_wait3A_378] : memref<8x128xi32, #tpu.memory_space<vmem>> -> memref<4x128xi32, #tpu.memory_space<vmem>>
      %dma_wait3A_380 = arith.constant 0 : i32
      %dma_wait3A_381 = tpu.memref_slice %arg4[%mul3A_235, %dma_wait3A_380] : memref<2560x128xi32, #tpu.memory_space<hbm>> -> memref<4x128xi32, #tpu.memory_space<hbm>>
      %dma_wait3A_382 = arith.constant 0 : i32
      %dma_wait3A_383 = arith.constant 0 : i32
      %dma_wait3A_384 = tpu.memref_slice %arg9[%dma_wait3A_382, %dma_wait3A_383] : memref<8x128xi32, #tpu.memory_space<vmem>> -> memref<4x128xi32, #tpu.memory_space<vmem>>
      %dma_wait3A_385 = arith.constant 0 : i32
      %dma_wait3A_386 = tpu.memref_slice %arg4[%mul3A_235, %dma_wait3A_385] : memref<2560x128xi32, #tpu.memory_space<hbm>> -> memref<4x128xi32, #tpu.memory_space<hbm>>
      tpu.wait_dma2 semaphore(%run_scoped3A : memref<!tpu.dma_semaphore, #tpu.memory_space<semaphore_mem>>) src(%dma_wait3A_386 : memref<4x128xi32, #tpu.memory_space<hbm>>) dst(%dma_wait3A_384 : memref<4x128xi32, #tpu.memory_space<vmem>>)
      tpu.yield
    }) : () -> ()
    "tpu.region"() ({
      %run_scoped3A = tpu.sem_alloc : memref<!tpu.dma_semaphore, #tpu.memory_space<semaphore_mem>>
      %dma_start3A_367 = arith.constant 0 : i32
      %dma_start3A_368 = arith.constant 0 : i32
      %dma_start3A_369 = tpu.memref_slice %arg10[%dma_start3A_367, %dma_start3A_368] : memref<8x128xi32, #tpu.memory_space<vmem>> -> memref<4x128xi32, #tpu.memory_space<vmem>>
      %dma_start3A_370 = arith.constant 0 : i32
      %dma_start3A_371 = tpu.memref_slice %arg5[%mul3A_235, %dma_start3A_370] : memref<2560x128xi32, #tpu.memory_space<hbm>> -> memref<4x128xi32, #tpu.memory_space<hbm>>
      %dma_start3A_372 = arith.constant 0 : i32
      %dma_start3A_373 = arith.constant 0 : i32
      %dma_start3A_374 = tpu.memref_slice %arg10[%dma_start3A_372, %dma_start3A_373] : memref<8x128xi32, #tpu.memory_space<vmem>> -> memref<4x128xi32, #tpu.memory_space<vmem>>
      %dma_start3A_375 = arith.constant 0 : i32
      %dma_start3A_376 = tpu.memref_slice %arg5[%mul3A_235, %dma_start3A_375] : memref<2560x128xi32, #tpu.memory_space<hbm>> -> memref<4x128xi32, #tpu.memory_space<hbm>>
      tpu.enqueue_dma source(%dma_start3A_376 : memref<4x128xi32, #tpu.memory_space<hbm>>) target(%dma_start3A_374 : memref<4x128xi32, #tpu.memory_space<vmem>>) target_semaphore(%run_scoped3A : memref<!tpu.dma_semaphore, #tpu.memory_space<semaphore_mem>>)
      %dma_wait3A_377 = arith.constant 0 : i32
      %dma_wait3A_378 = arith.constant 0 : i32
      %dma_wait3A_379 = tpu.memref_slice %arg10[%dma_wait3A_377, %dma_wait3A_378] : memref<8x128xi32, #tpu.memory_space<vmem>> -> memref<4x128xi32, #tpu.memory_space<vmem>>
      %dma_wait3A_380 = arith.constant 0 : i32
      %dma_wait3A_381 = tpu.memref_slice %arg5[%mul3A_235, %dma_wait3A_380] : memref<2560x128xi32, #tpu.memory_space<hbm>> -> memref<4x128xi32, #tpu.memory_space<hbm>>
      %dma_wait3A_382 = arith.constant 0 : i32
      %dma_wait3A_383 = arith.constant 0 : i32
      %dma_wait3A_384 = tpu.memref_slice %arg10[%dma_wait3A_382, %dma_wait3A_383] : memref<8x128xi32, #tpu.memory_space<vmem>> -> memref<4x128xi32, #tpu.memory_space<vmem>>
      %dma_wait3A_385 = arith.constant 0 : i32
      %dma_wait3A_386 = tpu.memref_slice %arg5[%mul3A_235, %dma_wait3A_385] : memref<2560x128xi32, #tpu.memory_space<hbm>> -> memref<4x128xi32, #tpu.memory_space<hbm>>
      tpu.wait_dma2 semaphore(%run_scoped3A : memref<!tpu.dma_semaphore, #tpu.memory_space<semaphore_mem>>) src(%dma_wait3A_386 : memref<4x128xi32, #tpu.memory_space<hbm>>) dst(%dma_wait3A_384 : memref<4x128xi32, #tpu.memory_space<vmem>>)
      tpu.yield
    }) : () -> ()
    %dma_start3A_236 = arith.constant 0 : i32
    %dma_start3A_237 = arith.constant 0 : i32
    %dma_start3A_238 = arith.constant 0 : i32
    %dma_start3A_239 = tpu.memref_slice %arg11[%dma_start3A_237, %dma_start3A_238] : memref<1024x32xf32, #tpu.memory_space<vmem>> -> memref<128x32xf32, #tpu.memory_space<vmem>>
    %dma_start3A_240 = arith.constant 0 : i32
    %dma_start3A_241 = tpu.memref_slice %arg9[%dma_start3A_236, %dma_start3A_240] : memref<8x128xi32, #tpu.memory_space<vmem>> -> memref<1x128xi32, #tpu.memory_space<vmem>>
    %dma_start3A_242 = tpu.memref_squeeze %dma_start3A_241 : memref<1x128xi32, #tpu.memory_space<vmem>> -> memref<128xi32, #tpu.memory_space<vmem>>
    %dma_start3A_243 = arith.constant 0 : i32
    %dma_start3A_244 = arith.constant 0 : i32
    %dma_start3A_245 = tpu.memref_slice %arg2[%dma_start3A_243, %dma_start3A_244] : memref<10016x32xf32, #tpu.memory_space<hbm>> -> memref<10016x32xf32, #tpu.memory_space<hbm>>
    tpu.enqueue_indirect_dma source(%dma_start3A_245 : memref<10016x32xf32, #tpu.memory_space<hbm>>) target(%dma_start3A_239 : memref<128x32xf32, #tpu.memory_space<vmem>>) offsets(%dma_start3A_242 : memref<128xi32, #tpu.memory_space<vmem>>) semaphore(%arg16 : memref<!tpu.dma_semaphore, #tpu.memory_space<semaphore_mem>>)
    %dma_start3A_246 = arith.constant 0 : i32
    %dma_start3A_247 = arith.constant 0 : i32
    %dma_start3A_248 = arith.constant 0 : i32
    %dma_start3A_249 = tpu.memref_slice %arg12[%dma_start3A_247, %dma_start3A_248] : memref<1024x16xf32, #tpu.memory_space<vmem>> -> memref<128x16xf32, #tpu.memory_space<vmem>>
    %dma_start3A_250 = arith.constant 0 : i32
    %dma_start3A_251 = tpu.memref_slice %arg10[%dma_start3A_246, %dma_start3A_250] : memref<8x128xi32, #tpu.memory_space<vmem>> -> memref<1x128xi32, #tpu.memory_space<vmem>>
    %dma_start3A_252 = tpu.memref_squeeze %dma_start3A_251 : memref<1x128xi32, #tpu.memory_space<vmem>> -> memref<128xi32, #tpu.memory_space<vmem>>
    %dma_start3A_253 = arith.constant 0 : i32
    %dma_start3A_254 = arith.constant 0 : i32
    %dma_start3A_255 = tpu.memref_slice %arg3[%dma_start3A_253, %dma_start3A_254] : memref<10016x16xf32, #tpu.memory_space<hbm>> -> memref<10016x16xf32, #tpu.memory_space<hbm>>
    tpu.enqueue_indirect_dma source(%dma_start3A_255 : memref<10016x16xf32, #tpu.memory_space<hbm>>) target(%dma_start3A_249 : memref<128x16xf32, #tpu.memory_space<vmem>>) offsets(%dma_start3A_252 : memref<128xi32, #tpu.memory_space<vmem>>) semaphore(%arg16 : memref<!tpu.dma_semaphore, #tpu.memory_space<semaphore_mem>>)
    %dma_start3A_256 = arith.constant 1 : i32
    %dma_start3A_257 = arith.constant 128 : i32
    %dma_start3A_258 = arith.constant 0 : i32
    %dma_start3A_259 = tpu.memref_slice %arg11[%dma_start3A_257, %dma_start3A_258] : memref<1024x32xf32, #tpu.memory_space<vmem>> -> memref<128x32xf32, #tpu.memory_space<vmem>>
    %dma_start3A_260 = arith.constant 0 : i32
    %dma_start3A_261 = tpu.memref_slice %arg9[%dma_start3A_256, %dma_start3A_260] : memref<8x128xi32, #tpu.memory_space<vmem>> -> memref<1x128xi32, #tpu.memory_space<vmem>>
    %dma_start3A_262 = tpu.memref_squeeze %dma_start3A_261 : memref<1x128xi32, #tpu.memory_space<vmem>> -> memref<128xi32, #tpu.memory_space<vmem>>
    %dma_start3A_263 = arith.constant 0 : i32
    %dma_start3A_264 = arith.constant 0 : i32
    %dma_start3A_265 = tpu.memref_slice %arg2[%dma_start3A_263, %dma_start3A_264] : memref<10016x32xf32, #tpu.memory_space<hbm>> -> memref<10016x32xf32, #tpu.memory_space<hbm>>
    tpu.enqueue_indirect_dma source(%dma_start3A_265 : memref<10016x32xf32, #tpu.memory_space<hbm>>) target(%dma_start3A_259 : memref<128x32xf32, #tpu.memory_space<vmem>>) offsets(%dma_start3A_262 : memref<128xi32, #tpu.memory_space<vmem>>) semaphore(%arg16 : memref<!tpu.dma_semaphore, #tpu.memory_space<semaphore_mem>>)
    %dma_start3A_266 = arith.constant 1 : i32
    %dma_start3A_267 = arith.constant 128 : i32
    %dma_start3A_268 = arith.constant 0 : i32
    %dma_start3A_269 = tpu.memref_slice %arg12[%dma_start3A_267, %dma_start3A_268] : memref<1024x16xf32, #tpu.memory_space<vmem>> -> memref<128x16xf32, #tpu.memory_space<vmem>>
    %dma_start3A_270 = arith.constant 0 : i32
    %dma_start3A_271 = tpu.memref_slice %arg10[%dma_start3A_266, %dma_start3A_270] : memref<8x128xi32, #tpu.memory_space<vmem>> -> memref<1x128xi32, #tpu.memory_space<vmem>>
    %dma_start3A_272 = tpu.memref_squeeze %dma_start3A_271 : memref<1x128xi32, #tpu.memory_space<vmem>> -> memref<128xi32, #tpu.memory_space<vmem>>
    %dma_start3A_273 = arith.constant 0 : i32
    %dma_start3A_274 = arith.constant 0 : i32
    %dma_start3A_275 = tpu.memref_slice %arg3[%dma_start3A_273, %dma_start3A_274] : memref<10016x16xf32, #tpu.memory_space<hbm>> -> memref<10016x16xf32, #tpu.memory_space<hbm>>
    tpu.enqueue_indirect_dma source(%dma_start3A_275 : memref<10016x16xf32, #tpu.memory_space<hbm>>) target(%dma_start3A_269 : memref<128x16xf32, #tpu.memory_space<vmem>>) offsets(%dma_start3A_272 : memref<128xi32, #tpu.memory_space<vmem>>) semaphore(%arg16 : memref<!tpu.dma_semaphore, #tpu.memory_space<semaphore_mem>>)
    %dma_start3A_276 = arith.constant 2 : i32
    %dma_start3A_277 = arith.constant 256 : i32
    %dma_start3A_278 = arith.constant 0 : i32
    %dma_start3A_279 = tpu.memref_slice %arg11[%dma_start3A_277, %dma_start3A_278] : memref<1024x32xf32, #tpu.memory_space<vmem>> -> memref<128x32xf32, #tpu.memory_space<vmem>>
    %dma_start3A_280 = arith.constant 0 : i32
    %dma_start3A_281 = tpu.memref_slice %arg9[%dma_start3A_276, %dma_start3A_280] : memref<8x128xi32, #tpu.memory_space<vmem>> -> memref<1x128xi32, #tpu.memory_space<vmem>>
    %dma_start3A_282 = tpu.memref_squeeze %dma_start3A_281 : memref<1x128xi32, #tpu.memory_space<vmem>> -> memref<128xi32, #tpu.memory_space<vmem>>
    %dma_start3A_283 = arith.constant 0 : i32
    %dma_start3A_284 = arith.constant 0 : i32
    %dma_start3A_285 = tpu.memref_slice %arg2[%dma_start3A_283, %dma_start3A_284] : memref<10016x32xf32, #tpu.memory_space<hbm>> -> memref<10016x32xf32, #tpu.memory_space<hbm>>
    tpu.enqueue_indirect_dma source(%dma_start3A_285 : memref<10016x32xf32, #tpu.memory_space<hbm>>) target(%dma_start3A_279 : memref<128x32xf32, #tpu.memory_space<vmem>>) offsets(%dma_start3A_282 : memref<128xi32, #tpu.memory_space<vmem>>) semaphore(%arg16 : memref<!tpu.dma_semaphore, #tpu.memory_space<semaphore_mem>>)
    %dma_start3A_286 = arith.constant 2 : i32
    %dma_start3A_287 = arith.constant 256 : i32
    %dma_start3A_288 = arith.constant 0 : i32
    %dma_start3A_289 = tpu.memref_slice %arg12[%dma_start3A_287, %dma_start3A_288] : memref<1024x16xf32, #tpu.memory_space<vmem>> -> memref<128x16xf32, #tpu.memory_space<vmem>>
    %dma_start3A_290 = arith.constant 0 : i32
    %dma_start3A_291 = tpu.memref_slice %arg10[%dma_start3A_286, %dma_start3A_290] : memref<8x128xi32, #tpu.memory_space<vmem>> -> memref<1x128xi32, #tpu.memory_space<vmem>>
    %dma_start3A_292 = tpu.memref_squeeze %dma_start3A_291 : memref<1x128xi32, #tpu.memory_space<vmem>> -> memref<128xi32, #tpu.memory_space<vmem>>
    %dma_start3A_293 = arith.constant 0 : i32
    %dma_start3A_294 = arith.constant 0 : i32
    %dma_start3A_295 = tpu.memref_slice %arg3[%dma_start3A_293, %dma_start3A_294] : memref<10016x16xf32, #tpu.memory_space<hbm>> -> memref<10016x16xf32, #tpu.memory_space<hbm>>
    tpu.enqueue_indirect_dma source(%dma_start3A_295 : memref<10016x16xf32, #tpu.memory_space<hbm>>) target(%dma_start3A_289 : memref<128x16xf32, #tpu.memory_space<vmem>>) offsets(%dma_start3A_292 : memref<128xi32, #tpu.memory_space<vmem>>) semaphore(%arg16 : memref<!tpu.dma_semaphore, #tpu.memory_space<semaphore_mem>>)
    %dma_start3A_296 = arith.constant 3 : i32
    %dma_start3A_297 = arith.constant 384 : i32
    %dma_start3A_298 = arith.constant 0 : i32
    %dma_start3A_299 = tpu.memref_slice %arg11[%dma_start3A_297, %dma_start3A_298] : memref<1024x32xf32, #tpu.memory_space<vmem>> -> memref<128x32xf32, #tpu.memory_space<vmem>>
    %dma_start3A_300 = arith.constant 0 : i32
    %dma_start3A_301 = tpu.memref_slice %arg9[%dma_start3A_296, %dma_start3A_300] : memref<8x128xi32, #tpu.memory_space<vmem>> -> memref<1x128xi32, #tpu.memory_space<vmem>>
    %dma_start3A_302 = tpu.memref_squeeze %dma_start3A_301 : memref<1x128xi32, #tpu.memory_space<vmem>> -> memref<128xi32, #tpu.memory_space<vmem>>
    %dma_start3A_303 = arith.constant 0 : i32
    %dma_start3A_304 = arith.constant 0 : i32
    %dma_start3A_305 = tpu.memref_slice %arg2[%dma_start3A_303, %dma_start3A_304] : memref<10016x32xf32, #tpu.memory_space<hbm>> -> memref<10016x32xf32, #tpu.memory_space<hbm>>
    tpu.enqueue_indirect_dma source(%dma_start3A_305 : memref<10016x32xf32, #tpu.memory_space<hbm>>) target(%dma_start3A_299 : memref<128x32xf32, #tpu.memory_space<vmem>>) offsets(%dma_start3A_302 : memref<128xi32, #tpu.memory_space<vmem>>) semaphore(%arg16 : memref<!tpu.dma_semaphore, #tpu.memory_space<semaphore_mem>>)
    %dma_start3A_306 = arith.constant 3 : i32
    %dma_start3A_307 = arith.constant 384 : i32
    %dma_start3A_308 = arith.constant 0 : i32
    %dma_start3A_309 = tpu.memref_slice %arg12[%dma_start3A_307, %dma_start3A_308] : memref<1024x16xf32, #tpu.memory_space<vmem>> -> memref<128x16xf32, #tpu.memory_space<vmem>>
    %dma_start3A_310 = arith.constant 0 : i32
    %dma_start3A_311 = tpu.memref_slice %arg10[%dma_start3A_306, %dma_start3A_310] : memref<8x128xi32, #tpu.memory_space<vmem>> -> memref<1x128xi32, #tpu.memory_space<vmem>>
    %dma_start3A_312 = tpu.memref_squeeze %dma_start3A_311 : memref<1x128xi32, #tpu.memory_space<vmem>> -> memref<128xi32, #tpu.memory_space<vmem>>
    %dma_start3A_313 = arith.constant 0 : i32
    %dma_start3A_314 = arith.constant 0 : i32
    %dma_start3A_315 = tpu.memref_slice %arg3[%dma_start3A_313, %dma_start3A_314] : memref<10016x16xf32, #tpu.memory_space<hbm>> -> memref<10016x16xf32, #tpu.memory_space<hbm>>
    tpu.enqueue_indirect_dma source(%dma_start3A_315 : memref<10016x16xf32, #tpu.memory_space<hbm>>) target(%dma_start3A_309 : memref<128x16xf32, #tpu.memory_space<vmem>>) offsets(%dma_start3A_312 : memref<128xi32, #tpu.memory_space<vmem>>) semaphore(%arg16 : memref<!tpu.dma_semaphore, #tpu.memory_space<semaphore_mem>>)
    %scan3A_316 = arith.constant 0 : i32
    %scan3A_317 = arith.constant 0 : i32
    %scan3A_318 = arith.constant 20 : i32
    %scan3A_319 = arith.addi %scan3A_317, %scan3A_318 : i32
    %scan3A_320 = arith.constant 1 : i32
    scf.for %scan3A_367 = %scan3A_317 to %scan3A_319 step %scan3A_320  : i32 {
      %rem3A = arith.constant 2 : i32
      %rem3A_368 = arith.remsi %scan3A_367, %rem3A : i32
      %mul3A_369 = arith.constant 4 : i32
      %mul3A_370 = arith.muli %rem3A_368, %mul3A_369 : i32
      %mul3A_371 = arith.constant 512 : i32
      %mul3A_372 = arith.muli %rem3A_368, %mul3A_371 : i32
      %sub3A = arith.constant 1 : i32
      %sub3A_373 = arith.subi %sub3A, %rem3A_368 : i32
      %mul3A_374 = arith.constant 4 : i32
      %mul3A_375 = arith.muli %sub3A_373, %mul3A_374 : i32
      %mul3A_376 = arith.constant 512 : i32
      %mul3A_377 = arith.muli %sub3A_373, %mul3A_376 : i32
      %ge3A = arith.constant 1 : i32
      %ge3A_378 = arith.cmpi sge, %scan3A_367, %ge3A : i32
      %convert_element_type3A = arith.extui %ge3A_378 : i1 to i32
      %cond3A = arith.constant 0 : i32
      %cond3A_379 = arith.cmpi ne, %convert_element_type3A, %cond3A : i32
      scf.if %cond3A_379 {
        %add3A_535 = arith.constant 0 : i32
        %add3A_536 = arith.addi %mul3A_377, %add3A_535 : i32
        %add3A_537 = arith.constant 0 : i32
        %add3A_538 = arith.addi %mul3A_375, %add3A_537 : i32
        %dma_wait3A_539 = arith.constant 0 : i32
        %dma_wait3A_540 = tpu.memref_slice %arg13[%add3A_536, %dma_wait3A_539] : memref<1024x32xf32, #tpu.memory_space<vmem>> -> memref<128x32xf32, #tpu.memory_space<vmem>>
        %dma_wait3A_541 = arith.constant 0 : i32
        %dma_wait3A_542 = tpu.memref_slice %arg10[%add3A_538, %dma_wait3A_541] : memref<8x128xi32, #tpu.memory_space<vmem>> -> memref<1x128xi32, #tpu.memory_space<vmem>>
        %dma_wait3A_543 = tpu.memref_squeeze %dma_wait3A_542 : memref<1x128xi32, #tpu.memory_space<vmem>> -> memref<128xi32, #tpu.memory_space<vmem>>
        %dma_wait3A_544 = arith.constant 0 : i32
        %dma_wait3A_545 = arith.constant 0 : i32
        %dma_wait3A_546 = tpu.memref_slice %arg15[%dma_wait3A_544, %dma_wait3A_545] : memref<10240x32xf32, #tpu.memory_space<vmem_shared>> -> memref<10240x32xf32, #tpu.memory_space<vmem_shared>>
        tpu.wait_indirect_dma semaphore(%arg17 : memref<!tpu.dma_semaphore, #tpu.memory_space<semaphore_mem>>) src(%dma_wait3A_540 : memref<128x32xf32, #tpu.memory_space<vmem>>) dst(%dma_wait3A_546 : memref<10240x32xf32, #tpu.memory_space<vmem_shared>>)
        %add3A_547 = arith.constant 128 : i32
        %add3A_548 = arith.addi %mul3A_377, %add3A_547 : i32
        %add3A_549 = arith.constant 1 : i32
        %add3A_550 = arith.addi %mul3A_375, %add3A_549 : i32
        %dma_wait3A_551 = arith.constant 0 : i32
        %dma_wait3A_552 = tpu.memref_slice %arg13[%add3A_548, %dma_wait3A_551] : memref<1024x32xf32, #tpu.memory_space<vmem>> -> memref<128x32xf32, #tpu.memory_space<vmem>>
        %dma_wait3A_553 = arith.constant 0 : i32
        %dma_wait3A_554 = tpu.memref_slice %arg10[%add3A_550, %dma_wait3A_553] : memref<8x128xi32, #tpu.memory_space<vmem>> -> memref<1x128xi32, #tpu.memory_space<vmem>>
        %dma_wait3A_555 = tpu.memref_squeeze %dma_wait3A_554 : memref<1x128xi32, #tpu.memory_space<vmem>> -> memref<128xi32, #tpu.memory_space<vmem>>
        %dma_wait3A_556 = arith.constant 0 : i32
        %dma_wait3A_557 = arith.constant 0 : i32
        %dma_wait3A_558 = tpu.memref_slice %arg15[%dma_wait3A_556, %dma_wait3A_557] : memref<10240x32xf32, #tpu.memory_space<vmem_shared>> -> memref<10240x32xf32, #tpu.memory_space<vmem_shared>>
        tpu.wait_indirect_dma semaphore(%arg17 : memref<!tpu.dma_semaphore, #tpu.memory_space<semaphore_mem>>) src(%dma_wait3A_552 : memref<128x32xf32, #tpu.memory_space<vmem>>) dst(%dma_wait3A_558 : memref<10240x32xf32, #tpu.memory_space<vmem_shared>>)
        %add3A_559 = arith.constant 256 : i32
        %add3A_560 = arith.addi %mul3A_377, %add3A_559 : i32
        %add3A_561 = arith.constant 2 : i32
        %add3A_562 = arith.addi %mul3A_375, %add3A_561 : i32
        %dma_wait3A_563 = arith.constant 0 : i32
        %dma_wait3A_564 = tpu.memref_slice %arg13[%add3A_560, %dma_wait3A_563] : memref<1024x32xf32, #tpu.memory_space<vmem>> -> memref<128x32xf32, #tpu.memory_space<vmem>>
        %dma_wait3A_565 = arith.constant 0 : i32
        %dma_wait3A_566 = tpu.memref_slice %arg10[%add3A_562, %dma_wait3A_565] : memref<8x128xi32, #tpu.memory_space<vmem>> -> memref<1x128xi32, #tpu.memory_space<vmem>>
        %dma_wait3A_567 = tpu.memref_squeeze %dma_wait3A_566 : memref<1x128xi32, #tpu.memory_space<vmem>> -> memref<128xi32, #tpu.memory_space<vmem>>
        %dma_wait3A_568 = arith.constant 0 : i32
        %dma_wait3A_569 = arith.constant 0 : i32
        %dma_wait3A_570 = tpu.memref_slice %arg15[%dma_wait3A_568, %dma_wait3A_569] : memref<10240x32xf32, #tpu.memory_space<vmem_shared>> -> memref<10240x32xf32, #tpu.memory_space<vmem_shared>>
        tpu.wait_indirect_dma semaphore(%arg17 : memref<!tpu.dma_semaphore, #tpu.memory_space<semaphore_mem>>) src(%dma_wait3A_564 : memref<128x32xf32, #tpu.memory_space<vmem>>) dst(%dma_wait3A_570 : memref<10240x32xf32, #tpu.memory_space<vmem_shared>>)
        %add3A_571 = arith.constant 384 : i32
        %add3A_572 = arith.addi %mul3A_377, %add3A_571 : i32
        %add3A_573 = arith.constant 3 : i32
        %add3A_574 = arith.addi %mul3A_375, %add3A_573 : i32
        %dma_wait3A_575 = arith.constant 0 : i32
        %dma_wait3A_576 = tpu.memref_slice %arg13[%add3A_572, %dma_wait3A_575] : memref<1024x32xf32, #tpu.memory_space<vmem>> -> memref<128x32xf32, #tpu.memory_space<vmem>>
        %dma_wait3A_577 = arith.constant 0 : i32
        %dma_wait3A_578 = tpu.memref_slice %arg10[%add3A_574, %dma_wait3A_577] : memref<8x128xi32, #tpu.memory_space<vmem>> -> memref<1x128xi32, #tpu.memory_space<vmem>>
        %dma_wait3A_579 = tpu.memref_squeeze %dma_wait3A_578 : memref<1x128xi32, #tpu.memory_space<vmem>> -> memref<128xi32, #tpu.memory_space<vmem>>
        %dma_wait3A_580 = arith.constant 0 : i32
        %dma_wait3A_581 = arith.constant 0 : i32
        %dma_wait3A_582 = tpu.memref_slice %arg15[%dma_wait3A_580, %dma_wait3A_581] : memref<10240x32xf32, #tpu.memory_space<vmem_shared>> -> memref<10240x32xf32, #tpu.memory_space<vmem_shared>>
        tpu.wait_indirect_dma semaphore(%arg17 : memref<!tpu.dma_semaphore, #tpu.memory_space<semaphore_mem>>) src(%dma_wait3A_576 : memref<128x32xf32, #tpu.memory_space<vmem>>) dst(%dma_wait3A_582 : memref<10240x32xf32, #tpu.memory_space<vmem_shared>>)
      } else {
      }
      %lt3A = arith.constant 19 : i32
      %lt3A_380 = arith.cmpi slt, %scan3A_367, %lt3A : i32
      %convert_element_type3A_381 = arith.extui %lt3A_380 : i1 to i32
      %cond3A_382 = arith.constant 0 : i32
      %cond3A_383 = arith.cmpi ne, %convert_element_type3A_381, %cond3A_382 : i32
      scf.if %cond3A_383 {
        %add3A_535 = arith.constant 1 : i32
        %add3A_536 = arith.addi %scan3A_367, %add3A_535 : i32
        %mul3A_537 = arith.constant 80 : i32
        %mul3A_538 = arith.muli %add3A, %mul3A_537 : i32
        %mul3A_539 = arith.constant 4 : i32
        %mul3A_540 = arith.muli %add3A_536, %mul3A_539 : i32
        %add3A_541 = arith.addi %mul3A_538, %mul3A_540 : i32
        %dma_start3A_542 = arith.constant 0 : i32
        %dma_start3A_543 = tpu.memref_slice %arg9[%mul3A_375, %dma_start3A_542] : memref<8x128xi32, #tpu.memory_space<vmem>> -> memref<4x128xi32, #tpu.memory_space<vmem>>
        %dma_start3A_544 = arith.constant 0 : i32
        %dma_start3A_545 = tpu.memref_slice %arg4[%add3A_541, %dma_start3A_544] : memref<2560x128xi32, #tpu.memory_space<hbm>> -> memref<4x128xi32, #tpu.memory_space<hbm>>
        %dma_start3A_546 = arith.constant 0 : i32
        %dma_start3A_547 = tpu.memref_slice %arg9[%mul3A_375, %dma_start3A_546] : memref<8x128xi32, #tpu.memory_space<vmem>> -> memref<4x128xi32, #tpu.memory_space<vmem>>
        %dma_start3A_548 = arith.constant 0 : i32
        %dma_start3A_549 = tpu.memref_slice %arg4[%add3A_541, %dma_start3A_548] : memref<2560x128xi32, #tpu.memory_space<hbm>> -> memref<4x128xi32, #tpu.memory_space<hbm>>
        tpu.enqueue_dma source(%dma_start3A_549 : memref<4x128xi32, #tpu.memory_space<hbm>>) target(%dma_start3A_547 : memref<4x128xi32, #tpu.memory_space<vmem>>) target_semaphore(%arg18 : memref<!tpu.dma_semaphore, #tpu.memory_space<semaphore_mem>>)
        %dma_start3A_550 = arith.constant 0 : i32
        %dma_start3A_551 = tpu.memref_slice %arg10[%mul3A_375, %dma_start3A_550] : memref<8x128xi32, #tpu.memory_space<vmem>> -> memref<4x128xi32, #tpu.memory_space<vmem>>
        %dma_start3A_552 = arith.constant 0 : i32
        %dma_start3A_553 = tpu.memref_slice %arg5[%add3A_541, %dma_start3A_552] : memref<2560x128xi32, #tpu.memory_space<hbm>> -> memref<4x128xi32, #tpu.memory_space<hbm>>
        %dma_start3A_554 = arith.constant 0 : i32
        %dma_start3A_555 = tpu.memref_slice %arg10[%mul3A_375, %dma_start3A_554] : memref<8x128xi32, #tpu.memory_space<vmem>> -> memref<4x128xi32, #tpu.memory_space<vmem>>
        %dma_start3A_556 = arith.constant 0 : i32
        %dma_start3A_557 = tpu.memref_slice %arg5[%add3A_541, %dma_start3A_556] : memref<2560x128xi32, #tpu.memory_space<hbm>> -> memref<4x128xi32, #tpu.memory_space<hbm>>
        tpu.enqueue_dma source(%dma_start3A_557 : memref<4x128xi32, #tpu.memory_space<hbm>>) target(%dma_start3A_555 : memref<4x128xi32, #tpu.memory_space<vmem>>) target_semaphore(%arg18 : memref<!tpu.dma_semaphore, #tpu.memory_space<semaphore_mem>>)
      } else {
      }
      %add3A_384 = arith.constant 0 : i32
      %add3A_385 = arith.addi %mul3A_370, %add3A_384 : i32
      %add3A_386 = arith.constant 0 : i32
      %add3A_387 = arith.addi %mul3A_372, %add3A_386 : i32
      %dma_wait3A_388 = arith.constant 0 : i32
      %dma_wait3A_389 = tpu.memref_slice %arg11[%add3A_387, %dma_wait3A_388] : memref<1024x32xf32, #tpu.memory_space<vmem>> -> memref<128x32xf32, #tpu.memory_space<vmem>>
      %dma_wait3A_390 = arith.constant 0 : i32
      %dma_wait3A_391 = tpu.memref_slice %arg9[%add3A_385, %dma_wait3A_390] : memref<8x128xi32, #tpu.memory_space<vmem>> -> memref<1x128xi32, #tpu.memory_space<vmem>>
      %dma_wait3A_392 = tpu.memref_squeeze %dma_wait3A_391 : memref<1x128xi32, #tpu.memory_space<vmem>> -> memref<128xi32, #tpu.memory_space<vmem>>
      %dma_wait3A_393 = arith.constant 0 : i32
      %dma_wait3A_394 = arith.constant 0 : i32
      %dma_wait3A_395 = tpu.memref_slice %arg2[%dma_wait3A_393, %dma_wait3A_394] : memref<10016x32xf32, #tpu.memory_space<hbm>> -> memref<10016x32xf32, #tpu.memory_space<hbm>>
      tpu.wait_indirect_dma semaphore(%arg16 : memref<!tpu.dma_semaphore, #tpu.memory_space<semaphore_mem>>) src(%dma_wait3A_395 : memref<10016x32xf32, #tpu.memory_space<hbm>>) dst(%dma_wait3A_389 : memref<128x32xf32, #tpu.memory_space<vmem>>)
      %add3A_396 = arith.constant 0 : i32
      %add3A_397 = arith.addi %mul3A_370, %add3A_396 : i32
      %add3A_398 = arith.constant 0 : i32
      %add3A_399 = arith.addi %mul3A_372, %add3A_398 : i32
      %dma_wait3A_400 = arith.constant 0 : i32
      %dma_wait3A_401 = tpu.memref_slice %arg12[%add3A_399, %dma_wait3A_400] : memref<1024x16xf32, #tpu.memory_space<vmem>> -> memref<128x16xf32, #tpu.memory_space<vmem>>
      %dma_wait3A_402 = arith.constant 0 : i32
      %dma_wait3A_403 = tpu.memref_slice %arg10[%add3A_397, %dma_wait3A_402] : memref<8x128xi32, #tpu.memory_space<vmem>> -> memref<1x128xi32, #tpu.memory_space<vmem>>
      %dma_wait3A_404 = tpu.memref_squeeze %dma_wait3A_403 : memref<1x128xi32, #tpu.memory_space<vmem>> -> memref<128xi32, #tpu.memory_space<vmem>>
      %dma_wait3A_405 = arith.constant 0 : i32
      %dma_wait3A_406 = arith.constant 0 : i32
      %dma_wait3A_407 = tpu.memref_slice %arg3[%dma_wait3A_405, %dma_wait3A_406] : memref<10016x16xf32, #tpu.memory_space<hbm>> -> memref<10016x16xf32, #tpu.memory_space<hbm>>
      tpu.wait_indirect_dma semaphore(%arg16 : memref<!tpu.dma_semaphore, #tpu.memory_space<semaphore_mem>>) src(%dma_wait3A_407 : memref<10016x16xf32, #tpu.memory_space<hbm>>) dst(%dma_wait3A_401 : memref<128x16xf32, #tpu.memory_space<vmem>>)
      %add3A_408 = arith.constant 1 : i32
      %add3A_409 = arith.addi %mul3A_370, %add3A_408 : i32
      %add3A_410 = arith.constant 128 : i32
      %add3A_411 = arith.addi %mul3A_372, %add3A_410 : i32
      %dma_wait3A_412 = arith.constant 0 : i32
      %dma_wait3A_413 = tpu.memref_slice %arg11[%add3A_411, %dma_wait3A_412] : memref<1024x32xf32, #tpu.memory_space<vmem>> -> memref<128x32xf32, #tpu.memory_space<vmem>>
      %dma_wait3A_414 = arith.constant 0 : i32
      %dma_wait3A_415 = tpu.memref_slice %arg9[%add3A_409, %dma_wait3A_414] : memref<8x128xi32, #tpu.memory_space<vmem>> -> memref<1x128xi32, #tpu.memory_space<vmem>>
      %dma_wait3A_416 = tpu.memref_squeeze %dma_wait3A_415 : memref<1x128xi32, #tpu.memory_space<vmem>> -> memref<128xi32, #tpu.memory_space<vmem>>
      %dma_wait3A_417 = arith.constant 0 : i32
      %dma_wait3A_418 = arith.constant 0 : i32
      %dma_wait3A_419 = tpu.memref_slice %arg2[%dma_wait3A_417, %dma_wait3A_418] : memref<10016x32xf32, #tpu.memory_space<hbm>> -> memref<10016x32xf32, #tpu.memory_space<hbm>>
      tpu.wait_indirect_dma semaphore(%arg16 : memref<!tpu.dma_semaphore, #tpu.memory_space<semaphore_mem>>) src(%dma_wait3A_419 : memref<10016x32xf32, #tpu.memory_space<hbm>>) dst(%dma_wait3A_413 : memref<128x32xf32, #tpu.memory_space<vmem>>)
      %add3A_420 = arith.constant 1 : i32
      %add3A_421 = arith.addi %mul3A_370, %add3A_420 : i32
      %add3A_422 = arith.constant 128 : i32
      %add3A_423 = arith.addi %mul3A_372, %add3A_422 : i32
      %dma_wait3A_424 = arith.constant 0 : i32
      %dma_wait3A_425 = tpu.memref_slice %arg12[%add3A_423, %dma_wait3A_424] : memref<1024x16xf32, #tpu.memory_space<vmem>> -> memref<128x16xf32, #tpu.memory_space<vmem>>
      %dma_wait3A_426 = arith.constant 0 : i32
      %dma_wait3A_427 = tpu.memref_slice %arg10[%add3A_421, %dma_wait3A_426] : memref<8x128xi32, #tpu.memory_space<vmem>> -> memref<1x128xi32, #tpu.memory_space<vmem>>
      %dma_wait3A_428 = tpu.memref_squeeze %dma_wait3A_427 : memref<1x128xi32, #tpu.memory_space<vmem>> -> memref<128xi32, #tpu.memory_space<vmem>>
      %dma_wait3A_429 = arith.constant 0 : i32
      %dma_wait3A_430 = arith.constant 0 : i32
      %dma_wait3A_431 = tpu.memref_slice %arg3[%dma_wait3A_429, %dma_wait3A_430] : memref<10016x16xf32, #tpu.memory_space<hbm>> -> memref<10016x16xf32, #tpu.memory_space<hbm>>
      tpu.wait_indirect_dma semaphore(%arg16 : memref<!tpu.dma_semaphore, #tpu.memory_space<semaphore_mem>>) src(%dma_wait3A_431 : memref<10016x16xf32, #tpu.memory_space<hbm>>) dst(%dma_wait3A_425 : memref<128x16xf32, #tpu.memory_space<vmem>>)
      %add3A_432 = arith.constant 2 : i32
      %add3A_433 = arith.addi %mul3A_370, %add3A_432 : i32
      %add3A_434 = arith.constant 256 : i32
      %add3A_435 = arith.addi %mul3A_372, %add3A_434 : i32
      %dma_wait3A_436 = arith.constant 0 : i32
      %dma_wait3A_437 = tpu.memref_slice %arg11[%add3A_435, %dma_wait3A_436] : memref<1024x32xf32, #tpu.memory_space<vmem>> -> memref<128x32xf32, #tpu.memory_space<vmem>>
      %dma_wait3A_438 = arith.constant 0 : i32
      %dma_wait3A_439 = tpu.memref_slice %arg9[%add3A_433, %dma_wait3A_438] : memref<8x128xi32, #tpu.memory_space<vmem>> -> memref<1x128xi32, #tpu.memory_space<vmem>>
      %dma_wait3A_440 = tpu.memref_squeeze %dma_wait3A_439 : memref<1x128xi32, #tpu.memory_space<vmem>> -> memref<128xi32, #tpu.memory_space<vmem>>
      %dma_wait3A_441 = arith.constant 0 : i32
      %dma_wait3A_442 = arith.constant 0 : i32
      %dma_wait3A_443 = tpu.memref_slice %arg2[%dma_wait3A_441, %dma_wait3A_442] : memref<10016x32xf32, #tpu.memory_space<hbm>> -> memref<10016x32xf32, #tpu.memory_space<hbm>>
      tpu.wait_indirect_dma semaphore(%arg16 : memref<!tpu.dma_semaphore, #tpu.memory_space<semaphore_mem>>) src(%dma_wait3A_443 : memref<10016x32xf32, #tpu.memory_space<hbm>>) dst(%dma_wait3A_437 : memref<128x32xf32, #tpu.memory_space<vmem>>)
      %add3A_444 = arith.constant 2 : i32
      %add3A_445 = arith.addi %mul3A_370, %add3A_444 : i32
      %add3A_446 = arith.constant 256 : i32
      %add3A_447 = arith.addi %mul3A_372, %add3A_446 : i32
      %dma_wait3A_448 = arith.constant 0 : i32
      %dma_wait3A_449 = tpu.memref_slice %arg12[%add3A_447, %dma_wait3A_448] : memref<1024x16xf32, #tpu.memory_space<vmem>> -> memref<128x16xf32, #tpu.memory_space<vmem>>
      %dma_wait3A_450 = arith.constant 0 : i32
      %dma_wait3A_451 = tpu.memref_slice %arg10[%add3A_445, %dma_wait3A_450] : memref<8x128xi32, #tpu.memory_space<vmem>> -> memref<1x128xi32, #tpu.memory_space<vmem>>
      %dma_wait3A_452 = tpu.memref_squeeze %dma_wait3A_451 : memref<1x128xi32, #tpu.memory_space<vmem>> -> memref<128xi32, #tpu.memory_space<vmem>>
      %dma_wait3A_453 = arith.constant 0 : i32
      %dma_wait3A_454 = arith.constant 0 : i32
      %dma_wait3A_455 = tpu.memref_slice %arg3[%dma_wait3A_453, %dma_wait3A_454] : memref<10016x16xf32, #tpu.memory_space<hbm>> -> memref<10016x16xf32, #tpu.memory_space<hbm>>
      tpu.wait_indirect_dma semaphore(%arg16 : memref<!tpu.dma_semaphore, #tpu.memory_space<semaphore_mem>>) src(%dma_wait3A_455 : memref<10016x16xf32, #tpu.memory_space<hbm>>) dst(%dma_wait3A_449 : memref<128x16xf32, #tpu.memory_space<vmem>>)
      %add3A_456 = arith.constant 3 : i32
      %add3A_457 = arith.addi %mul3A_370, %add3A_456 : i32
      %add3A_458 = arith.constant 384 : i32
      %add3A_459 = arith.addi %mul3A_372, %add3A_458 : i32
      %dma_wait3A_460 = arith.constant 0 : i32
      %dma_wait3A_461 = tpu.memref_slice %arg11[%add3A_459, %dma_wait3A_460] : memref<1024x32xf32, #tpu.memory_space<vmem>> -> memref<128x32xf32, #tpu.memory_space<vmem>>
      %dma_wait3A_462 = arith.constant 0 : i32
      %dma_wait3A_463 = tpu.memref_slice %arg9[%add3A_457, %dma_wait3A_462] : memref<8x128xi32, #tpu.memory_space<vmem>> -> memref<1x128xi32, #tpu.memory_space<vmem>>
      %dma_wait3A_464 = tpu.memref_squeeze %dma_wait3A_463 : memref<1x128xi32, #tpu.memory_space<vmem>> -> memref<128xi32, #tpu.memory_space<vmem>>
      %dma_wait3A_465 = arith.constant 0 : i32
      %dma_wait3A_466 = arith.constant 0 : i32
      %dma_wait3A_467 = tpu.memref_slice %arg2[%dma_wait3A_465, %dma_wait3A_466] : memref<10016x32xf32, #tpu.memory_space<hbm>> -> memref<10016x32xf32, #tpu.memory_space<hbm>>
      tpu.wait_indirect_dma semaphore(%arg16 : memref<!tpu.dma_semaphore, #tpu.memory_space<semaphore_mem>>) src(%dma_wait3A_467 : memref<10016x32xf32, #tpu.memory_space<hbm>>) dst(%dma_wait3A_461 : memref<128x32xf32, #tpu.memory_space<vmem>>)
      %add3A_468 = arith.constant 3 : i32
      %add3A_469 = arith.addi %mul3A_370, %add3A_468 : i32
      %add3A_470 = arith.constant 384 : i32
      %add3A_471 = arith.addi %mul3A_372, %add3A_470 : i32
      %dma_wait3A_472 = arith.constant 0 : i32
      %dma_wait3A_473 = tpu.memref_slice %arg12[%add3A_471, %dma_wait3A_472] : memref<1024x16xf32, #tpu.memory_space<vmem>> -> memref<128x16xf32, #tpu.memory_space<vmem>>
      %dma_wait3A_474 = arith.constant 0 : i32
      %dma_wait3A_475 = tpu.memref_slice %arg10[%add3A_469, %dma_wait3A_474] : memref<8x128xi32, #tpu.memory_space<vmem>> -> memref<1x128xi32, #tpu.memory_space<vmem>>
      %dma_wait3A_476 = tpu.memref_squeeze %dma_wait3A_475 : memref<1x128xi32, #tpu.memory_space<vmem>> -> memref<128xi32, #tpu.memory_space<vmem>>
      %dma_wait3A_477 = arith.constant 0 : i32
      %dma_wait3A_478 = arith.constant 0 : i32
      %dma_wait3A_479 = tpu.memref_slice %arg3[%dma_wait3A_477, %dma_wait3A_478] : memref<10016x16xf32, #tpu.memory_space<hbm>> -> memref<10016x16xf32, #tpu.memory_space<hbm>>
      tpu.wait_indirect_dma semaphore(%arg16 : memref<!tpu.dma_semaphore, #tpu.memory_space<semaphore_mem>>) src(%dma_wait3A_479 : memref<10016x16xf32, #tpu.memory_space<hbm>>) dst(%dma_wait3A_473 : memref<128x16xf32, #tpu.memory_space<vmem>>)
      %parallel_loop3A = arith.constant 0 : i32
      %parallel_loop3A_480 = arith.constant 32 : i32
      %parallel_loop3A_481 = arith.constant 1 : i32
      scf.for %parallel_loop3A_535 = %parallel_loop3A to %parallel_loop3A_480 step %parallel_loop3A_481  : i32 {
        %parallel_loop3A_536 = arith.constant 16 : i32
        %parallel_loop3A_537 = arith.muli %parallel_loop3A_535, %parallel_loop3A_536 : i32
        %parallel_loop3A_538 = arith.addi %mul3A_372, %parallel_loop3A_537 : i32
        %parallel_loop3A_539 = vector.broadcast %parallel_loop3A_538 : i32 to vector<16xi32>
        %parallel_loop3A_540 = arith.addi %parallel_loop3A_539, %iota3A : vector<16xi32>
        %parallel_loop3A_541 = arith.constant 0 : i32
        %parallel_loop3A_542 = vector.broadcast %parallel_loop3A_541 : i32 to vector<16xi32>
        %parallel_loop3A_543 = tpu.vector_load_idx %arg12[%parallel_loop3A_540, %parallel_loop3A_542] : memref<1024x16xf32, #tpu.memory_space<vmem>>[vector<16xi32>, vector<16xi32>], vector<16xf32>,
        %parallel_loop3A_544 = arith.constant 1 : i32
        %parallel_loop3A_545 = vector.broadcast %parallel_loop3A_544 : i32 to vector<16xi32>
        %parallel_loop3A_546 = tpu.vector_load_idx %arg12[%parallel_loop3A_540, %parallel_loop3A_545] : memref<1024x16xf32, #tpu.memory_space<vmem>>[vector<16xi32>, vector<16xi32>], vector<16xf32>,
        %parallel_loop3A_547 = arith.constant 2 : i32
        %parallel_loop3A_548 = vector.broadcast %parallel_loop3A_547 : i32 to vector<16xi32>
        %parallel_loop3A_549 = tpu.vector_load_idx %arg12[%parallel_loop3A_540, %parallel_loop3A_548] : memref<1024x16xf32, #tpu.memory_space<vmem>>[vector<16xi32>, vector<16xi32>], vector<16xf32>,
        %parallel_loop3A_550 = arith.constant 20 : i32
        %parallel_loop3A_551 = vector.broadcast %parallel_loop3A_550 : i32 to vector<16xi32>
        %parallel_loop3A_552 = tpu.vector_load_idx %arg11[%parallel_loop3A_540, %parallel_loop3A_551] : memref<1024x32xf32, #tpu.memory_space<vmem>>[vector<16xi32>, vector<16xi32>], vector<16xf32>,
        %parallel_loop3A_553 = arith.constant 21 : i32
        %parallel_loop3A_554 = vector.broadcast %parallel_loop3A_553 : i32 to vector<16xi32>
        %parallel_loop3A_555 = tpu.vector_load_idx %arg11[%parallel_loop3A_540, %parallel_loop3A_554] : memref<1024x32xf32, #tpu.memory_space<vmem>>[vector<16xi32>, vector<16xi32>], vector<16xf32>,
        %parallel_loop3A_556 = arith.constant 22 : i32
        %parallel_loop3A_557 = vector.broadcast %parallel_loop3A_556 : i32 to vector<16xi32>
        %parallel_loop3A_558 = tpu.vector_load_idx %arg11[%parallel_loop3A_540, %parallel_loop3A_557] : memref<1024x32xf32, #tpu.memory_space<vmem>>[vector<16xi32>, vector<16xi32>], vector<16xf32>,
        %parallel_loop3A_559 = arith.subf %parallel_loop3A_543, %parallel_loop3A_552 : vector<16xf32>
        %parallel_loop3A_560 = arith.subf %parallel_loop3A_546, %parallel_loop3A_555 : vector<16xf32>
        %parallel_loop3A_561 = arith.subf %parallel_loop3A_549, %parallel_loop3A_558 : vector<16xf32>
        %parallel_loop3A_562 = arith.mulf %parallel_loop3A_559, %parallel_loop3A_559 : vector<16xf32>
        %parallel_loop3A_563 = arith.mulf %parallel_loop3A_560, %parallel_loop3A_560 : vector<16xf32>
        %parallel_loop3A_564 = arith.addf %parallel_loop3A_562, %parallel_loop3A_563 : vector<16xf32>
        %parallel_loop3A_565 = arith.mulf %parallel_loop3A_561, %parallel_loop3A_561 : vector<16xf32>
        %parallel_loop3A_566 = arith.addf %parallel_loop3A_564, %parallel_loop3A_565 : vector<16xf32>
        %parallel_loop3A_567 = arith.constant 1.000000e-24 : f32
        %parallel_loop3A_568 = vector.broadcast %parallel_loop3A_567 : f32 to vector<16xf32>
        %parallel_loop3A_569 = arith.maximumf %parallel_loop3A_566, %parallel_loop3A_568 : vector<16xf32>
        %parallel_loop3A_570 = vector.bitcast %parallel_loop3A_569 : vector<16xf32> to vector<16xi32>
        %parallel_loop3A_571 = arith.constant 1 : i32
        %parallel_loop3A_572 = vector.broadcast %parallel_loop3A_571 : i32 to vector<16xi32>
        %parallel_loop3A_573 = arith.shrsi %parallel_loop3A_570, %parallel_loop3A_572 : vector<16xi32>
        %parallel_loop3A_574 = arith.constant 1597463007 : i32
        %parallel_loop3A_575 = vector.broadcast %parallel_loop3A_574 : i32 to vector<16xi32>
        %parallel_loop3A_576 = arith.subi %parallel_loop3A_575, %parallel_loop3A_573 : vector<16xi32>
        %parallel_loop3A_577 = vector.bitcast %parallel_loop3A_576 : vector<16xi32> to vector<16xf32>
        %parallel_loop3A_578 = arith.constant 5.000000e-01 : f32
        %parallel_loop3A_579 = vector.broadcast %parallel_loop3A_578 : f32 to vector<16xf32>
        %parallel_loop3A_580 = arith.mulf %parallel_loop3A_579, %parallel_loop3A_569 : vector<16xf32>
        %parallel_loop3A_581 = arith.mulf %parallel_loop3A_580, %parallel_loop3A_577 : vector<16xf32>
        %parallel_loop3A_582 = arith.mulf %parallel_loop3A_581, %parallel_loop3A_577 : vector<16xf32>
        %parallel_loop3A_583 = arith.constant 1.500000e+00 : f32
        %parallel_loop3A_584 = vector.broadcast %parallel_loop3A_583 : f32 to vector<16xf32>
        %parallel_loop3A_585 = arith.subf %parallel_loop3A_584, %parallel_loop3A_582 : vector<16xf32>
        %parallel_loop3A_586 = arith.mulf %parallel_loop3A_577, %parallel_loop3A_585 : vector<16xf32>
        %parallel_loop3A_587 = arith.constant 5.000000e-01 : f32
        %parallel_loop3A_588 = vector.broadcast %parallel_loop3A_587 : f32 to vector<16xf32>
        %parallel_loop3A_589 = arith.mulf %parallel_loop3A_588, %parallel_loop3A_569 : vector<16xf32>
        %parallel_loop3A_590 = arith.mulf %parallel_loop3A_589, %parallel_loop3A_586 : vector<16xf32>
        %parallel_loop3A_591 = arith.mulf %parallel_loop3A_590, %parallel_loop3A_586 : vector<16xf32>
        %parallel_loop3A_592 = arith.constant 1.500000e+00 : f32
        %parallel_loop3A_593 = vector.broadcast %parallel_loop3A_592 : f32 to vector<16xf32>
        %parallel_loop3A_594 = arith.subf %parallel_loop3A_593, %parallel_loop3A_591 : vector<16xf32>
        %parallel_loop3A_595 = arith.mulf %parallel_loop3A_586, %parallel_loop3A_594 : vector<16xf32>
        %parallel_loop3A_596 = arith.constant 5.000000e-01 : f32
        %parallel_loop3A_597 = vector.broadcast %parallel_loop3A_596 : f32 to vector<16xf32>
        %parallel_loop3A_598 = arith.mulf %parallel_loop3A_597, %parallel_loop3A_569 : vector<16xf32>
        %parallel_loop3A_599 = arith.mulf %parallel_loop3A_598, %parallel_loop3A_595 : vector<16xf32>
        %parallel_loop3A_600 = arith.mulf %parallel_loop3A_599, %parallel_loop3A_595 : vector<16xf32>
        %parallel_loop3A_601 = arith.constant 1.500000e+00 : f32
        %parallel_loop3A_602 = vector.broadcast %parallel_loop3A_601 : f32 to vector<16xf32>
        %parallel_loop3A_603 = arith.subf %parallel_loop3A_602, %parallel_loop3A_600 : vector<16xf32>
        %parallel_loop3A_604 = arith.mulf %parallel_loop3A_595, %parallel_loop3A_603 : vector<16xf32>
        %parallel_loop3A_605 = arith.mulf %parallel_loop3A_569, %parallel_loop3A_604 : vector<16xf32>
        %parallel_loop3A_606 = arith.constant 6.400000e+01 : f32
        %parallel_loop3A_607 = vector.broadcast %parallel_loop3A_606 : f32 to vector<16xf32>
        %parallel_loop3A_608 = arith.mulf %parallel_loop3A_605, %parallel_loop3A_607 : vector<16xf32>
        %parallel_loop3A_609 = arith.constant 5.115000e+02 : f32
        %parallel_loop3A_610 = vector.broadcast %parallel_loop3A_609 : f32 to vector<16xf32>
        %parallel_loop3A_611 = arith.minimumf %parallel_loop3A_608, %parallel_loop3A_610 : vector<16xf32>
        %parallel_loop3A_612 = arith.fptosi %parallel_loop3A_611 : vector<16xf32> to vector<16xi32>
        %parallel_loop3A_613 = arith.sitofp %parallel_loop3A_612 : vector<16xi32> to vector<16xf32>
        %parallel_loop3A_614 = arith.subf %parallel_loop3A_611, %parallel_loop3A_613 : vector<16xf32>
        %parallel_loop3A_615 = arith.constant 0 : i32
        %parallel_loop3A_616 = vector.broadcast %parallel_loop3A_615 : i32 to vector<16xi32>
        %parallel_loop3A_617 = tpu.vector_load_idx %arg8[%parallel_loop3A_612, %parallel_loop3A_616] : memref<512x40xf32, #tpu.memory_space<vmem>>[vector<16xi32>, vector<16xi32>], vector<16xf32>,
        %parallel_loop3A_618 = arith.constant 20 : i32
        %parallel_loop3A_619 = vector.broadcast %parallel_loop3A_618 : i32 to vector<16xi32>
        %parallel_loop3A_620 = tpu.vector_load_idx %arg8[%parallel_loop3A_612, %parallel_loop3A_619] : memref<512x40xf32, #tpu.memory_space<vmem>>[vector<16xi32>, vector<16xi32>], vector<16xf32>,
        %parallel_loop3A_621 = arith.mulf %parallel_loop3A_614, %parallel_loop3A_620 : vector<16xf32>
        %parallel_loop3A_622 = arith.addf %parallel_loop3A_617, %parallel_loop3A_621 : vector<16xf32>
        %parallel_loop3A_623 = arith.constant 0 : i32
        %parallel_loop3A_624 = vector.broadcast %parallel_loop3A_623 : i32 to vector<16xi32>
        %parallel_loop3A_625 = tpu.vector_load_idx %arg11[%parallel_loop3A_540, %parallel_loop3A_624] : memref<1024x32xf32, #tpu.memory_space<vmem>>[vector<16xi32>, vector<16xi32>], vector<16xf32>,
        %parallel_loop3A_626 = arith.constant 0 : i32
        %parallel_loop3A_627 = vector.broadcast %parallel_loop3A_626 : i32 to vector<16xi32>
        %parallel_loop3A_628 = arith.mulf %parallel_loop3A_625, %parallel_loop3A_622 : vector<16xf32>
        tpu.vector_store_idx %arg13[%parallel_loop3A_540, %parallel_loop3A_627], %parallel_loop3A_628 : memref<1024x32xf32, #tpu.memory_space<vmem>>[vector<16xi32>, vector<16xi32>], vector<16xf32>,
        %parallel_loop3A_629 = arith.constant 1 : i32
        %parallel_loop3A_630 = vector.broadcast %parallel_loop3A_629 : i32 to vector<16xi32>
        %parallel_loop3A_631 = tpu.vector_load_idx %arg8[%parallel_loop3A_612, %parallel_loop3A_630] : memref<512x40xf32, #tpu.memory_space<vmem>>[vector<16xi32>, vector<16xi32>], vector<16xf32>,
        %parallel_loop3A_632 = arith.constant 21 : i32
        %parallel_loop3A_633 = vector.broadcast %parallel_loop3A_632 : i32 to vector<16xi32>
        %parallel_loop3A_634 = tpu.vector_load_idx %arg8[%parallel_loop3A_612, %parallel_loop3A_633] : memref<512x40xf32, #tpu.memory_space<vmem>>[vector<16xi32>, vector<16xi32>], vector<16xf32>,
        %parallel_loop3A_635 = arith.mulf %parallel_loop3A_614, %parallel_loop3A_634 : vector<16xf32>
        %parallel_loop3A_636 = arith.addf %parallel_loop3A_631, %parallel_loop3A_635 : vector<16xf32>
        %parallel_loop3A_637 = arith.constant 1 : i32
        %parallel_loop3A_638 = vector.broadcast %parallel_loop3A_637 : i32 to vector<16xi32>
        %parallel_loop3A_639 = tpu.vector_load_idx %arg11[%parallel_loop3A_540, %parallel_loop3A_638] : memref<1024x32xf32, #tpu.memory_space<vmem>>[vector<16xi32>, vector<16xi32>], vector<16xf32>,
        %parallel_loop3A_640 = arith.constant 1 : i32
        %parallel_loop3A_641 = vector.broadcast %parallel_loop3A_640 : i32 to vector<16xi32>
        %parallel_loop3A_642 = arith.mulf %parallel_loop3A_639, %parallel_loop3A_636 : vector<16xf32>
        tpu.vector_store_idx %arg13[%parallel_loop3A_540, %parallel_loop3A_641], %parallel_loop3A_642 : memref<1024x32xf32, #tpu.memory_space<vmem>>[vector<16xi32>, vector<16xi32>], vector<16xf32>,
        %parallel_loop3A_643 = arith.constant 2 : i32
        %parallel_loop3A_644 = vector.broadcast %parallel_loop3A_643 : i32 to vector<16xi32>
        %parallel_loop3A_645 = tpu.vector_load_idx %arg8[%parallel_loop3A_612, %parallel_loop3A_644] : memref<512x40xf32, #tpu.memory_space<vmem>>[vector<16xi32>, vector<16xi32>], vector<16xf32>,
        %parallel_loop3A_646 = arith.constant 22 : i32
        %parallel_loop3A_647 = vector.broadcast %parallel_loop3A_646 : i32 to vector<16xi32>
        %parallel_loop3A_648 = tpu.vector_load_idx %arg8[%parallel_loop3A_612, %parallel_loop3A_647] : memref<512x40xf32, #tpu.memory_space<vmem>>[vector<16xi32>, vector<16xi32>], vector<16xf32>,
        %parallel_loop3A_649 = arith.mulf %parallel_loop3A_614, %parallel_loop3A_648 : vector<16xf32>
        %parallel_loop3A_650 = arith.addf %parallel_loop3A_645, %parallel_loop3A_649 : vector<16xf32>
        %parallel_loop3A_651 = arith.constant 2 : i32
        %parallel_loop3A_652 = vector.broadcast %parallel_loop3A_651 : i32 to vector<16xi32>
        %parallel_loop3A_653 = tpu.vector_load_idx %arg11[%parallel_loop3A_540, %parallel_loop3A_652] : memref<1024x32xf32, #tpu.memory_space<vmem>>[vector<16xi32>, vector<16xi32>], vector<16xf32>,
        %parallel_loop3A_654 = arith.constant 2 : i32
        %parallel_loop3A_655 = vector.broadcast %parallel_loop3A_654 : i32 to vector<16xi32>
        %parallel_loop3A_656 = arith.mulf %parallel_loop3A_653, %parallel_loop3A_650 : vector<16xf32>
        tpu.vector_store_idx %arg13[%parallel_loop3A_540, %parallel_loop3A_655], %parallel_loop3A_656 : memref<1024x32xf32, #tpu.memory_space<vmem>>[vector<16xi32>, vector<16xi32>], vector<16xf32>,
        %parallel_loop3A_657 = arith.constant 3 : i32
        %parallel_loop3A_658 = vector.broadcast %parallel_loop3A_657 : i32 to vector<16xi32>
        %parallel_loop3A_659 = tpu.vector_load_idx %arg8[%parallel_loop3A_612, %parallel_loop3A_658] : memref<512x40xf32, #tpu.memory_space<vmem>>[vector<16xi32>, vector<16xi32>], vector<16xf32>,
        %parallel_loop3A_660 = arith.constant 23 : i32
        %parallel_loop3A_661 = vector.broadcast %parallel_loop3A_660 : i32 to vector<16xi32>
        %parallel_loop3A_662 = tpu.vector_load_idx %arg8[%parallel_loop3A_612, %parallel_loop3A_661] : memref<512x40xf32, #tpu.memory_space<vmem>>[vector<16xi32>, vector<16xi32>], vector<16xf32>,
        %parallel_loop3A_663 = arith.mulf %parallel_loop3A_614, %parallel_loop3A_662 : vector<16xf32>
        %parallel_loop3A_664 = arith.addf %parallel_loop3A_659, %parallel_loop3A_663 : vector<16xf32>
        %parallel_loop3A_665 = arith.constant 3 : i32
        %parallel_loop3A_666 = vector.broadcast %parallel_loop3A_665 : i32 to vector<16xi32>
        %parallel_loop3A_667 = tpu.vector_load_idx %arg11[%parallel_loop3A_540, %parallel_loop3A_666] : memref<1024x32xf32, #tpu.memory_space<vmem>>[vector<16xi32>, vector<16xi32>], vector<16xf32>,
        %parallel_loop3A_668 = arith.constant 3 : i32
        %parallel_loop3A_669 = vector.broadcast %parallel_loop3A_668 : i32 to vector<16xi32>
        %parallel_loop3A_670 = arith.mulf %parallel_loop3A_667, %parallel_loop3A_664 : vector<16xf32>
        tpu.vector_store_idx %arg13[%parallel_loop3A_540, %parallel_loop3A_669], %parallel_loop3A_670 : memref<1024x32xf32, #tpu.memory_space<vmem>>[vector<16xi32>, vector<16xi32>], vector<16xf32>,
        %parallel_loop3A_671 = arith.constant 4 : i32
        %parallel_loop3A_672 = vector.broadcast %parallel_loop3A_671 : i32 to vector<16xi32>
        %parallel_loop3A_673 = tpu.vector_load_idx %arg8[%parallel_loop3A_612, %parallel_loop3A_672] : memref<512x40xf32, #tpu.memory_space<vmem>>[vector<16xi32>, vector<16xi32>], vector<16xf32>,
        %parallel_loop3A_674 = arith.constant 24 : i32
        %parallel_loop3A_675 = vector.broadcast %parallel_loop3A_674 : i32 to vector<16xi32>
        %parallel_loop3A_676 = tpu.vector_load_idx %arg8[%parallel_loop3A_612, %parallel_loop3A_675] : memref<512x40xf32, #tpu.memory_space<vmem>>[vector<16xi32>, vector<16xi32>], vector<16xf32>,
        %parallel_loop3A_677 = arith.mulf %parallel_loop3A_614, %parallel_loop3A_676 : vector<16xf32>
        %parallel_loop3A_678 = arith.addf %parallel_loop3A_673, %parallel_loop3A_677 : vector<16xf32>
        %parallel_loop3A_679 = arith.constant 4 : i32
        %parallel_loop3A_680 = vector.broadcast %parallel_loop3A_679 : i32 to vector<16xi32>
        %parallel_loop3A_681 = tpu.vector_load_idx %arg11[%parallel_loop3A_540, %parallel_loop3A_680] : memref<1024x32xf32, #tpu.memory_space<vmem>>[vector<16xi32>, vector<16xi32>], vector<16xf32>,
        %parallel_loop3A_682 = arith.constant 4 : i32
        %parallel_loop3A_683 = vector.broadcast %parallel_loop3A_682 : i32 to vector<16xi32>
        %parallel_loop3A_684 = arith.mulf %parallel_loop3A_681, %parallel_loop3A_678 : vector<16xf32>
        tpu.vector_store_idx %arg13[%parallel_loop3A_540, %parallel_loop3A_683], %parallel_loop3A_684 : memref<1024x32xf32, #tpu.memory_space<vmem>>[vector<16xi32>, vector<16xi32>], vector<16xf32>,
        %parallel_loop3A_685 = arith.constant 5 : i32
        %parallel_loop3A_686 = vector.broadcast %parallel_loop3A_685 : i32 to vector<16xi32>
        %parallel_loop3A_687 = tpu.vector_load_idx %arg8[%parallel_loop3A_612, %parallel_loop3A_686] : memref<512x40xf32, #tpu.memory_space<vmem>>[vector<16xi32>, vector<16xi32>], vector<16xf32>,
        %parallel_loop3A_688 = arith.constant 25 : i32
        %parallel_loop3A_689 = vector.broadcast %parallel_loop3A_688 : i32 to vector<16xi32>
        %parallel_loop3A_690 = tpu.vector_load_idx %arg8[%parallel_loop3A_612, %parallel_loop3A_689] : memref<512x40xf32, #tpu.memory_space<vmem>>[vector<16xi32>, vector<16xi32>], vector<16xf32>,
        %parallel_loop3A_691 = arith.mulf %parallel_loop3A_614, %parallel_loop3A_690 : vector<16xf32>
        %parallel_loop3A_692 = arith.addf %parallel_loop3A_687, %parallel_loop3A_691 : vector<16xf32>
        %parallel_loop3A_693 = arith.constant 5 : i32
        %parallel_loop3A_694 = vector.broadcast %parallel_loop3A_693 : i32 to vector<16xi32>
        %parallel_loop3A_695 = tpu.vector_load_idx %arg11[%parallel_loop3A_540, %parallel_loop3A_694] : memref<1024x32xf32, #tpu.memory_space<vmem>>[vector<16xi32>, vector<16xi32>], vector<16xf32>,
        %parallel_loop3A_696 = arith.constant 5 : i32
        %parallel_loop3A_697 = vector.broadcast %parallel_loop3A_696 : i32 to vector<16xi32>
        %parallel_loop3A_698 = arith.mulf %parallel_loop3A_695, %parallel_loop3A_692 : vector<16xf32>
        tpu.vector_store_idx %arg13[%parallel_loop3A_540, %parallel_loop3A_697], %parallel_loop3A_698 : memref<1024x32xf32, #tpu.memory_space<vmem>>[vector<16xi32>, vector<16xi32>], vector<16xf32>,
        %parallel_loop3A_699 = arith.constant 6 : i32
        %parallel_loop3A_700 = vector.broadcast %parallel_loop3A_699 : i32 to vector<16xi32>
        %parallel_loop3A_701 = tpu.vector_load_idx %arg8[%parallel_loop3A_612, %parallel_loop3A_700] : memref<512x40xf32, #tpu.memory_space<vmem>>[vector<16xi32>, vector<16xi32>], vector<16xf32>,
        %parallel_loop3A_702 = arith.constant 26 : i32
        %parallel_loop3A_703 = vector.broadcast %parallel_loop3A_702 : i32 to vector<16xi32>
        %parallel_loop3A_704 = tpu.vector_load_idx %arg8[%parallel_loop3A_612, %parallel_loop3A_703] : memref<512x40xf32, #tpu.memory_space<vmem>>[vector<16xi32>, vector<16xi32>], vector<16xf32>,
        %parallel_loop3A_705 = arith.mulf %parallel_loop3A_614, %parallel_loop3A_704 : vector<16xf32>
        %parallel_loop3A_706 = arith.addf %parallel_loop3A_701, %parallel_loop3A_705 : vector<16xf32>
        %parallel_loop3A_707 = arith.constant 6 : i32
        %parallel_loop3A_708 = vector.broadcast %parallel_loop3A_707 : i32 to vector<16xi32>
        %parallel_loop3A_709 = tpu.vector_load_idx %arg11[%parallel_loop3A_540, %parallel_loop3A_708] : memref<1024x32xf32, #tpu.memory_space<vmem>>[vector<16xi32>, vector<16xi32>], vector<16xf32>,
        %parallel_loop3A_710 = arith.constant 6 : i32
        %parallel_loop3A_711 = vector.broadcast %parallel_loop3A_710 : i32 to vector<16xi32>
        %parallel_loop3A_712 = arith.mulf %parallel_loop3A_709, %parallel_loop3A_706 : vector<16xf32>
        tpu.vector_store_idx %arg13[%parallel_loop3A_540, %parallel_loop3A_711], %parallel_loop3A_712 : memref<1024x32xf32, #tpu.memory_space<vmem>>[vector<16xi32>, vector<16xi32>], vector<16xf32>,
        %parallel_loop3A_713 = arith.constant 7 : i32
        %parallel_loop3A_714 = vector.broadcast %parallel_loop3A_713 : i32 to vector<16xi32>
        %parallel_loop3A_715 = tpu.vector_load_idx %arg8[%parallel_loop3A_612, %parallel_loop3A_714] : memref<512x40xf32, #tpu.memory_space<vmem>>[vector<16xi32>, vector<16xi32>], vector<16xf32>,
        %parallel_loop3A_716 = arith.constant 27 : i32
        %parallel_loop3A_717 = vector.broadcast %parallel_loop3A_716 : i32 to vector<16xi32>
        %parallel_loop3A_718 = tpu.vector_load_idx %arg8[%parallel_loop3A_612, %parallel_loop3A_717] : memref<512x40xf32, #tpu.memory_space<vmem>>[vector<16xi32>, vector<16xi32>], vector<16xf32>,
        %parallel_loop3A_719 = arith.mulf %parallel_loop3A_614, %parallel_loop3A_718 : vector<16xf32>
        %parallel_loop3A_720 = arith.addf %parallel_loop3A_715, %parallel_loop3A_719 : vector<16xf32>
        %parallel_loop3A_721 = arith.constant 7 : i32
        %parallel_loop3A_722 = vector.broadcast %parallel_loop3A_721 : i32 to vector<16xi32>
        %parallel_loop3A_723 = tpu.vector_load_idx %arg11[%parallel_loop3A_540, %parallel_loop3A_722] : memref<1024x32xf32, #tpu.memory_space<vmem>>[vector<16xi32>, vector<16xi32>], vector<16xf32>,
        %parallel_loop3A_724 = arith.constant 7 : i32
        %parallel_loop3A_725 = vector.broadcast %parallel_loop3A_724 : i32 to vector<16xi32>
        %parallel_loop3A_726 = arith.mulf %parallel_loop3A_723, %parallel_loop3A_720 : vector<16xf32>
        tpu.vector_store_idx %arg13[%parallel_loop3A_540, %parallel_loop3A_725], %parallel_loop3A_726 : memref<1024x32xf32, #tpu.memory_space<vmem>>[vector<16xi32>, vector<16xi32>], vector<16xf32>,
        %parallel_loop3A_727 = arith.constant 8 : i32
        %parallel_loop3A_728 = vector.broadcast %parallel_loop3A_727 : i32 to vector<16xi32>
        %parallel_loop3A_729 = tpu.vector_load_idx %arg8[%parallel_loop3A_612, %parallel_loop3A_728] : memref<512x40xf32, #tpu.memory_space<vmem>>[vector<16xi32>, vector<16xi32>], vector<16xf32>,
        %parallel_loop3A_730 = arith.constant 28 : i32
        %parallel_loop3A_731 = vector.broadcast %parallel_loop3A_730 : i32 to vector<16xi32>
        %parallel_loop3A_732 = tpu.vector_load_idx %arg8[%parallel_loop3A_612, %parallel_loop3A_731] : memref<512x40xf32, #tpu.memory_space<vmem>>[vector<16xi32>, vector<16xi32>], vector<16xf32>,
        %parallel_loop3A_733 = arith.mulf %parallel_loop3A_614, %parallel_loop3A_732 : vector<16xf32>
        %parallel_loop3A_734 = arith.addf %parallel_loop3A_729, %parallel_loop3A_733 : vector<16xf32>
        %parallel_loop3A_735 = arith.constant 8 : i32
        %parallel_loop3A_736 = vector.broadcast %parallel_loop3A_735 : i32 to vector<16xi32>
        %parallel_loop3A_737 = tpu.vector_load_idx %arg11[%parallel_loop3A_540, %parallel_loop3A_736] : memref<1024x32xf32, #tpu.memory_space<vmem>>[vector<16xi32>, vector<16xi32>], vector<16xf32>,
        %parallel_loop3A_738 = arith.constant 8 : i32
        %parallel_loop3A_739 = vector.broadcast %parallel_loop3A_738 : i32 to vector<16xi32>
        %parallel_loop3A_740 = arith.mulf %parallel_loop3A_737, %parallel_loop3A_734 : vector<16xf32>
        tpu.vector_store_idx %arg13[%parallel_loop3A_540, %parallel_loop3A_739], %parallel_loop3A_740 : memref<1024x32xf32, #tpu.memory_space<vmem>>[vector<16xi32>, vector<16xi32>], vector<16xf32>,
        %parallel_loop3A_741 = arith.constant 9 : i32
        %parallel_loop3A_742 = vector.broadcast %parallel_loop3A_741 : i32 to vector<16xi32>
        %parallel_loop3A_743 = tpu.vector_load_idx %arg8[%parallel_loop3A_612, %parallel_loop3A_742] : memref<512x40xf32, #tpu.memory_space<vmem>>[vector<16xi32>, vector<16xi32>], vector<16xf32>,
        %parallel_loop3A_744 = arith.constant 29 : i32
        %parallel_loop3A_745 = vector.broadcast %parallel_loop3A_744 : i32 to vector<16xi32>
        %parallel_loop3A_746 = tpu.vector_load_idx %arg8[%parallel_loop3A_612, %parallel_loop3A_745] : memref<512x40xf32, #tpu.memory_space<vmem>>[vector<16xi32>, vector<16xi32>], vector<16xf32>,
        %parallel_loop3A_747 = arith.mulf %parallel_loop3A_614, %parallel_loop3A_746 : vector<16xf32>
        %parallel_loop3A_748 = arith.addf %parallel_loop3A_743, %parallel_loop3A_747 : vector<16xf32>
        %parallel_loop3A_749 = arith.constant 9 : i32
        %parallel_loop3A_750 = vector.broadcast %parallel_loop3A_749 : i32 to vector<16xi32>
        %parallel_loop3A_751 = tpu.vector_load_idx %arg11[%parallel_loop3A_540, %parallel_loop3A_750] : memref<1024x32xf32, #tpu.memory_space<vmem>>[vector<16xi32>, vector<16xi32>], vector<16xf32>,
        %parallel_loop3A_752 = arith.constant 9 : i32
        %parallel_loop3A_753 = vector.broadcast %parallel_loop3A_752 : i32 to vector<16xi32>
        %parallel_loop3A_754 = arith.mulf %parallel_loop3A_751, %parallel_loop3A_748 : vector<16xf32>
        tpu.vector_store_idx %arg13[%parallel_loop3A_540, %parallel_loop3A_753], %parallel_loop3A_754 : memref<1024x32xf32, #tpu.memory_space<vmem>>[vector<16xi32>, vector<16xi32>], vector<16xf32>,
        %parallel_loop3A_755 = arith.constant 10 : i32
        %parallel_loop3A_756 = vector.broadcast %parallel_loop3A_755 : i32 to vector<16xi32>
        %parallel_loop3A_757 = tpu.vector_load_idx %arg8[%parallel_loop3A_612, %parallel_loop3A_756] : memref<512x40xf32, #tpu.memory_space<vmem>>[vector<16xi32>, vector<16xi32>], vector<16xf32>,
        %parallel_loop3A_758 = arith.constant 30 : i32
        %parallel_loop3A_759 = vector.broadcast %parallel_loop3A_758 : i32 to vector<16xi32>
        %parallel_loop3A_760 = tpu.vector_load_idx %arg8[%parallel_loop3A_612, %parallel_loop3A_759] : memref<512x40xf32, #tpu.memory_space<vmem>>[vector<16xi32>, vector<16xi32>], vector<16xf32>,
        %parallel_loop3A_761 = arith.mulf %parallel_loop3A_614, %parallel_loop3A_760 : vector<16xf32>
        %parallel_loop3A_762 = arith.addf %parallel_loop3A_757, %parallel_loop3A_761 : vector<16xf32>
        %parallel_loop3A_763 = arith.constant 10 : i32
        %parallel_loop3A_764 = vector.broadcast %parallel_loop3A_763 : i32 to vector<16xi32>
        %parallel_loop3A_765 = tpu.vector_load_idx %arg11[%parallel_loop3A_540, %parallel_loop3A_764] : memref<1024x32xf32, #tpu.memory_space<vmem>>[vector<16xi32>, vector<16xi32>], vector<16xf32>,
        %parallel_loop3A_766 = arith.constant 10 : i32
        %parallel_loop3A_767 = vector.broadcast %parallel_loop3A_766 : i32 to vector<16xi32>
        %parallel_loop3A_768 = arith.mulf %parallel_loop3A_765, %parallel_loop3A_762 : vector<16xf32>
        tpu.vector_store_idx %arg13[%parallel_loop3A_540, %parallel_loop3A_767], %parallel_loop3A_768 : memref<1024x32xf32, #tpu.memory_space<vmem>>[vector<16xi32>, vector<16xi32>], vector<16xf32>,
        %parallel_loop3A_769 = arith.constant 11 : i32
        %parallel_loop3A_770 = vector.broadcast %parallel_loop3A_769 : i32 to vector<16xi32>
        %parallel_loop3A_771 = tpu.vector_load_idx %arg8[%parallel_loop3A_612, %parallel_loop3A_770] : memref<512x40xf32, #tpu.memory_space<vmem>>[vector<16xi32>, vector<16xi32>], vector<16xf32>,
        %parallel_loop3A_772 = arith.constant 31 : i32
        %parallel_loop3A_773 = vector.broadcast %parallel_loop3A_772 : i32 to vector<16xi32>
        %parallel_loop3A_774 = tpu.vector_load_idx %arg8[%parallel_loop3A_612, %parallel_loop3A_773] : memref<512x40xf32, #tpu.memory_space<vmem>>[vector<16xi32>, vector<16xi32>], vector<16xf32>,
        %parallel_loop3A_775 = arith.mulf %parallel_loop3A_614, %parallel_loop3A_774 : vector<16xf32>
        %parallel_loop3A_776 = arith.addf %parallel_loop3A_771, %parallel_loop3A_775 : vector<16xf32>
        %parallel_loop3A_777 = arith.constant 11 : i32
        %parallel_loop3A_778 = vector.broadcast %parallel_loop3A_777 : i32 to vector<16xi32>
        %parallel_loop3A_779 = tpu.vector_load_idx %arg11[%parallel_loop3A_540, %parallel_loop3A_778] : memref<1024x32xf32, #tpu.memory_space<vmem>>[vector<16xi32>, vector<16xi32>], vector<16xf32>,
        %parallel_loop3A_780 = arith.constant 11 : i32
        %parallel_loop3A_781 = vector.broadcast %parallel_loop3A_780 : i32 to vector<16xi32>
        %parallel_loop3A_782 = arith.mulf %parallel_loop3A_779, %parallel_loop3A_776 : vector<16xf32>
        tpu.vector_store_idx %arg13[%parallel_loop3A_540, %parallel_loop3A_781], %parallel_loop3A_782 : memref<1024x32xf32, #tpu.memory_space<vmem>>[vector<16xi32>, vector<16xi32>], vector<16xf32>,
        %parallel_loop3A_783 = arith.constant 12 : i32
        %parallel_loop3A_784 = vector.broadcast %parallel_loop3A_783 : i32 to vector<16xi32>
        %parallel_loop3A_785 = tpu.vector_load_idx %arg8[%parallel_loop3A_612, %parallel_loop3A_784] : memref<512x40xf32, #tpu.memory_space<vmem>>[vector<16xi32>, vector<16xi32>], vector<16xf32>,
        %parallel_loop3A_786 = arith.constant 32 : i32
        %parallel_loop3A_787 = vector.broadcast %parallel_loop3A_786 : i32 to vector<16xi32>
        %parallel_loop3A_788 = tpu.vector_load_idx %arg8[%parallel_loop3A_612, %parallel_loop3A_787] : memref<512x40xf32, #tpu.memory_space<vmem>>[vector<16xi32>, vector<16xi32>], vector<16xf32>,
        %parallel_loop3A_789 = arith.mulf %parallel_loop3A_614, %parallel_loop3A_788 : vector<16xf32>
        %parallel_loop3A_790 = arith.addf %parallel_loop3A_785, %parallel_loop3A_789 : vector<16xf32>
        %parallel_loop3A_791 = arith.constant 12 : i32
        %parallel_loop3A_792 = vector.broadcast %parallel_loop3A_791 : i32 to vector<16xi32>
        %parallel_loop3A_793 = tpu.vector_load_idx %arg11[%parallel_loop3A_540, %parallel_loop3A_792] : memref<1024x32xf32, #tpu.memory_space<vmem>>[vector<16xi32>, vector<16xi32>], vector<16xf32>,
        %parallel_loop3A_794 = arith.constant 12 : i32
        %parallel_loop3A_795 = vector.broadcast %parallel_loop3A_794 : i32 to vector<16xi32>
        %parallel_loop3A_796 = arith.mulf %parallel_loop3A_793, %parallel_loop3A_790 : vector<16xf32>
        tpu.vector_store_idx %arg13[%parallel_loop3A_540, %parallel_loop3A_795], %parallel_loop3A_796 : memref<1024x32xf32, #tpu.memory_space<vmem>>[vector<16xi32>, vector<16xi32>], vector<16xf32>,
        %parallel_loop3A_797 = arith.constant 13 : i32
        %parallel_loop3A_798 = vector.broadcast %parallel_loop3A_797 : i32 to vector<16xi32>
        %parallel_loop3A_799 = tpu.vector_load_idx %arg8[%parallel_loop3A_612, %parallel_loop3A_798] : memref<512x40xf32, #tpu.memory_space<vmem>>[vector<16xi32>, vector<16xi32>], vector<16xf32>,
        %parallel_loop3A_800 = arith.constant 33 : i32
        %parallel_loop3A_801 = vector.broadcast %parallel_loop3A_800 : i32 to vector<16xi32>
        %parallel_loop3A_802 = tpu.vector_load_idx %arg8[%parallel_loop3A_612, %parallel_loop3A_801] : memref<512x40xf32, #tpu.memory_space<vmem>>[vector<16xi32>, vector<16xi32>], vector<16xf32>,
        %parallel_loop3A_803 = arith.mulf %parallel_loop3A_614, %parallel_loop3A_802 : vector<16xf32>
        %parallel_loop3A_804 = arith.addf %parallel_loop3A_799, %parallel_loop3A_803 : vector<16xf32>
        %parallel_loop3A_805 = arith.constant 13 : i32
        %parallel_loop3A_806 = vector.broadcast %parallel_loop3A_805 : i32 to vector<16xi32>
        %parallel_loop3A_807 = tpu.vector_load_idx %arg11[%parallel_loop3A_540, %parallel_loop3A_806] : memref<1024x32xf32, #tpu.memory_space<vmem>>[vector<16xi32>, vector<16xi32>], vector<16xf32>,
        %parallel_loop3A_808 = arith.constant 13 : i32
        %parallel_loop3A_809 = vector.broadcast %parallel_loop3A_808 : i32 to vector<16xi32>
        %parallel_loop3A_810 = arith.mulf %parallel_loop3A_807, %parallel_loop3A_804 : vector<16xf32>
        tpu.vector_store_idx %arg13[%parallel_loop3A_540, %parallel_loop3A_809], %parallel_loop3A_810 : memref<1024x32xf32, #tpu.memory_space<vmem>>[vector<16xi32>, vector<16xi32>], vector<16xf32>,
        %parallel_loop3A_811 = arith.constant 14 : i32
        %parallel_loop3A_812 = vector.broadcast %parallel_loop3A_811 : i32 to vector<16xi32>
        %parallel_loop3A_813 = tpu.vector_load_idx %arg8[%parallel_loop3A_612, %parallel_loop3A_812] : memref<512x40xf32, #tpu.memory_space<vmem>>[vector<16xi32>, vector<16xi32>], vector<16xf32>,
        %parallel_loop3A_814 = arith.constant 34 : i32
        %parallel_loop3A_815 = vector.broadcast %parallel_loop3A_814 : i32 to vector<16xi32>
        %parallel_loop3A_816 = tpu.vector_load_idx %arg8[%parallel_loop3A_612, %parallel_loop3A_815] : memref<512x40xf32, #tpu.memory_space<vmem>>[vector<16xi32>, vector<16xi32>], vector<16xf32>,
        %parallel_loop3A_817 = arith.mulf %parallel_loop3A_614, %parallel_loop3A_816 : vector<16xf32>
        %parallel_loop3A_818 = arith.addf %parallel_loop3A_813, %parallel_loop3A_817 : vector<16xf32>
        %parallel_loop3A_819 = arith.constant 14 : i32
        %parallel_loop3A_820 = vector.broadcast %parallel_loop3A_819 : i32 to vector<16xi32>
        %parallel_loop3A_821 = tpu.vector_load_idx %arg11[%parallel_loop3A_540, %parallel_loop3A_820] : memref<1024x32xf32, #tpu.memory_space<vmem>>[vector<16xi32>, vector<16xi32>], vector<16xf32>,
        %parallel_loop3A_822 = arith.constant 14 : i32
        %parallel_loop3A_823 = vector.broadcast %parallel_loop3A_822 : i32 to vector<16xi32>
        %parallel_loop3A_824 = arith.mulf %parallel_loop3A_821, %parallel_loop3A_818 : vector<16xf32>
        tpu.vector_store_idx %arg13[%parallel_loop3A_540, %parallel_loop3A_823], %parallel_loop3A_824 : memref<1024x32xf32, #tpu.memory_space<vmem>>[vector<16xi32>, vector<16xi32>], vector<16xf32>,
        %parallel_loop3A_825 = arith.constant 15 : i32
        %parallel_loop3A_826 = vector.broadcast %parallel_loop3A_825 : i32 to vector<16xi32>
        %parallel_loop3A_827 = tpu.vector_load_idx %arg8[%parallel_loop3A_612, %parallel_loop3A_826] : memref<512x40xf32, #tpu.memory_space<vmem>>[vector<16xi32>, vector<16xi32>], vector<16xf32>,
        %parallel_loop3A_828 = arith.constant 35 : i32
        %parallel_loop3A_829 = vector.broadcast %parallel_loop3A_828 : i32 to vector<16xi32>
        %parallel_loop3A_830 = tpu.vector_load_idx %arg8[%parallel_loop3A_612, %parallel_loop3A_829] : memref<512x40xf32, #tpu.memory_space<vmem>>[vector<16xi32>, vector<16xi32>], vector<16xf32>,
        %parallel_loop3A_831 = arith.mulf %parallel_loop3A_614, %parallel_loop3A_830 : vector<16xf32>
        %parallel_loop3A_832 = arith.addf %parallel_loop3A_827, %parallel_loop3A_831 : vector<16xf32>
        %parallel_loop3A_833 = arith.constant 15 : i32
        %parallel_loop3A_834 = vector.broadcast %parallel_loop3A_833 : i32 to vector<16xi32>
        %parallel_loop3A_835 = tpu.vector_load_idx %arg11[%parallel_loop3A_540, %parallel_loop3A_834] : memref<1024x32xf32, #tpu.memory_space<vmem>>[vector<16xi32>, vector<16xi32>], vector<16xf32>,
        %parallel_loop3A_836 = arith.constant 15 : i32
        %parallel_loop3A_837 = vector.broadcast %parallel_loop3A_836 : i32 to vector<16xi32>
        %parallel_loop3A_838 = arith.mulf %parallel_loop3A_835, %parallel_loop3A_832 : vector<16xf32>
        tpu.vector_store_idx %arg13[%parallel_loop3A_540, %parallel_loop3A_837], %parallel_loop3A_838 : memref<1024x32xf32, #tpu.memory_space<vmem>>[vector<16xi32>, vector<16xi32>], vector<16xf32>,
        %parallel_loop3A_839 = arith.constant 16 : i32
        %parallel_loop3A_840 = vector.broadcast %parallel_loop3A_839 : i32 to vector<16xi32>
        %parallel_loop3A_841 = tpu.vector_load_idx %arg8[%parallel_loop3A_612, %parallel_loop3A_840] : memref<512x40xf32, #tpu.memory_space<vmem>>[vector<16xi32>, vector<16xi32>], vector<16xf32>,
        %parallel_loop3A_842 = arith.constant 36 : i32
        %parallel_loop3A_843 = vector.broadcast %parallel_loop3A_842 : i32 to vector<16xi32>
        %parallel_loop3A_844 = tpu.vector_load_idx %arg8[%parallel_loop3A_612, %parallel_loop3A_843] : memref<512x40xf32, #tpu.memory_space<vmem>>[vector<16xi32>, vector<16xi32>], vector<16xf32>,
        %parallel_loop3A_845 = arith.mulf %parallel_loop3A_614, %parallel_loop3A_844 : vector<16xf32>
        %parallel_loop3A_846 = arith.addf %parallel_loop3A_841, %parallel_loop3A_845 : vector<16xf32>
        %parallel_loop3A_847 = arith.constant 16 : i32
        %parallel_loop3A_848 = vector.broadcast %parallel_loop3A_847 : i32 to vector<16xi32>
        %parallel_loop3A_849 = tpu.vector_load_idx %arg11[%parallel_loop3A_540, %parallel_loop3A_848] : memref<1024x32xf32, #tpu.memory_space<vmem>>[vector<16xi32>, vector<16xi32>], vector<16xf32>,
        %parallel_loop3A_850 = arith.constant 16 : i32
        %parallel_loop3A_851 = vector.broadcast %parallel_loop3A_850 : i32 to vector<16xi32>
        %parallel_loop3A_852 = arith.mulf %parallel_loop3A_849, %parallel_loop3A_846 : vector<16xf32>
        tpu.vector_store_idx %arg13[%parallel_loop3A_540, %parallel_loop3A_851], %parallel_loop3A_852 : memref<1024x32xf32, #tpu.memory_space<vmem>>[vector<16xi32>, vector<16xi32>], vector<16xf32>,
        %parallel_loop3A_853 = arith.constant 17 : i32
        %parallel_loop3A_854 = vector.broadcast %parallel_loop3A_853 : i32 to vector<16xi32>
        %parallel_loop3A_855 = tpu.vector_load_idx %arg8[%parallel_loop3A_612, %parallel_loop3A_854] : memref<512x40xf32, #tpu.memory_space<vmem>>[vector<16xi32>, vector<16xi32>], vector<16xf32>,
        %parallel_loop3A_856 = arith.constant 37 : i32
        %parallel_loop3A_857 = vector.broadcast %parallel_loop3A_856 : i32 to vector<16xi32>
        %parallel_loop3A_858 = tpu.vector_load_idx %arg8[%parallel_loop3A_612, %parallel_loop3A_857] : memref<512x40xf32, #tpu.memory_space<vmem>>[vector<16xi32>, vector<16xi32>], vector<16xf32>,
        %parallel_loop3A_859 = arith.mulf %parallel_loop3A_614, %parallel_loop3A_858 : vector<16xf32>
        %parallel_loop3A_860 = arith.addf %parallel_loop3A_855, %parallel_loop3A_859 : vector<16xf32>
        %parallel_loop3A_861 = arith.constant 17 : i32
        %parallel_loop3A_862 = vector.broadcast %parallel_loop3A_861 : i32 to vector<16xi32>
        %parallel_loop3A_863 = tpu.vector_load_idx %arg11[%parallel_loop3A_540, %parallel_loop3A_862] : memref<1024x32xf32, #tpu.memory_space<vmem>>[vector<16xi32>, vector<16xi32>], vector<16xf32>,
        %parallel_loop3A_864 = arith.constant 17 : i32
        %parallel_loop3A_865 = vector.broadcast %parallel_loop3A_864 : i32 to vector<16xi32>
        %parallel_loop3A_866 = arith.mulf %parallel_loop3A_863, %parallel_loop3A_860 : vector<16xf32>
        tpu.vector_store_idx %arg13[%parallel_loop3A_540, %parallel_loop3A_865], %parallel_loop3A_866 : memref<1024x32xf32, #tpu.memory_space<vmem>>[vector<16xi32>, vector<16xi32>], vector<16xf32>,
        %parallel_loop3A_867 = arith.constant 18 : i32
        %parallel_loop3A_868 = vector.broadcast %parallel_loop3A_867 : i32 to vector<16xi32>
        %parallel_loop3A_869 = tpu.vector_load_idx %arg8[%parallel_loop3A_612, %parallel_loop3A_868] : memref<512x40xf32, #tpu.memory_space<vmem>>[vector<16xi32>, vector<16xi32>], vector<16xf32>,
        %parallel_loop3A_870 = arith.constant 38 : i32
        %parallel_loop3A_871 = vector.broadcast %parallel_loop3A_870 : i32 to vector<16xi32>
        %parallel_loop3A_872 = tpu.vector_load_idx %arg8[%parallel_loop3A_612, %parallel_loop3A_871] : memref<512x40xf32, #tpu.memory_space<vmem>>[vector<16xi32>, vector<16xi32>], vector<16xf32>,
        %parallel_loop3A_873 = arith.mulf %parallel_loop3A_614, %parallel_loop3A_872 : vector<16xf32>
        %parallel_loop3A_874 = arith.addf %parallel_loop3A_869, %parallel_loop3A_873 : vector<16xf32>
        %parallel_loop3A_875 = arith.constant 18 : i32
        %parallel_loop3A_876 = vector.broadcast %parallel_loop3A_875 : i32 to vector<16xi32>
        %parallel_loop3A_877 = tpu.vector_load_idx %arg11[%parallel_loop3A_540, %parallel_loop3A_876] : memref<1024x32xf32, #tpu.memory_space<vmem>>[vector<16xi32>, vector<16xi32>], vector<16xf32>,
        %parallel_loop3A_878 = arith.constant 18 : i32
        %parallel_loop3A_879 = vector.broadcast %parallel_loop3A_878 : i32 to vector<16xi32>
        %parallel_loop3A_880 = arith.mulf %parallel_loop3A_877, %parallel_loop3A_874 : vector<16xf32>
        tpu.vector_store_idx %arg13[%parallel_loop3A_540, %parallel_loop3A_879], %parallel_loop3A_880 : memref<1024x32xf32, #tpu.memory_space<vmem>>[vector<16xi32>, vector<16xi32>], vector<16xf32>,
        %parallel_loop3A_881 = arith.constant 19 : i32
        %parallel_loop3A_882 = vector.broadcast %parallel_loop3A_881 : i32 to vector<16xi32>
        %parallel_loop3A_883 = tpu.vector_load_idx %arg8[%parallel_loop3A_612, %parallel_loop3A_882] : memref<512x40xf32, #tpu.memory_space<vmem>>[vector<16xi32>, vector<16xi32>], vector<16xf32>,
        %parallel_loop3A_884 = arith.constant 39 : i32
        %parallel_loop3A_885 = vector.broadcast %parallel_loop3A_884 : i32 to vector<16xi32>
        %parallel_loop3A_886 = tpu.vector_load_idx %arg8[%parallel_loop3A_612, %parallel_loop3A_885] : memref<512x40xf32, #tpu.memory_space<vmem>>[vector<16xi32>, vector<16xi32>], vector<16xf32>,
        %parallel_loop3A_887 = arith.mulf %parallel_loop3A_614, %parallel_loop3A_886 : vector<16xf32>
        %parallel_loop3A_888 = arith.addf %parallel_loop3A_883, %parallel_loop3A_887 : vector<16xf32>
        %parallel_loop3A_889 = arith.constant 19 : i32
        %parallel_loop3A_890 = vector.broadcast %parallel_loop3A_889 : i32 to vector<16xi32>
        %parallel_loop3A_891 = tpu.vector_load_idx %arg11[%parallel_loop3A_540, %parallel_loop3A_890] : memref<1024x32xf32, #tpu.memory_space<vmem>>[vector<16xi32>, vector<16xi32>], vector<16xf32>,
        %parallel_loop3A_892 = arith.constant 19 : i32
        %parallel_loop3A_893 = vector.broadcast %parallel_loop3A_892 : i32 to vector<16xi32>
        %parallel_loop3A_894 = arith.mulf %parallel_loop3A_891, %parallel_loop3A_888 : vector<16xf32>
        tpu.vector_store_idx %arg13[%parallel_loop3A_540, %parallel_loop3A_893], %parallel_loop3A_894 : memref<1024x32xf32, #tpu.memory_space<vmem>>[vector<16xi32>, vector<16xi32>], vector<16xf32>,
      } {sc.loop_unroll_factor = 3 : i64, sc.parallel_access}
      %lt3A_482 = arith.constant 19 : i32
      %lt3A_483 = arith.cmpi slt, %scan3A_367, %lt3A_482 : i32
      %convert_element_type3A_484 = arith.extui %lt3A_483 : i1 to i32
      %cond3A_485 = arith.constant 0 : i32
      %cond3A_486 = arith.cmpi ne, %convert_element_type3A_484, %cond3A_485 : i32
      scf.if %cond3A_486 {
        %dma_wait3A_535 = arith.constant 0 : i32
        %dma_wait3A_536 = tpu.memref_slice %arg9[%mul3A_375, %dma_wait3A_535] : memref<8x128xi32, #tpu.memory_space<vmem>> -> memref<4x128xi32, #tpu.memory_space<vmem>>
        %dma_wait3A_537 = arith.constant 0 : i32
        %dma_wait3A_538 = arith.constant 0 : i32
        %dma_wait3A_539 = tpu.memref_slice %arg4[%dma_wait3A_537, %dma_wait3A_538] : memref<2560x128xi32, #tpu.memory_space<hbm>> -> memref<4x128xi32, #tpu.memory_space<hbm>>
        %dma_wait3A_540 = arith.constant 0 : i32
        %dma_wait3A_541 = tpu.memref_slice %arg9[%mul3A_375, %dma_wait3A_540] : memref<8x128xi32, #tpu.memory_space<vmem>> -> memref<4x128xi32, #tpu.memory_space<vmem>>
        %dma_wait3A_542 = arith.constant 0 : i32
        %dma_wait3A_543 = arith.constant 0 : i32
        %dma_wait3A_544 = tpu.memref_slice %arg4[%dma_wait3A_542, %dma_wait3A_543] : memref<2560x128xi32, #tpu.memory_space<hbm>> -> memref<4x128xi32, #tpu.memory_space<hbm>>
        tpu.wait_dma2 semaphore(%arg18 : memref<!tpu.dma_semaphore, #tpu.memory_space<semaphore_mem>>) src(%dma_wait3A_544 : memref<4x128xi32, #tpu.memory_space<hbm>>) dst(%dma_wait3A_541 : memref<4x128xi32, #tpu.memory_space<vmem>>)
        %dma_wait3A_545 = arith.constant 0 : i32
        %dma_wait3A_546 = tpu.memref_slice %arg10[%mul3A_375, %dma_wait3A_545] : memref<8x128xi32, #tpu.memory_space<vmem>> -> memref<4x128xi32, #tpu.memory_space<vmem>>
        %dma_wait3A_547 = arith.constant 0 : i32
        %dma_wait3A_548 = arith.constant 0 : i32
        %dma_wait3A_549 = tpu.memref_slice %arg5[%dma_wait3A_547, %dma_wait3A_548] : memref<2560x128xi32, #tpu.memory_space<hbm>> -> memref<4x128xi32, #tpu.memory_space<hbm>>
        %dma_wait3A_550 = arith.constant 0 : i32
        %dma_wait3A_551 = tpu.memref_slice %arg10[%mul3A_375, %dma_wait3A_550] : memref<8x128xi32, #tpu.memory_space<vmem>> -> memref<4x128xi32, #tpu.memory_space<vmem>>
        %dma_wait3A_552 = arith.constant 0 : i32
        %dma_wait3A_553 = arith.constant 0 : i32
        %dma_wait3A_554 = tpu.memref_slice %arg5[%dma_wait3A_552, %dma_wait3A_553] : memref<2560x128xi32, #tpu.memory_space<hbm>> -> memref<4x128xi32, #tpu.memory_space<hbm>>
        tpu.wait_dma2 semaphore(%arg18 : memref<!tpu.dma_semaphore, #tpu.memory_space<semaphore_mem>>) src(%dma_wait3A_554 : memref<4x128xi32, #tpu.memory_space<hbm>>) dst(%dma_wait3A_551 : memref<4x128xi32, #tpu.memory_space<vmem>>)
        %add3A_555 = arith.constant 0 : i32
        %add3A_556 = arith.addi %mul3A_375, %add3A_555 : i32
        %add3A_557 = arith.constant 0 : i32
        %add3A_558 = arith.addi %mul3A_377, %add3A_557 : i32
        %dma_start3A_559 = arith.constant 0 : i32
        %dma_start3A_560 = tpu.memref_slice %arg11[%add3A_558, %dma_start3A_559] : memref<1024x32xf32, #tpu.memory_space<vmem>> -> memref<128x32xf32, #tpu.memory_space<vmem>>
        %dma_start3A_561 = arith.constant 0 : i32
        %dma_start3A_562 = tpu.memref_slice %arg9[%add3A_556, %dma_start3A_561] : memref<8x128xi32, #tpu.memory_space<vmem>> -> memref<1x128xi32, #tpu.memory_space<vmem>>
        %dma_start3A_563 = tpu.memref_squeeze %dma_start3A_562 : memref<1x128xi32, #tpu.memory_space<vmem>> -> memref<128xi32, #tpu.memory_space<vmem>>
        %dma_start3A_564 = arith.constant 0 : i32
        %dma_start3A_565 = arith.constant 0 : i32
        %dma_start3A_566 = tpu.memref_slice %arg2[%dma_start3A_564, %dma_start3A_565] : memref<10016x32xf32, #tpu.memory_space<hbm>> -> memref<10016x32xf32, #tpu.memory_space<hbm>>
        tpu.enqueue_indirect_dma source(%dma_start3A_566 : memref<10016x32xf32, #tpu.memory_space<hbm>>) target(%dma_start3A_560 : memref<128x32xf32, #tpu.memory_space<vmem>>) offsets(%dma_start3A_563 : memref<128xi32, #tpu.memory_space<vmem>>) semaphore(%arg16 : memref<!tpu.dma_semaphore, #tpu.memory_space<semaphore_mem>>)
        %add3A_567 = arith.constant 0 : i32
        %add3A_568 = arith.addi %mul3A_375, %add3A_567 : i32
        %add3A_569 = arith.constant 0 : i32
        %add3A_570 = arith.addi %mul3A_377, %add3A_569 : i32
        %dma_start3A_571 = arith.constant 0 : i32
        %dma_start3A_572 = tpu.memref_slice %arg12[%add3A_570, %dma_start3A_571] : memref<1024x16xf32, #tpu.memory_space<vmem>> -> memref<128x16xf32, #tpu.memory_space<vmem>>
        %dma_start3A_573 = arith.constant 0 : i32
        %dma_start3A_574 = tpu.memref_slice %arg10[%add3A_568, %dma_start3A_573] : memref<8x128xi32, #tpu.memory_space<vmem>> -> memref<1x128xi32, #tpu.memory_space<vmem>>
        %dma_start3A_575 = tpu.memref_squeeze %dma_start3A_574 : memref<1x128xi32, #tpu.memory_space<vmem>> -> memref<128xi32, #tpu.memory_space<vmem>>
        %dma_start3A_576 = arith.constant 0 : i32
        %dma_start3A_577 = arith.constant 0 : i32
        %dma_start3A_578 = tpu.memref_slice %arg3[%dma_start3A_576, %dma_start3A_577] : memref<10016x16xf32, #tpu.memory_space<hbm>> -> memref<10016x16xf32, #tpu.memory_space<hbm>>
        tpu.enqueue_indirect_dma source(%dma_start3A_578 : memref<10016x16xf32, #tpu.memory_space<hbm>>) target(%dma_start3A_572 : memref<128x16xf32, #tpu.memory_space<vmem>>) offsets(%dma_start3A_575 : memref<128xi32, #tpu.memory_space<vmem>>) semaphore(%arg16 : memref<!tpu.dma_semaphore, #tpu.memory_space<semaphore_mem>>)
        %add3A_579 = arith.constant 1 : i32
        %add3A_580 = arith.addi %mul3A_375, %add3A_579 : i32
        %add3A_581 = arith.constant 128 : i32
        %add3A_582 = arith.addi %mul3A_377, %add3A_581 : i32
        %dma_start3A_583 = arith.constant 0 : i32
        %dma_start3A_584 = tpu.memref_slice %arg11[%add3A_582, %dma_start3A_583] : memref<1024x32xf32, #tpu.memory_space<vmem>> -> memref<128x32xf32, #tpu.memory_space<vmem>>
        %dma_start3A_585 = arith.constant 0 : i32
        %dma_start3A_586 = tpu.memref_slice %arg9[%add3A_580, %dma_start3A_585] : memref<8x128xi32, #tpu.memory_space<vmem>> -> memref<1x128xi32, #tpu.memory_space<vmem>>
        %dma_start3A_587 = tpu.memref_squeeze %dma_start3A_586 : memref<1x128xi32, #tpu.memory_space<vmem>> -> memref<128xi32, #tpu.memory_space<vmem>>
        %dma_start3A_588 = arith.constant 0 : i32
        %dma_start3A_589 = arith.constant 0 : i32
        %dma_start3A_590 = tpu.memref_slice %arg2[%dma_start3A_588, %dma_start3A_589] : memref<10016x32xf32, #tpu.memory_space<hbm>> -> memref<10016x32xf32, #tpu.memory_space<hbm>>
        tpu.enqueue_indirect_dma source(%dma_start3A_590 : memref<10016x32xf32, #tpu.memory_space<hbm>>) target(%dma_start3A_584 : memref<128x32xf32, #tpu.memory_space<vmem>>) offsets(%dma_start3A_587 : memref<128xi32, #tpu.memory_space<vmem>>) semaphore(%arg16 : memref<!tpu.dma_semaphore, #tpu.memory_space<semaphore_mem>>)
        %add3A_591 = arith.constant 1 : i32
        %add3A_592 = arith.addi %mul3A_375, %add3A_591 : i32
        %add3A_593 = arith.constant 128 : i32
        %add3A_594 = arith.addi %mul3A_377, %add3A_593 : i32
        %dma_start3A_595 = arith.constant 0 : i32
        %dma_start3A_596 = tpu.memref_slice %arg12[%add3A_594, %dma_start3A_595] : memref<1024x16xf32, #tpu.memory_space<vmem>> -> memref<128x16xf32, #tpu.memory_space<vmem>>
        %dma_start3A_597 = arith.constant 0 : i32
        %dma_start3A_598 = tpu.memref_slice %arg10[%add3A_592, %dma_start3A_597] : memref<8x128xi32, #tpu.memory_space<vmem>> -> memref<1x128xi32, #tpu.memory_space<vmem>>
        %dma_start3A_599 = tpu.memref_squeeze %dma_start3A_598 : memref<1x128xi32, #tpu.memory_space<vmem>> -> memref<128xi32, #tpu.memory_space<vmem>>
        %dma_start3A_600 = arith.constant 0 : i32
        %dma_start3A_601 = arith.constant 0 : i32
        %dma_start3A_602 = tpu.memref_slice %arg3[%dma_start3A_600, %dma_start3A_601] : memref<10016x16xf32, #tpu.memory_space<hbm>> -> memref<10016x16xf32, #tpu.memory_space<hbm>>
        tpu.enqueue_indirect_dma source(%dma_start3A_602 : memref<10016x16xf32, #tpu.memory_space<hbm>>) target(%dma_start3A_596 : memref<128x16xf32, #tpu.memory_space<vmem>>) offsets(%dma_start3A_599 : memref<128xi32, #tpu.memory_space<vmem>>) semaphore(%arg16 : memref<!tpu.dma_semaphore, #tpu.memory_space<semaphore_mem>>)
        %add3A_603 = arith.constant 2 : i32
        %add3A_604 = arith.addi %mul3A_375, %add3A_603 : i32
        %add3A_605 = arith.constant 256 : i32
        %add3A_606 = arith.addi %mul3A_377, %add3A_605 : i32
        %dma_start3A_607 = arith.constant 0 : i32
        %dma_start3A_608 = tpu.memref_slice %arg11[%add3A_606, %dma_start3A_607] : memref<1024x32xf32, #tpu.memory_space<vmem>> -> memref<128x32xf32, #tpu.memory_space<vmem>>
        %dma_start3A_609 = arith.constant 0 : i32
        %dma_start3A_610 = tpu.memref_slice %arg9[%add3A_604, %dma_start3A_609] : memref<8x128xi32, #tpu.memory_space<vmem>> -> memref<1x128xi32, #tpu.memory_space<vmem>>
        %dma_start3A_611 = tpu.memref_squeeze %dma_start3A_610 : memref<1x128xi32, #tpu.memory_space<vmem>> -> memref<128xi32, #tpu.memory_space<vmem>>
        %dma_start3A_612 = arith.constant 0 : i32
        %dma_start3A_613 = arith.constant 0 : i32
        %dma_start3A_614 = tpu.memref_slice %arg2[%dma_start3A_612, %dma_start3A_613] : memref<10016x32xf32, #tpu.memory_space<hbm>> -> memref<10016x32xf32, #tpu.memory_space<hbm>>
        tpu.enqueue_indirect_dma source(%dma_start3A_614 : memref<10016x32xf32, #tpu.memory_space<hbm>>) target(%dma_start3A_608 : memref<128x32xf32, #tpu.memory_space<vmem>>) offsets(%dma_start3A_611 : memref<128xi32, #tpu.memory_space<vmem>>) semaphore(%arg16 : memref<!tpu.dma_semaphore, #tpu.memory_space<semaphore_mem>>)
        %add3A_615 = arith.constant 2 : i32
        %add3A_616 = arith.addi %mul3A_375, %add3A_615 : i32
        %add3A_617 = arith.constant 256 : i32
        %add3A_618 = arith.addi %mul3A_377, %add3A_617 : i32
        %dma_start3A_619 = arith.constant 0 : i32
        %dma_start3A_620 = tpu.memref_slice %arg12[%add3A_618, %dma_start3A_619] : memref<1024x16xf32, #tpu.memory_space<vmem>> -> memref<128x16xf32, #tpu.memory_space<vmem>>
        %dma_start3A_621 = arith.constant 0 : i32
        %dma_start3A_622 = tpu.memref_slice %arg10[%add3A_616, %dma_start3A_621] : memref<8x128xi32, #tpu.memory_space<vmem>> -> memref<1x128xi32, #tpu.memory_space<vmem>>
        %dma_start3A_623 = tpu.memref_squeeze %dma_start3A_622 : memref<1x128xi32, #tpu.memory_space<vmem>> -> memref<128xi32, #tpu.memory_space<vmem>>
        %dma_start3A_624 = arith.constant 0 : i32
        %dma_start3A_625 = arith.constant 0 : i32
        %dma_start3A_626 = tpu.memref_slice %arg3[%dma_start3A_624, %dma_start3A_625] : memref<10016x16xf32, #tpu.memory_space<hbm>> -> memref<10016x16xf32, #tpu.memory_space<hbm>>
        tpu.enqueue_indirect_dma source(%dma_start3A_626 : memref<10016x16xf32, #tpu.memory_space<hbm>>) target(%dma_start3A_620 : memref<128x16xf32, #tpu.memory_space<vmem>>) offsets(%dma_start3A_623 : memref<128xi32, #tpu.memory_space<vmem>>) semaphore(%arg16 : memref<!tpu.dma_semaphore, #tpu.memory_space<semaphore_mem>>)
        %add3A_627 = arith.constant 3 : i32
        %add3A_628 = arith.addi %mul3A_375, %add3A_627 : i32
        %add3A_629 = arith.constant 384 : i32
        %add3A_630 = arith.addi %mul3A_377, %add3A_629 : i32
        %dma_start3A_631 = arith.constant 0 : i32
        %dma_start3A_632 = tpu.memref_slice %arg11[%add3A_630, %dma_start3A_631] : memref<1024x32xf32, #tpu.memory_space<vmem>> -> memref<128x32xf32, #tpu.memory_space<vmem>>
        %dma_start3A_633 = arith.constant 0 : i32
        %dma_start3A_634 = tpu.memref_slice %arg9[%add3A_628, %dma_start3A_633] : memref<8x128xi32, #tpu.memory_space<vmem>> -> memref<1x128xi32, #tpu.memory_space<vmem>>
        %dma_start3A_635 = tpu.memref_squeeze %dma_start3A_634 : memref<1x128xi32, #tpu.memory_space<vmem>> -> memref<128xi32, #tpu.memory_space<vmem>>
        %dma_start3A_636 = arith.constant 0 : i32
        %dma_start3A_637 = arith.constant 0 : i32
        %dma_start3A_638 = tpu.memref_slice %arg2[%dma_start3A_636, %dma_start3A_637] : memref<10016x32xf32, #tpu.memory_space<hbm>> -> memref<10016x32xf32, #tpu.memory_space<hbm>>
        tpu.enqueue_indirect_dma source(%dma_start3A_638 : memref<10016x32xf32, #tpu.memory_space<hbm>>) target(%dma_start3A_632 : memref<128x32xf32, #tpu.memory_space<vmem>>) offsets(%dma_start3A_635 : memref<128xi32, #tpu.memory_space<vmem>>) semaphore(%arg16 : memref<!tpu.dma_semaphore, #tpu.memory_space<semaphore_mem>>)
        %add3A_639 = arith.constant 3 : i32
        %add3A_640 = arith.addi %mul3A_375, %add3A_639 : i32
        %add3A_641 = arith.constant 384 : i32
        %add3A_642 = arith.addi %mul3A_377, %add3A_641 : i32
        %dma_start3A_643 = arith.constant 0 : i32
        %dma_start3A_644 = tpu.memref_slice %arg12[%add3A_642, %dma_start3A_643] : memref<1024x16xf32, #tpu.memory_space<vmem>> -> memref<128x16xf32, #tpu.memory_space<vmem>>
        %dma_start3A_645 = arith.constant 0 : i32
        %dma_start3A_646 = tpu.memref_slice %arg10[%add3A_640, %dma_start3A_645] : memref<8x128xi32, #tpu.memory_space<vmem>> -> memref<1x128xi32, #tpu.memory_space<vmem>>
        %dma_start3A_647 = tpu.memref_squeeze %dma_start3A_646 : memref<1x128xi32, #tpu.memory_space<vmem>> -> memref<128xi32, #tpu.memory_space<vmem>>
        %dma_start3A_648 = arith.constant 0 : i32
        %dma_start3A_649 = arith.constant 0 : i32
        %dma_start3A_650 = tpu.memref_slice %arg3[%dma_start3A_648, %dma_start3A_649] : memref<10016x16xf32, #tpu.memory_space<hbm>> -> memref<10016x16xf32, #tpu.memory_space<hbm>>
        tpu.enqueue_indirect_dma source(%dma_start3A_650 : memref<10016x16xf32, #tpu.memory_space<hbm>>) target(%dma_start3A_644 : memref<128x16xf32, #tpu.memory_space<vmem>>) offsets(%dma_start3A_647 : memref<128xi32, #tpu.memory_space<vmem>>) semaphore(%arg16 : memref<!tpu.dma_semaphore, #tpu.memory_space<semaphore_mem>>)
      } else {
      }
      %add3A_487 = arith.constant 0 : i32
      %add3A_488 = arith.addi %mul3A_372, %add3A_487 : i32
      %add3A_489 = arith.constant 0 : i32
      %add3A_490 = arith.addi %mul3A_370, %add3A_489 : i32
      %dma_start3A_491 = arith.constant 0 : i32
      %dma_start3A_492 = tpu.memref_slice %arg13[%add3A_488, %dma_start3A_491] : memref<1024x32xf32, #tpu.memory_space<vmem>> -> memref<128x32xf32, #tpu.memory_space<vmem>>
      %dma_start3A_493 = arith.constant 0 : i32
      %dma_start3A_494 = tpu.memref_slice %arg10[%add3A_490, %dma_start3A_493] : memref<8x128xi32, #tpu.memory_space<vmem>> -> memref<1x128xi32, #tpu.memory_space<vmem>>
      %dma_start3A_495 = tpu.memref_squeeze %dma_start3A_494 : memref<1x128xi32, #tpu.memory_space<vmem>> -> memref<128xi32, #tpu.memory_space<vmem>>
      %dma_start3A_496 = arith.constant 0 : i32
      %dma_start3A_497 = arith.constant 0 : i32
      %dma_start3A_498 = tpu.memref_slice %arg15[%dma_start3A_496, %dma_start3A_497] : memref<10240x32xf32, #tpu.memory_space<vmem_shared>> -> memref<10240x32xf32, #tpu.memory_space<vmem_shared>>
      tpu.enqueue_indirect_dma source(%dma_start3A_492 : memref<128x32xf32, #tpu.memory_space<vmem>>) target(%dma_start3A_498 : memref<10240x32xf32, #tpu.memory_space<vmem_shared>>) offsets(%dma_start3A_495 : memref<128xi32, #tpu.memory_space<vmem>>) semaphore(%arg17 : memref<!tpu.dma_semaphore, #tpu.memory_space<semaphore_mem>>) {add = true}
      %add3A_499 = arith.constant 128 : i32
      %add3A_500 = arith.addi %mul3A_372, %add3A_499 : i32
      %add3A_501 = arith.constant 1 : i32
      %add3A_502 = arith.addi %mul3A_370, %add3A_501 : i32
      %dma_start3A_503 = arith.constant 0 : i32
      %dma_start3A_504 = tpu.memref_slice %arg13[%add3A_500, %dma_start3A_503] : memref<1024x32xf32, #tpu.memory_space<vmem>> -> memref<128x32xf32, #tpu.memory_space<vmem>>
      %dma_start3A_505 = arith.constant 0 : i32
      %dma_start3A_506 = tpu.memref_slice %arg10[%add3A_502, %dma_start3A_505] : memref<8x128xi32, #tpu.memory_space<vmem>> -> memref<1x128xi32, #tpu.memory_space<vmem>>
      %dma_start3A_507 = tpu.memref_squeeze %dma_start3A_506 : memref<1x128xi32, #tpu.memory_space<vmem>> -> memref<128xi32, #tpu.memory_space<vmem>>
      %dma_start3A_508 = arith.constant 0 : i32
      %dma_start3A_509 = arith.constant 0 : i32
      %dma_start3A_510 = tpu.memref_slice %arg15[%dma_start3A_508, %dma_start3A_509] : memref<10240x32xf32, #tpu.memory_space<vmem_shared>> -> memref<10240x32xf32, #tpu.memory_space<vmem_shared>>
      tpu.enqueue_indirect_dma source(%dma_start3A_504 : memref<128x32xf32, #tpu.memory_space<vmem>>) target(%dma_start3A_510 : memref<10240x32xf32, #tpu.memory_space<vmem_shared>>) offsets(%dma_start3A_507 : memref<128xi32, #tpu.memory_space<vmem>>) semaphore(%arg17 : memref<!tpu.dma_semaphore, #tpu.memory_space<semaphore_mem>>) {add = true}
      %add3A_511 = arith.constant 256 : i32
      %add3A_512 = arith.addi %mul3A_372, %add3A_511 : i32
      %add3A_513 = arith.constant 2 : i32
      %add3A_514 = arith.addi %mul3A_370, %add3A_513 : i32
      %dma_start3A_515 = arith.constant 0 : i32
      %dma_start3A_516 = tpu.memref_slice %arg13[%add3A_512, %dma_start3A_515] : memref<1024x32xf32, #tpu.memory_space<vmem>> -> memref<128x32xf32, #tpu.memory_space<vmem>>
      %dma_start3A_517 = arith.constant 0 : i32
      %dma_start3A_518 = tpu.memref_slice %arg10[%add3A_514, %dma_start3A_517] : memref<8x128xi32, #tpu.memory_space<vmem>> -> memref<1x128xi32, #tpu.memory_space<vmem>>
      %dma_start3A_519 = tpu.memref_squeeze %dma_start3A_518 : memref<1x128xi32, #tpu.memory_space<vmem>> -> memref<128xi32, #tpu.memory_space<vmem>>
      %dma_start3A_520 = arith.constant 0 : i32
      %dma_start3A_521 = arith.constant 0 : i32
      %dma_start3A_522 = tpu.memref_slice %arg15[%dma_start3A_520, %dma_start3A_521] : memref<10240x32xf32, #tpu.memory_space<vmem_shared>> -> memref<10240x32xf32, #tpu.memory_space<vmem_shared>>
      tpu.enqueue_indirect_dma source(%dma_start3A_516 : memref<128x32xf32, #tpu.memory_space<vmem>>) target(%dma_start3A_522 : memref<10240x32xf32, #tpu.memory_space<vmem_shared>>) offsets(%dma_start3A_519 : memref<128xi32, #tpu.memory_space<vmem>>) semaphore(%arg17 : memref<!tpu.dma_semaphore, #tpu.memory_space<semaphore_mem>>) {add = true}
      %add3A_523 = arith.constant 384 : i32
      %add3A_524 = arith.addi %mul3A_372, %add3A_523 : i32
      %add3A_525 = arith.constant 3 : i32
      %add3A_526 = arith.addi %mul3A_370, %add3A_525 : i32
      %dma_start3A_527 = arith.constant 0 : i32
      %dma_start3A_528 = tpu.memref_slice %arg13[%add3A_524, %dma_start3A_527] : memref<1024x32xf32, #tpu.memory_space<vmem>> -> memref<128x32xf32, #tpu.memory_space<vmem>>
      %dma_start3A_529 = arith.constant 0 : i32
      %dma_start3A_530 = tpu.memref_slice %arg10[%add3A_526, %dma_start3A_529] : memref<8x128xi32, #tpu.memory_space<vmem>> -> memref<1x128xi32, #tpu.memory_space<vmem>>
      %dma_start3A_531 = tpu.memref_squeeze %dma_start3A_530 : memref<1x128xi32, #tpu.memory_space<vmem>> -> memref<128xi32, #tpu.memory_space<vmem>>
      %dma_start3A_532 = arith.constant 0 : i32
      %dma_start3A_533 = arith.constant 0 : i32
      %dma_start3A_534 = tpu.memref_slice %arg15[%dma_start3A_532, %dma_start3A_533] : memref<10240x32xf32, #tpu.memory_space<vmem_shared>> -> memref<10240x32xf32, #tpu.memory_space<vmem_shared>>
      tpu.enqueue_indirect_dma source(%dma_start3A_528 : memref<128x32xf32, #tpu.memory_space<vmem>>) target(%dma_start3A_534 : memref<10240x32xf32, #tpu.memory_space<vmem_shared>>) offsets(%dma_start3A_531 : memref<128xi32, #tpu.memory_space<vmem>>) semaphore(%arg17 : memref<!tpu.dma_semaphore, #tpu.memory_space<semaphore_mem>>) {add = true}
    }
    %scan3A_321 = arith.constant 20 : i32
    %dma_wait3A_322 = arith.constant 4 : i32
    %dma_wait3A_323 = arith.constant 512 : i32
    %dma_wait3A_324 = arith.constant 0 : i32
    %dma_wait3A_325 = tpu.memref_slice %arg13[%dma_wait3A_323, %dma_wait3A_324] : memref<1024x32xf32, #tpu.memory_space<vmem>> -> memref<128x32xf32, #tpu.memory_space<vmem>>
    %dma_wait3A_326 = arith.constant 0 : i32
    %dma_wait3A_327 = tpu.memref_slice %arg10[%dma_wait3A_322, %dma_wait3A_326] : memref<8x128xi32, #tpu.memory_space<vmem>> -> memref<1x128xi32, #tpu.memory_space<vmem>>
    %dma_wait3A_328 = tpu.memref_squeeze %dma_wait3A_327 : memref<1x128xi32, #tpu.memory_space<vmem>> -> memref<128xi32, #tpu.memory_space<vmem>>
    %dma_wait3A_329 = arith.constant 0 : i32
    %dma_wait3A_330 = arith.constant 0 : i32
    %dma_wait3A_331 = tpu.memref_slice %arg15[%dma_wait3A_329, %dma_wait3A_330] : memref<10240x32xf32, #tpu.memory_space<vmem_shared>> -> memref<10240x32xf32, #tpu.memory_space<vmem_shared>>
    tpu.wait_indirect_dma semaphore(%arg17 : memref<!tpu.dma_semaphore, #tpu.memory_space<semaphore_mem>>) src(%dma_wait3A_325 : memref<128x32xf32, #tpu.memory_space<vmem>>) dst(%dma_wait3A_331 : memref<10240x32xf32, #tpu.memory_space<vmem_shared>>)
    %dma_wait3A_332 = arith.constant 5 : i32
    %dma_wait3A_333 = arith.constant 640 : i32
    %dma_wait3A_334 = arith.constant 0 : i32
    %dma_wait3A_335 = tpu.memref_slice %arg13[%dma_wait3A_333, %dma_wait3A_334] : memref<1024x32xf32, #tpu.memory_space<vmem>> -> memref<128x32xf32, #tpu.memory_space<vmem>>
    %dma_wait3A_336 = arith.constant 0 : i32
    %dma_wait3A_337 = tpu.memref_slice %arg10[%dma_wait3A_332, %dma_wait3A_336] : memref<8x128xi32, #tpu.memory_space<vmem>> -> memref<1x128xi32, #tpu.memory_space<vmem>>
    %dma_wait3A_338 = tpu.memref_squeeze %dma_wait3A_337 : memref<1x128xi32, #tpu.memory_space<vmem>> -> memref<128xi32, #tpu.memory_space<vmem>>
    %dma_wait3A_339 = arith.constant 0 : i32
    %dma_wait3A_340 = arith.constant 0 : i32
    %dma_wait3A_341 = tpu.memref_slice %arg15[%dma_wait3A_339, %dma_wait3A_340] : memref<10240x32xf32, #tpu.memory_space<vmem_shared>> -> memref<10240x32xf32, #tpu.memory_space<vmem_shared>>
    tpu.wait_indirect_dma semaphore(%arg17 : memref<!tpu.dma_semaphore, #tpu.memory_space<semaphore_mem>>) src(%dma_wait3A_335 : memref<128x32xf32, #tpu.memory_space<vmem>>) dst(%dma_wait3A_341 : memref<10240x32xf32, #tpu.memory_space<vmem_shared>>)
    %dma_wait3A_342 = arith.constant 6 : i32
    %dma_wait3A_343 = arith.constant 768 : i32
    %dma_wait3A_344 = arith.constant 0 : i32
    %dma_wait3A_345 = tpu.memref_slice %arg13[%dma_wait3A_343, %dma_wait3A_344] : memref<1024x32xf32, #tpu.memory_space<vmem>> -> memref<128x32xf32, #tpu.memory_space<vmem>>
    %dma_wait3A_346 = arith.constant 0 : i32
    %dma_wait3A_347 = tpu.memref_slice %arg10[%dma_wait3A_342, %dma_wait3A_346] : memref<8x128xi32, #tpu.memory_space<vmem>> -> memref<1x128xi32, #tpu.memory_space<vmem>>
    %dma_wait3A_348 = tpu.memref_squeeze %dma_wait3A_347 : memref<1x128xi32, #tpu.memory_space<vmem>> -> memref<128xi32, #tpu.memory_space<vmem>>
    %dma_wait3A_349 = arith.constant 0 : i32
    %dma_wait3A_350 = arith.constant 0 : i32
    %dma_wait3A_351 = tpu.memref_slice %arg15[%dma_wait3A_349, %dma_wait3A_350] : memref<10240x32xf32, #tpu.memory_space<vmem_shared>> -> memref<10240x32xf32, #tpu.memory_space<vmem_shared>>
    tpu.wait_indirect_dma semaphore(%arg17 : memref<!tpu.dma_semaphore, #tpu.memory_space<semaphore_mem>>) src(%dma_wait3A_345 : memref<128x32xf32, #tpu.memory_space<vmem>>) dst(%dma_wait3A_351 : memref<10240x32xf32, #tpu.memory_space<vmem_shared>>)
    %dma_wait3A_352 = arith.constant 7 : i32
    %dma_wait3A_353 = arith.constant 896 : i32
    %dma_wait3A_354 = arith.constant 0 : i32
    %dma_wait3A_355 = tpu.memref_slice %arg13[%dma_wait3A_353, %dma_wait3A_354] : memref<1024x32xf32, #tpu.memory_space<vmem>> -> memref<128x32xf32, #tpu.memory_space<vmem>>
    %dma_wait3A_356 = arith.constant 0 : i32
    %dma_wait3A_357 = tpu.memref_slice %arg10[%dma_wait3A_352, %dma_wait3A_356] : memref<8x128xi32, #tpu.memory_space<vmem>> -> memref<1x128xi32, #tpu.memory_space<vmem>>
    %dma_wait3A_358 = tpu.memref_squeeze %dma_wait3A_357 : memref<1x128xi32, #tpu.memory_space<vmem>> -> memref<128xi32, #tpu.memory_space<vmem>>
    %dma_wait3A_359 = arith.constant 0 : i32
    %dma_wait3A_360 = arith.constant 0 : i32
    %dma_wait3A_361 = tpu.memref_slice %arg15[%dma_wait3A_359, %dma_wait3A_360] : memref<10240x32xf32, #tpu.memory_space<vmem_shared>> -> memref<10240x32xf32, #tpu.memory_space<vmem_shared>>
    tpu.wait_indirect_dma semaphore(%arg17 : memref<!tpu.dma_semaphore, #tpu.memory_space<semaphore_mem>>) src(%dma_wait3A_355 : memref<128x32xf32, #tpu.memory_space<vmem>>) dst(%dma_wait3A_361 : memref<10240x32xf32, #tpu.memory_space<vmem_shared>>)
    %barrier3A_362 = arith.constant 0 : index
    tpu.barrier barrier_id(%barrier3A_362)
    %mul3A_363 = arith.constant 640 : i32
    %mul3A_364 = arith.muli %arg1, %mul3A_363 : i32
    %mul3A_365 = arith.constant 640 : i32
    %mul3A_366 = arith.muli %arg1, %mul3A_365 : i32
    "tpu.region"() ({
      %run_scoped3A = tpu.sem_alloc : memref<!tpu.dma_semaphore, #tpu.memory_space<semaphore_mem>>
      %dma_start3A_367 = arith.constant 0 : i32
      %dma_start3A_368 = tpu.memref_slice %arg7[%arg0, %mul3A_366, %dma_start3A_367] : memref<2x10240x32xf32, #tpu.memory_space<hbm>> -> memref<1x640x32xf32, #tpu.memory_space<hbm>>
      %dma_start3A_369 = tpu.memref_squeeze %dma_start3A_368 : memref<1x640x32xf32, #tpu.memory_space<hbm>> -> memref<640x32xf32, #tpu.memory_space<hbm>>
      %dma_start3A_370 = arith.constant 0 : i32
      %dma_start3A_371 = tpu.memref_slice %arg15[%mul3A_364, %dma_start3A_370] : memref<10240x32xf32, #tpu.memory_space<vmem_shared>> -> memref<640x32xf32, #tpu.memory_space<vmem_shared>>
      tpu.enqueue_dma source(%dma_start3A_371 : memref<640x32xf32, #tpu.memory_space<vmem_shared>>) target(%dma_start3A_369 : memref<640x32xf32, #tpu.memory_space<hbm>>) target_semaphore(%run_scoped3A : memref<!tpu.dma_semaphore, #tpu.memory_space<semaphore_mem>>)
      %dma_wait3A_372 = arith.constant 0 : i32
      %dma_wait3A_373 = tpu.memref_slice %arg7[%arg0, %mul3A_366, %dma_wait3A_372] : memref<2x10240x32xf32, #tpu.memory_space<hbm>> -> memref<1x640x32xf32, #tpu.memory_space<hbm>>
      %dma_wait3A_374 = tpu.memref_squeeze %dma_wait3A_373 : memref<1x640x32xf32, #tpu.memory_space<hbm>> -> memref<640x32xf32, #tpu.memory_space<hbm>>
      %dma_wait3A_375 = arith.constant 0 : i32
      %dma_wait3A_376 = tpu.memref_slice %arg15[%mul3A_364, %dma_wait3A_375] : memref<10240x32xf32, #tpu.memory_space<vmem_shared>> -> memref<640x32xf32, #tpu.memory_space<vmem_shared>>
      tpu.wait_dma2 semaphore(%run_scoped3A : memref<!tpu.dma_semaphore, #tpu.memory_space<semaphore_mem>>) src(%dma_wait3A_376 : memref<640x32xf32, #tpu.memory_space<vmem_shared>>) dst(%dma_wait3A_374 : memref<640x32xf32, #tpu.memory_space<hbm>>)
      tpu.yield
    }) : () -> ()
    return
  }
}

module attributes {stable_mosaic.version = 14 : i64} {
  func.func @_tc_prepare(%arg0: memref<10016x128xf32, #tpu.memory_space<vmem>>, %arg1: memref<10016x32xf32, #tpu.memory_space<vmem>>, %arg2: memref<128x32xf32, #tpu.memory_space<vmem>>, %arg3: memref<1x32xf32, #tpu.memory_space<vmem>>, %arg4: memref<8x32xf32, #tpu.memory_space<vmem>>, %arg5: memref<1x32xf32, #tpu.memory_space<vmem>>, %arg6: memref<32x20xf32, #tpu.memory_space<vmem>>, %arg7: memref<1x20xf32, #tpu.memory_space<vmem>>, %arg8: memref<10016x32xf32, #tpu.memory_space<vmem>>, %arg9: memref<512x40xf32, #tpu.memory_space<vmem>>) attributes {dimension_semantics = [], scalar_prefetch = 0 : i64, scratch_operands = 0 : i64, tpu.core_type = #tpu.core_type<tc>} {
    %get3A = arith.constant 0 : index
    %get3A_0 = arith.constant 0 : index
    %get3A_1 = vector.load %arg0[%get3A, %get3A_0] : memref<10016x128xf32, #tpu.memory_space<vmem>>, vector<10016x128xf32>
    %get3A_2 = arith.constant 0 : index
    %get3A_3 = arith.constant 0 : index
    %get3A_4 = vector.load %arg2[%get3A_2, %get3A_3] : memref<128x32xf32, #tpu.memory_space<vmem>>, vector<128x32xf32>
    %dot_general3A = arith.constant dense<0.000000e+00> : vector<10016x32xf32>
    %dot_general3A_5 = tpu.matmul %get3A_1, %get3A_4, %dot_general3A {dimension_numbers = #tpu.dot_dimension_numbers<[1], [0], [0], [1], [0, 0, 1, 1], [], []>, transpose_lhs_hint = false} : vector<10016x128xf32>, vector<128x32xf32>, vector<10016x32xf32> -> vector<10016x32xf32>
    %get3A_6 = arith.constant 0 : index
    %get3A_7 = arith.constant 0 : index
    %get3A_8 = vector.load %arg3[%get3A_6, %get3A_7] : memref<1x32xf32, #tpu.memory_space<vmem>>, vector<1x32xf32>
    %add3A = vector.broadcast %get3A_8 : vector<1x32xf32> to vector<10016x32xf32>
    %add3A_9 = arith.addf %dot_general3A_5, %add3A : vector<10016x32xf32>
    %iota3A = tpu.iota {dimensions = array<i32: 0>} : vector<10016x1xi32>
    %lt3A = arith.constant 10000 : i32
    %lt3A_10 = vector.broadcast %lt3A : i32 to vector<10016x1xi32>
    %lt3A_11 = arith.cmpi slt, %iota3A, %lt3A_10 : vector<10016x1xi32>
    %convert_element_type3A = arith.extui %lt3A_11 : vector<10016x1xi1> to vector<10016x1xi32>
    %convert_element_type3A_12 = arith.sitofp %convert_element_type3A : vector<10016x1xi32> to vector<10016x1xf32>
    %mul3A = vector.broadcast %convert_element_type3A_12 : vector<10016x1xf32> to vector<10016x32xf32>
    %mul3A_13 = arith.mulf %add3A_9, %mul3A : vector<10016x32xf32>
    %get3A_14 = arith.constant 0 : index
    %get3A_15 = arith.constant 0 : index
    %get3A_16 = vector.load %arg1[%get3A_14, %get3A_15] : memref<10016x32xf32, #tpu.memory_space<vmem>>, vector<10016x32xf32>
    %add3A_17 = arith.addf %mul3A_13, %get3A_16 : vector<10016x32xf32>
    %swap3A = arith.constant 0 : index
    %swap3A_18 = arith.constant 0 : index
    %swap3A_19 = vector.load %arg8[%swap3A, %swap3A_18] : memref<10016x32xf32, #tpu.memory_space<vmem>>, vector<10016x32xf32>
    tpu.vector_store %arg8[%swap3A, %swap3A_18], %add3A_17 {strides = array<i32>} : memref<10016x32xf32, #tpu.memory_space<vmem>>, vector<10016x32xf32>,
    %iota3A_20 = tpu.iota {dimensions = array<i32: 0>} : vector<520x1xi32>
    %convert_element_type3A_21 = arith.sitofp %iota3A_20 : vector<520x1xi32> to vector<520x1xf32>
    %mul3A_22 = arith.constant 1.562500e-02 : f32
    %mul3A_23 = vector.broadcast %mul3A_22 : f32 to vector<520x1xf32>
    %mul3A_24 = arith.mulf %convert_element_type3A_21, %mul3A_23 : vector<520x1xf32>
    %iota3A_25 = tpu.iota {dimensions = array<i32: 1>} : vector<1x8xi32>
    %convert_element_type3A_26 = arith.sitofp %iota3A_25 : vector<1x8xi32> to vector<1x8xf32>
    %add3A_27 = arith.constant 1.000000e+00 : f32
    %add3A_28 = vector.broadcast %add3A_27 : f32 to vector<1x8xf32>
    %add3A_29 = arith.addf %convert_element_type3A_26, %add3A_28 : vector<1x8xf32>
    %mul3A_30 = arith.constant 0.666666686 : f32
    %mul3A_31 = vector.broadcast %mul3A_30 : f32 to vector<1x8xf32>
    %mul3A_32 = arith.mulf %add3A_29, %mul3A_31 : vector<1x8xf32>
    %sub3A = vector.broadcast %mul3A_24 : vector<520x1xf32> to vector<520x8xf32>
    %sub3A_33 = vector.broadcast %mul3A_32 : vector<1x8xf32> to vector<520x8xf32>
    %sub3A_34 = arith.subf %sub3A, %sub3A_33 : vector<520x8xf32>
    %mul3A_35 = arith.constant 1.500000e+00 : f32
    %mul3A_36 = vector.broadcast %mul3A_35 : f32 to vector<520x8xf32>
    %mul3A_37 = arith.mulf %sub3A_34, %mul3A_36 : vector<520x8xf32>
    %neg3A = arith.constant 0.000000e+00 : f32
    %neg3A_38 = vector.broadcast %neg3A : f32 to vector<520x8xf32>
    %neg3A_39 = arith.subf %neg3A_38, %mul3A_37 : vector<520x8xf32>
    %mul3A_40 = arith.mulf %neg3A_39, %mul3A_37 : vector<520x8xf32>
    %exp3A = math.exp %mul3A_40 : vector<520x8xf32>
    %mul3A_41 = arith.constant 2.52538133 : f32
    %mul3A_42 = vector.broadcast %mul3A_41 : f32 to vector<520x8xf32>
    %mul3A_43 = arith.mulf %exp3A, %mul3A_42 : vector<520x8xf32>
    %get3A_44 = arith.constant 0 : index
    %get3A_45 = arith.constant 0 : index
    %get3A_46 = vector.load %arg4[%get3A_44, %get3A_45] : memref<8x32xf32, #tpu.memory_space<vmem>>, vector<8x32xf32>
    %dot_general3A_47 = arith.constant dense<0.000000e+00> : vector<520x32xf32>
    %dot_general3A_48 = tpu.matmul %mul3A_43, %get3A_46, %dot_general3A_47 {dimension_numbers = #tpu.dot_dimension_numbers<[1], [0], [0], [1], [0, 0, 1, 1], [], []>, precision = #tpu.contract_precision<fp32>, transpose_lhs_hint = false} : vector<520x8xf32>, vector<8x32xf32>, vector<520x32xf32> -> vector<520x32xf32>
    %get3A_49 = arith.constant 0 : index
    %get3A_50 = arith.constant 0 : index
    %get3A_51 = vector.load %arg5[%get3A_49, %get3A_50] : memref<1x32xf32, #tpu.memory_space<vmem>>, vector<1x32xf32>
    %add3A_52 = vector.broadcast %get3A_51 : vector<1x32xf32> to vector<520x32xf32>
    %add3A_53 = arith.addf %dot_general3A_48, %add3A_52 : vector<520x32xf32>
    %neg3A_54 = arith.constant 0.000000e+00 : f32
    %neg3A_55 = vector.broadcast %neg3A_54 : f32 to vector<520x32xf32>
    %neg3A_56 = arith.subf %neg3A_55, %add3A_53 : vector<520x32xf32>
    %exp3A_57 = math.exp %neg3A_56 : vector<520x32xf32>
    %add3A_58 = arith.constant 1.000000e+00 : f32
    %add3A_59 = vector.broadcast %add3A_58 : f32 to vector<520x32xf32>
    %add3A_60 = arith.addf %add3A_59, %exp3A_57 : vector<520x32xf32>
    %div3A = arith.divf %add3A_53, %add3A_60 : vector<520x32xf32>
    %get3A_61 = arith.constant 0 : index
    %get3A_62 = arith.constant 0 : index
    %get3A_63 = vector.load %arg6[%get3A_61, %get3A_62] : memref<32x20xf32, #tpu.memory_space<vmem>>, vector<32x20xf32>
    %dot_general3A_64 = arith.constant dense<0.000000e+00> : vector<520x20xf32>
    %dot_general3A_65 = tpu.matmul %div3A, %get3A_63, %dot_general3A_64 {dimension_numbers = #tpu.dot_dimension_numbers<[1], [0], [0], [1], [0, 0, 1, 1], [], []>, precision = #tpu.contract_precision<fp32>, transpose_lhs_hint = false} : vector<520x32xf32>, vector<32x20xf32>, vector<520x20xf32> -> vector<520x20xf32>
    %get3A_66 = arith.constant 0 : index
    %get3A_67 = arith.constant 0 : index
    %get3A_68 = vector.load %arg7[%get3A_66, %get3A_67] : memref<1x20xf32, #tpu.memory_space<vmem>>, vector<1x20xf32>
    %add3A_69 = vector.broadcast %get3A_68 : vector<1x20xf32> to vector<520x20xf32>
    %add3A_70 = arith.addf %dot_general3A_65, %add3A_69 : vector<520x20xf32>
    %mul3A_71 = arith.constant 0.176776692 : f32
    %mul3A_72 = vector.broadcast %mul3A_71 : f32 to vector<520x20xf32>
    %mul3A_73 = arith.mulf %add3A_70, %mul3A_72 : vector<520x20xf32>
    %slice3A = vector.extract_strided_slice %mul3A_73 {offsets = [0, 0], sizes = [512, 20], strides = [1, 1]} : vector<520x20xf32> to vector<512x20xf32>
    %slice3A_74 = vector.extract_strided_slice %mul3A_73 {offsets = [1, 0], sizes = [512, 20], strides = [1, 1]} : vector<520x20xf32> to vector<512x20xf32>
    %sub3A_75 = arith.subf %slice3A_74, %slice3A : vector<512x20xf32>
    %concatenate3A = tpu.concatenate %slice3A, %sub3A_75 in 1 : vector<512x20xf32>, vector<512x20xf32> -> vector<512x40xf32>
    %swap3A_76 = arith.constant 0 : index
    %swap3A_77 = arith.constant 0 : index
    %swap3A_78 = vector.load %arg9[%swap3A_76, %swap3A_77] : memref<512x40xf32, #tpu.memory_space<vmem>>, vector<512x40xf32>
    tpu.vector_store %arg9[%swap3A_76, %swap3A_77], %concatenate3A {strides = array<i32>} : memref<512x40xf32, #tpu.memory_space<vmem>>, vector<512x40xf32>,
    return
  }
}

module attributes {stable_mosaic.version = 14 : i64} {
  func.func @_tc_combine(%arg0: memref<2x10240x32xf32, #tpu.memory_space<vmem>>, %arg1: memref<10000x20xf32, #tpu.memory_space<vmem>>) attributes {dimension_semantics = [], scalar_prefetch = 0 : i64, scratch_operands = 0 : i64, tpu.core_type = #tpu.core_type<tc>} {
    %get3A = arith.constant 0 : index
    %get3A_0 = arith.constant 0 : index
    %get3A_1 = arith.constant 0 : index
    %get3A_2 = vector.load %arg0[%get3A, %get3A_0, %get3A_1] : memref<2x10240x32xf32, #tpu.memory_space<vmem>>, vector<1x10000x20xf32>
    %get3A_3 = vector.shape_cast %get3A_2 : vector<1x10000x20xf32> to vector<10000x20xf32>
    %get3A_4 = arith.constant 1 : index
    %get3A_5 = arith.constant 0 : index
    %get3A_6 = arith.constant 0 : index
    %get3A_7 = vector.load %arg0[%get3A_4, %get3A_5, %get3A_6] : memref<2x10240x32xf32, #tpu.memory_space<vmem>>, vector<1x10000x20xf32>
    %get3A_8 = vector.shape_cast %get3A_7 : vector<1x10000x20xf32> to vector<10000x20xf32>
    %add3A = arith.addf %get3A_3, %get3A_8 : vector<10000x20xf32>
    %swap3A = arith.constant 0 : index
    %swap3A_9 = arith.constant 0 : index
    %swap3A_10 = vector.load %arg1[%swap3A, %swap3A_9] : memref<10000x20xf32, #tpu.memory_space<vmem>>, vector<10000x20xf32>
    tpu.vector_store %arg1[%swap3A, %swap3A_9], %add3A {strides = array<i32>} : memref<10000x20xf32, #tpu.memory_space<vmem>>, vector<10000x20xf32>,
    return
  }
}

</mosaic_0001>

<sc_bundles>
// kernel: kernel.5.cloned.1.call-start
scs
__scs_entry_jumppad:
0x0: {  	(pc) =	sbr.rel $0x88, $3  }
0x1: {  	(tag) =	ssettag $0x0;
	lr =	simm.s32 $0x1  }
0x2: {  	[smem:$0x3F98] =	sst lr;
	_ =	strace $0xD0000000  }
0x3: {  	_ = 	snop  }
0x4: {  	_ = 	snop  }
0x5: {  	_ = 	snop  }
0x6: {  	_ = 	snop  }
0x7: {  	_ = 	snop  }
__scs_overlays_trampoline_lowered:
0x8: {  	[smem:$0x3FA7] =	sst s0  }
0x9: {  	[smem:$0x3FA8] =	sst s1  }
0xa: {  	[smem:$0x3FA9] =	sst s2  }
0xb: {  	[smem:$0x3FAA] =	sst s3  }
0xc: {  	[smem:$0x3FAB] =	sst s4  }
0xd: {  	[smem:$0x3FAC] =	sst s5  }
0xe: {  	[smem:$0x3FAD] =	sst s6  }
0xf: {  	[smem:$0x3FAE] =	sst s7  }
0x10: {  	[smem:$0x3FAF] =	sst s8  }
0x11: {  	[smem:$0x3FB0] =	sst s9;
	s0 =	simm.s32 @!p0 $0x0  }
0x12: {  	s1 =	sld [smem:$0x3F96];
	s0 =	simm.s32 @p0 $0x1  }
0x13: {  	[smem:$0x3FB1] =	sst s0;
	s0 =	simm.s32 @!p1 $0x0  }
0x14: {  	s2 =	sld [smem:$0x3F95];
	s0 =	simm.s32 @p1 $0x1  }
0x15: {  	[smem:$0x3FB2] =	sst s0;
	s0 =	simm.s32 @!p2 $0x0  }
0x16: {  	s3 =	sld [smem:$0x3FDB];
	s0 =	simm.s32 @p2 $0x1  }
0x17: {  	s4 =	simm.s32 $0x1BF5;
	[smem:$0x3FB4] =	sst s0  }
0x18: {  	s0 =	sld [smem:$0x3F97];
	_ =	swait.ge [sflag:s4], $0x0  }
0x19: {  	s7 =	sld [smem:$0x3F98]  }
0x1a: {  	s8 =	sadd.s32 $0xFFFFE003, lr  }
0x1b: {  	s9 =	sadd.s32 $0xFFFFFEF7, lr;
	s5 =	simm.s32 $0xFFFFFFFF;
	p2 =	slt.u32 s8, $0xFFFFF086  }
0x1c: {  	p1 =	slt.u32 s9, $0xF7A;
	s5 =	simm.s32 @!p2 $0x0  }
0x1d: {  	s5 =	simm.s32 @p1 $0x1;
	p0 =	seq.s32 s7, s2  }
0x1e: {  	s7 =	smul.u32 @!p0 $0xF7A, s2;
	p2 =	seq.s32 @!p0 s5, $0x0  }
0x1f: {  	s9 =	smul.u32 $0xF7A, s1;
	s8 =	simm.s32 @!p0 $0x1BF5;
	p2 =	por !p2, p0  }
0x20: {  	[sflag:s8] =	ssyncset.s32 @!p0 $0xFFFFF086;
	s6 =	sadd.s32 @!p0 s3, s7;
	s7 =	simm.s32 @!p0 $0x108  }
0x21: {  	s3 =	sadd.s32 s3, s9;
	s6 =	sadd.s32 @!p0 $0x88, s6;
	s7 =	simm.s32 @p2 $0x1082  }
0x22: {  	[simem:s7], [sflag:s8] =	dma.local @!p0 [hbm:s6], $0xF7A  }
0x23: {  	s9 =	sor.u32 $0xD0000000, s2;
	s6 =	simm.s32 $0x108;
	_ =	swait.ge @!p0 [sflag:s8], $0x0  }
0x24: {  	s3 =	sadd.s32 $0x88, s3;
	s6 =	simm.s32 @!p1 $0x1082;
	[sflag:s4] =	ssyncset.s32 $0xFFFFF086  }
0x25: {  	[simem:s6], [sflag:s4] =	dma.local [hbm:s3], $0xF7A  }
0x26: {  	[smem:$0x3F98] =	sst s1;
	(tag) =	ssettag s2;
	_ =	strace s9  }
0x27: {  	s1 =	sld [smem:$0x3FA8]  }
0x28: {  	s2 =	sld [smem:$0x3FA9]  }
0x29: {  	s4 =	sld [smem:$0x3FAB]  }
0x2a: {  	p0 =	seq.s32 s5, $0x0;
	s5 =	sld [smem:$0x3FAC]  }
0x2b: {  	s6 =	sld [smem:$0x3FAD]  }
0x2c: {  	s7 =	sld [smem:$0x3FAE]  }
0x2d: {  	s3 =	simm.s32 $0x108;
	s8 =	sld [smem:$0x3FAF]  }
0x2e: {  	s3 =	simm.s32 @!p0 $0x1082;
	s9 =	sld [smem:$0x3FB0]  }
0x2f: {  	lr =	sadd.s32 s0, s3;
	s0 =	sld [smem:$0x3FA7]  }
0x30: {  	s3 =	sld [smem:$0x3FAA]  }
0x31: {  	[smem:$0x3FB3] =	sst s10  }
0x32: {  	s10 =	sld [smem:$0x3FB1];
	_ =	sdelay $0x3  }
0x33: {  	p0 =	seq.s32 s10, $0x1;
	s10 =	sld [smem:$0x3FB3];
	_ =	sdelay $0x3  }
0x34: {  	[smem:$0x3FB3] =	sst s10  }
0x35: {  	s10 =	sld [smem:$0x3FB2];
	_ =	sdelay $0x3  }
0x36: {  	p1 =	seq.s32 s10, $0x1;
	s10 =	sld [smem:$0x3FB3];
	_ =	sdelay $0x3  }
0x37: {  	[smem:$0x3FB3] =	sst s10  }
0x38: {  	s10 =	sld [smem:$0x3FB4]  }
0x39: {  	_ = 	snop;
	(pc) =	sbr.ind lr, $3  }
0x3a: {  	_ = 	snop  }
0x3b: {  	_ = 	snop  }
0x3c: {  	p2 =	seq.s32 s10, $0x1;
	s10 =	sld [smem:$0x3FB3]  }
0x3d: {  	_ =	shalt  }
0x3e: {  	_ =	shalt  }
0x3f: {  	_ =	shalt  }
0x40: {  	_ =	shalt  }
0x41: {  	_ =	shalt  }
0x42: {  	_ =	shalt  }
0x43: {  	_ =	shalt  }
0x44: {  	_ =	shalt  }
0x45: {  	_ =	shalt  }
0x46: {  	_ =	shalt  }
0x47: {  	_ =	shalt  }
0x48: {  	_ =	shalt  }
0x49: {  	_ =	shalt  }
0x4a: {  	_ =	shalt  }
0x4b: {  	_ =	shalt  }
0x4c: {  	_ =	shalt  }
0x4d: {  	_ =	shalt  }
0x4e: {  	_ =	shalt  }
0x4f: {  	_ =	shalt  }
0x50: {  	_ =	shalt  }
0x51: {  	_ =	shalt  }
0x52: {  	_ =	shalt  }
0x53: {  	_ =	shalt  }
0x54: {  	_ =	shalt  }
0x55: {  	_ =	shalt  }
0x56: {  	_ =	shalt  }
0x57: {  	_ =	shalt  }
0x58: {  	_ =	shalt  }
0x59: {  	_ =	shalt  }
0x5a: {  	_ =	shalt  }
0x5b: {  	_ =	shalt  }
0x5c: {  	_ =	shalt  }
0x5d: {  	_ =	shalt  }
0x5e: {  	_ =	shalt  }
0x5f: {  	_ =	shalt  }
0x60: {  	_ =	shalt  }
0x61: {  	_ =	shalt  }
0x62: {  	_ =	shalt  }
0x63: {  	_ =	shalt  }
0x64: {  	_ =	shalt  }
0x65: {  	_ =	shalt  }
0x66: {  	_ =	shalt  }
0x67: {  	_ =	shalt  }
0x68: {  	_ =	shalt  }
0x69: {  	_ =	shalt  }
0x6a: {  	_ =	shalt  }
0x6b: {  	_ =	shalt  }
0x6c: {  	_ =	shalt  }
0x6d: {  	_ =	shalt  }
0x6e: {  	_ =	shalt  }
0x6f: {  	_ =	shalt  }
0x70: {  	_ =	shalt  }
0x71: {  	_ =	shalt  }
0x72: {  	_ =	shalt  }
0x73: {  	_ =	shalt  }
0x74: {  	_ =	shalt  }
0x75: {  	_ =	shalt  }
0x76: {  	_ =	shalt  }
0x77: {  	_ =	shalt  }
0x78: {  	_ =	shalt  }
0x79: {  	_ =	shalt  }
0x7a: {  	_ =	shalt  }
0x7b: {  	_ =	shalt  }
0x7c: {  	_ =	shalt  }
0x7d: {  	_ =	shalt  }
0x7e: {  	_ =	shalt  }
0x7f: {  	_ =	shalt  }
0x80: {  	_ =	shalt  }
0x81: {  	_ =	shalt  }
0x82: {  	_ =	shalt  }
0x83: {  	_ =	shalt  }
0x84: {  	_ =	shalt  }
0x85: {  	_ =	shalt  }
0x86: {  	_ =	shalt  }
0x87: {  	_ =	shalt  }
.Lfunc_end0:
.L_simem_size_0:
called_computation_lowered:
.L_overlay_start_0:
0x88: {  	s2 =	sld [smem:$0x3FD9]  }
0x89: {  	s3 =	sld [smem:$0x3FFE];
	_ =	sdelay $0x1  }
0x8a: {  	s1 =	srdreg.scid  }
0x8b: {  	s0 =	sand.u32 $0x1, s1  }
0x8c: {  	s17 =	sshll.u32 s0, $0xA;
	s2 =	sadd.s32 s3, s2  }
0x8d: {  	s2 =	sadd.s32 s2, s17  }
0x8e: {  	[smem:$0x3FBF] =	sst s2  }
0x8f: {  	_ = 	snop  }
0x90: {  	s2 =	sld [smem:$0x3FD0];
	(tm) =	ssettm $0x1  }
0x91: {  	s18 =	sld [smem:$0x3FFB];
	_ =	sdelay $0x3  }
0x92: {  	_ =	strace s18  }
0x93: {  	s3 =	sld [smem:$0x3FFC];
	_ =	sdelay $0x3  }
0x94: {  	_ =	strace s3  }
0x95: {  	s3 =	sld [smem:$0x3FFD];
	_ =	sdelay $0x3  }
0x96: {  	_ =	strace s3  }
0x97: {  	_ =	strace $0x8FFFFFFF  }
0x98: {  	s19 =	sld [smem:$0x3FDB];
	_ =	sdelay $0x1  }
0x99: {  	s4 =	simm.s32 $_scs_section_size  }
0x9a: {  	s5 =	simm.s32 $_size__tile_overlayer_lowered;
	s6 =	simm.s32 $_tile_overlayer_lowered  }
0x9b: {  	s22 =	simm.s32 $0x1BFF;
	s21 =	sshll.u32 s6, $0x1;
	s3 =	sadd.s32 s4, s19  }
0x9c: {  	s7 =	simm.s32 $0x0;
	s20 =	sshll.u32 s5, $0x1;
	s5 =	sadd.s32 s21, s3  }
0x9d: {  	[timem:s7], [sflag:s22] =	dma.local [hbm:s5], s20  }
0x9e: {  	_ =	swait.ge [sflag:s22], s20  }
0x9f: {  	s4 =	ssub.s32 $0x0, s20;
	[sflag:s22] =	ssyncset.done $0x0  }
0xa0: {  	[sflag:s22] =	ssyncadd.s32 s4;
	_ =	sdelay $0x1  }
0xa1: {  	s23 =	simm.s32 $0x1B8B  }
0xa2: {  	_ =	swait.ge [sflag:s23], $0x1  }
0xa3: {  	[sflag:s23] =	ssyncset.done $0x0  }
0xa4: {  	s25 =	simm.s32 $0x1B8E;
	s24 =	sld [smem:$0x3FFE];
	[sflag:s23] =	ssyncadd.s32 $0xFFFFFFFF  }
0xa5: {  	s26 =	simm.s32 $execute0_lowered;
	[smem:$0x3FD2] =	sst s25  }
0xa6: {  	s5 =	sshll.u32 s26, $0x1;
	_ =	strace $0x80000046;
	[dreg:$0x1] =	wrdreg $0xFFFFFFFF  }
0xa7: {  	s28 =	simm.s32 $_size_execute0_lowered;
	s3 =	sadd.s32 s3, s5;
	[dreg:$0x0] =	wrdreg $0x0  }
0xa8: {  	s5 =	sshll.u32 s28, $0x1;
	[dreg:$0x2] =	wrdreg s3  }
0xa9: {  	[dreg:$0x3] =	wrdreg s5  }
0xaa: {  	[dreg:$0x4] =	wrdreg $0xC0  }
0xab: {  	_ =	task [dreg:s7], $0x5FFFF  }
0xac: {  	[dreg:$0x1] =	wrdreg $0xFFFFFFFF  }
0xad: {  	[dreg:$0x0] =	wrdreg $0x60  }
0xae: {  	[dreg:$0x2] =	wrdreg s24  }
0xaf: {  	[dreg:$0x3] =	wrdreg s2  }
0xb0: {  	[dreg:$0x4] =	wrdreg $0x1A2000  }
0xb1: {  	[dreg:$0x5] =	wrdreg $0x9  }
0xb2: {  	_ =	task.clear_ibuf [dreg:s7], $0x6FFFF;
	_ =	strace $0x90000046  }
0xb3: {  	s29 =	simm.s32 $0x9;
	_ =	strace $0x80000048  }
0xb4: {  	_ =	swait.ge [sflag:s29], $0x1  }
0xb5: {  	[sflag:s29] =	ssyncadd.s32 $0xFFFFFFFF  }
0xb6: {  	_ =	strace $0x90000048  }
0xb7: {  	_ =	sfence  }
0xb8: {  	s30 =	sld [smem:$0x0];
	_ =	sdelay $0x2  }
0xb9: {  	s31 =	sshll.u32 s1, $0xD;
	s1 =	sshrl.u32 s1, $0x2  }
0xba: {  	s3 =	sand.u32 $0x4000, s31;
	s1 =	sadd.s32 s1, s30  }
0xbb: {  	s0 =	sor.u32 s3, s0;
	s1 =	sshll.u32 s1, $0x11  }
0xbc: {  	s0 =	sor.u32 s1, s0  }
0xbd: {  	s0 =	sadd.s32 $0x8F2B, s0  }
0xbe: {  	[sflag:s0] =	ssyncadd.remote.s32 $0x1  }
0xbf: {  	_ =	sfence.sel $0xFFFF  }
0xc0: {  	[dreg:$0x0] =	wrdreg $0xFFFFFFFF;
	(pc) =	sbr.abs _section_cstart, $3  }
0xc1: {  	[dreg:$0x1] =	wrdreg $0xFFFFFFFF  }
0xc2: {  	_ =	task.clear_ibuf [dreg:s7], $0x2FFFF;
	_ =	strace $0x9FFFFFFF  }
0xc3: {  	(tm) =	ssettm $0x7FFFFFFF  }
tec
execute0_lowered:
.L_overlay_start_1:
0x0: {  	(tag) =	ssettag $0x1  }
0x1: {  	s0 =	rddreg [dreg:$0x0]  }
0x2: {  	s2 =	rddreg [dreg:$0x1]  }
0x3: {  	s3 =	rddreg [dreg:$0x2]  }
0x4: {  	s1 =	srdreg.scid;
	s12 =	stileid.u32  }
0x5: {  	s4 =	simm.s32 $0x0;
	s28 =	simm.s32 $0x80;
	s29 =	simm.s32 $0x5800  }
0x6: {  	s30 =	simm.s32 $0xD800;
	s31 =	simm.s32 $0x1;
	s10 =	smul.u32 $0x14000, s12  }
0x7: {  	s1 =	sand.u32 $0x1, s1;
	s8 =	smul.u32 $0x5000, s12;
	[smem:$0x7FF] =	sst s4  }
0x8: {  	s5 =	sadd.s32 $0x15400, s0;
	s6 =	sadd.s32 $0xB400, s0;
	s10 =	sshrl.u32 s10, $0x2  }
0x9: {  	s7 =	sadd.s32 $0x1400, s0;
	s11 =	sadd.s32 $0x1F200, s0;
	s10 =	sadd.s32 s10, s3  }
0xa: {  	_ =	strace $0x80000047;
	[dreg:$0x4] =	wrdreg s11;
	s17 =	sadd.s32 $0xA00, s10  }
0xb: {  	s16 =	sshll.u32 s12, $0x1;
	s18 =	sadd.s32 $0x1400, s10;
	[dreg:$0x5] =	wrdreg s17  }
0xc: {  	s9 =	smul.u32 $0x50000, s1;
	s19 =	sadd.s32 $0x1E00, s10;
	[dreg:$0x6] =	wrdreg s18  }
0xd: {  	s14 =	ssub.s32 $0x2, s1;
	s20 =	sadd.s32 $0x2800, s10;
	[dreg:$0x7] =	wrdreg s19  }
0xe: {  	s1 =	sor.u32 s1, s16;
	s21 =	sadd.s32 $0x3200, s10;
	[dreg:$0x8] =	wrdreg s20  }
0xf: {  	s1 =	smul.u32 $0x500, s1;
	s22 =	sadd.s32 $0x3C00, s10;
	[dreg:$0x9] =	wrdreg s21  }
0x10: {  	s15 =	sshrl.u32 s14, $0x1;
	s23 =	sadd.s32 $0x4600, s10;
	[dreg:$0xa] =	wrdreg s22  }
0x11: {  	s9 =	sadd.s32 s8, s9;
	s24 =	sadd.s32 s6, s1;
	[dreg:$0xb] =	wrdreg s23  }
0x12: {  	s11 =	ssub.s32 s14, s15;
	s25 =	sadd.s32 s7, s1;
	[dreg:$0xc] =	wrdreg s24  }
0x13: {  	s9 =	sshrl.u32 s9, $0x3;
	s26 =	smax.u32 s11, $0x1;
	[dreg:$0xd] =	wrdreg s25  }
0x14: {  	s0 =	sadd.s32 s9, s0;
	s9 =	sadd.s32 s8, s3;
	[dreg:$0xf] =	wrdreg s26  }
0x15: {  	s21 =	sor.u32 $0x40, s1;
	s22 =	simm.s32 $0x4;
	s23 =	simm.s32 $0x19800  }
0x16: {  	s24 =	simm.s32 $0x3;
	s1 =	simm.s32 $0x2;
	s0 =	sadd.s32 $0x1FC00, s0  }
0x17: {  	v0 =	vimm.f32 $0.0e+00;
	v57 =	vlaneseq.u32;
	s25 =	simm.s32 $0x0;
	[dreg:$0xe] =	wrdreg s0;
	s0 =	simm.s32 $0x11800  }
.LBB2_1:
0x18: {  	s8 =	rddreg [dreg:$0x4]  }
0x19: {  	[tilespmem:s4], [sflag:$0x4] =	stream.linear.gather [hbm4b:s8+s4], $0x5000, $0x38;
	[tilespmem:$0x1F200] =	vst v63  }
0x1a: {  	_ =	swait.ge [sflag:s22], $0x5000  }
0x1b: {  	[sflag:s22] =	ssyncset.done $0x0  }
0x1c: {  	[sflag:s22] =	ssyncadd.s32 $0xFFFFB000  }
0x1d: {  	[tilespmem:$0x19800] =	vst v0  }
0x1e: {  	[tilespmem:$0x19810] =	vst v0  }
0x1f: {  	[tilespmem:$0x19820] =	vst v0  }
0x20: {  	[tilespmem:$0x19830] =	vst v0  }
0x21: {  	[tilespmem:$0x19840] =	vst v0  }
0x22: {  	[tilespmem:$0x19850] =	vst v0  }
0x23: {  	[tilespmem:$0x19860] =	vst v0  }
0x24: {  	[tilespmem:$0x19870] =	vst v0  }
0x25: {  	[tilespmem:$0x19880] =	vst v0  }
0x26: {  	[tilespmem:$0x19890] =	vst v0  }
0x27: {  	[tilespmem:$0x198A0] =	vst v0  }
0x28: {  	[tilespmem:$0x198B0] =	vst v0  }
0x29: {  	[tilespmem:$0x198C0] =	vst v0  }
0x2a: {  	[tilespmem:$0x198D0] =	vst v0  }
0x2b: {  	[tilespmem:$0x198E0] =	vst v0  }
0x2c: {  	[tilespmem:$0x198F0] =	vst v0  }
0x2d: {  	[tilespmem:$0x19900] =	vst v0  }
0x2e: {  	[tilespmem:$0x19910] =	vst v0  }
0x2f: {  	[tilespmem:$0x19920] =	vst v0  }
0x30: {  	[tilespmem:$0x19930] =	vst v0  }
0x31: {  	[tilespmem:$0x19940] =	vst v0  }
0x32: {  	[tilespmem:$0x19950] =	vst v0  }
0x33: {  	[tilespmem:$0x19960] =	vst v0  }
0x34: {  	[tilespmem:$0x19970] =	vst v0  }
0x35: {  	[tilespmem:$0x19980] =	vst v0  }
0x36: {  	[tilespmem:$0x19990] =	vst v0  }
0x37: {  	[tilespmem:$0x199A0] =	vst v0  }
0x38: {  	[tilespmem:$0x199B0] =	vst v0  }
0x39: {  	[tilespmem:$0x199C0] =	vst v0  }
0x3a: {  	[tilespmem:$0x199D0] =	vst v0  }
0x3b: {  	[tilespmem:$0x199E0] =	vst v0  }
0x3c: {  	s8 =	simm.s32 $0x0;
	[tilespmem:$0x199F0] =	vst v0  }
.LBB2_2:
0x3d: {  	p0 =	sne.s32 s8, $0x1FF80  }
.Ltmp0:
0x3e: {  	_ = 	snop;
	(pc) =	sbr.rel @p0 .LBB2_2-.Ltmp0, $4  }
0x3f: {  	_ = 	snop  }
0x40: {  	s10 =	sshra.s32 s8, $0x2  }
0x41: {  	[tilespmem:s10+$0x11800] =	vst v0  }
0x42: {  	s8 =	sadd.s32 $0x80, s8;
	[tilespmem:s10+$0x11810] =	vst v0  }
0x43: {  	s8 =	simm.s32 $0x80;
	s10 =	simm.s32 $0x0  }
.LBB2_4:
0x44: {  	p0 =	sne.s32 s8, $0x2780;
	[tilespmem:s10+$0x19800] =	vst v0;
	s11 =	smov.u32 s8;
	s8 =	sadd.s32 $0x80, s8  }
.Ltmp1:
0x45: {  	[tilespmem:s10+$0x19810] =	vst v0;
	(pc) =	sbr.rel @p0 .LBB2_4-.Ltmp1, $2  }
0x46: {  	_ =	sdelay $0x2  }
0x47: {  	s10 =	sshra.s32 s11, $0x2  }
0x48: {  	[tilespmem:s10+$0x19800] =	vst v0  }
0x49: {  	[tilespmem:s10+$0x19810] =	vst v0  }
0x4a: {  	[spmem:s9] =	stream.linear.scatter [tilespmem:s23], [sflag:$0x3], $0xA00, $0x38;
	[tilespmem:$0x1F200] =	vst v63  }
0x4b: {  	s8 =	rddreg [dreg:$0x5]  }
0x4c: {  	[spmem:s8] =	stream.linear.scatter [tilespmem:s23], [sflag:$0x3], $0xA00, $0x38;
	[tilespmem:$0x1F200] =	vst v63  }
0x4d: {  	s10 =	rddreg [dreg:$0x6]  }
0x4e: {  	[spmem:s10] =	stream.linear.scatter [tilespmem:s23], [sflag:$0x3], $0xA00, $0x38;
	[tilespmem:$0x1F200] =	vst v63  }
0x4f: {  	s11 =	rddreg [dreg:$0x7]  }
0x50: {  	[spmem:s11] =	stream.linear.scatter [tilespmem:s23], [sflag:$0x3], $0xA00, $0x38;
	[tilespmem:$0x1F200] =	vst v63  }
0x51: {  	s12 =	rddreg [dreg:$0x8]  }
0x52: {  	[spmem:s12] =	stream.linear.scatter [tilespmem:s23], [sflag:$0x3], $0xA00, $0x38;
	[tilespmem:$0x1F200] =	vst v63  }
0x53: {  	s13 =	rddreg [dreg:$0x9]  }
0x54: {  	[spmem:s13] =	stream.linear.scatter [tilespmem:s23], [sflag:$0x3], $0xA00, $0x38;
	[tilespmem:$0x1F200] =	vst v63  }
0x55: {  	s14 =	rddreg [dreg:$0xa]  }
0x56: {  	[spmem:s14] =	stream.linear.scatter [tilespmem:s23], [sflag:$0x3], $0xA00, $0x38;
	[tilespmem:$0x1F200] =	vst v63  }
0x57: {  	s15 =	rddreg [dreg:$0xb]  }
0x58: {  	[spmem:s15] =	stream.linear.scatter [tilespmem:s23], [sflag:$0x3], $0xA00, $0x38;
	[tilespmem:$0x1F200] =	vst v63  }
0x59: {  	_ =	swait.ge [sflag:s24], $0xA00  }
0x5a: {  	[sflag:s24] =	ssyncset.done $0x0  }
0x5b: {  	[sflag:s24] =	ssyncadd.s32 $0xFFFFF600  }
0x5c: {  	_ =	swait.ge [sflag:s24], $0xA00  }
0x5d: {  	[sflag:s24] =	ssyncset.done $0x0  }
0x5e: {  	[sflag:s24] =	ssyncadd.s32 $0xFFFFF600  }
0x5f: {  	_ =	swait.ge [sflag:s24], $0xA00  }
0x60: {  	[sflag:s24] =	ssyncset.done $0x0  }
0x61: {  	[sflag:s24] =	ssyncadd.s32 $0xFFFFF600  }
0x62: {  	_ =	swait.ge [sflag:s24], $0xA00  }
0x63: {  	[sflag:s24] =	ssyncset.done $0x0  }
0x64: {  	[sflag:s24] =	ssyncadd.s32 $0xFFFFF600  }
0x65: {  	_ =	swait.ge [sflag:s24], $0xA00  }
0x66: {  	[sflag:s24] =	ssyncset.done $0x0  }
0x67: {  	[sflag:s24] =	ssyncadd.s32 $0xFFFFF600  }
0x68: {  	_ =	swait.ge [sflag:s24], $0xA00  }
0x69: {  	[sflag:s24] =	ssyncset.done $0x0  }
0x6a: {  	[sflag:s24] =	ssyncadd.s32 $0xFFFFF600  }
0x6b: {  	_ =	swait.ge [sflag:s24], $0xA00  }
0x6c: {  	[sflag:s24] =	ssyncset.done $0x0  }
0x6d: {  	[sflag:s24] =	ssyncadd.s32 $0xFFFFF600  }
0x6e: {  	_ =	swait.ge [sflag:s24], $0xA00  }
0x6f: {  	[sflag:s24] =	ssyncset.done $0x0  }
0x70: {  	[sflag:s24] =	ssyncadd.s32 $0xFFFFF600  }
0x71: {  	[bflag:$0x0] =	sbarrier.arrive $0xFFFF  }
0x72: {  	s26 =	simm.s32 $0x0;
	s17 =	simm.s32 $0x5000;
	s16 =	rddreg [dreg:$0xc]  }
0x73: {  	[tilespmem:s17], [sflag:$0x4] =	stream.linear.gather [hbm4b:s16+s26], $0x200, $0x38;
	[tilespmem:$0x1F200] =	vst v63  }
0x74: {  	_ =	swait.ge [sflag:s22], $0x200  }
0x75: {  	[sflag:s22] =	ssyncset.done $0x0  }
0x76: {  	s11 =	simm.s32 $0x5400;
	s18 =	rddreg [dreg:$0xd];
	[sflag:s22] =	ssyncadd.s32 $0xFFFFFE00  }
0x77: {  	[tilespmem:s11], [sflag:$0x4] =	stream.linear.gather [hbm4b:s18+s26], $0x200, $0x38;
	[tilespmem:$0x1F200] =	vst v63  }
0x78: {  	_ =	swait.ge [sflag:s22], $0x200  }
0x79: {  	[sflag:s22] =	ssyncset.done $0x0  }
0x7a: {  	[sflag:s22] =	ssyncadd.s32 $0xFFFFFE00  }
0x7b: {  	[tilespmem:s29], [sflag:$0x1] =	stream.indirect.gather [hbm4b:s5+s28], $0x20, s17, s28, $0xb8;
	[tilespmem:$0x1F200] =	vst v63  }
0x7c: {  	_ = 	snop  }
0x7d: {  	[tilespmem:s30], [sflag:$0x1] =	stream.indirect.gather [hbm4b:s2+s28], $0x10, s11, s28, $0xb8;
	[tilespmem:$0x1F200] =	vst v63  }
0x7e: {  	s19 =	simm.s32 $0x5080;
	s20 =	simm.s32 $0x6800  }
0x7f: {  	[tilespmem:s20], [sflag:$0x1] =	stream.indirect.gather [hbm4b:s5+s28], $0x20, s19, s28, $0xb8;
	[tilespmem:$0x1F200] =	vst v63  }
0x80: {  	s12 =	simm.s32 $0xE000;
	s11 =	simm.s32 $0x5480  }
0x81: {  	[tilespmem:s12], [sflag:$0x1] =	stream.indirect.gather [hbm4b:s2+s28], $0x10, s11, s28, $0xb8;
	[tilespmem:$0x1F200] =	vst v63  }
0x82: {  	s13 =	simm.s32 $0x5100;
	s14 =	simm.s32 $0x7800  }
0x83: {  	[tilespmem:s14], [sflag:$0x1] =	stream.indirect.gather [hbm4b:s5+s28], $0x20, s13, s28, $0xb8;
	[tilespmem:$0x1F200] =	vst v63  }
0x84: {  	s15 =	simm.s32 $0x5500;
	s16 =	simm.s32 $0xE800  }
0x85: {  	[tilespmem:s16], [sflag:$0x1] =	stream.indirect.gather [hbm4b:s2+s28], $0x10, s15, s28, $0xb8;
	[tilespmem:$0x1F200] =	vst v63  }
0x86: {  	s18 =	simm.s32 $0x8800;
	s17 =	simm.s32 $0x5180  }
0x87: {  	[tilespmem:s18], [sflag:$0x1] =	stream.indirect.gather [hbm4b:s5+s28], $0x20, s17, s28, $0xb8;
	[tilespmem:$0x1F200] =	vst v63  }
0x88: {  	p0 =	por $0x0, $0x0;
	s19 =	simm.s32 $0x5580;
	s20 =	simm.s32 $0xF000  }
0x89: {  	[tilespmem:s20], [sflag:$0x1] =	stream.indirect.gather [hbm4b:s2+s28], $0x10, s19, s28, $0xb8;
	[tilespmem:$0x1F200] =	vst v63  }
.LBB2_6:
0x8a: {  	p1 =	seq.s32 s26, $0x0  }
0x8b: {  	s12 =	simm.s32 @!p1 $0x2  }
0x8c: {  	_ =	swait.ge @!p1 [sflag:s12], $0x1000  }
0x8d: {  	[sflag:s12] =	ssyncset.done @!p1 $0x0  }
0x8e: {  	[sflag:s12] =	ssyncadd.s32 @!p1 $0xFFFFF000  }
0x8f: {  	_ =	swait.ge @!p1 [sflag:s12], $0x1000  }
0x90: {  	[sflag:s12] =	ssyncset.done @!p1 $0x0  }
0x91: {  	[sflag:s12] =	ssyncadd.s32 @!p1 $0xFFFFF000  }
0x92: {  	_ =	swait.ge @!p1 [sflag:s12], $0x1000  }
0x93: {  	[sflag:s12] =	ssyncset.done @!p1 $0x0  }
0x94: {  	[sflag:s12] =	ssyncadd.s32 @!p1 $0xFFFFF000  }
0x95: {  	p2 =	seq.s32 @!p1 s26, $0x13;
	_ =	swait.ge @!p1 [sflag:s12], $0x1000  }
0x96: {  	s8 =	sand.u32 $0x1, s26;
	p2 =	por p1, !p2;
	[sflag:s12] =	ssyncset.done @!p1 $0x0  }
0x97: {  	s11 =	sxor.u32 $0x1, s8;
	[sflag:s12] =	ssyncadd.s32 @!p1 $0xFFFFF000;
	s12 =	sshll.u32 @p2 s26, $0x6  }
0x98: {  	s10 =	sshll.u32 s11, $0x9;
	s12 =	sadd.s32 @p2 s21, s12  }
0x99: {  	s13 =	sor.u32 @p2 $0x5000, s10;
	s14 =	sadd.s32 @p2 s6, s12  }
0x9a: {  	[tilespmem:s13], [sflag:$0x3] =	stream.linear.gather @p2 [hbm4b:s14+s4], $0x200, $0x38;
	[tilespmem:$0x1F200] =	vst v63  }
0x9b: {  	s12 =	sadd.s32 @p2 s7, s12;
	s13 =	sor.u32 @p2 $0x5400, s10  }
0x9c: {  	[tilespmem:s13], [sflag:$0x3] =	stream.linear.gather @p2 [hbm4b:s12+s4], $0x200, $0x38;
	[tilespmem:$0x1F200] =	vst v63  }
0x9d: {  	_ =	swait.ge [sflag:s31], $0x1000  }
0x9e: {  	[sflag:s31] =	ssyncset.done $0x0  }
0x9f: {  	[sflag:s31] =	ssyncadd.s32 $0xFFFFF000  }
0xa0: {  	_ =	swait.ge [sflag:s31], $0x800  }
0xa1: {  	[sflag:s31] =	ssyncset.done $0x0  }
0xa2: {  	[sflag:s31] =	ssyncadd.s32 $0xFFFFF800  }
0xa3: {  	_ =	swait.ge [sflag:s31], $0x1000  }
0xa4: {  	[sflag:s31] =	ssyncset.done $0x0  }
0xa5: {  	[sflag:s31] =	ssyncadd.s32 $0xFFFFF000  }
0xa6: {  	_ =	swait.ge [sflag:s31], $0x800  }
0xa7: {  	[sflag:s31] =	ssyncset.done $0x0  }
0xa8: {  	[sflag:s31] =	ssyncadd.s32 $0xFFFFF800  }
0xa9: {  	_ =	swait.ge [sflag:s31], $0x1000  }
0xaa: {  	s12 =	simm.s32 $0x1;
	[sflag:s31] =	ssyncset.done $0x0  }
0xab: {  	s12 =	simm.s32 @!p0 $0x0;
	[sflag:s31] =	ssyncadd.s32 $0xFFFFF000  }
0xac: {  	s13 =	sshll.u32 s12, $0x9;
	_ =	swait.ge [sflag:s31], $0x800  }
0xad: {  	s19 =	sor.u32 $0x20, s13;
	[sflag:s31] =	ssyncset.done $0x0  }
0xae: {  	s20 =	sadd.s32 $0xFFFFFFF0, s19;
	[sflag:s31] =	ssyncadd.s32 $0xFFFFF800  }
0xaf: {  	v0 =	vor.u32 s20, v57;
	_ =	swait.ge [sflag:s31], $0x1000  }
0xb0: {  	v2 =	vshll.u32 v0, $0x4;
	[sflag:s31] =	ssyncset.done $0x0  }
0xb1: {  	v1 =	vshll.u32 v0, $0x5;
	v3 =	vor.u32 $0x1, v2;
	[sflag:s31] =	ssyncadd.s32 $0xFFFFF000  }
0xb2: {  	v0 =	vor.u32 $0x14, v1;
	_ =	swait.ge [sflag:s31], $0x800  }
0xb3: {  	v4 =	vor.u32 $0x15, v1;
	[sflag:s31] =	ssyncset.done $0x0  }
0xb4: {  	v5 =	vor.u32 $0x2, v2;
	[sflag:s31] =	ssyncadd.s32 $0xFFFFF800  }
0xb5: {  	v6 =	vor.u32 $0x16, v1;
	v2 =	vld.idx.msk [tilespmem:v2+s30+$0x0], $0xffff  }
0xb6: {  	v3 =	vld.idx.msk [tilespmem:v3+s30+$0x0], $0xffff  }
0xb7: {  	v0 =	vld.idx.msk [tilespmem:v0+s29+$0x0], $0xffff  }
0xb8: {  	v4 =	vld.idx.msk [tilespmem:v4+s29+$0x0], $0xffff  }
0xb9: {  	v5 =	vld.idx.msk [tilespmem:v5+s30+$0x0], $0xffff  }
0xba: {  	v6 =	vld.idx.msk [tilespmem:v6+s29+$0x0], $0xffff;
	_ =	sdelay $0x2  }
0xbb: {  	v0 =	vsub.f32 v2, v0;
	v2 =	vsub.f32 v3, v4;
	_ =	sdelay $0x1  }
0xbc: {  	v3 =	vsub.f32 v5, v6;
	v0 =	vmul.f32 v0, v0;
	v2 =	vmul.f32 v2, v2;
	_ =	sdelay $0x1  }
0xbd: {  	v0 =	vadd.f32 v2, v0;
	v2 =	vmul.f32 v3, v3;
	_ =	sdelay $0x1  }
0xbe: {  	v0 =	vadd.f32 v2, v0;
	_ =	sdelay $0x1  }
0xbf: {  	v0 =	vmax.f32 v0, $1.000000020e-24  }
0xc0: {  	v2 =	vshra.s32 v0, $0x1;
	v3 =	vmul.f32 $5.000000000e-01, v0  }
0xc1: {  	v2 =	vsub.s32 $0x5F3759DF, v2  }
0xc2: {  	s15 =	sadd.s32 $0xFFFFFFE0, s19;
	v4 =	vmul.f32 v2, v3  }
0xc3: {  	v6 =	vor.u32 s15, v57  }
0xc4: {  	v9 =	vshll.u32 v6, $0x4;
	v4 =	vmul.f32 v2, v4  }
0xc5: {  	v6 =	vshll.u32 v6, $0x5;
	v7 =	vor.u32 $0x1, v9  }
0xc6: {  	v10 =	vor.u32 $0x14, v6;
	v4 =	vsub.f32 $1.500000000e+00, v4  }
0xc7: {  	v11 =	vor.u32 $0x15, v6  }
0xc8: {  	v5 =	vor.u32 s19, v57;
	v12 =	vor.u32 $0x2, v9;
	v2 =	vmul.f32 v2, v4  }
0xc9: {  	v8 =	vshll.u32 v5, $0x4;
	v13 =	vor.u32 $0x16, v6;
	v9 =	vld.idx.msk [tilespmem:v9+s30+$0x0], $0xffff  }
0xca: {  	v14 =	vld.idx.msk [tilespmem:v7+s30+$0x0], $0xffff;
	v7 =	vshll.u32 v5, $0x5;
	v5 =	vor.u32 $0x1, v8;
	v15 =	vmul.f32 v2, v3  }
0xcb: {  	v10 =	vld.idx.msk [tilespmem:v10+s29+$0x0], $0xffff  }
0xcc: {  	v11 =	vld.idx.msk [tilespmem:v11+s29+$0x0], $0xffff;
	v17 =	vor.u32 $0x15, v7;
	v15 =	vmul.f32 v15, v2  }
0xcd: {  	v12 =	vld.idx.msk [tilespmem:v12+s30+$0x0], $0xffff;
	v16 =	vor.u32 $0x14, v7  }
0xce: {  	v13 =	vld.idx.msk [tilespmem:v13+s29+$0x0], $0xffff;
	v15 =	vsub.f32 $1.500000000e+00, v15  }
0xcf: {  	v18 =	vor.u32 $0x16, v7;
	v5 =	vld.idx.msk [tilespmem:v5+s30+$0x0], $0xffff  }
0xd0: {  	v4 =	vld.idx.msk [tilespmem:v8+s30+$0x0], $0xffff;
	v8 =	vor.u32 $0x2, v8;
	v2 =	vmul.f32 v15, v2  }
0xd1: {  	v11 =	vsub.f32 v14, v11;
	v14 =	vld.idx.msk [tilespmem:v17+s29+$0x0], $0xffff  }
0xd2: {  	v9 =	vsub.f32 v9, v10;
	v15 =	vld.idx.msk [tilespmem:v16+s29+$0x0], $0xffff;
	v3 =	vmul.f32 v2, v3  }
0xd3: {  	v10 =	vmul.f32 v11, v11  }
0xd4: {  	v9 =	vmul.f32 v9, v9;
	v11 =	vsub.f32 v12, v13;
	v12 =	vld.idx.msk [tilespmem:v18+s29+$0x0], $0xffff;
	v3 =	vmul.f32 v3, v2  }
0xd5: {  	v8 =	vld.idx.msk [tilespmem:v8+s30+$0x0], $0xffff  }
0xd6: {  	v9 =	vadd.f32 v10, v9;
	v10 =	vmul.f32 v11, v11;
	v3 =	vsub.f32 $1.500000000e+00, v3  }
0xd7: {  	v5 =	vsub.f32 v5, v14;
	v4 =	vsub.f32 v4, v15  }
0xd8: {  	v9 =	vadd.f32 v10, v9;
	v2 =	vmul.f32 v3, v2  }
0xd9: {  	v3 =	vmul.f32 v4, v4;
	v4 =	vmul.f32 v5, v5  }
0xda: {  	v5 =	vsub.f32 v8, v12;
	v8 =	vmax.f32 v9, $1.000000020e-24;
	v0 =	vmul.f32 v2, v0  }
0xdb: {  	v2 =	vadd.f32 v4, v3;
	v3 =	vshra.s32 v8, $0x1;
	v4 =	vmul.f32 $5.000000000e-01, v8  }
0xdc: {  	v5 =	vmul.f32 v5, v5;
	v3 =	vsub.s32 $0x5F3759DF, v3;
	v0 =	vmul.f32 $6.400000000e+01, v0  }
0xdd: {  	v9 =	vmul.f32 v3, v4  }
0xde: {  	v2 =	vadd.f32 v5, v2;
	v0 =	vmin.f32 v0, $5.115000000e+02  }
0xdf: {  	v5 =	vmul.f32 v3, v9;
	v9 =	vtrunc.f32 v0  }
0xe0: {  	v10 =	vmax.f32 v2, $1.000000020e-24;
	v9 =	vcvt.f32.s32 v9  }
0xe1: {  	v2 =	vshra.s32 v10, $0x1;
	v11 =	vmul.f32 $5.000000000e-01, v10;
	v5 =	vsub.f32 $1.500000000e+00, v5  }
0xe2: {  	v12 =	vsub.s32 $0x5F3759DF, v2;
	v2 =	vmul.u32 $0x28, v9  }
0xe3: {  	v13 =	vmul.f32 v12, v11;
	v3 =	vmul.f32 v3, v5  }
0xe4: {  	v5 =	vadd.s32 $0x14, v2  }
0xe5: {  	v13 =	vmul.f32 v12, v13;
	v14 =	vmul.f32 v3, v4;
	_ =	sdelay $0x1  }
0xe6: {  	v13 =	vsub.f32 $1.500000000e+00, v13;
	v14 =	vmul.f32 v14, v3  }
0xe7: {  	s12 =	simm.s32 $0x0  }
0xe8: {  	v12 =	vmul.f32 v12, v13;
	v13 =	vsub.f32 $1.500000000e+00, v14;
	v5 =	vld.idx.msk [tilespmem:v5+s12+$0x0], $0xffff  }
0xe9: {  	v9 =	vcvt.s32.f32 v9  }
0xea: {  	v14 =	vmul.f32 v12, v11;
	v3 =	vmul.f32 v13, v3;
	v13 =	vld.idx.msk [tilespmem:v2+s12+$0x0], $0xffff  }
0xeb: {  	v0 =	vsub.f32 v0, v9  }
0xec: {  	v9 =	vmul.f32 v14, v12;
	v14 =	vld.idx.msk [tilespmem:v1+s29+$0x0], $0xffff;
	v4 =	vmul.f32 v3, v4  }
0xed: {  	v5 =	vmul.f32 v0, v5  }
0xee: {  	v9 =	vsub.f32 $1.500000000e+00, v9;
	v4 =	vmul.f32 v4, v3  }
0xef: {  	v5 =	vadd.f32 v5, v13;
	v13 =	vadd.s32 $0x15, v2  }
0xf0: {  	v9 =	vmul.f32 v9, v12;
	v4 =	vsub.f32 $1.500000000e+00, v4  }
0xf1: {  	v12 =	vor.u32 $0x1, v2;
	v5 =	vmul.f32 v5, v14  }
0xf2: {  	v11 =	vmul.f32 v9, v11;
	v3 =	vmul.f32 v4, v3  }
0xf3: {  	v4 =	vor.u32 $0x1, v1;
	[tilespmem:v1+s0+$0x0] =	vst.idx.msk $0xffff, v5  }
0xf4: {  	v5 =	vmul.f32 v11, v9;
	v3 =	vmul.f32 v3, v8;
	v8 =	vld.idx.msk [tilespmem:v13+s12+$0x0], $0xffff;
	_ =	sdelay $0x1  }
0xf5: {  	v11 =	vld.idx.msk [tilespmem:v12+s12+$0x0], $0xffff;
	v5 =	vsub.f32 $1.500000000e+00, v5;
	v3 =	vmul.f32 $6.400000000e+01, v3;
	_ =	sdelay $0x1  }
0xf6: {  	v5 =	vmul.f32 v5, v9;
	v3 =	vmin.f32 v3, $5.115000000e+02;
	v9 =	vld.idx.msk [tilespmem:v4+s29+$0x0], $0xffff  }
0xf7: {  	v12 =	vtrunc.f32 v3;
	v8 =	vmul.f32 v0, v8  }
0xf8: {  	v5 =	vmul.f32 v5, v10;
	v10 =	vcvt.f32.s32 v12  }
0xf9: {  	v12 =	vadd.s32 $0x16, v2;
	v8 =	vadd.f32 v8, v11  }
0xfa: {  	v5 =	vmul.f32 $6.400000000e+01, v5;
	v11 =	vmul.u32 $0x28, v10  }
0xfb: {  	v8 =	vmul.f32 v8, v9;
	v9 =	vor.u32 $0x2, v2  }
0xfc: {  	v5 =	vmin.f32 v5, $5.115000000e+02;
	v13 =	vadd.s32 $0x14, v11  }
0xfd: {  	v14 =	vtrunc.f32 v5;
	[tilespmem:v4+s0+$0x0] =	vst.idx.msk $0xffff, v8;
	v4 =	vor.u32 $0x2, v1  }
0xfe: {  	v8 =	vcvt.f32.s32 v14;
	v14 =	vld.idx.msk [tilespmem:v12+s12+$0x0], $0xffff;
	_ =	sdelay $0x1  }
0xff: {  	v12 =	vmul.u32 $0x28, v8;
	v15 =	vld.idx.msk [tilespmem:v9+s12+$0x0], $0xffff  }
0x100: {  	v13 =	vld.idx.msk [tilespmem:v13+s12+$0x0], $0xffff  }
0x101: {  	v9 =	vcvt.s32.f32 v10;
	v10 =	vadd.s32 $0x14, v12;
	v16 =	vld.idx.msk [tilespmem:v4+s29+$0x0], $0xffff  }
0x102: {  	v17 =	vld.idx.msk [tilespmem:v11+s12+$0x0], $0xffff;
	v14 =	vmul.f32 v0, v14  }
0x103: {  	v59 =	vsub.f32 v3, v9  }
0x104: {  	v3 =	vld.idx.msk [tilespmem:v6+s29+$0x0], $0xffff;
	v14 =	vadd.f32 v14, v15;
	v15 =	vadd.s32 $0x17, v2  }
0x105: {  	v13 =	vmul.f32 v59, v13  }
0x106: {  	v10 =	vld.idx.msk [tilespmem:v10+s12+$0x0], $0xffff;
	v14 =	vmul.f32 v14, v16;
	v16 =	vor.u32 $0x3, v2  }
0x107: {  	v18 =	vadd.s32 $0x15, v11;
	v8 =	vcvt.s32.f32 v8;
	v13 =	vadd.f32 v13, v17  }
0x108: {  	v17 =	vld.idx.msk [tilespmem:v12+s12+$0x0], $0xffff;
	[tilespmem:v4+s0+$0x0] =	vst.idx.msk $0xffff, v14;
	v4 =	vor.u32 $0x3, v1  }
0x109: {  	v8 =	vsub.f32 v5, v8;
	v5 =	vor.u32 $0x1, v11;
	v3 =	vmul.f32 v13, v3;
	v13 =	vld.idx.msk [tilespmem:v15+s12+$0x0], $0xffff  }
0x10a: {  	v14 =	vld.idx.msk [tilespmem:v7+s29+$0x0], $0xffff  }
0x10b: {  	v15 =	vor.u32 $0x1, v6;
	v10 =	vmul.f32 v8, v10;
	[tilespmem:v6+s0+$0x0] =	vst.idx.msk $0xffff, v3;
	v3 =	vld.idx.msk [tilespmem:v16+s12+$0x0], $0xffff  }
0x10c: {  	v16 =	vld.idx.msk [tilespmem:v18+s12+$0x0], $0xffff  }
0x10d: {  	v18 =	vadd.s32 $0x15, v12;
	v10 =	vadd.f32 v10, v17;
	v17 =	vld.idx.msk [tilespmem:v4+s29+$0x0], $0xffff  }
0x10e: {  	v5 =	vld.idx.msk [tilespmem:v5+s12+$0x0], $0xffff;
	v13 =	vmul.f32 v0, v13  }
0x10f: {  	v19 =	vor.u32 $0x1, v12;
	v10 =	vmul.f32 v10, v14  }
0x110: {  	v14 =	vld.idx.msk [tilespmem:v15+s29+$0x0], $0xffff;
	v3 =	vadd.f32 v13, v3;
	v13 =	vadd.s32 $0x18, v2  }
0x111: {  	v20 =	vor.u32 $0x1, v7;
	[tilespmem:v7+s0+$0x0] =	vst.idx.msk $0xffff, v10;
	v10 =	vmul.f32 v59, v16  }
0x112: {  	v16 =	vld.idx.msk [tilespmem:v18+s12+$0x0], $0xffff;
	v3 =	vmul.f32 v3, v17;
	v17 =	vor.u32 $0x4, v2  }
0x113: {  	v18 =	vadd.s32 $0x16, v11;
	v5 =	vadd.f32 v10, v5  }
0x114: {  	v10 =	vld.idx.msk [tilespmem:v19+s12+$0x0], $0xffff;
	[tilespmem:v4+s0+$0x0] =	vst.idx.msk $0xffff, v3;
	v3 =	vor.u32 $0x4, v1  }
0x115: {  	v4 =	vor.u32 $0x2, v11;
	v5 =	vmul.f32 v5, v14;
	v13 =	vld.idx.msk [tilespmem:v13+s12+$0x0], $0xffff  }
0x116: {  	v14 =	vld.idx.msk [tilespmem:v20+s29+$0x0], $0xffff  }
0x117: {  	v19 =	vor.u32 $0x2, v6;
	v16 =	vmul.f32 v8, v16;
	[tilespmem:v15+s0+$0x0] =	vst.idx.msk $0xffff, v5;
	v5 =	vld.idx.msk [tilespmem:v17+s12+$0x0], $0xffff  }
0x118: {  	v15 =	vld.idx.msk [tilespmem:v18+s12+$0x0], $0xffff  }
0x119: {  	v17 =	vadd.s32 $0x16, v12;
	v10 =	vadd.f32 v16, v10;
	v16 =	vld.idx.msk [tilespmem:v3+s29+$0x0], $0xffff  }
0x11a: {  	v4 =	vld.idx.msk [tilespmem:v4+s12+$0x0], $0xffff;
	v13 =	vmul.f32 v0, v13  }
0x11b: {  	v18 =	vor.u32 $0x2, v12;
	v10 =	vmul.f32 v10, v14  }
0x11c: {  	v14 =	vld.idx.msk [tilespmem:v19+s29+$0x0], $0xffff;
	v5 =	vadd.f32 v13, v5;
	v13 =	vadd.s32 $0x19, v2  }
0x11d: {  	v21 =	vor.u32 $0x2, v7;
	[tilespmem:v20+s0+$0x0] =	vst.idx.msk $0xffff, v10;
	v10 =	vmul.f32 v59, v15  }
0x11e: {  	v15 =	vld.idx.msk [tilespmem:v17+s12+$0x0], $0xffff;
	v5 =	vmul.f32 v5, v16;
	v16 =	vor.u32 $0x5, v2  }
0x11f: {  	v17 =	vadd.s32 $0x17, v11;
	v4 =	vadd.f32 v10, v4  }
0x120: {  	v10 =	vld.idx.msk [tilespmem:v18+s12+$0x0], $0xffff;
	[tilespmem:v3+s0+$0x0] =	vst.idx.msk $0xffff, v5;
	v3 =	vor.u32 $0x5, v1  }
0x121: {  	v5 =	vor.u32 $0x3, v11;
	v4 =	vmul.f32 v4, v14;
	v13 =	vld.idx.msk [tilespmem:v13+s12+$0x0], $0xffff  }
0x122: {  	v14 =	vld.idx.msk [tilespmem:v21+s29+$0x0], $0xffff  }
0x123: {  	v18 =	vor.u32 $0x3, v6;
	v15 =	vmul.f32 v8, v15;
	[tilespmem:v19+s0+$0x0] =	vst.idx.msk $0xffff, v4;
	v4 =	vld.idx.msk [tilespmem:v16+s12+$0x0], $0xffff  }
0x124: {  	v16 =	vld.idx.msk [tilespmem:v17+s12+$0x0], $0xffff  }
0x125: {  	v17 =	vadd.s32 $0x17, v12;
	v10 =	vadd.f32 v15, v10;
	v15 =	vld.idx.msk [tilespmem:v3+s29+$0x0], $0xffff  }
0x126: {  	v5 =	vld.idx.msk [tilespmem:v5+s12+$0x0], $0xffff;
	v13 =	vmul.f32 v0, v13  }
0x127: {  	v19 =	vor.u32 $0x3, v12;
	v10 =	vmul.f32 v10, v14  }
0x128: {  	v14 =	vld.idx.msk [tilespmem:v18+s29+$0x0], $0xffff;
	v4 =	vadd.f32 v13, v4;
	v13 =	vadd.s32 $0x1A, v2  }
0x129: {  	v20 =	vor.u32 $0x3, v7;
	[tilespmem:v21+s0+$0x0] =	vst.idx.msk $0xffff, v10;
	v10 =	vmul.f32 v59, v16  }
0x12a: {  	v16 =	vld.idx.msk [tilespmem:v17+s12+$0x0], $0xffff;
	v4 =	vmul.f32 v4, v15;
	v15 =	vor.u32 $0x6, v2  }
0x12b: {  	v17 =	vadd.s32 $0x18, v11;
	v5 =	vadd.f32 v10, v5  }
0x12c: {  	v10 =	vld.idx.msk [tilespmem:v19+s12+$0x0], $0xffff;
	[tilespmem:v3+s0+$0x0] =	vst.idx.msk $0xffff, v4;
	v3 =	vor.u32 $0x6, v1  }
0x12d: {  	v4 =	vor.u32 $0x4, v11;
	v5 =	vmul.f32 v5, v14;
	v13 =	vld.idx.msk [tilespmem:v13+s12+$0x0], $0xffff  }
0x12e: {  	v14 =	vld.idx.msk [tilespmem:v20+s29+$0x0], $0xffff  }
0x12f: {  	v19 =	vor.u32 $0x4, v6;
	v16 =	vmul.f32 v8, v16;
	[tilespmem:v18+s0+$0x0] =	vst.idx.msk $0xffff, v5;
	v5 =	vld.idx.msk [tilespmem:v15+s12+$0x0], $0xffff  }
0x130: {  	v15 =	vld.idx.msk [tilespmem:v17+s12+$0x0], $0xffff  }
0x131: {  	v17 =	vadd.s32 $0x18, v12;
	v10 =	vadd.f32 v16, v10;
	v16 =	vld.idx.msk [tilespmem:v3+s29+$0x0], $0xffff  }
0x132: {  	v4 =	vld.idx.msk [tilespmem:v4+s12+$0x0], $0xffff;
	v13 =	vmul.f32 v13, v0  }
0x133: {  	v18 =	vor.u32 $0x4, v12;
	v10 =	vmul.f32 v10, v14  }
0x134: {  	v14 =	vld.idx.msk [tilespmem:v19+s29+$0x0], $0xffff;
	v5 =	vadd.f32 v13, v5;
	v13 =	vadd.s32 $0x1B, v2  }
0x135: {  	v21 =	vor.u32 $0x4, v7;
	[tilespmem:v20+s0+$0x0] =	vst.idx.msk $0xffff, v10;
	v10 =	vmul.f32 v59, v15  }
0x136: {  	v15 =	vld.idx.msk [tilespmem:v17+s12+$0x0], $0xffff;
	v5 =	vmul.f32 v5, v16;
	v16 =	vor.u32 $0x7, v2  }
0x137: {  	v17 =	vadd.s32 $0x19, v11;
	v4 =	vadd.f32 v10, v4  }
0x138: {  	v10 =	vld.idx.msk [tilespmem:v18+s12+$0x0], $0xffff;
	[tilespmem:v3+s0+$0x0] =	vst.idx.msk $0xffff, v5;
	v3 =	vor.u32 $0x7, v1  }
0x139: {  	v5 =	vor.u32 $0x5, v11;
	v4 =	vmul.f32 v4, v14;
	v13 =	vld.idx.msk [tilespmem:v13+s12+$0x0], $0xffff  }
0x13a: {  	v14 =	vld.idx.msk [tilespmem:v21+s29+$0x0], $0xffff  }
0x13b: {  	v18 =	vor.u32 $0x5, v6;
	v15 =	vmul.f32 v8, v15;
	[tilespmem:v19+s0+$0x0] =	vst.idx.msk $0xffff, v4;
	v16 =	vld.idx.msk [tilespmem:v16+s12+$0x0], $0xffff  }
0x13c: {  	v4 =	vld.idx.msk [tilespmem:v17+s12+$0x0], $0xffff  }
0x13d: {  	v17 =	vadd.s32 $0x19, v12;
	v10 =	vadd.f32 v15, v10;
	v15 =	vld.idx.msk [tilespmem:v3+s29+$0x0], $0xffff  }
0x13e: {  	v5 =	vld.idx.msk [tilespmem:v5+s12+$0x0], $0xffff;
	v13 =	vmul.f32 v13, v0  }
0x13f: {  	v19 =	vor.u32 $0x5, v12;
	v10 =	vmul.f32 v10, v14  }
0x140: {  	v14 =	vadd.s32 $0x1C, v2;
	v13 =	vadd.f32 v13, v16;
	v16 =	vld.idx.msk [tilespmem:v18+s29+$0x0], $0xffff  }
0x141: {  	v20 =	vor.u32 $0x5, v7;
	[tilespmem:v21+s0+$0x0] =	vst.idx.msk $0xffff, v10;
	v4 =	vmul.f32 v59, v4  }
0x142: {  	v10 =	vld.idx.msk [tilespmem:v17+s12+$0x0], $0xffff;
	v13 =	vmul.f32 v13, v15;
	v15 =	vadd.s32 $0x8, v2  }
0x143: {  	v17 =	vadd.s32 $0x1A, v11;
	v4 =	vadd.f32 v4, v5  }
0x144: {  	v5 =	vld.idx.msk [tilespmem:v19+s12+$0x0], $0xffff;
	[tilespmem:v3+s0+$0x0] =	vst.idx.msk $0xffff, v13;
	v3 =	vor.u32 $0x8, v1  }
0x145: {  	v13 =	vor.u32 $0x6, v11;
	v14 =	vld.idx.msk [tilespmem:v14+s12+$0x0], $0xffff;
	v4 =	vmul.f32 v4, v16  }
0x146: {  	v16 =	vld.idx.msk [tilespmem:v20+s29+$0x0], $0xffff  }
0x147: {  	v19 =	vor.u32 $0x6, v6;
	v10 =	vmul.f32 v8, v10;
	v15 =	vld.idx.msk [tilespmem:v15+s12+$0x0], $0xffff;
	[tilespmem:v18+s0+$0x0] =	vst.idx.msk $0xffff, v4  }
0x148: {  	v4 =	vld.idx.msk [tilespmem:v17+s12+$0x0], $0xffff  }
0x149: {  	v17 =	vadd.s32 $0x1A, v12;
	v5 =	vadd.f32 v10, v5;
	v10 =	vld.idx.msk [tilespmem:v3+s29+$0x0], $0xffff  }
0x14a: {  	v13 =	vld.idx.msk [tilespmem:v13+s12+$0x0], $0xffff;
	v14 =	vmul.f32 v14, v0  }
0x14b: {  	v18 =	vor.u32 $0x6, v12;
	v5 =	vmul.f32 v5, v16  }
0x14c: {  	v16 =	vld.idx.msk [tilespmem:v19+s29+$0x0], $0xffff;
	v14 =	vadd.f32 v14, v15;
	v15 =	vadd.s32 $0x1D, v2  }
0x14d: {  	v21 =	vor.u32 $0x6, v7;
	[tilespmem:v20+s0+$0x0] =	vst.idx.msk $0xffff, v5;
	v4 =	vmul.f32 v4, v59  }
0x14e: {  	v5 =	vld.idx.msk [tilespmem:v17+s12+$0x0], $0xffff;
	v10 =	vmul.f32 v14, v10;
	v14 =	vadd.s32 $0x9, v2  }
0x14f: {  	v17 =	vadd.s32 $0x1B, v11;
	v4 =	vadd.f32 v4, v13  }
0x150: {  	v13 =	vld.idx.msk [tilespmem:v18+s12+$0x0], $0xffff;
	[tilespmem:v3+s0+$0x0] =	vst.idx.msk $0xffff, v10;
	v3 =	vor.u32 $0x9, v1  }
0x151: {  	v10 =	vor.u32 $0x7, v11;
	v15 =	vld.idx.msk [tilespmem:v15+s12+$0x0], $0xffff;
	v4 =	vmul.f32 v4, v16  }
0x152: {  	v16 =	vld.idx.msk [tilespmem:v21+s29+$0x0], $0xffff  }
0x153: {  	v18 =	vor.u32 $0x7, v6;
	v5 =	vmul.f32 v5, v8;
	v14 =	vld.idx.msk [tilespmem:v14+s12+$0x0], $0xffff;
	[tilespmem:v19+s0+$0x0] =	vst.idx.msk $0xffff, v4  }
0x154: {  	v4 =	vld.idx.msk [tilespmem:v17+s12+$0x0], $0xffff  }
0x155: {  	v17 =	vadd.s32 $0x1B, v12;
	v13 =	vadd.f32 v5, v13;
	v19 =	vld.idx.msk [tilespmem:v3+s29+$0x0], $0xffff  }
0x156: {  	v20 =	vor.u32 $0x7, v12;
	v10 =	vld.idx.msk [tilespmem:v10+s12+$0x0], $0xffff;
	v15 =	vmul.f32 v15, v0  }
0x157: {  	v5 =	vor.u32 $0x7, v7;
	v13 =	vmul.f32 v13, v16  }
0x158: {  	v16 =	vld.idx.msk [tilespmem:v18+s29+$0x0], $0xffff;
	v14 =	vadd.f32 v15, v14;
	v15 =	vadd.s32 $0x1E, v2  }
0x159: {  	[tilespmem:v21+s0+$0x0] =	vst.idx.msk $0xffff, v13;
	v13 =	vadd.s32 $0xA, v2;
	v4 =	vmul.f32 v4, v59  }
0x15a: {  	v17 =	vld.idx.msk [tilespmem:v17+s12+$0x0], $0xffff;
	v14 =	vmul.f32 v14, v19;
	v19 =	vor.u32 $0xA, v1  }
0x15b: {  	v21 =	vadd.s32 $0x1C, v11;
	v20 =	vld.idx.msk [tilespmem:v20+s12+$0x0], $0xffff;
	v4 =	vadd.f32 v4, v10  }
0x15c: {  	s14 =	sadd.s32 $0x30, s19;
	v22 =	vld.idx.msk [tilespmem:v5+s29+$0x0], $0xffff;
	v10 =	vadd.s32 $0x8, v11;
	[tilespmem:v3+s0+$0x0] =	vst.idx.msk $0xffff, v14  }
0x15d: {  	s15 =	sadd.s32 $0xFFFFFFF0, s14;
	v23 =	vor.u32 $0x8, v6;
	v14 =	vor.u32 s14, v57;
	v3 =	vld.idx.msk [tilespmem:v15+s12+$0x0], $0xffff;
	v4 =	vmul.f32 v4, v16  }
0x15e: {  	v13 =	vld.idx.msk [tilespmem:v13+s12+$0x0], $0xffff;
	v15 =	vor.u32 s15, v57;
	v16 =	vshll.u32 v14, $0x4  }
0x15f: {  	v24 =	vshll.u32 v15, $0x4;
	[tilespmem:v18+s0+$0x0] =	vst.idx.msk $0xffff, v4;
	v4 =	vld.idx.msk [tilespmem:v19+s29+$0x0], $0xffff  }
0x160: {  	v37 =	vor.u32 $0x1, v16;
	v21 =	vld.idx.msk [tilespmem:v21+s12+$0x0], $0xffff  }
0x161: {  	v18 =	vor.u32 $0x2, v24;
	v10 =	vld.idx.msk [tilespmem:v10+s12+$0x0], $0xffff  }
0x162: {  	v15 =	vshll.u32 v15, $0x5;
	v25 =	vor.u32 $0x1, v24;
	v27 =	vld.idx.msk [tilespmem:v23+s29+$0x0], $0xffff  }
0x163: {  	v26 =	vor.u32 $0x14, v15;
	v3 =	vmul.f32 v3, v0;
	v28 =	vld.idx.msk [tilespmem:v16+s30+$0x0], $0xffff  }
0x164: {  	v29 =	vor.u32 $0x15, v15;
	v24 =	vld.idx.msk [tilespmem:v24+s30+$0x0], $0xffff  }
0x165: {  	v31 =	vor.u32 $0x16, v15;
	v37 =	vld.idx.msk [tilespmem:v37+s30+$0x0], $0xffff;
	v3 =	vadd.f32 v3, v13  }
0x166: {  	v30 =	vadd.s32 $0x1F, v2;
	v14 =	vshll.u32 v14, $0x5;
	v18 =	vld.idx.msk [tilespmem:v18+s30+$0x0], $0xffff  }
0x167: {  	v39 =	vor.u32 $0x14, v14;
	v25 =	vld.idx.msk [tilespmem:v25+s30+$0x0], $0xffff;
	v3 =	vmul.f32 v3, v4  }
0x168: {  	s16 =	sadd.s32 $0xFFFFFFE0, s14;
	v32 =	vadd.s32 $0xB, v2;
	v26 =	vld.idx.msk [tilespmem:v26+s29+$0x0], $0xffff  }
0x169: {  	v34 =	vor.u32 $0xB, v1;
	v13 =	vor.u32 s16, v57;
	[tilespmem:v19+s0+$0x0] =	vst.idx.msk $0xffff, v3;
	v3 =	vld.idx.msk [tilespmem:v29+s29+$0x0], $0xffff  }
0x16a: {  	v31 =	vld.idx.msk [tilespmem:v31+s29+$0x0], $0xffff;
	v33 =	vshll.u32 v13, $0x4  }
0x16b: {  	v13 =	vshll.u32 v13, $0x5;
	v35 =	vor.u32 $0x1, v33;
	v29 =	vld.idx.msk [tilespmem:v30+s12+$0x0], $0xffff  }
0x16c: {  	v17 =	vmul.f32 v17, v8;
	v39 =	vld.idx.msk [tilespmem:v39+s29+$0x0], $0xffff;
	v19 =	vor.u32 $0x14, v13  }
0x16d: {  	v30 =	vor.u32 $0x15, v13;
	v32 =	vld.idx.msk [tilespmem:v32+s12+$0x0], $0xffff;
	v24 =	vsub.f32 v24, v26  }
0x16e: {  	v17 =	vadd.f32 v17, v20;
	v20 =	vor.u32 $0x16, v14;
	v38 =	vld.idx.msk [tilespmem:v34+s29+$0x0], $0xffff;
	v3 =	vsub.f32 v25, v3  }
0x16f: {  	v40 =	vor.u32 $0x16, v13;
	v26 =	vor.u32 $0x2, v33;
	v33 =	vld.idx.msk [tilespmem:v33+s30+$0x0], $0xffff;
	v24 =	vmul.f32 v24, v24  }
0x170: {  	v18 =	vsub.f32 v18, v31;
	v35 =	vld.idx.msk [tilespmem:v35+s30+$0x0], $0xffff;
	v29 =	vmul.f32 v29, v0;
	v31 =	vmul.f32 v3, v3  }
0x171: {  	v51 =	vadd.s32 $0x20, v2;
	v25 =	vor.u32 $0x15, v14;
	v19 =	vld.idx.msk [tilespmem:v19+s29+$0x0], $0xffff  }
0x172: {  	v18 =	vmul.f32 v18, v18;
	v30 =	vld.idx.msk [tilespmem:v30+s29+$0x0], $0xffff;
	v29 =	vadd.f32 v29, v32;
	v24 =	vadd.f32 v31, v24  }
0x173: {  	v36 =	vor.u32 $0x8, v7;
	v16 =	vor.u32 $0x2, v16;
	v20 =	vld.idx.msk [tilespmem:v20+s29+$0x0], $0xffff  }
0x174: {  	v52 =	vadd.s32 $0xC, v2;
	v53 =	vld.idx.msk [tilespmem:v40+s29+$0x0], $0xffff;
	v29 =	vmul.f32 v29, v38;
	v18 =	vadd.f32 v18, v24  }
0x175: {  	v41 =	vadd.s32 $0x8, v12;
	v17 =	vmul.f32 v17, v22;
	v21 =	vmul.f32 v21, v59;
	v26 =	vld.idx.msk [tilespmem:v26+s30+$0x0], $0xffff  }
0x176: {  	v25 =	vld.idx.msk [tilespmem:v25+s29+$0x0], $0xffff;
	v19 =	vsub.f32 v33, v19;
	[tilespmem:v34+s0+$0x0] =	vst.idx.msk $0xffff, v29;
	v29 =	vor.u32 $0xC, v1;
	v18 =	vmax.f32 v18, $1.000000020e-24  }
0x177: {  	[tilespmem:v5+s0+$0x0] =	vst.idx.msk $0xffff, v17;
	v30 =	vsub.f32 v35, v30;
	v32 =	vld.idx.msk [tilespmem:v51+s12+$0x0], $0xffff;
	v54 =	vshra.s32 v18, $0x1;
	v42 =	vmul.f32 $5.000000000e-01, v18  }
0x178: {  	v10 =	vadd.f32 v21, v10;
	v16 =	vld.idx.msk [tilespmem:v16+s30+$0x0], $0xffff;
	v19 =	vmul.f32 v19, v19;
	v56 =	vsub.s32 $0x5F3759DF, v54  }
0x179: {  	v17 =	vadd.s32 $0x21, v2;
	v55 =	vld.idx.msk [tilespmem:v52+s12+$0x0], $0xffff;
	v22 =	vmul.f32 v30, v30;
	v21 =	vmul.f32 v56, v42  }
0x17a: {  	v28 =	vsub.f32 v28, v39;
	v10 =	vmul.f32 v10, v27;
	v31 =	vadd.s32 $0x1C, v12  }
0x17b: {  	v19 =	vadd.f32 v22, v19;
	v22 =	vsub.f32 v26, v53;
	v30 =	vld.idx.msk [tilespmem:v29+s29+$0x0], $0xffff;
	v21 =	vmul.f32 v56, v21  }
0x17c: {  	v24 =	vadd.s32 $0x1D, v11;
	v25 =	vsub.f32 v37, v25;
	v32 =	vmul.f32 v32, v0  }
0x17d: {  	[tilespmem:v23+s0+$0x0] =	vst.idx.msk $0xffff, v10;
	v16 =	vsub.f32 v16, v20;
	v22 =	vmul.f32 v22, v22;
	v21 =	vsub.f32 $1.500000000e+00, v21  }
0x17e: {  	v26 =	vmul.f32 v28, v28;
	v5 =	vmul.f32 v25, v25;
	v27 =	vadd.f32 v32, v55  }
0x17f: {  	v16 =	vmul.f32 v16, v16;
	v10 =	vld.idx.msk [tilespmem:v31+s12+$0x0], $0xffff;
	v19 =	vadd.f32 v22, v19;
	v21 =	vmul.f32 v56, v21  }
0x180: {  	v25 =	vld.idx.msk [tilespmem:v41+s12+$0x0], $0xffff;
	v5 =	vadd.f32 v5, v26;
	v23 =	vmul.f32 v27, v30;
	v27 =	vadd.s32 $0xD, v2  }
0x181: {  	v4 =	vor.u32 $0x9, v6;
	v20 =	vadd.s32 $0x1D, v12;
	v22 =	vld.idx.msk [tilespmem:v24+s12+$0x0], $0xffff;
	v24 =	vmul.f32 v21, v42  }
0x182: {  	v19 =	vmax.f32 v19, $1.000000020e-24;
	v5 =	vadd.f32 v16, v5;
	v30 =	vld.idx.msk [tilespmem:v36+s29+$0x0], $0xffff;
	[tilespmem:v29+s0+$0x0] =	vst.idx.msk $0xffff, v23;
	v23 =	vor.u32 $0xD, v1  }
0x183: {  	v26 =	vshra.s32 v19, $0x1;
	v28 =	vmul.f32 $5.000000000e-01, v19;
	v17 =	vld.idx.msk [tilespmem:v17+s12+$0x0], $0xffff;
	v24 =	vmul.f32 v24, v21  }
0x184: {  	v10 =	vmul.f32 v10, v8;
	v26 =	vsub.s32 $0x5F3759DF, v26;
	v29 =	vadd.s32 $0x9, v11  }
0x185: {  	v5 =	vmax.f32 v5, $1.000000020e-24;
	v16 =	vld.idx.msk [tilespmem:v27+s12+$0x0], $0xffff;
	v27 =	vmul.f32 v26, v28;
	v24 =	vsub.f32 $1.500000000e+00, v24  }
0x186: {  	v10 =	vadd.f32 v10, v25;
	v22 =	vmul.f32 v22, v59;
	v58 =	vmul.f32 $5.000000000e-01, v5  }
0x187: {  	v31 =	vadd.s32 $0x9, v12;
	v25 =	vld.idx.msk [tilespmem:v23+s29+$0x0], $0xffff;
	v27 =	vmul.f32 v26, v27;
	v21 =	vmul.f32 v24, v21  }
0x188: {  	v10 =	vmul.f32 v10, v30;
	v24 =	vshra.s32 v5, $0x1;
	v17 =	vmul.f32 v17, v0  }
0x189: {  	v29 =	vld.idx.msk [tilespmem:v29+s12+$0x0], $0xffff;
	v24 =	vsub.s32 $0x5F3759DF, v24;
	v27 =	vsub.f32 $1.500000000e+00, v27;
	v60 =	vmul.f32 v21, v42  }
0x18a: {  	[tilespmem:v36+s0+$0x0] =	vst.idx.msk $0xffff, v10;
	v61 =	vmul.f32 v24, v58;
	v16 =	vadd.f32 v17, v16  }
0x18b: {  	v20 =	vld.idx.msk [tilespmem:v20+s12+$0x0], $0xffff;
	v17 =	vadd.s32 $0x22, v2;
	v26 =	vmul.f32 v26, v27;
	v27 =	vmul.f32 v60, v21  }
0x18c: {  	v62 =	vmul.f32 v24, v61;
	v10 =	vmul.f32 v16, v25  }
0x18d: {  	v30 =	vld.idx.msk [tilespmem:v4+s29+$0x0], $0xffff;
	v16 =	vadd.s32 $0xE, v2;
	v25 =	vmul.f32 v26, v28;
	v27 =	vsub.f32 $1.500000000e+00, v27  }
0x18e: {  	v3 =	vor.u32 $0x9, v7;
	v22 =	vadd.f32 v22, v29;
	v29 =	vld.idx.msk [tilespmem:v31+s12+$0x0], $0xffff;
	v33 =	vsub.f32 $1.500000000e+00, v62  }
0x18f: {  	[tilespmem:v23+s0+$0x0] =	vst.idx.msk $0xffff, v10;
	v23 =	vor.u32 $0xE, v1;
	v10 =	vmul.f32 v25, v26;
	v21 =	vmul.f32 v27, v21  }
0x190: {  	v20 =	vmul.f32 v20, v8;
	v17 =	vld.idx.msk [tilespmem:v17+s12+$0x0], $0xffff;
	v24 =	vmul.f32 v24, v33  }
0x191: {  	v25 =	vadd.s32 $0x1E, v11;
	v10 =	vsub.f32 $1.500000000e+00, v10;
	v18 =	vmul.f32 v21, v18  }
0x192: {  	v22 =	vmul.f32 v22, v30;
	v16 =	vld.idx.msk [tilespmem:v16+s12+$0x0], $0xffff;
	v21 =	vmul.f32 v24, v58  }
0x193: {  	v30 =	vadd.s32 $0xA, v11;
	v27 =	vld.idx.msk [tilespmem:v3+s29+$0x0], $0xffff;
	v26 =	vmul.f32 v10, v26;
	v10 =	vmul.f32 $6.400000000e+01, v18  }
0x194: {  	v20 =	vadd.f32 v20, v29;
	v29 =	vadd.s32 $0xF, v2;
	v31 =	vld.idx.msk [tilespmem:v23+s29+$0x0], $0xffff;
	v21 =	vmul.f32 v21, v24  }
0x195: {  	[tilespmem:v4+s0+$0x0] =	vst.idx.msk $0xffff, v22;
	v18 =	vor.u32 $0xA, v6;
	v17 =	vmul.f32 v17, v0;
	v22 =	vmin.f32 v10, $5.115000000e+02  }
0x196: {  	v25 =	vld.idx.msk [tilespmem:v25+s12+$0x0], $0xffff;
	v4 =	vmul.f32 v26, v28;
	v10 =	vsub.f32 $1.500000000e+00, v21;
	v21 =	vtrunc.f32 v22  }
0x197: {  	v16 =	vadd.f32 v17, v16;
	v17 =	vadd.s32 $0x23, v2;
	v21 =	vcvt.f32.s32 v21  }
0x198: {  	v20 =	vmul.f32 v20, v27;
	v27 =	vadd.s32 $0x1E, v12;
	v28 =	vld.idx.msk [tilespmem:v30+s12+$0x0], $0xffff;
	v24 =	vmul.f32 v10, v24  }
0x199: {  	v4 =	vmul.f32 v4, v26;
	v16 =	vmul.f32 v16, v31;
	v10 =	vmul.u32 $0x28, v21  }
0x19a: {  	v63 =	vor.u32 $0xF, v1;
	v30 =	vld.idx.msk [tilespmem:v18+s29+$0x0], $0xffff;
	v31 =	vmul.f32 v24, v58  }
0x19b: {  	v4 =	vsub.f32 $1.500000000e+00, v4;
	v25 =	vmul.f32 v25, v59;
	[tilespmem:v23+s0+$0x0] =	vst.idx.msk $0xffff, v16;
	v16 =	vadd.s32 $0x14, v10  }
0x19c: {  	[tilespmem:v3+s0+$0x0] =	vst.idx.msk $0xffff, v20;
	v17 =	vld.idx.msk [tilespmem:v17+s12+$0x0], $0xffff;
	v3 =	vmul.f32 v31, v24  }
0x19d: {  	v20 =	vld.idx.msk [tilespmem:v27+s12+$0x0], $0xffff;
	v4 =	vmul.f32 v4, v26;
	v23 =	vadd.f32 v25, v28  }
0x19e: {  	v21 =	vcvt.s32.f32 v21;
	v25 =	vadd.s32 $0xA, v12;
	v26 =	vld.idx.msk [tilespmem:v29+s12+$0x0], $0xffff;
	v3 =	vsub.f32 $1.500000000e+00, v3  }
0x19f: {  	v37 =	vadd.s32 $0x10, v2;
	v4 =	vmul.f32 v4, v19;
	v19 =	vmul.f32 v23, v30;
	v23 =	vld.idx.msk [tilespmem:v63+s29+$0x0], $0xffff  }
0x1a0: {  	v27 =	vor.u32 $0xA, v7;
	v28 =	vadd.s32 $0xB, v11;
	v3 =	vmul.f32 v3, v24;
	v16 =	vld.idx.msk [tilespmem:v16+s12+$0x0], $0xffff  }
0x1a1: {  	v29 =	vld.idx.msk [tilespmem:v13+s29+$0x0], $0xffff;
	v21 =	vsub.f32 v22, v21;
	v4 =	vmul.f32 $6.400000000e+01, v4;
	v17 =	vmul.f32 v17, v0  }
0x1a2: {  	v22 =	vadd.s32 $0x1F, v12;
	v20 =	vmul.f32 v20, v8;
	v3 =	vmul.f32 v3, v5;
	v5 =	vld.idx.msk [tilespmem:v10+s12+$0x0], $0xffff  }
0x1a3: {  	v25 =	vld.idx.msk [tilespmem:v25+s12+$0x0], $0xffff;
	v4 =	vmin.f32 v4, $5.115000000e+02;
	v17 =	vadd.f32 v17, v26;
	v26 =	vadd.s32 $0x24, v2  }
0x1a4: {  	v31 =	vld.idx.msk [tilespmem:v15+s29+$0x0], $0xffff;
	v24 =	vadd.s32 $0x1F, v11;
	v30 =	vtrunc.f32 v4;
	v3 =	vmul.f32 $6.400000000e+01, v3  }
0x1a5: {  	v36 =	vld.idx.msk [tilespmem:v27+s29+$0x0], $0xffff;
	[tilespmem:v18+s0+$0x0] =	vst.idx.msk $0xffff, v19;
	v17 =	vmul.f32 v17, v23;
	v16 =	vmul.f32 v21, v16  }
0x1a6: {  	v28 =	vld.idx.msk [tilespmem:v28+s12+$0x0], $0xffff;
	v18 =	vcvt.f32.s32 v30;
	v30 =	vor.u32 $0x10, v1;
	v3 =	vmin.f32 v3, $5.115000000e+02  }
0x1a7: {  	v23 =	vld.idx.msk [tilespmem:v14+s29+$0x0], $0xffff;
	[tilespmem:v63+s0+$0x0] =	vst.idx.msk $0xffff, v17;
	v19 =	vtrunc.f32 v3;
	v5 =	vadd.f32 v16, v5;
	v16 =	vadd.s32 $0x15, v10  }
0x1a8: {  	v40 =	vmovc v8;
	v8 =	vmul.u32 $0x28, v18;
	v17 =	vadd.f32 v20, v25;
	v26 =	vld.idx.msk [tilespmem:v26+s12+$0x0], $0xffff;
	v25 =	vcvt.f32.s32 v19  }
0x1a9: {  	v24 =	vld.idx.msk [tilespmem:v24+s12+$0x0], $0xffff;
	v5 =	vmul.f32 v5, v31;
	v31 =	vor.u32 $0x1, v10  }
0x1aa: {  	v32 =	vld.idx.msk [tilespmem:v37+s12+$0x0], $0xffff;
	v38 =	vadd.s32 $0x14, v8;
	v17 =	vmul.f32 v17, v36;
	v20 =	vmul.u32 $0x28, v25  }
0x1ab: {  	v39 =	vld.idx.msk [tilespmem:v30+s29+$0x0], $0xffff;
	[tilespmem:v15+s0+$0x0] =	vst.idx.msk $0xffff, v5;
	v5 =	vor.u32 $0x1, v15  }
0x1ac: {  	[tilespmem:v27+s0+$0x0] =	vst.idx.msk $0xffff, v17;
	v17 =	vadd.s32 $0x14, v20;
	v16 =	vld.idx.msk [tilespmem:v16+s12+$0x0], $0xffff  }
0x1ad: {  	v22 =	vld.idx.msk [tilespmem:v22+s12+$0x0], $0xffff;
	v26 =	vmul.f32 v26, v0  }
0x1ae: {  	v27 =	vld.idx.msk [tilespmem:v31+s12+$0x0], $0xffff  }
0x1af: {  	v41 =	vadd.s32 $0x25, v2;
	v26 =	vadd.f32 v26, v32;
	v31 =	vld.idx.msk [tilespmem:v38+s12+$0x0], $0xffff  }
0x1b0: {  	v42 =	vadd.s32 $0xB, v12;
	v18 =	vcvt.s32.f32 v18;
	v43 =	vld.idx.msk [tilespmem:v5+s29+$0x0], $0xffff  }
0x1b1: {  	v44 =	vadd.s32 $0x11, v2;
	v26 =	vmul.f32 v26, v39;
	v17 =	vld.idx.msk [tilespmem:v17+s12+$0x0], $0xffff;
	v16 =	vmul.f32 v21, v16  }
0x1b2: {  	v58 =	vsub.f32 v4, v18;
	v18 =	vor.u32 $0x11, v1;
	v25 =	vcvt.s32.f32 v25;
	v4 =	vld.idx.msk [tilespmem:v8+s12+$0x0], $0xffff  }
0x1b3: {  	v45 =	vld.idx.msk [tilespmem:v20+s12+$0x0], $0xffff;
	[tilespmem:v30+s0+$0x0] =	vst.idx.msk $0xffff, v26;
	v26 =	vadd.s32 $0x16, v10;
	v16 =	vadd.f32 v16, v27  }
0x1b4: {  	v19 =	vsub.f32 v3, v25;
	v3 =	vld.idx.msk [tilespmem:v41+s12+$0x0], $0xffff;
	v27 =	vor.u32 $0xB, v6  }
0x1b5: {  	v25 =	vld.idx.msk [tilespmem:v42+s12+$0x0], $0xffff;
	v30 =	vmul.f32 v58, v31;
	v31 =	vor.u32 $0x2, v10;
	v16 =	vmul.f32 v16, v43  }
0x1b6: {  	v46 =	vor.u32 $0xB, v7;
	v47 =	vld.idx.msk [tilespmem:v44+s12+$0x0], $0xffff;
	v17 =	vmul.f32 v19, v17  }
0x1b7: {  	v4 =	vadd.f32 v30, v4;
	[tilespmem:v5+s0+$0x0] =	vst.idx.msk $0xffff, v16;
	v5 =	vor.u32 $0x2, v15;
	v16 =	vld.idx.msk [tilespmem:v18+s29+$0x0], $0xffff  }
0x1b8: {  	v30 =	vadd.s32 $0x15, v8;
	v17 =	vadd.f32 v17, v45;
	v26 =	vld.idx.msk [tilespmem:v26+s12+$0x0], $0xffff  }
0x1b9: {  	v49 =	vadd.s32 $0x15, v20;
	v4 =	vmul.f32 v4, v29;
	v3 =	vmul.f32 v3, v0;
	v48 =	vld.idx.msk [tilespmem:v27+s29+$0x0], $0xffff  }
0x1ba: {  	v29 =	vor.u32 $0x1, v8;
	v31 =	vld.idx.msk [tilespmem:v31+s12+$0x0], $0xffff;
	v17 =	vmul.f32 v17, v23  }
0x1bb: {  	v23 =	vld.idx.msk [tilespmem:v46+s29+$0x0], $0xffff;
	[tilespmem:v13+s0+$0x0] =	vst.idx.msk $0xffff, v4;
	v3 =	vadd.f32 v3, v47;
	v4 =	vadd.s32 $0x26, v2  }
0x1bc: {  	v50 =	vor.u32 $0x1, v20;
	[tilespmem:v14+s0+$0x0] =	vst.idx.msk $0xffff, v17;
	v51 =	vld.idx.msk [tilespmem:v5+s29+$0x0], $0xffff  }
0x1bd: {  	v17 =	vld.idx.msk [tilespmem:v30+s12+$0x0], $0xffff;
	v30 =	vor.u32 $0x1, v13;
	v3 =	vmul.f32 v3, v16;
	v26 =	vmul.f32 v21, v26  }
0x1be: {  	v16 =	vadd.s32 $0x12, v2;
	v35 =	vld.idx.msk [tilespmem:v49+s12+$0x0], $0xffff  }
0x1bf: {  	v29 =	vld.idx.msk [tilespmem:v29+s12+$0x0], $0xffff;
	[tilespmem:v18+s0+$0x0] =	vst.idx.msk $0xffff, v3;
	v18 =	vadd.s32 $0x17, v10;
	v3 =	vadd.f32 v26, v31  }
0x1c0: {  	v26 =	vor.u32 $0x12, v1;
	v4 =	vld.idx.msk [tilespmem:v4+s12+$0x0], $0xffff  }
0x1c1: {  	v52 =	vor.u32 $0x3, v10;
	v24 =	vmul.f32 v24, v59;
	v31 =	vld.idx.msk [tilespmem:v50+s12+$0x0], $0xffff;
	v3 =	vmul.f32 v3, v51  }
0x1c2: {  	v53 =	vor.u32 $0x1, v14;
	v22 =	vmul.f32 v22, v40;
	v54 =	vld.idx.msk [tilespmem:v30+s29+$0x0], $0xffff  }
0x1c3: {  	v24 =	vadd.f32 v24, v28;
	v16 =	vld.idx.msk [tilespmem:v16+s12+$0x0], $0xffff;
	[tilespmem:v5+s0+$0x0] =	vst.idx.msk $0xffff, v3;
	v5 =	vor.u32 $0x3, v15  }
0x1c4: {  	v22 =	vadd.f32 v22, v25;
	v3 =	vadd.s32 $0x20, v11;
	v18 =	vld.idx.msk [tilespmem:v18+s12+$0x0], $0xffff  }
0x1c5: {  	v28 =	vadd.s32 $0x20, v12;
	v24 =	vmul.f32 v24, v48;
	v17 =	vmul.f32 v58, v17;
	v56 =	vld.idx.msk [tilespmem:v26+s29+$0x0], $0xffff  }
0x1c6: {  	v63 =	vor.u32 $0xC, v7;
	v22 =	vmul.f32 v22, v23;
	v4 =	vmul.f32 v4, v0;
	v33 =	vld.idx.msk [tilespmem:v52+s12+$0x0], $0xffff  }
0x1c7: {  	v25 =	vadd.s32 $0x16, v8;
	v23 =	vor.u32 $0x2, v8;
	[tilespmem:v27+s0+$0x0] =	vst.idx.msk $0xffff, v24;
	v17 =	vadd.f32 v17, v29;
	v29 =	vld.idx.msk [tilespmem:v53+s29+$0x0], $0xffff  }
0x1c8: {  	v60 =	vmul.f32 v19, v35;
	v4 =	vadd.f32 v4, v16;
	v16 =	vadd.s32 $0x27, v2;
	v24 =	vld.idx.msk [tilespmem:v5+s29+$0x0], $0xffff  }
0x1c9: {  	[tilespmem:v46+s0+$0x0] =	vst.idx.msk $0xffff, v22;
	v27 =	vld.idx.msk [tilespmem:v3+s12+$0x0], $0xffff;
	v3 =	vmul.f32 v17, v54;
	v17 =	vmul.f32 v21, v18  }
0x1ca: {  	v28 =	vld.idx.msk [tilespmem:v28+s12+$0x0], $0xffff;
	v22 =	vadd.f32 v60, v31;
	v18 =	vadd.s32 $0x16, v20;
	v4 =	vmul.f32 v4, v56  }
0x1cb: {  	v46 =	vld.idx.msk [tilespmem:v63+s29+$0x0], $0xffff;
	v31 =	vadd.s32 $0x18, v10;
	[tilespmem:v30+s0+$0x0] =	vst.idx.msk $0xffff, v3;
	v17 =	vadd.f32 v17, v33  }
0x1cc: {  	v22 =	vmul.f32 v22, v29;
	v25 =	vld.idx.msk [tilespmem:v25+s12+$0x0], $0xffff;
	[tilespmem:v26+s0+$0x0] =	vst.idx.msk $0xffff, v4;
	v26 =	vadd.s32 $0xC, v12  }
0x1cd: {  	v3 =	vld.idx.msk [tilespmem:v16+s12+$0x0], $0xffff;
	v16 =	vor.u32 $0x4, v10;
	v4 =	vmul.f32 v17, v24  }
0x1ce: {  	[tilespmem:v53+s0+$0x0] =	vst.idx.msk $0xffff, v22;
	v23 =	vld.idx.msk [tilespmem:v23+s12+$0x0], $0xffff;
	v17 =	vor.u32 $0x2, v13  }
0x1cf: {  	v61 =	vor.u32 $0x2, v20;
	v18 =	vld.idx.msk [tilespmem:v18+s12+$0x0], $0xffff;
	[tilespmem:v5+s0+$0x0] =	vst.idx.msk $0xffff, v4  }
0x1d0: {  	v5 =	vor.u32 $0x4, v15;
	v4 =	vld.idx.msk [tilespmem:v31+s12+$0x0], $0xffff  }
0x1d1: {  	v22 =	vor.u32 $0x2, v14;
	v26 =	vld.idx.msk [tilespmem:v26+s12+$0x0], $0xffff  }
0x1d2: {  	v55 =	vadd.s32 $0xC, v11;
	v16 =	vld.idx.msk [tilespmem:v16+s12+$0x0], $0xffff  }
0x1d3: {  	v2 =	vadd.s32 $0x13, v2;
	v29 =	vld.idx.msk [tilespmem:v17+s29+$0x0], $0xffff  }
0x1d4: {  	v1 =	vor.u32 $0x13, v1;
	v24 =	vld.idx.msk [tilespmem:v61+s12+$0x0], $0xffff;
	v25 =	vmul.f32 v58, v25  }
0x1d5: {  	v28 =	vmul.f32 v28, v40;
	v31 =	vor.u32 $0xC, v6;
	v62 =	vld.idx.msk [tilespmem:v5+s29+$0x0], $0xffff  }
0x1d6: {  	v43 =	vadd.s32 $0x17, v8;
	v41 =	vld.idx.msk [tilespmem:v22+s29+$0x0], $0xffff;
	v23 =	vadd.f32 v25, v23;
	v42 =	vmul.f32 v21, v4  }
0x1d7: {  	v48 =	vadd.s32 $0x21, v12;
	v30 =	vld.idx.msk [tilespmem:v55+s12+$0x0], $0xffff;
	v18 =	vmul.f32 v19, v18;
	v26 =	vadd.f32 v28, v26  }
0x1d8: {  	v25 =	vadd.s32 $0x19, v10;
	v4 =	vld.idx.msk [tilespmem:v2+s12+$0x0], $0xffff;
	v16 =	vadd.f32 v42, v16;
	v23 =	vmul.f32 v23, v29  }
0x1d9: {  	v44 =	vadd.s32 $0x17, v20;
	v2 =	vld.idx.msk [tilespmem:v1+s29+$0x0], $0xffff;
	v18 =	vadd.f32 v18, v24;
	v26 =	vmul.f32 v26, v46  }
0x1da: {  	v24 =	vld.idx.msk [tilespmem:v31+s29+$0x0], $0xffff;
	v29 =	vor.u32 $0x5, v10;
	v16 =	vmul.f32 v16, v62;
	[tilespmem:v17+s0+$0x0] =	vst.idx.msk $0xffff, v23  }
0x1db: {  	v45 =	vor.u32 $0x3, v8;
	v17 =	vmul.f32 v18, v41;
	[tilespmem:v63+s0+$0x0] =	vst.idx.msk $0xffff, v26;
	v18 =	vld.idx.msk [tilespmem:v43+s12+$0x0], $0xffff  }
0x1dc: {  	v32 =	vld.idx.msk [tilespmem:v48+s12+$0x0], $0xffff;
	[tilespmem:v5+s0+$0x0] =	vst.idx.msk $0xffff, v16;
	v5 =	vor.u32 $0x5, v15  }
0x1dd: {  	v16 =	vor.u32 $0x3, v20;
	[tilespmem:v22+s0+$0x0] =	vst.idx.msk $0xffff, v17;
	v22 =	vmul.f32 v27, v59;
	v23 =	vld.idx.msk [tilespmem:v25+s12+$0x0], $0xffff  }
0x1de: {  	v17 =	vor.u32 $0x3, v13;
	v25 =	vld.idx.msk [tilespmem:v44+s12+$0x0], $0xffff  }
0x1df: {  	v27 =	vor.u32 $0x3, v14;
	v29 =	vld.idx.msk [tilespmem:v29+s12+$0x0], $0xffff;
	v22 =	vadd.f32 v22, v30  }
0x1e0: {  	v49 =	vadd.s32 $0xD, v11;
	v30 =	vld.idx.msk [tilespmem:v45+s12+$0x0], $0xffff  }
0x1e1: {  	v47 =	vadd.s32 $0x21, v11;
	v22 =	vmul.f32 v22, v24;
	v28 =	vld.idx.msk [tilespmem:v5+s29+$0x0], $0xffff  }
0x1e2: {  	v24 =	vadd.s32 $0xD, v12;
	v16 =	vld.idx.msk [tilespmem:v16+s12+$0x0], $0xffff;
	v23 =	vmul.f32 v21, v23  }
0x1e3: {  	v50 =	vld.idx.msk [tilespmem:v17+s29+$0x0], $0xffff;
	[tilespmem:v31+s0+$0x0] =	vst.idx.msk $0xffff, v22;
	v31 =	vor.u32 $0xD, v7  }
0x1e4: {  	v51 =	vor.u32 $0xD, v6;
	v22 =	vld.idx.msk [tilespmem:v27+s29+$0x0], $0xffff;
	v23 =	vadd.f32 v23, v29  }
0x1e5: {  	v26 =	vadd.s32 $0x1A, v10;
	v18 =	vmul.f32 v58, v18;
	v52 =	vld.idx.msk [tilespmem:v49+s12+$0x0], $0xffff  }
0x1e6: {  	v25 =	vmul.f32 v19, v25;
	v29 =	vld.idx.msk [tilespmem:v47+s12+$0x0], $0xffff;
	v23 =	vmul.f32 v23, v28;
	v28 =	vor.u32 $0x6, v10  }
0x1e7: {  	v53 =	vadd.s32 $0x18, v8;
	v18 =	vadd.f32 v18, v30;
	v24 =	vld.idx.msk [tilespmem:v24+s12+$0x0], $0xffff  }
0x1e8: {  	v30 =	vadd.s32 $0x18, v20;
	v16 =	vadd.f32 v25, v16;
	v54 =	vld.idx.msk [tilespmem:v31+s29+$0x0], $0xffff  }
0x1e9: {  	v18 =	vmul.f32 v18, v50;
	[tilespmem:v5+s0+$0x0] =	vst.idx.msk $0xffff, v23;
	v5 =	vor.u32 $0x6, v15;
	v23 =	vld.idx.msk [tilespmem:v51+s29+$0x0], $0xffff  }
0x1ea: {  	v55 =	vor.u32 $0x4, v20;
	v16 =	vmul.f32 v16, v22;
	v25 =	vld.idx.msk [tilespmem:v26+s12+$0x0], $0xffff  }
0x1eb: {  	[tilespmem:v17+s0+$0x0] =	vst.idx.msk $0xffff, v18;
	v18 =	vor.u32 $0x4, v13;
	v22 =	vmul.f32 v29, v59;
	v17 =	vld.idx.msk [tilespmem:v28+s12+$0x0], $0xffff  }
0x1ec: {  	v26 =	vor.u32 $0x4, v8;
	[tilespmem:v27+s0+$0x0] =	vst.idx.msk $0xffff, v16;
	v16 =	vmul.f32 v32, v40;
	v28 =	vld.idx.msk [tilespmem:v53+s12+$0x0], $0xffff  }
0x1ed: {  	v29 =	vor.u32 $0x4, v14;
	v22 =	vadd.f32 v22, v52;
	v30 =	vld.idx.msk [tilespmem:v30+s12+$0x0], $0xffff  }
0x1ee: {  	v60 =	vadd.s32 $0x22, v12;
	v16 =	vadd.f32 v16, v24;
	v27 =	vld.idx.msk [tilespmem:v5+s29+$0x0], $0xffff  }
0x1ef: {  	v56 =	vadd.s32 $0x22, v11;
	v22 =	vmul.f32 v22, v23;
	v23 =	vld.idx.msk [tilespmem:v55+s12+$0x0], $0xffff  }
0x1f0: {  	v62 =	vadd.s32 $0xE, v12;
	v61 =	vld.idx.msk [tilespmem:v18+s29+$0x0], $0xffff;
	v25 =	vmul.f32 v25, v21;
	v16 =	vmul.f32 v16, v54  }
0x1f1: {  	v24 =	vld.idx.msk [tilespmem:v26+s12+$0x0], $0xffff;
	v26 =	vadd.s32 $0xE, v11;
	[tilespmem:v51+s0+$0x0] =	vst.idx.msk $0xffff, v22  }
0x1f2: {  	v22 =	vld.idx.msk [tilespmem:v29+s29+$0x0], $0xffff;
	v17 =	vadd.f32 v25, v17;
	v25 =	vadd.s32 $0x1B, v10;
	[tilespmem:v31+s0+$0x0] =	vst.idx.msk $0xffff, v16  }
0x1f3: {  	v31 =	vor.u32 $0xE, v6;
	v30 =	vmul.f32 v19, v30;
	v63 =	vld.idx.msk [tilespmem:v60+s12+$0x0], $0xffff  }
0x1f4: {  	v16 =	vmul.f32 v17, v27;
	v17 =	vor.u32 $0x7, v10;
	v27 =	vld.idx.msk [tilespmem:v56+s12+$0x0], $0xffff  }
0x1f5: {  	v41 =	vor.u32 $0x5, v20;
	v28 =	vmul.f32 v58, v28;
	v23 =	vadd.f32 v30, v23;
	v30 =	vld.idx.msk [tilespmem:v62+s12+$0x0], $0xffff  }
0x1f6: {  	[tilespmem:v5+s0+$0x0] =	vst.idx.msk $0xffff, v16;
	v5 =	vor.u32 $0x7, v15;
	v16 =	vld.idx.msk [tilespmem:v26+s12+$0x0], $0xffff  }
0x1f7: {  	v24 =	vadd.f32 v28, v24;
	v26 =	vadd.s32 $0x19, v8;
	v22 =	vmul.f32 v23, v22;
	v25 =	vld.idx.msk [tilespmem:v25+s12+$0x0], $0xffff  }
0x1f8: {  	v28 =	vadd.s32 $0x19, v20;
	v23 =	vld.idx.msk [tilespmem:v31+s29+$0x0], $0xffff  }
0x1f9: {  	v39 =	vor.u32 $0x5, v8;
	v24 =	vmul.f32 v24, v61;
	[tilespmem:v29+s0+$0x0] =	vst.idx.msk $0xffff, v22;
	v17 =	vld.idx.msk [tilespmem:v17+s12+$0x0], $0xffff  }
0x1fa: {  	v42 =	vor.u32 $0x5, v13;
	v43 =	vld.idx.msk [tilespmem:v41+s12+$0x0], $0xffff  }
0x1fb: {  	[tilespmem:v18+s0+$0x0] =	vst.idx.msk $0xffff, v24;
	v24 =	vor.u32 $0x5, v14;
	v27 =	vmul.f32 v27, v59;
	v18 =	vld.idx.msk [tilespmem:v5+s29+$0x0], $0xffff  }
0x1fc: {  	v22 =	vld.idx.msk [tilespmem:v26+s12+$0x0], $0xffff;
	v26 =	vor.u32 $0xE, v7;
	v25 =	vmul.f32 v25, v21  }
0x1fd: {  	v44 =	vadd.s32 $0xF, v11;
	v28 =	vld.idx.msk [tilespmem:v28+s12+$0x0], $0xffff;
	v16 =	vadd.f32 v27, v16  }
0x1fe: {  	v29 =	vadd.s32 $0x23, v11;
	v27 =	vld.idx.msk [tilespmem:v39+s12+$0x0], $0xffff;
	v17 =	vadd.f32 v25, v17  }
0x1ff: {  	v45 =	vld.idx.msk [tilespmem:v42+s29+$0x0], $0xffff;
	v16 =	vmul.f32 v16, v23;
	v25 =	vadd.s32 $0x1C, v10  }
0x200: {  	v23 =	vld.idx.msk [tilespmem:v24+s29+$0x0], $0xffff;
	v17 =	vmul.f32 v17, v18;
	v18 =	vadd.s32 $0x8, v10  }
0x201: {  	v46 =	vor.u32 $0xF, v6;
	[tilespmem:v31+s0+$0x0] =	vst.idx.msk $0xffff, v16;
	v22 =	vmul.f32 v58, v22;
	v16 =	vld.idx.msk [tilespmem:v26+s29+$0x0], $0xffff  }
0x202: {  	v31 =	vld.idx.msk [tilespmem:v44+s12+$0x0], $0xffff;
	[tilespmem:v5+s0+$0x0] =	vst.idx.msk $0xffff, v17;
	v5 =	vor.u32 $0x8, v15;
	v17 =	vmul.f32 v19, v28  }
0x203: {  	v28 =	vld.idx.msk [tilespmem:v29+s12+$0x0], $0xffff;
	v29 =	vadd.s32 $0x1A, v8;
	v22 =	vadd.f32 v22, v27  }
0x204: {  	v48 =	vor.u32 $0x6, v8;
	v25 =	vld.idx.msk [tilespmem:v25+s12+$0x0], $0xffff;
	v17 =	vadd.f32 v17, v43  }
0x205: {  	v22 =	vmul.f32 v22, v45;
	v18 =	vld.idx.msk [tilespmem:v18+s12+$0x0], $0xffff  }
0x206: {  	v27 =	vadd.s32 $0x1A, v20;
	v17 =	vmul.f32 v17, v23;
	v23 =	vld.idx.msk [tilespmem:v46+s29+$0x0], $0xffff  }
0x207: {  	v50 =	vor.u32 $0x6, v13;
	[tilespmem:v42+s0+$0x0] =	vst.idx.msk $0xffff, v22;
	v22 =	vld.idx.msk [tilespmem:v5+s29+$0x0], $0xffff  }
0x208: {  	v49 =	vor.u32 $0x6, v20;
	v32 =	vmul.f32 v63, v40;
	v29 =	vld.idx.msk [tilespmem:v29+s12+$0x0], $0xffff  }
0x209: {  	v51 =	vor.u32 $0x6, v14;
	v52 =	vld.idx.msk [tilespmem:v48+s12+$0x0], $0xffff  }
0x20a: {  	[tilespmem:v24+s0+$0x0] =	vst.idx.msk $0xffff, v17;
	v17 =	vadd.s32 $0x23, v12;
	v24 =	vadd.f32 v32, v30;
	v25 =	vmul.f32 v25, v21  }
0x20b: {  	v30 =	vadd.s32 $0xF, v12;
	v27 =	vld.idx.msk [tilespmem:v27+s12+$0x0], $0xffff  }
0x20c: {  	v54 =	vld.idx.msk [tilespmem:v50+s29+$0x0], $0xffff;
	v16 =	vmul.f32 v24, v16;
	v18 =	vadd.f32 v25, v18;
	v24 =	vadd.s32 $0x1D, v10  }
0x20d: {  	v53 =	vor.u32 $0xF, v7;
	v28 =	vmul.f32 v28, v59;
	v25 =	vld.idx.msk [tilespmem:v49+s12+$0x0], $0xffff  }
0x20e: {  	[tilespmem:v26+s0+$0x0] =	vst.idx.msk $0xffff, v16;
	v16 =	vmul.f32 v18, v22;
	v18 =	vadd.s32 $0x9, v10;
	v22 =	vld.idx.msk [tilespmem:v51+s29+$0x0], $0xffff  }
0x20f: {  	v28 =	vadd.f32 v28, v31;
	v26 =	vadd.s32 $0x24, v11;
	v29 =	vmul.f32 v29, v58;
	v17 =	vld.idx.msk [tilespmem:v17+s12+$0x0], $0xffff  }
0x210: {  	[tilespmem:v5+s0+$0x0] =	vst.idx.msk $0xffff, v16;
	v5 =	vor.u32 $0x9, v15;
	v16 =	vmul.f32 v27, v19;
	v27 =	vld.idx.msk [tilespmem:v30+s12+$0x0], $0xffff  }
0x211: {  	v23 =	vmul.f32 v28, v23;
	v30 =	vadd.s32 $0x1B, v8;
	v28 =	vadd.f32 v29, v52;
	v24 =	vld.idx.msk [tilespmem:v24+s12+$0x0], $0xffff  }
0x212: {  	v31 =	vor.u32 $0x7, v8;
	v16 =	vadd.f32 v16, v25;
	v25 =	vld.idx.msk [tilespmem:v53+s29+$0x0], $0xffff  }
0x213: {  	[tilespmem:v46+s0+$0x0] =	vst.idx.msk $0xffff, v23;
	v23 =	vmul.f32 v28, v54;
	v18 =	vld.idx.msk [tilespmem:v18+s12+$0x0], $0xffff  }
0x214: {  	v29 =	vadd.s32 $0x1B, v20;
	v32 =	vld.idx.msk [tilespmem:v26+s12+$0x0], $0xffff  }
0x215: {  	v28 =	vor.u32 $0x7, v20;
	v16 =	vmul.f32 v16, v22;
	[tilespmem:v50+s0+$0x0] =	vst.idx.msk $0xffff, v23;
	v22 =	vld.idx.msk [tilespmem:v5+s29+$0x0], $0xffff  }
0x216: {  	v26 =	vor.u32 $0x7, v13;
	v23 =	vmul.f32 v17, v40;
	v30 =	vld.idx.msk [tilespmem:v30+s12+$0x0], $0xffff  }
0x217: {  	v17 =	vor.u32 $0x7, v14;
	v31 =	vld.idx.msk [tilespmem:v31+s12+$0x0], $0xffff  }
0x218: {  	[tilespmem:v51+s0+$0x0] =	vst.idx.msk $0xffff, v16;
	v16 =	vmul.f32 v24, v21;
	v24 =	vadd.s32 $0x24, v12;
	v23 =	vadd.f32 v23, v27  }
0x219: {  	v0 =	vmul.f32 v3, v0;
	v27 =	vadd.s32 $0x10, v11;
	v29 =	vld.idx.msk [tilespmem:v29+s12+$0x0], $0xffff  }
0x21a: {  	v34 =	vld.idx.msk [tilespmem:v28+s12+$0x0], $0xffff;
	v3 =	vadd.f32 v16, v18;
	v16 =	vadd.s32 $0x1E, v10;
	v18 =	vmul.f32 v23, v25  }
0x21b: {  	v0 =	vadd.f32 v0, v4;
	v23 =	vadd.s32 $0x10, v12;
	v4 =	vld.idx.msk [tilespmem:v26+s29+$0x0], $0xffff;
	v25 =	vadd.s32 $0xA, v10  }
0x21c: {  	v35 =	vld.idx.msk [tilespmem:v17+s29+$0x0], $0xffff;
	v3 =	vmul.f32 v3, v22;
	[tilespmem:v53+s0+$0x0] =	vst.idx.msk $0xffff, v18;
	v18 =	vmul.f32 v30, v58  }
0x21d: {  	v0 =	vmul.f32 v0, v2;
	v2 =	vor.u32 $0xA, v15;
	v24 =	vld.idx.msk [tilespmem:v24+s12+$0x0], $0xffff  }
0x21e: {  	s14 =	sadd.s32 $0x30, s14;
	v28 =	vadd.s32 $0x1C, v8;
	[tilespmem:v5+s0+$0x0] =	vst.idx.msk $0xffff, v3;
	v3 =	vld.idx.msk [tilespmem:v27+s12+$0x0], $0xffff;
	v5 =	vadd.f32 v18, v31  }
0x21f: {  	s17 =	sadd.s32 $0xFFFFFFF0, s14;
	[tilespmem:v1+s0+$0x0] =	vst.idx.msk $0xffff, v0;
	v30 =	vor.u32 s14, v57;
	v18 =	vadd.s32 $0x8, v8;
	v1 =	vld.idx.msk [tilespmem:v16+s12+$0x0], $0xffff  }
0x220: {  	v31 =	vshll.u32 v30, $0x4;
	v22 =	vld.idx.msk [tilespmem:v23+s12+$0x0], $0xffff;
	v0 =	vmul.f32 v5, v4;
	v4 =	vor.u32 s17, v57  }
0x221: {  	v5 =	vld.idx.msk [tilespmem:v25+s12+$0x0], $0xffff;
	v23 =	vshll.u32 v4, $0x4  }
0x222: {  	v25 =	vld.idx.msk [tilespmem:v2+s29+$0x0], $0xffff;
	[tilespmem:v26+s0+$0x0] =	vst.idx.msk $0xffff, v0;
	v26 =	vor.u32 $0x2, v23  }
0x223: {  	v27 =	vor.u32 $0x1, v23;
	v0 =	vshll.u32 v4, $0x5;
	v33 =	vld.idx.msk [tilespmem:v28+s12+$0x0], $0xffff  }
0x224: {  	v36 =	vld.idx.msk [tilespmem:v18+s12+$0x0], $0xffff;
	v28 =	vor.u32 $0x14, v0  }
0x225: {  	v37 =	vld.idx.msk [tilespmem:v31+s30+$0x0], $0xffff;
	v55 =	vor.u32 $0x15, v0;
	v1 =	vmul.f32 v1, v21  }
0x226: {  	v56 =	vor.u32 $0x16, v0;
	v62 =	vld.idx.msk [tilespmem:v23+s30+$0x0], $0xffff;
	[tilespmem:$0x1FAF0] =	vst v7  }
0x227: {  	s18 =	sadd.s32 $0xFFFFFFE0, s14;
	v47 =	vmov v6;
	v61 =	vadd.s32 $0x1F, v10;
	v1 =	vadd.f32 v1, v5;
	v63 =	vld.idx.msk [tilespmem:v26+s30+$0x0], $0xffff  }
0x228: {  	v43 =	vadd.s32 $0xB, v10;
	v16 =	vor.u32 $0x10, v47;
	v23 =	vor.u32 s18, v57;
	v44 =	vld.idx.msk [tilespmem:v27+s30+$0x0], $0xffff  }
0x229: {  	v60 =	vmovc v47;
	v47 =	vor.u32 $0xB, v15;
	v45 =	vshll.u32 v23, $0x4;
	v1 =	vmul.f32 v1, v25;
	v46 =	vld.idx.msk [tilespmem:v28+s29+$0x0], $0xffff  }
0x22a: {  	v27 =	vshll.u32 v23, $0x5;
	v49 =	vor.u32 $0x1, v45;
	v38 =	vld.idx.msk [tilespmem:v55+s29+$0x0], $0xffff  }
0x22b: {  	v48 =	vor.u32 $0x8, v13;
	v50 =	vor.u32 $0x14, v27;
	v42 =	vld.idx.msk [tilespmem:v56+s29+$0x0], $0xffff;
	[tilespmem:v2+s0+$0x0] =	vst.idx.msk $0xffff, v1  }
0x22c: {  	v52 =	vadd.s32 $0x1C, v20;
	v29 =	vmul.f32 v29, v19;
	v51 =	vor.u32 $0x15, v27;
	v39 =	vld.idx.msk [tilespmem:v61+s12+$0x0], $0xffff  }
0x22d: {  	v54 =	vadd.s32 $0x8, v20;
	v32 =	vmul.f32 v32, v59;
	v53 =	vadd.s32 $0x1D, v8;
	v43 =	vld.idx.msk [tilespmem:v43+s12+$0x0], $0xffff  }
0x22e: {  	v29 =	vadd.f32 v29, v34;
	v28 =	vshll.u32 v30, $0x5;
	v30 =	vor.u32 $0x1, v31;
	v55 =	vld.idx.msk [tilespmem:v47+s29+$0x0], $0xffff  }
0x22f: {  	v6 =	vmovc v40;
	v4 =	vor.u32 $0x10, v7;
	v31 =	vor.u32 $0x2, v31;
	v49 =	vld.idx.msk [tilespmem:v49+s30+$0x0], $0xffff;
	v40 =	vsub.f32 v62, v46  }
0x230: {  	v29 =	vmul.f32 v29, v35;
	v56 =	vor.u32 $0x14, v28;
	v38 =	vsub.f32 v44, v38;
	v50 =	vld.idx.msk [tilespmem:v50+s29+$0x0], $0xffff  }
0x231: {  	v44 =	vor.u32 $0x15, v28;
	v46 =	vor.u32 $0x2, v45;
	v51 =	vld.idx.msk [tilespmem:v51+s29+$0x0], $0xffff;
	v40 =	vmul.f32 v40, v40  }
0x232: {  	v41 =	vsub.f32 v63, v42;
	v45 =	vld.idx.msk [tilespmem:v45+s30+$0x0], $0xffff;
	v38 =	vmul.f32 v38, v38;
	v39 =	vmul.f32 v39, v21  }
0x233: {  	v35 =	vor.u32 $0xC, v15;
	[tilespmem:v17+s0+$0x0] =	vst.idx.msk $0xffff, v29;
	v61 =	vadd.s32 $0x20, v10;
	v42 =	vor.u32 $0x16, v27;
	v30 =	vld.idx.msk [tilespmem:v30+s30+$0x0], $0xffff  }
0x234: {  	v17 =	vld.idx.msk [tilespmem:v31+s30+$0x0], $0xffff;
	v62 =	vmul.f32 v41, v41;
	v38 =	vadd.f32 v38, v40;
	v39 =	vadd.f32 v39, v43  }
0x235: {  	v18 =	vadd.s32 $0x25, v12;
	v3 =	vadd.f32 v32, v3;
	v63 =	vadd.s32 $0xC, v10;
	v34 =	vld.idx.msk [tilespmem:v56+s29+$0x0], $0xffff  }
0x236: {  	v26 =	vor.u32 $0x8, v14;
	v44 =	vld.idx.msk [tilespmem:v44+s29+$0x0], $0xffff;
	v38 =	vadd.f32 v62, v38;
	v39 =	vmul.f32 v39, v55  }
0x237: {  	v23 =	vor.u32 $0x9, v14;
	v25 =	vor.u32 $0x9, v13;
	v46 =	vld.idx.msk [tilespmem:v46+s30+$0x0], $0xffff;
	v49 =	vsub.f32 v49, v51  }
0x238: {  	v45 =	vsub.f32 v45, v50;
	v55 =	vor.u32 $0x16, v28;
	v38 =	vmax.f32 v38, $1.000000020e-24;
	[tilespmem:v47+s0+$0x0] =	vst.idx.msk $0xffff, v39;
	v39 =	vld.idx.msk [tilespmem:v42+s29+$0x0], $0xffff  }
0x239: {  	v33 =	vmul.f32 v33, v58;
	v2 =	vor.u32 $0xA, v13;
	v47 =	vmul.f32 $5.000000000e-01, v38;
	v42 =	vld.idx.msk [tilespmem:v61+s12+$0x0], $0xffff  }
0x23a: {  	v61 =	vshra.s32 v38, $0x1;
	v62 =	vld.idx.msk [tilespmem:v63+s12+$0x0], $0xffff;
	v63 =	vmul.f32 v49, v49;
	v49 =	vmul.f32 v45, v45  }
0x23b: {  	v29 =	vsub.f32 v37, v34;
	v30 =	vsub.f32 v30, v44;
	v43 =	vsub.s32 $0x5F3759DF, v61;
	v61 =	vld.idx.msk [tilespmem:v52+s12+$0x0], $0xffff  }
0x23c: {  	v33 =	vadd.f32 v33, v36;
	v31 =	vmul.f32 v43, v47;
	v34 =	vadd.f32 v63, v49;
	v63 =	vld.idx.msk [tilespmem:v48+s29+$0x0], $0xffff  }
0x23d: {  	v41 =	vadd.s32 $0x1D, v20;
	v29 =	vmul.f32 v29, v29;
	v51 =	vld.idx.msk [tilespmem:v55+s29+$0x0], $0xffff;
	v30 =	vmul.f32 v30, v30  }
0x23e: {  	v40 =	vadd.s32 $0x9, v8;
	v55 =	vld.idx.msk [tilespmem:v35+s29+$0x0], $0xffff;
	v39 =	vsub.f32 v46, v39;
	v31 =	vmul.f32 v43, v31  }
0x23f: {  	v44 =	vor.u32 $0xD, v15;
	v29 =	vadd.f32 v30, v29;
	v56 =	vmul.f32 v42, v21  }
0x240: {  	v52 =	vld.idx.msk [tilespmem:v54+s12+$0x0], $0xffff;
	v39 =	vmul.f32 v39, v39;
	v31 =	vsub.f32 $1.500000000e+00, v31;
	v37 =	vmul.f32 v61, v19  }
0x241: {  	v46 =	vld.idx.msk [tilespmem:v16+s29+$0x0], $0xffff;
	v30 =	vadd.f32 v56, v62;
	v62 =	vadd.s32 $0x21, v10;
	v33 =	vmul.f32 v33, v63  }
0x242: {  	v42 =	vld.idx.msk [tilespmem:v26+s29+$0x0], $0xffff;
	v17 =	vsub.f32 v17, v51;
	v34 =	vadd.f32 v39, v34;
	v31 =	vmul.f32 v43, v31  }
0x243: {  	v54 =	vadd.s32 $0xD, v10;
	v51 =	vmul.f32 v24, v6;
	v30 =	vmul.f32 v30, v55;
	[tilespmem:v48+s0+$0x0] =	vst.idx.msk $0xffff, v33  }
0x244: {  	v17 =	vmul.f32 v17, v17;
	v34 =	vmax.f32 v34, $1.000000020e-24;
	v55 =	vmul.f32 v31, v47;
	v50 =	vld.idx.msk [tilespmem:v53+s12+$0x0], $0xffff  }
0x245: {  	v37 =	vadd.f32 v37, v52;
	v52 =	vadd.s32 $0x9, v20;
	v40 =	vld.idx.msk [tilespmem:v40+s12+$0x0], $0xffff;
	[tilespmem:v35+s0+$0x0] =	vst.idx.msk $0xffff, v30;
	v30 =	vshra.s32 v34, $0x1  }
0x246: {  	v35 =	vmul.f32 $5.000000000e-01, v34;
	v29 =	vadd.f32 v17, v29;
	v36 =	vld.idx.msk [tilespmem:v62+s12+$0x0], $0xffff;
	v45 =	vmul.f32 v55, v31  }
0x247: {  	v3 =	vmul.f32 v3, v46;
	v37 =	vmul.f32 v37, v42;
	v53 =	vld.idx.msk [tilespmem:v25+s29+$0x0], $0xffff;
	v30 =	vsub.s32 $0x5F3759DF, v30  }
0x248: {  	v33 =	vld.idx.msk [tilespmem:v54+s12+$0x0], $0xffff;
	v56 =	vmul.f32 v30, v35;
	v29 =	vmax.f32 v29, $1.000000020e-24;
	v61 =	vsub.f32 $1.500000000e+00, v45  }
0x249: {  	v39 =	vld.idx.msk [tilespmem:v44+s29+$0x0], $0xffff;
	v63 =	vshra.s32 v29, $0x1;
	v48 =	vmul.f32 $5.000000000e-01, v29;
	v55 =	vmul.f32 v50, v58  }
0x24a: {  	[tilespmem:v26+s0+$0x0] =	vst.idx.msk $0xffff, v37;
	v62 =	vmul.f32 v30, v56;
	v24 =	vmul.f32 v61, v31;
	v31 =	vsub.s32 $0x5F3759DF, v63  }
0x24b: {  	v36 =	vmul.f32 v36, v21;
	v45 =	vmul.f32 v31, v48;
	v37 =	vadd.f32 v55, v40  }
0x24c: {  	v17 =	vld.idx.msk [tilespmem:v27+s29+$0x0], $0xffff;
	v63 =	vadd.s32 $0x22, v10;
	v43 =	vsub.f32 $1.500000000e+00, v62;
	v61 =	vmul.f32 v24, v47  }
0x24d: {  	v41 =	vld.idx.msk [tilespmem:v41+s12+$0x0], $0xffff;
	v62 =	vmul.f32 v31, v45;
	v33 =	vadd.f32 v36, v33;
	v37 =	vmul.f32 v37, v53  }
0x24e: {  	v32 =	vor.u32 $0xF, v15;
	v30 =	vmul.f32 v30, v43;
	v45 =	vld.idx.msk [tilespmem:v4+s29+$0x0], $0xffff;
	v26 =	vmul.f32 v61, v24  }
0x24f: {  	v61 =	vadd.s32 $0xE, v10;
	v43 =	vsub.f32 $1.500000000e+00, v62;
	v33 =	vmul.f32 v33, v39;
	v62 =	vld.idx.msk [tilespmem:v52+s12+$0x0], $0xffff;
	[tilespmem:v25+s0+$0x0] =	vst.idx.msk $0xffff, v37  }
0x250: {  	[tilespmem:v16+s0+$0x0] =	vst.idx.msk $0xffff, v3;
	v47 =	vadd.s32 $0xA, v8;
	v56 =	vmul.f32 v30, v35;
	v26 =	vsub.f32 $1.500000000e+00, v26;
	v3 =	vld.idx.msk [tilespmem:v2+s29+$0x0], $0xffff  }
0x251: {  	v5 =	vadd.s32 $0x25, v11;
	v31 =	vmul.f32 v31, v43;
	[tilespmem:v44+s0+$0x0] =	vst.idx.msk $0xffff, v33;
	v33 =	vor.u32 $0xE, v15;
	v44 =	vld.idx.msk [tilespmem:v23+s29+$0x0], $0xffff  }
0x252: {  	v49 =	vadd.s32 $0x1E, v8;
	v42 =	vmul.f32 v56, v30;
	v26 =	vmul.f32 v26, v24;
	v36 =	vld.idx.msk [tilespmem:v63+s12+$0x0], $0xffff  }
0x253: {  	v22 =	vadd.f32 v51, v22;
	v52 =	vmul.f32 v41, v19;
	v24 =	vld.idx.msk [tilespmem:v28+s29+$0x0], $0xffff;
	v63 =	vmul.f32 v31, v48  }
0x254: {  	v43 =	vadd.s32 $0x1E, v20;
	v42 =	vsub.f32 $1.500000000e+00, v42;
	v53 =	vld.idx.msk [tilespmem:v61+s12+$0x0], $0xffff;
	v26 =	vmul.f32 v26, v38  }
0x255: {  	v22 =	vmul.f32 v22, v45;
	v45 =	vld.idx.msk [tilespmem:v47+s12+$0x0], $0xffff;
	v47 =	vadd.s32 $0x23, v10;
	v55 =	vmul.f32 v63, v31  }
0x256: {  	v30 =	vmul.f32 v42, v30;
	v25 =	vmul.f32 $6.400000000e+01, v26;
	v26 =	vadd.f32 v52, v62;
	v56 =	vld.idx.msk [tilespmem:v33+s29+$0x0], $0xffff  }
0x257: {  	v63 =	vadd.s32 $0xA, v20;
	v62 =	vld.idx.msk [tilespmem:v49+s12+$0x0], $0xffff;
	v61 =	vsub.f32 $1.500000000e+00, v55;
	v36 =	vmul.f32 v36, v21  }
0x258: {  	[tilespmem:v4+s0+$0x0] =	vst.idx.msk $0xffff, v22;
	v35 =	vmul.f32 v30, v35;
	v25 =	vmin.f32 v25, $5.115000000e+02;
	v26 =	vmul.f32 v26, v44  }
0x259: {  	v4 =	vld.idx.msk [tilespmem:v5+s12+$0x0], $0xffff;
	v46 =	vtrunc.f32 v25;
	v31 =	vmul.f32 v61, v31;
	v16 =	vadd.f32 v36, v53  }
0x25a: {  	v1 =	vor.u32 $0xA, v14;
	v5 =	vld.idx.msk [tilespmem:v18+s12+$0x0], $0xffff;
	v35 =	vmul.f32 v35, v30;
	v49 =	vcvt.f32.s32 v46  }
0x25b: {  	v18 =	vadd.s32 $0xF, v10;
	[tilespmem:v23+s0+$0x0] =	vst.idx.msk $0xffff, v26;
	v50 =	vmul.f32 v31, v48;
	v16 =	vmul.f32 v16, v56  }
0x25c: {  	v23 =	vld.idx.msk [tilespmem:v43+s12+$0x0], $0xffff;
	v26 =	vsub.f32 $1.500000000e+00, v35;
	v52 =	vmul.f32 v62, v58;
	v22 =	vmul.u32 $0x28, v49  }
0x25d: {  	v53 =	vld.idx.msk [tilespmem:v63+s12+$0x0], $0xffff;
	v56 =	vadd.s32 $0x11, v12;
	v51 =	vmul.f32 v50, v31;
	[tilespmem:v33+s0+$0x0] =	vst.idx.msk $0xffff, v16  }
0x25e: {  	v26 =	vmul.f32 v26, v30;
	v16 =	vadd.s32 $0x14, v22;
	v36 =	vld.idx.msk [tilespmem:v47+s12+$0x0], $0xffff  }
0x25f: {  	v61 =	vld.idx.msk [tilespmem:v1+s29+$0x0], $0xffff;
	v62 =	vadd.s32 $0xB, v8;
	v38 =	vadd.f32 v52, v45;
	v30 =	vsub.f32 $1.500000000e+00, v51  }
0x260: {  	v63 =	vld.idx.msk [tilespmem:v18+s12+$0x0], $0xffff;
	v18 =	vmul.f32 v26, v34  }
0x261: {  	v55 =	vadd.s32 $0x11, v11;
	v3 =	vmul.f32 v38, v3;
	v26 =	vmul.f32 v30, v31;
	v31 =	vld.idx.msk [tilespmem:v32+s29+$0x0], $0xffff  }
0x262: {  	v23 =	vmul.f32 v23, v19;
	v30 =	vadd.s32 $0x1F, v8;
	v46 =	vmul.f32 $6.400000000e+01, v18;
	v18 =	vld.idx.msk [tilespmem:v56+s12+$0x0], $0xffff  }
0x263: {  	[tilespmem:v2+s0+$0x0] =	vst.idx.msk $0xffff, v3;
	v47 =	vld.idx.msk [tilespmem:v16+s12+$0x0], $0xffff;
	v26 =	vmul.f32 v26, v29;
	v48 =	vmul.f32 v36, v21  }
0x264: {  	v49 =	vcvt.s32.f32 v49;
	v45 =	vadd.s32 $0x1F, v20;
	v2 =	vadd.f32 v23, v53;
	v40 =	vld.idx.msk [tilespmem:v62+s12+$0x0], $0xffff  }
0x265: {  	v50 =	vadd.s32 $0x24, v10;
	v23 =	vmul.f32 $6.400000000e+01, v26;
	v26 =	vld.idx.msk [tilespmem:v22+s12+$0x0], $0xffff;
	v33 =	vadd.f32 v48, v63  }
0x266: {  	v3 =	vsub.f32 v25, v49;
	v29 =	vadd.s32 $0xB, v20;
	v16 =	vld.idx.msk [tilespmem:v55+s12+$0x0], $0xffff;
	v2 =	vmul.f32 v2, v61  }
0x267: {  	v51 =	vadd.s32 $0x10, v10;
	v36 =	vmin.f32 v23, $5.115000000e+02;
	v23 =	vld.idx.msk [tilespmem:v0+s29+$0x0], $0xffff;
	v31 =	vmul.f32 v33, v31  }
0x268: {  	v39 =	vor.u32 $0xB, v13;
	v25 =	vld.idx.msk [tilespmem:v30+s12+$0x0], $0xffff;
	[tilespmem:v1+s0+$0x0] =	vst.idx.msk $0xffff, v2;
	v52 =	vmul.f32 v3, v47  }
0x269: {  	v42 =	vor.u32 $0x10, v15;
	v35 =	vmin.f32 v46, $5.115000000e+02;
	v34 =	vld.idx.msk [tilespmem:v45+s12+$0x0], $0xffff;
	[tilespmem:v32+s0+$0x0] =	vst.idx.msk $0xffff, v31  }
0x26a: {  	v30 =	vtrunc.f32 v35;
	v31 =	vadd.s32 $0x15, v22;
	v26 =	vadd.f32 v52, v26;
	v32 =	vld.idx.msk [tilespmem:v50+s12+$0x0], $0xffff  }
0x26b: {  	v30 =	vcvt.f32.s32 v30;
	v1 =	vtrunc.f32 v36;
	v29 =	vld.idx.msk [tilespmem:v29+s12+$0x0], $0xffff  }
0x26c: {  	v53 =	vor.u32 $0x1, v22;
	v41 =	vcvt.f32.s32 v1;
	v23 =	vmul.f32 v26, v23;
	v26 =	vld.idx.msk [tilespmem:v51+s12+$0x0], $0xffff  }
0x26d: {  	v43 =	vor.u32 $0x1, v0;
	v1 =	vmul.u32 $0x28, v30;
	v38 =	vld.idx.msk [tilespmem:v39+s29+$0x0], $0xffff  }
0x26e: {  	v2 =	vmul.u32 $0x28, v41;
	[tilespmem:v0+s0+$0x0] =	vst.idx.msk $0xffff, v23;
	v23 =	vld.idx.msk [tilespmem:v42+s29+$0x0], $0xffff  }
0x26f: {  	v55 =	vadd.s32 $0x14, v1;
	v31 =	vld.idx.msk [tilespmem:v31+s12+$0x0], $0xffff;
	v32 =	vmul.f32 v32, v21  }
0x270: {  	v56 =	vadd.s32 $0x14, v2  }
0x271: {  	v61 =	vadd.s32 $0x25, v10;
	v33 =	vld.idx.msk [tilespmem:v53+s12+$0x0], $0xffff;
	v26 =	vadd.f32 v32, v26  }
0x272: {  	v62 =	vld.idx.msk [tilespmem:v43+s29+$0x0], $0xffff  }
0x273: {  	v63 =	vadd.s32 $0x11, v10;
	v52 =	vld.idx.msk [tilespmem:v1+s12+$0x0], $0xffff;
	v26 =	vmul.f32 v26, v23  }
0x274: {  	v30 =	vcvt.s32.f32 v30;
	v37 =	vld.idx.msk [tilespmem:v55+s12+$0x0], $0xffff;
	v31 =	vmul.f32 v3, v31  }
0x275: {  	v41 =	vcvt.s32.f32 v41;
	v44 =	vld.idx.msk [tilespmem:v56+s12+$0x0], $0xffff;
	[tilespmem:v42+s0+$0x0] =	vst.idx.msk $0xffff, v26;
	v42 =	vor.u32 $0x11, v15  }
0x276: {  	v54 =	vmovc v6;
	v6 =	vsub.f32 v35, v30;
	v30 =	vadd.f32 v31, v33;
	v31 =	vadd.s32 $0x16, v22;
	v32 =	vld.idx.msk [tilespmem:v61+s12+$0x0], $0xffff  }
0x277: {  	v25 =	vmul.f32 v25, v58;
	v34 =	vmul.f32 v34, v19;
	v53 =	vld.idx.msk [tilespmem:v2+s12+$0x0], $0xffff  }
0x278: {  	v9 =	vsub.f32 v36, v41;
	v55 =	vor.u32 $0x2, v22;
	v56 =	vld.idx.msk [tilespmem:v63+s12+$0x0], $0xffff;
	v30 =	vmul.f32 v30, v62  }
0x279: {  	v46 =	vor.u32 $0x2, v0;
	v25 =	vadd.f32 v25, v40;
	v35 =	vmul.f32 v6, v37  }
0x27a: {  	v29 =	vadd.f32 v34, v29;
	v44 =	vmul.f32 v9, v44;
	[tilespmem:v43+s0+$0x0] =	vst.idx.msk $0xffff, v30;
	v30 =	vld.idx.msk [tilespmem:v42+s29+$0x0], $0xffff  }
0x27b: {  	v34 =	vadd.s32 $0xC, v8;
	v35 =	vadd.f32 v35, v52;
	v31 =	vld.idx.msk [tilespmem:v31+s12+$0x0], $0xffff;
	v32 =	vmul.f32 v32, v21  }
0x27c: {  	v45 =	vor.u32 $0xB, v14;
	v25 =	vmul.f32 v25, v38;
	v44 =	vadd.f32 v44, v53  }
0x27d: {  	v17 =	vmul.f32 v35, v17;
	v53 =	vadd.s32 $0x26, v10;
	v52 =	vld.idx.msk [tilespmem:v55+s12+$0x0], $0xffff;
	v32 =	vadd.f32 v32, v56  }
0x27e: {  	[tilespmem:v39+s0+$0x0] =	vst.idx.msk $0xffff, v25;
	v61 =	vadd.s32 $0x15, v1  }
0x27f: {  	[tilespmem:v27+s0+$0x0] =	vst.idx.msk $0xffff, v17;
	v17 =	vld.idx.msk [tilespmem:v46+s29+$0x0], $0xffff;
	v56 =	vadd.s32 $0x12, v10;
	v30 =	vmul.f32 v32, v30  }
0x280: {  	v34 =	vld.idx.msk [tilespmem:v34+s12+$0x0], $0xffff;
	v63 =	vor.u32 $0x1, v1;
	v31 =	vmul.f32 v3, v31  }
0x281: {  	v33 =	vld.idx.msk [tilespmem:v45+s29+$0x0], $0xffff;
	v24 =	vmul.f32 v44, v24;
	[tilespmem:v42+s0+$0x0] =	vst.idx.msk $0xffff, v30;
	v30 =	vor.u32 $0x12, v15  }
0x282: {  	v62 =	vadd.s32 $0x15, v2;
	v31 =	vadd.f32 v31, v52;
	v36 =	vld.idx.msk [tilespmem:v53+s12+$0x0], $0xffff  }
0x283: {  	v44 =	vor.u32 $0x1, v27;
	[tilespmem:v28+s0+$0x0] =	vst.idx.msk $0xffff, v24;
	v24 =	vld.idx.msk [tilespmem:v61+s12+$0x0], $0xffff  }
0x284: {  	v61 =	vadd.s32 $0x17, v22;
	v32 =	vld.idx.msk [tilespmem:v56+s12+$0x0], $0xffff;
	v17 =	vmul.f32 v31, v17  }
0x285: {  	v23 =	vor.u32 $0x11, v60;
	v47 =	vld.idx.msk [tilespmem:v63+s12+$0x0], $0xffff  }
0x286: {  	v26 =	vor.u32 $0x11, v7;
	[tilespmem:v46+s0+$0x0] =	vst.idx.msk $0xffff, v17;
	v46 =	vld.idx.msk [tilespmem:v30+s29+$0x0], $0xffff  }
0x287: {  	v55 =	vor.u32 $0x1, v2;
	v43 =	vld.idx.msk [tilespmem:v62+s12+$0x0], $0xffff;
	v36 =	vmul.f32 v36, v21  }
0x288: {  	v62 =	vadd.s32 $0x20, v8;
	v63 =	vld.idx.msk [tilespmem:v44+s29+$0x0], $0xffff  }
0x289: {  	v25 =	vmul.f32 v29, v33;
	v35 =	vld.idx.msk [tilespmem:v61+s12+$0x0], $0xffff;
	v61 =	vadd.s32 $0x27, v10;
	v32 =	vadd.f32 v36, v32  }
0x28a: {  	v41 =	vld.idx.msk [tilespmem:v23+s29+$0x0], $0xffff;
	v42 =	vor.u32 $0x1, v28;
	v24 =	vmul.f32 v6, v24  }
0x28b: {  	v49 =	vld.idx.msk [tilespmem:v26+s29+$0x0], $0xffff;
	[tilespmem:v45+s0+$0x0] =	vst.idx.msk $0xffff, v25;
	v31 =	vor.u32 $0x3, v22;
	v25 =	vmul.f32 v32, v46  }
0x28c: {  	v37 =	vld.idx.msk [tilespmem:v55+s12+$0x0], $0xffff;
	v55 =	vadd.s32 $0x16, v1;
	v24 =	vadd.f32 v24, v47  }
0x28d: {  	v33 =	vld.idx.msk [tilespmem:v62+s12+$0x0], $0xffff;
	v17 =	vor.u32 $0x3, v0;
	[tilespmem:v30+s0+$0x0] =	vst.idx.msk $0xffff, v25  }
0x28e: {  	v40 =	vadd.s32 $0x20, v20;
	v24 =	vmul.f32 v24, v63;
	v25 =	vld.idx.msk [tilespmem:v61+s12+$0x0], $0xffff  }
0x28f: {  	v56 =	vld.idx.msk [tilespmem:v42+s29+$0x0], $0xffff;
	v10 =	vadd.s32 $0x13, v10  }
0x290: {  	[tilespmem:v44+s0+$0x0] =	vst.idx.msk $0xffff, v24;
	v31 =	vld.idx.msk [tilespmem:v31+s12+$0x0], $0xffff  }
0x291: {  	v38 =	vld.idx.msk [tilespmem:v55+s12+$0x0], $0xffff  }
0x292: {  	v62 =	vmul.f32 v9, v43;
	v63 =	vld.idx.msk [tilespmem:v17+s29+$0x0], $0xffff  }
0x293: {  	v32 =	vld.idx.msk [tilespmem:v40+s12+$0x0], $0xffff;
	[tilespmem:$0x1FB40] =	vst v25  }
0x294: {  	v29 =	vor.u32 $0x2, v1;
	v37 =	vadd.f32 v62, v37;
	v35 =	vmul.f32 v3, v35;
	v10 =	vld.idx.msk [tilespmem:v10+s12+$0x0], $0xffff  }
0x295: {  	v47 =	vadd.s32 $0x16, v2  }
0x296: {  	v48 =	vmul.f32 v37, v56;
	v24 =	vadd.f32 v35, v31;
	v31 =	vor.u32 $0x2, v2  }
0x297: {  	v30 =	vadd.s32 $0x18, v22  }
0x298: {  	v51 =	vor.u32 $0x4, v22;
	[tilespmem:v42+s0+$0x0] =	vst.idx.msk $0xffff, v48  }
0x299: {  	v39 =	vor.u32 $0x2, v27;
	v50 =	vmul.f32 v24, v63;
	v29 =	vld.idx.msk [tilespmem:v29+s12+$0x0], $0xffff;
	[tilespmem:$0x1FB70] =	vst v10  }
0x29a: {  	v35 =	vor.u32 $0x4, v0;
	v10 =	vld.idx.msk [tilespmem:v47+s12+$0x0], $0xffff  }
0x29b: {  	v4 =	vmul.f32 v4, v59;
	v36 =	vor.u32 $0x2, v28;
	[tilespmem:v17+s0+$0x0] =	vst.idx.msk $0xffff, v50;
	v31 =	vld.idx.msk [tilespmem:v31+s12+$0x0], $0xffff  }
0x29c: {  	v5 =	vmul.f32 v5, v54;
	v40 =	vor.u32 $0xC, v13;
	v17 =	vld.idx.msk [tilespmem:v30+s12+$0x0], $0xffff;
	[tilespmem:$0x1FBD0] =	vst v59  }
0x29d: {  	v4 =	vadd.f32 v4, v16;
	v42 =	vor.u32 $0xC, v14;
	v37 =	vld.idx.msk [tilespmem:v51+s12+$0x0], $0xffff;
	[tilespmem:$0x1FC00] =	vst v54  }
0x29e: {  	v5 =	vadd.f32 v5, v18;
	v30 =	vadd.s32 $0xC, v20;
	v43 =	vld.idx.msk [tilespmem:v39+s29+$0x0], $0xffff  }
0x29f: {  	v4 =	vmul.f32 v4, v41;
	v62 =	vmov v54;
	v54 =	vadd.s32 $0x12, v11;
	v16 =	vld.idx.msk [tilespmem:v35+s29+$0x0], $0xffff  }
0x2a0: {  	v5 =	vmul.f32 v5, v49;
	v52 =	vadd.s32 $0x26, v11;
	v18 =	vmul.f32 v6, v38;
	v55 =	vld.idx.msk [tilespmem:v36+s29+$0x0], $0xffff  }
0x2a1: {  	v53 =	vadd.s32 $0x26, v12;
	v33 =	vmul.f32 v33, v58;
	v63 =	vmovc v59;
	v59 =	vld.idx.msk [tilespmem:v40+s29+$0x0], $0xffff;
	v17 =	vmul.f32 v3, v17  }
0x2a2: {  	v56 =	vadd.s32 $0x17, v1;
	v18 =	vadd.f32 v18, v29;
	[tilespmem:v23+s0+$0x0] =	vst.idx.msk $0xffff, v4;
	v4 =	vld.idx.msk [tilespmem:v42+s29+$0x0], $0xffff  }
0x2a3: {  	v33 =	vadd.f32 v33, v34;
	v61 =	vadd.s32 $0x19, v22;
	v30 =	vld.idx.msk [tilespmem:v30+s12+$0x0], $0xffff;
	v37 =	vadd.f32 v17, v37  }
0x2a4: {  	v50 =	vadd.s32 $0xD, v8;
	v10 =	vmul.f32 v9, v10;
	v23 =	vld.idx.msk [tilespmem:v54+s12+$0x0], $0xffff;
	v29 =	vmul.f32 v18, v43  }
0x2a5: {  	[tilespmem:v26+s0+$0x0] =	vst.idx.msk $0xffff, v5;
	v26 =	vadd.s32 $0x17, v2;
	v17 =	vld.idx.msk [tilespmem:v52+s12+$0x0], $0xffff;
	v5 =	vmul.f32 v37, v16;
	v16 =	vor.u32 $0x5, v22  }
0x2a6: {  	v10 =	vadd.f32 v10, v31;
	v18 =	vld.idx.msk [tilespmem:v53+s12+$0x0], $0xffff;
	v33 =	vmul.f32 v33, v59;
	[tilespmem:v39+s0+$0x0] =	vst.idx.msk $0xffff, v29  }
0x2a7: {  	v32 =	vmul.f32 v32, v19;
	v45 =	vld.idx.msk [tilespmem:v56+s12+$0x0], $0xffff;
	[tilespmem:v35+s0+$0x0] =	vst.idx.msk $0xffff, v5;
	v5 =	vor.u32 $0x5, v0  }
0x2a8: {  	v31 =	vor.u32 $0x3, v1;
	v10 =	vmul.f32 v10, v55;
	[tilespmem:v40+s0+$0x0] =	vst.idx.msk $0xffff, v33;
	v29 =	vld.idx.msk [tilespmem:v61+s12+$0x0], $0xffff  }
0x2a9: {  	v44 =	vor.u32 $0x3, v2;
	v30 =	vadd.f32 v32, v30;
	v32 =	vld.idx.msk [tilespmem:v50+s12+$0x0], $0xffff  }
0x2aa: {  	v46 =	vor.u32 $0x3, v27;
	[tilespmem:v36+s0+$0x0] =	vst.idx.msk $0xffff, v10;
	v10 =	vld.idx.msk [tilespmem:v16+s12+$0x0], $0xffff  }
0x2ab: {  	v47 =	vadd.s32 $0x21, v8;
	v26 =	vld.idx.msk [tilespmem:v26+s12+$0x0], $0xffff  }
0x2ac: {  	v49 =	vadd.s32 $0x21, v20;
	v48 =	vld.idx.msk [tilespmem:v5+s29+$0x0], $0xffff  }
0x2ad: {  	v51 =	vadd.s32 $0xD, v20;
	v31 =	vld.idx.msk [tilespmem:v31+s12+$0x0], $0xffff;
	v29 =	vmul.f32 v3, v29  }
0x2ae: {  	v35 =	vld.idx.msk [tilespmem:v44+s12+$0x0], $0xffff;
	v4 =	vmul.f32 v30, v4;
	v16 =	vor.u32 $0x3, v28  }
0x2af: {  	v30 =	vld.idx.msk [tilespmem:v46+s29+$0x0], $0xffff;
	v10 =	vadd.f32 v29, v10;
	v29 =	vadd.s32 $0x1A, v22  }
0x2b0: {  	v36 =	vor.u32 $0xD, v13;
	[tilespmem:v42+s0+$0x0] =	vst.idx.msk $0xffff, v4;
	v4 =	vld.idx.msk [tilespmem:v47+s12+$0x0], $0xffff  }
0x2b1: {  	v53 =	vor.u32 $0x6, v22;
	v54 =	vld.idx.msk [tilespmem:v49+s12+$0x0], $0xffff;
	v10 =	vmul.f32 v10, v48  }
0x2b2: {  	v55 =	vor.u32 $0xD, v14;
	v37 =	vmul.f32 v6, v45;
	v38 =	vld.idx.msk [tilespmem:v51+s12+$0x0], $0xffff  }
0x2b3: {  	v52 =	vld.idx.msk [tilespmem:v16+s29+$0x0], $0xffff;
	[tilespmem:v5+s0+$0x0] =	vst.idx.msk $0xffff, v10;
	v5 =	vor.u32 $0x6, v0  }
0x2b4: {  	v31 =	vadd.f32 v37, v31;
	v10 =	vadd.s32 $0x18, v1;
	v29 =	vld.idx.msk [tilespmem:v29+s12+$0x0], $0xffff  }
0x2b5: {  	v61 =	vld.idx.msk [tilespmem:v36+s29+$0x0], $0xffff;
	v26 =	vmul.f32 v9, v26  }
0x2b6: {  	v56 =	vor.u32 $0x4, v1;
	v30 =	vmul.f32 v31, v30;
	v4 =	vmul.f32 v4, v58;
	v31 =	vld.idx.msk [tilespmem:v53+s12+$0x0], $0xffff  }
0x2b7: {  	v59 =	vadd.s32 $0x18, v2;
	v45 =	vor.u32 $0x4, v27;
	v47 =	vld.idx.msk [tilespmem:v55+s29+$0x0], $0xffff;
	v26 =	vadd.f32 v26, v35  }
0x2b8: {  	v40 =	vmul.f32 v54, v19;
	[tilespmem:v46+s0+$0x0] =	vst.idx.msk $0xffff, v30;
	v4 =	vadd.f32 v4, v32;
	v30 =	vld.idx.msk [tilespmem:v5+s29+$0x0], $0xffff  }
0x2b9: {  	v46 =	vor.u32 $0x4, v2;
	v26 =	vmul.f32 v26, v52;
	v10 =	vld.idx.msk [tilespmem:v10+s12+$0x0], $0xffff;
	v29 =	vmul.f32 v29, v3  }
0x2ba: {  	v33 =	vor.u32 $0x4, v28;
	v38 =	vadd.f32 v40, v38;
	v4 =	vmul.f32 v4, v61  }
0x2bb: {  	v49 =	vadd.s32 $0x22, v20;
	[tilespmem:v16+s0+$0x0] =	vst.idx.msk $0xffff, v26;
	v16 =	vld.idx.msk [tilespmem:v56+s12+$0x0], $0xffff;
	v26 =	vadd.f32 v29, v31  }
0x2bc: {  	v50 =	vld.idx.msk [tilespmem:v45+s29+$0x0], $0xffff;
	[tilespmem:v36+s0+$0x0] =	vst.idx.msk $0xffff, v4;
	v4 =	vmul.f32 v38, v47;
	v29 =	vadd.s32 $0x1B, v22  }
0x2bd: {  	v48 =	vld.idx.msk [tilespmem:v59+s12+$0x0], $0xffff;
	v31 =	vadd.s32 $0x22, v8;
	v26 =	vmul.f32 v26, v30  }
0x2be: {  	v51 =	vld.idx.msk [tilespmem:v46+s12+$0x0], $0xffff;
	[tilespmem:v55+s0+$0x0] =	vst.idx.msk $0xffff, v4;
	v30 =	vor.u32 $0x7, v22;
	v10 =	vmul.f32 v6, v10  }
0x2bf: {  	v53 =	vld.idx.msk [tilespmem:v33+s29+$0x0], $0xffff;
	[tilespmem:v5+s0+$0x0] =	vst.idx.msk $0xffff, v26;
	v5 =	vor.u32 $0x7, v0  }
0x2c0: {  	v52 =	vadd.s32 $0x19, v1;
	v34 =	vld.idx.msk [tilespmem:v49+s12+$0x0], $0xffff;
	v10 =	vadd.f32 v10, v16  }
0x2c1: {  	v26 =	vadd.s32 $0xE, v8;
	v16 =	vld.idx.msk [tilespmem:v29+s12+$0x0], $0xffff  }
0x2c2: {  	v55 =	vor.u32 $0xE, v13;
	v32 =	vmul.f32 v9, v48;
	v29 =	vld.idx.msk [tilespmem:v31+s12+$0x0], $0xffff;
	v4 =	vmul.f32 v10, v50  }
0x2c3: {  	v31 =	vor.u32 $0x5, v1;
	v10 =	vld.idx.msk [tilespmem:v30+s12+$0x0], $0xffff  }
0x2c4: {  	v59 =	vadd.s32 $0x19, v2;
	v32 =	vadd.f32 v32, v51;
	[tilespmem:v45+s0+$0x0] =	vst.idx.msk $0xffff, v4;
	v4 =	vld.idx.msk [tilespmem:v5+s29+$0x0], $0xffff  }
0x2c5: {  	v54 =	vor.u32 $0x5, v27;
	v56 =	vld.idx.msk [tilespmem:v52+s12+$0x0], $0xffff  }
0x2c6: {  	v61 =	vor.u32 $0x5, v2;
	v32 =	vmul.f32 v32, v53;
	v26 =	vld.idx.msk [tilespmem:v26+s12+$0x0], $0xffff;
	v16 =	vmul.f32 v16, v3  }
0x2c7: {  	v47 =	vld.idx.msk [tilespmem:v55+s29+$0x0], $0xffff;
	v30 =	vadd.s32 $0xE, v20  }
0x2c8: {  	[tilespmem:v33+s0+$0x0] =	vst.idx.msk $0xffff, v32;
	v31 =	vld.idx.msk [tilespmem:v31+s12+$0x0], $0xffff;
	v10 =	vadd.f32 v16, v10;
	v16 =	vadd.s32 $0x1C, v22  }
0x2c9: {  	v46 =	vor.u32 $0x5, v28;
	v33 =	vld.idx.msk [tilespmem:v59+s12+$0x0], $0xffff;
	v29 =	vmul.f32 v29, v58  }
0x2ca: {  	v45 =	vld.idx.msk [tilespmem:v54+s29+$0x0], $0xffff;
	v4 =	vmul.f32 v10, v4;
	v10 =	vadd.s32 $0x8, v22  }
0x2cb: {  	v50 =	vadd.s32 $0x23, v8;
	v35 =	vld.idx.msk [tilespmem:v61+s12+$0x0], $0xffff;
	v48 =	vmul.f32 v6, v56;
	v26 =	vadd.f32 v29, v26  }
0x2cc: {  	v30 =	vld.idx.msk [tilespmem:v30+s12+$0x0], $0xffff;
	[tilespmem:v5+s0+$0x0] =	vst.idx.msk $0xffff, v4;
	v4 =	vor.u32 $0x8, v0  }
0x2cd: {  	v5 =	vadd.s32 $0x1A, v1;
	v31 =	vadd.f32 v48, v31;
	v26 =	vmul.f32 v26, v47;
	v16 =	vld.idx.msk [tilespmem:v16+s12+$0x0], $0xffff  }
0x2ce: {  	v52 =	vadd.s32 $0xF, v8;
	v29 =	vld.idx.msk [tilespmem:v46+s29+$0x0], $0xffff  }
0x2cf: {  	v49 =	vor.u32 $0x6, v1;
	v31 =	vmul.f32 v31, v45;
	[tilespmem:v55+s0+$0x0] =	vst.idx.msk $0xffff, v26;
	v10 =	vld.idx.msk [tilespmem:v10+s12+$0x0], $0xffff  }
0x2d0: {  	v32 =	vor.u32 $0xE, v14;
	v33 =	vmul.f32 v9, v33;
	v37 =	vld.idx.msk [tilespmem:v50+s12+$0x0], $0xffff  }
0x2d1: {  	v51 =	vor.u32 $0x6, v27;
	[tilespmem:v54+s0+$0x0] =	vst.idx.msk $0xffff, v31;
	v31 =	vld.idx.msk [tilespmem:v4+s29+$0x0], $0xffff  }
0x2d2: {  	v53 =	vadd.s32 $0x1A, v2;
	v33 =	vadd.f32 v33, v35;
	v5 =	vld.idx.msk [tilespmem:v5+s12+$0x0], $0xffff;
	v16 =	vmul.f32 v16, v3  }
0x2d3: {  	v55 =	vor.u32 $0x6, v2;
	v36 =	vld.idx.msk [tilespmem:v52+s12+$0x0], $0xffff  }
0x2d4: {  	s14 =	sadd.s32 $0x30, s14;
	v29 =	vmul.f32 v33, v29;
	v26 =	vld.idx.msk [tilespmem:v49+s12+$0x0], $0xffff;
	v10 =	vadd.f32 v16, v10;
	v16 =	vadd.s32 $0x1D, v22  }
0x2d5: {  	s19 =	sadd.s32 $0xFFFFFFF0, s14;
	v33 =	vor.u32 $0xF, v13;
	v54 =	vld.idx.msk [tilespmem:v32+s29+$0x0], $0xffff  }
0x2d6: {  	v52 =	vor.u32 s19, v57;
	v56 =	vld.idx.msk [tilespmem:v51+s29+$0x0], $0xffff;
	[tilespmem:v46+s0+$0x0] =	vst.idx.msk $0xffff, v29;
	v10 =	vmul.f32 v10, v31;
	v31 =	vadd.s32 $0x9, v22  }
0x2d7: {  	v29 =	vld.idx.msk [tilespmem:v53+s12+$0x0], $0xffff;
	v53 =	vshll.u32 v52, $0x4;
	v5 =	vmul.f32 v5, v6  }
0x2d8: {  	v61 =	vld.idx.msk [tilespmem:v55+s12+$0x0], $0xffff;
	[tilespmem:v4+s0+$0x0] =	vst.idx.msk $0xffff, v10;
	v4 =	vor.u32 $0x9, v0  }
0x2d9: {  	v10 =	vadd.s32 $0x1B, v1;
	v5 =	vadd.f32 v5, v26;
	v16 =	vld.idx.msk [tilespmem:v16+s12+$0x0], $0xffff  }
0x2da: {  	v59 =	vor.u32 $0x6, v28;
	v43 =	vld.idx.msk [tilespmem:v33+s29+$0x0], $0xffff;
	v26 =	vmul.f32 v34, v19  }
0x2db: {  	v45 =	vor.u32 $0x7, v1;
	v5 =	vmul.f32 v5, v56;
	v31 =	vld.idx.msk [tilespmem:v31+s12+$0x0], $0xffff  }
0x2dc: {  	v55 =	vor.u32 $0x2, v53;
	v39 =	vld.idx.msk [tilespmem:v53+s30+$0x0], $0xffff;
	v26 =	vadd.f32 v26, v30  }
0x2dd: {  	v47 =	vor.u32 $0x7, v27;
	[tilespmem:v51+s0+$0x0] =	vst.idx.msk $0xffff, v5;
	v5 =	vld.idx.msk [tilespmem:v4+s29+$0x0], $0xffff  }
0x2de: {  	v46 =	vadd.s32 $0x23, v20;
	v26 =	vmul.f32 v26, v54;
	v10 =	vld.idx.msk [tilespmem:v10+s12+$0x0], $0xffff;
	v16 =	vmul.f32 v16, v3  }
0x2df: {  	v48 =	vadd.s32 $0xF, v20;
	v30 =	vld.idx.msk [tilespmem:v59+s29+$0x0], $0xffff  }
0x2e0: {  	[tilespmem:v32+s0+$0x0] =	vst.idx.msk $0xffff, v26;
	v26 =	vld.idx.msk [tilespmem:v45+s12+$0x0], $0xffff;
	v16 =	vadd.f32 v16, v31;
	v31 =	vadd.s32 $0x1E, v22  }
0x2e1: {  	v29 =	vmul.f32 v29, v9;
	v44 =	vld.idx.msk [tilespmem:v55+s30+$0x0], $0xffff;
	v56 =	vor.u32 $0x1, v53  }
0x2e2: {  	v51 =	vld.idx.msk [tilespmem:v47+s29+$0x0], $0xffff;
	v5 =	vmul.f32 v16, v5;
	v16 =	vadd.s32 $0xA, v22  }
0x2e3: {  	v49 =	vadd.s32 $0x1B, v2;
	v29 =	vadd.f32 v29, v61;
	v38 =	vld.idx.msk [tilespmem:v46+s12+$0x0], $0xffff;
	v10 =	vmul.f32 v10, v6  }
0x2e4: {  	v40 =	vld.idx.msk [tilespmem:v48+s12+$0x0], $0xffff;
	[tilespmem:v4+s0+$0x0] =	vst.idx.msk $0xffff, v5;
	v5 =	vor.u32 $0xA, v0  }
0x2e5: {  	v29 =	vmul.f32 v29, v30;
	v4 =	vadd.s32 $0x1C, v1;
	v10 =	vadd.f32 v10, v26;
	v26 =	vld.idx.msk [tilespmem:v31+s12+$0x0], $0xffff  }
0x2e6: {  	v50 =	vor.u32 $0x7, v2;
	v46 =	vld.idx.msk [tilespmem:v56+s30+$0x0], $0xffff  }
0x2e7: {  	v30 =	vor.u32 $0x7, v28;
	[tilespmem:v59+s0+$0x0] =	vst.idx.msk $0xffff, v29;
	v10 =	vmul.f32 v10, v51;
	v16 =	vld.idx.msk [tilespmem:v16+s12+$0x0], $0xffff  }
0x2e8: {  	v34 =	vor.u32 $0x8, v27;
	v29 =	vld.idx.msk [tilespmem:v49+s12+$0x0], $0xffff  }
0x2e9: {  	v31 =	vadd.s32 $0x8, v1;
	[tilespmem:v47+s0+$0x0] =	vst.idx.msk $0xffff, v10;
	v10 =	vshll.u32 v52, $0x5;
	v54 =	vld.idx.msk [tilespmem:v5+s29+$0x0], $0xffff  }
0x2ea: {  	v24 =	vor.u32 $0x12, v60;
	v25 =	vmovc v60;
	v45 =	vld.idx.msk [tilespmem:v4+s12+$0x0], $0xffff;
	v60 =	vor.u32 $0x15, v10;
	v4 =	vmul.f32 v26, v3  }
0x2eb: {  	v37 =	vmul.f32 v37, v58;
	v32 =	vld.idx.msk [tilespmem:v50+s12+$0x0], $0xffff;
	v26 =	vor.u32 $0x14, v10  }
0x2ec: {  	v49 =	vadd.s32 $0x1F, v22;
	v42 =	vld.idx.msk [tilespmem:v30+s29+$0x0], $0xffff;
	v16 =	vadd.f32 v4, v16  }
0x2ed: {  	s20 =	sadd.s32 $0xFFFFFFE0, s14;
	v36 =	vadd.f32 v37, v36;
	v61 =	vadd.s32 $0xB, v22;
	v48 =	vld.idx.msk [tilespmem:v34+s29+$0x0], $0xffff  }
0x2ee: {  	v59 =	vor.u32 s20, v57;
	v53 =	vor.u32 $0x16, v10;
	v47 =	vld.idx.msk [tilespmem:v31+s12+$0x0], $0xffff;
	v41 =	vmul.f32 v16, v54  }
0x2ef: {  	v54 =	vshll.u32 v59, $0x4;
	v50 =	vld.idx.msk [tilespmem:v60+s29+$0x0], $0xffff  }
0x2f0: {  	v36 =	vmul.f32 v36, v43;
	v55 =	vld.idx.msk [tilespmem:v26+s29+$0x0], $0xffff;
	[tilespmem:v5+s0+$0x0] =	vst.idx.msk $0xffff, v41;
	v41 =	vor.u32 $0xB, v0  }
0x2f1: {  	v38 =	vmul.f32 v38, v19;
	v26 =	vshll.u32 v59, $0x5;
	v52 =	vor.u32 $0x1, v54;
	v49 =	vld.idx.msk [tilespmem:v49+s12+$0x0], $0xffff;
	[tilespmem:$0x1FBB0] =	vst v19  }
0x2f2: {  	v45 =	vmul.f32 v45, v6;
	v37 =	vor.u32 $0x14, v26;
	v5 =	vmovc v19;
	v19 =	vlaneseq.u32;
	v51 =	vld.idx.msk [tilespmem:v61+s12+$0x0], $0xffff  }
0x2f3: {  	v38 =	vadd.f32 v38, v40;
	v4 =	vmovc v58;
	v58 =	vor.u32 $0x15, v26;
	v60 =	vor.u32 s14, v19;
	v53 =	vld.idx.msk [tilespmem:v53+s29+$0x0], $0xffff  }
0x2f4: {  	v45 =	vadd.f32 v45, v47;
	v47 =	vor.u32 $0x2, v54;
	v59 =	vshll.u32 v60, $0x4;
	v54 =	vld.idx.msk [tilespmem:v54+s30+$0x0], $0xffff  }
0x2f5: {  	v61 =	vmul.f32 v29, v9;
	v29 =	vshll.u32 v60, $0x5;
	v40 =	vor.u32 $0x1, v59;
	v60 =	vld.idx.msk [tilespmem:v41+s29+$0x0], $0xffff  }
0x2f6: {  	v52 =	vld.idx.msk [tilespmem:v52+s30+$0x0], $0xffff;
	v39 =	vsub.f32 v39, v55;
	v55 =	vor.u32 $0x15, v29;
	v49 =	vmul.f32 v49, v3  }
0x2f7: {  	v46 =	vsub.f32 v46, v50;
	v43 =	vadd.f32 v61, v32;
	v61 =	vor.u32 $0x14, v29;
	v37 =	vld.idx.msk [tilespmem:v37+s29+$0x0], $0xffff  }
0x2f8: {  	v7 =	vor.u32 $0x10, v14;
	v58 =	vld.idx.msk [tilespmem:v58+s29+$0x0], $0xffff;
	v49 =	vadd.f32 v49, v51  }
0x2f9: {  	v46 =	vmul.f32 v46, v46;
	v47 =	vld.idx.msk [tilespmem:v47+s30+$0x0], $0xffff;
	v39 =	vmul.f32 v39, v39;
	v51 =	vadd.s32 $0x20, v22  }
0x2fa: {  	v35 =	vor.u32 $0xF, v14;
	v57 =	vor.u32 $0x16, v26;
	v40 =	vld.idx.msk [tilespmem:v40+s30+$0x0], $0xffff;
	v49 =	vmul.f32 v49, v60  }
0x2fb: {  	v56 =	vadd.s32 $0x24, v8;
	[tilespmem:v33+s0+$0x0] =	vst.idx.msk $0xffff, v36;
	v39 =	vadd.f32 v46, v39;
	v46 =	vadd.s32 $0xC, v22;
	v55 =	vld.idx.msk [tilespmem:v55+s29+$0x0], $0xffff  }
0x2fc: {  	v31 =	vadd.s32 $0x12, v12;
	v19 =	vor.u32 $0x13, v15;
	v44 =	vsub.f32 v44, v53;
	v60 =	vld.idx.msk [tilespmem:v61+s29+$0x0], $0xffff;
	[tilespmem:v41+s0+$0x0] =	vst.idx.msk $0xffff, v49  }
0x2fd: {  	v16 =	vor.u32 $0x10, v13;
	v33 =	vadd.s32 $0x8, v2;
	v15 =	vor.u32 $0x2, v59;
	v61 =	vld.idx.msk [tilespmem:v59+s30+$0x0], $0xffff;
	[tilespmem:$0x1FFD0] =	vst v19  }
0x2fe: {  	v42 =	vmul.f32 v43, v42;
	v43 =	vor.u32 $0x16, v29;
	v44 =	vmul.f32 v44, v44;
	v36 =	vld.idx.msk [tilespmem:v51+s12+$0x0], $0xffff  }
0x2ff: {  	v45 =	vmul.f32 v45, v48;
	v52 =	vsub.f32 v52, v58;
	v49 =	vor.u32 $0xC, v0;
	v51 =	vld.idx.msk [tilespmem:v57+s29+$0x0], $0xffff  }
0x300: {  	v50 =	vadd.s32 $0x10, v8;
	v37 =	vsub.f32 v54, v37;
	v41 =	vadd.f32 v44, v39;
	v46 =	vld.idx.msk [tilespmem:v46+s12+$0x0], $0xffff  }
0x301: {  	v32 =	vadd.s32 $0x25, v8;
	v53 =	vadd.s32 $0x24, v20;
	v48 =	vmul.f32 v52, v52;
	v52 =	vld.idx.msk [tilespmem:v56+s12+$0x0], $0xffff  }
0x302: {  	v58 =	vadd.s32 $0x10, v20;
	v37 =	vmul.f32 v37, v37;
	v41 =	vmax.f32 v41, $1.000000020e-24;
	v59 =	vld.idx.msk [tilespmem:v15+s30+$0x0], $0xffff  }
0x303: {  	v44 =	vadd.s32 $0x1C, v2;
	v43 =	vld.idx.msk [tilespmem:v43+s29+$0x0], $0xffff;
	v54 =	vshra.s32 v41, $0x1;
	v56 =	vmul.f32 $5.000000000e-01, v41  }
0x304: {  	v40 =	vsub.f32 v40, v55;
	v37 =	vadd.f32 v48, v37;
	v54 =	vsub.s32 $0x5F3759DF, v54;
	v55 =	vld.idx.msk [tilespmem:v49+s29+$0x0], $0xffff  }
0x305: {  	v57 =	vsub.f32 v61, v60;
	v60 =	vmul.f32 v54, v56;
	v36 =	vmul.f32 v36, v3  }
0x306: {  	v15 =	vadd.s32 $0x25, v20;
	v48 =	vor.u32 $0x8, v28;
	[tilespmem:v30+s0+$0x0] =	vst.idx.msk $0xffff, v42;
	v42 =	vor.u32 $0x9, v27;
	v30 =	vld.idx.msk [tilespmem:v19+s29+$0x0], $0xffff  }
0x307: {  	v47 =	vsub.f32 v47, v51;
	v51 =	vmul.f32 v54, v60;
	v60 =	vld.idx.msk [tilespmem:v35+s29+$0x0], $0xffff;
	v36 =	vadd.f32 v36, v46  }
0x308: {  	v61 =	vadd.s32 $0x9, v1;
	v44 =	vld.idx.msk [tilespmem:v44+s12+$0x0], $0xffff;
	v43 =	vsub.f32 v59, v43;
	v46 =	vadd.s32 $0x1D, v1  }
0x309: {  	[tilespmem:v34+s0+$0x0] =	vst.idx.msk $0xffff, v45;
	v47 =	vmul.f32 v47, v47;
	v34 =	vmul.f32 v36, v55;
	v36 =	vadd.s32 $0x21, v22  }
0x30a: {  	v50 =	vld.idx.msk [tilespmem:v50+s12+$0x0], $0xffff;
	v40 =	vmul.f32 v40, v40;
	v57 =	vmul.f32 v57, v57;
	v55 =	vsub.f32 $1.500000000e+00, v51  }
0x30b: {  	v33 =	vld.idx.msk [tilespmem:v33+s12+$0x0], $0xffff;
	v43 =	vmul.f32 v43, v43;
	v37 =	vadd.f32 v47, v37;
	v47 =	vadd.s32 $0xD, v22  }
0x30c: {  	v40 =	vadd.f32 v40, v57;
	v38 =	vmul.f32 v38, v60;
	v45 =	vmul.f32 v54, v55;
	v54 =	vld.idx.msk [tilespmem:v48+s29+$0x0], $0xffff  }
0x30d: {  	v44 =	vmul.f32 v44, v9;
	v51 =	vor.u32 $0xD, v0;
	[tilespmem:v49+s0+$0x0] =	vst.idx.msk $0xffff, v34;
	v37 =	vmax.f32 v37, $1.000000020e-24;
	v46 =	vld.idx.msk [tilespmem:v46+s12+$0x0], $0xffff  }
0x30e: {  	[tilespmem:v35+s0+$0x0] =	vst.idx.msk $0xffff, v38;
	v57 =	vshra.s32 v37, $0x1;
	v38 =	vmul.f32 $5.000000000e-01, v37;
	v60 =	vmul.f32 v45, v56;
	v35 =	vld.idx.msk [tilespmem:v36+s12+$0x0], $0xffff  }
0x30f: {  	v52 =	vmul.f32 v52, v4;
	v40 =	vadd.f32 v43, v40;
	v53 =	vld.idx.msk [tilespmem:v53+s12+$0x0], $0xffff;
	v36 =	vsub.s32 $0x5F3759DF, v57  }
0x310: {  	v33 =	vadd.f32 v44, v33;
	v43 =	vld.idx.msk [tilespmem:v47+s12+$0x0], $0xffff;
	v34 =	vmul.f32 v60, v45;
	v59 =	vmul.f32 v36, v38  }
0x311: {  	v50 =	vadd.f32 v52, v50;
	v44 =	vadd.s32 $0x1D, v2;
	v40 =	vmax.f32 v40, $1.000000020e-24;
	v58 =	vld.idx.msk [tilespmem:v58+s12+$0x0], $0xffff  }
0x312: {  	v55 =	vld.idx.msk [tilespmem:v51+s29+$0x0], $0xffff;
	v33 =	vmul.f32 v33, v54;
	v34 =	vsub.f32 $1.500000000e+00, v34;
	v47 =	vmul.f32 v36, v59  }
0x313: {  	v60 =	vshra.s32 v40, $0x1;
	v54 =	vld.idx.msk [tilespmem:v61+s12+$0x0], $0xffff;
	v59 =	vmul.f32 $5.000000000e-01, v40;
	v35 =	vmul.f32 v35, v3  }
0x314: {  	v52 =	vld.idx.msk [tilespmem:v7+s29+$0x0], $0xffff;
	v57 =	vsub.s32 $0x5F3759DF, v60;
	v45 =	vmul.f32 v34, v45;
	v61 =	vsub.f32 $1.500000000e+00, v47  }
0x315: {  	v46 =	vmul.f32 v46, v6;
	v47 =	vld.idx.msk [tilespmem:v42+s29+$0x0], $0xffff;
	v39 =	vmul.f32 v57, v59;
	v35 =	vadd.f32 v35, v43  }
0x316: {  	[tilespmem:v48+s0+$0x0] =	vst.idx.msk $0xffff, v33;
	v33 =	vadd.s32 $0x9, v2;
	v56 =	vmul.f32 v45, v56;
	v60 =	vmul.f32 v36, v61  }
0x317: {  	v48 =	vld.idx.msk [tilespmem:v16+s29+$0x0], $0xffff;
	v43 =	vmul.f32 v57, v39;
	v35 =	vmul.f32 v35, v55;
	v55 =	vadd.s32 $0x22, v22  }
0x318: {  	v49 =	vor.u32 $0x9, v28;
	v34 =	vld.idx.msk [tilespmem:v26+s29+$0x0], $0xffff;
	v46 =	vadd.f32 v46, v54;
	v54 =	vmul.f32 v56, v45  }
0x319: {  	v44 =	vld.idx.msk [tilespmem:v44+s12+$0x0], $0xffff;
	v61 =	vmul.f32 v60, v38;
	v43 =	vsub.f32 $1.500000000e+00, v43;
	[tilespmem:v51+s0+$0x0] =	vst.idx.msk $0xffff, v35;
	v35 =	vadd.s32 $0xE, v22  }
0x31a: {  	v53 =	vmul.f32 v53, v5;
	v36 =	vld.idx.msk [tilespmem:v29+s29+$0x0], $0xffff;
	v46 =	vmul.f32 v46, v47;
	v54 =	vsub.f32 $1.500000000e+00, v54  }
0x31b: {  	v33 =	vld.idx.msk [tilespmem:v33+s12+$0x0], $0xffff;
	v47 =	vor.u32 $0xE, v0;
	v51 =	vmul.f32 v61, v60;
	v43 =	vmul.f32 v57, v43  }
0x31c: {  	v53 =	vadd.f32 v53, v58;
	v58 =	vadd.s32 $0x23, v22;
	v45 =	vmul.f32 v54, v45;
	v55 =	vld.idx.msk [tilespmem:v55+s12+$0x0], $0xffff  }
0x31d: {  	[tilespmem:v42+s0+$0x0] =	vst.idx.msk $0xffff, v46;
	v42 =	vld.idx.msk [tilespmem:v49+s29+$0x0], $0xffff;
	v54 =	vadd.s32 $0x1E, v1;
	v46 =	vsub.f32 $1.500000000e+00, v51;
	v51 =	vmul.f32 v43, v59  }
0x31e: {  	v56 =	vor.u32 $0xA, v27;
	v48 =	vmul.f32 v50, v48;
	v44 =	vmul.f32 v44, v9;
	v35 =	vld.idx.msk [tilespmem:v35+s12+$0x0], $0xffff  }
0x31f: {  	v61 =	vadd.s32 $0xA, v1;
	v57 =	vld.idx.msk [tilespmem:v31+s12+$0x0], $0xffff;
	v41 =	vmul.f32 v45, v41;
	v31 =	vmul.f32 v51, v43  }
0x320: {  	v33 =	vadd.f32 v44, v33;
	v45 =	vadd.s32 $0x1E, v2;
	v46 =	vmul.f32 v46, v60;
	v51 =	vld.idx.msk [tilespmem:v47+s29+$0x0], $0xffff  }
0x321: {  	[tilespmem:v16+s0+$0x0] =	vst.idx.msk $0xffff, v48;
	v44 =	vld.idx.msk [tilespmem:v24+s29+$0x0], $0xffff;
	v41 =	vmul.f32 $6.400000000e+01, v41;
	v31 =	vsub.f32 $1.500000000e+00, v31;
	v55 =	vmul.f32 v55, v3  }
0x322: {  	v60 =	vadd.s32 $0xA, v2;
	v38 =	vmul.f32 v46, v38;
	v33 =	vmul.f32 v33, v42;
	v54 =	vld.idx.msk [tilespmem:v54+s12+$0x0], $0xffff  }
0x323: {  	v48 =	vld.idx.msk [tilespmem:v56+s29+$0x0], $0xffff;
	v41 =	vmin.f32 v41, $5.115000000e+02;
	v43 =	vmul.f32 v31, v43;
	v55 =	vadd.f32 v55, v35  }
0x324: {  	v42 =	vld.idx.msk [tilespmem:v61+s12+$0x0], $0xffff;
	v31 =	vmul.f32 v53, v52;
	[tilespmem:v49+s0+$0x0] =	vst.idx.msk $0xffff, v33;
	v52 =	vor.u32 $0xA, v28;
	v50 =	vtrunc.f32 v41  }
0x325: {  	v45 =	vld.idx.msk [tilespmem:v45+s12+$0x0], $0xffff;
	v50 =	vcvt.f32.s32 v50;
	v61 =	vmul.f32 v55, v51;
	v51 =	vadd.s32 $0xF, v22  }
0x326: {  	v35 =	vld.idx.msk [tilespmem:v32+s12+$0x0], $0xffff;
	v59 =	vmul.f32 v43, v59;
	[tilespmem:v7+s0+$0x0] =	vst.idx.msk $0xffff, v31;
	v55 =	vmul.f32 v38, v46  }
0x327: {  	v31 =	vld.idx.msk [tilespmem:v15+s12+$0x0], $0xffff;
	v16 =	vmul.u32 $0x28, v50;
	v49 =	vmul.f32 v54, v6;
	[tilespmem:v47+s0+$0x0] =	vst.idx.msk $0xffff, v61;
	v47 =	vor.u32 $0xF, v0  }
0x328: {  	v5 =	vsub.f32 $1.500000000e+00, v55;
	v61 =	vmul.f32 v59, v43;
	v59 =	vld.idx.msk [tilespmem:v58+s12+$0x0], $0xffff  }
0x329: {  	v54 =	vld.idx.msk [tilespmem:v52+s29+$0x0], $0xffff;
	v32 =	vadd.s32 $0x14, v16;
	v15 =	vadd.f32 v49, v42  }
0x32a: {  	v49 =	vadd.s32 $0x11, v20;
	v5 =	vmul.f32 v5, v46;
	v33 =	vsub.f32 $1.500000000e+00, v61;
	v46 =	vld.idx.msk [tilespmem:v51+s12+$0x0], $0xffff  }
0x32b: {  	v17 =	vmul.f32 v17, v63;
	v53 =	vadd.s32 $0xB, v1;
	v50 =	vcvt.s32.f32 v50;
	v61 =	vld.idx.msk [tilespmem:v60+s12+$0x0], $0xffff  }
0x32c: {  	v42 =	vadd.s32 $0x11, v8;
	v48 =	vmul.f32 v15, v48;
	v15 =	vmul.f32 v33, v43;
	v33 =	vld.idx.msk [tilespmem:v47+s29+$0x0], $0xffff  }
0x32d: {  	v5 =	vmul.f32 v5, v37;
	v51 =	vld.idx.msk [tilespmem:v16+s12+$0x0], $0xffff;
	v59 =	vmul.f32 v59, v3  }
0x32e: {  	v58 =	vmul.f32 v45, v9;
	v37 =	vadd.s32 $0x1F, v1;
	v45 =	vld.idx.msk [tilespmem:v32+s12+$0x0], $0xffff;
	v15 =	vmul.f32 v15, v40  }
0x32f: {  	[tilespmem:v56+s0+$0x0] =	vst.idx.msk $0xffff, v48;
	v32 =	vld.idx.msk [tilespmem:v49+s12+$0x0], $0xffff;
	v5 =	vmul.f32 $6.400000000e+01, v5;
	v60 =	vadd.f32 v59, v46;
	v46 =	vadd.s32 $0x24, v22  }
0x330: {  	v49 =	vadd.s32 $0x10, v22;
	v53 =	vld.idx.msk [tilespmem:v53+s12+$0x0], $0xffff;
	v43 =	vadd.f32 v58, v61;
	v61 =	vmul.f32 $6.400000000e+01, v15  }
0x331: {  	v40 =	vld.idx.msk [tilespmem:v42+s12+$0x0], $0xffff;
	v15 =	vsub.f32 v41, v50;
	v41 =	vmin.f32 v5, $5.115000000e+02;
	v5 =	vmul.f32 v60, v33  }
0x332: {  	v38 =	vadd.s32 $0x1F, v2;
	v55 =	vor.u32 $0x10, v0;
	v59 =	vld.idx.msk [tilespmem:v10+s29+$0x0], $0xffff;
	v43 =	vmul.f32 v43, v54  }
0x333: {  	v58 =	vtrunc.f32 v41;
	v50 =	vld.idx.msk [tilespmem:v37+s12+$0x0], $0xffff;
	v48 =	vmin.f32 v61, $5.115000000e+02;
	v45 =	vmul.f32 v15, v45;
	[tilespmem:v47+s0+$0x0] =	vst.idx.msk $0xffff, v5  }
0x334: {  	v33 =	vcvt.f32.s32 v58;
	v61 =	vadd.s32 $0xB, v2;
	v60 =	vtrunc.f32 v48;
	[tilespmem:v52+s0+$0x0] =	vst.idx.msk $0xffff, v43;
	v46 =	vld.idx.msk [tilespmem:v46+s12+$0x0], $0xffff  }
0x335: {  	v54 =	vcvt.f32.s32 v60;
	v45 =	vadd.f32 v45, v51;
	v51 =	vadd.s32 $0x15, v16;
	v7 =	vld [tilespmem:$0x1FAF0]  }
0x336: {  	v17 =	vadd.f32 v17, v23;
	v23 =	vadd.s32 $0x27, v11;
	v5 =	vmul.u32 $0x28, v33;
	v49 =	vld.idx.msk [tilespmem:v49+s12+$0x0], $0xffff  }
0x337: {  	v43 =	vor.u32 $0x1, v16;
	v38 =	vld.idx.msk [tilespmem:v38+s12+$0x0], $0xffff;
	v37 =	vmul.u32 $0x28, v54;
	v42 =	vmul.f32 v45, v59  }
0x338: {  	v17 =	vmul.f32 v17, v44;
	v60 =	vld.idx.msk [tilespmem:v55+s29+$0x0], $0xffff;
	v45 =	vadd.s32 $0x14, v5  }
0x339: {  	v33 =	vcvt.s32.f32 v33;
	v47 =	vld.idx.msk [tilespmem:v61+s12+$0x0], $0xffff;
	v52 =	vadd.s32 $0x14, v37;
	[tilespmem:v10+s0+$0x0] =	vst.idx.msk $0xffff, v42;
	v61 =	vmul.f32 v46, v3  }
0x33a: {  	[tilespmem:v24+s0+$0x0] =	vst.idx.msk $0xffff, v17;
	v51 =	vld.idx.msk [tilespmem:v51+s12+$0x0], $0xffff;
	v58 =	vor.u32 $0x12, v7  }
0x33b: {  	v19 =	vsub.f32 v41, v33;
	v33 =	vld.idx.msk [tilespmem:v23+s12+$0x0], $0xffff;
	v46 =	vor.u32 $0xB, v27;
	v42 =	vadd.f32 v61, v49  }
0x33c: {  	v59 =	vld.idx.msk [tilespmem:v43+s12+$0x0], $0xffff  }
0x33d: {  	v45 =	vld.idx.msk [tilespmem:v45+s12+$0x0], $0xffff;
	v56 =	vmul.f32 v42, v60;
	v60 =	vor.u32 $0x1, v10  }
0x33e: {  	v43 =	vadd.s32 $0x25, v22;
	v52 =	vld.idx.msk [tilespmem:v52+s12+$0x0], $0xffff  }
0x33f: {  	v51 =	vmul.f32 v15, v51;
	v61 =	vld.idx.msk [tilespmem:v58+s29+$0x0], $0xffff  }
0x340: {  	v18 =	vmul.f32 v18, v62;
	v49 =	vor.u32 $0xB, v28;
	[tilespmem:v55+s0+$0x0] =	vst.idx.msk $0xffff, v56;
	v55 =	vld.idx.msk [tilespmem:v46+s29+$0x0], $0xffff  }
0x341: {  	v42 =	vor.u32 $0x11, v13;
	v41 =	vadd.f32 v51, v59;
	v51 =	vld.idx.msk [tilespmem:v37+s12+$0x0], $0xffff  }
0x342: {  	v18 =	vadd.f32 v18, v57;
	v57 =	vadd.s32 $0x11, v22;
	v44 =	vld.idx.msk [tilespmem:v60+s29+$0x0], $0xffff  }
0x343: {  	v63 =	vadd.s32 $0x27, v12;
	v56 =	vld.idx.msk [tilespmem:v43+s12+$0x0], $0xffff  }
0x344: {  	v39 =	vmovc v4;
	v4 =	vmul.f32 v18, v61;
	v18 =	vcvt.s32.f32 v54;
	v54 =	vld.idx.msk [tilespmem:v5+s12+$0x0], $0xffff;
	v61 =	vor.u32 $0x11, v0  }
0x345: {  	v59 =	vadd.s32 $0x16, v16;
	v62 =	vld.idx.msk [tilespmem:v49+s29+$0x0], $0xffff  }
0x346: {  	v43 =	vld.idx.msk [tilespmem:v42+s29+$0x0], $0xffff;
	[tilespmem:v58+s0+$0x0] =	vst.idx.msk $0xffff, v4;
	v18 =	vsub.f32 v48, v18;
	v4 =	vadd.s32 $0x13, v11  }
0x347: {  	v11 =	vmul.f32 v19, v45;
	v45 =	vld.idx.msk [tilespmem:v57+s12+$0x0], $0xffff;
	v41 =	vmul.f32 v41, v44;
	v44 =	vor.u32 $0x2, v16  }
0x348: {  	v12 =	vadd.s32 $0x13, v12;
	v23 =	vld.idx.msk [tilespmem:v63+s12+$0x0], $0xffff;
	v48 =	vmul.f32 v18, v52  }
0x349: {  	v11 =	vadd.f32 v11, v54;
	v52 =	vld.idx.msk [tilespmem:v61+s29+$0x0], $0xffff;
	[tilespmem:v60+s0+$0x0] =	vst.idx.msk $0xffff, v41;
	v41 =	vor.u32 $0x2, v10  }
0x34a: {  	v54 =	vadd.s32 $0x15, v5;
	v48 =	vadd.f32 v48, v51;
	v57 =	vld.idx.msk [tilespmem:v59+s12+$0x0], $0xffff  }
0x34b: {  	v63 =	vor.u32 $0x1, v5;
	v60 =	vmul.f32 v56, v3;
	v11 =	vmul.f32 v11, v34;
	v4 =	vld.idx.msk [tilespmem:v4+s12+$0x0], $0xffff  }
0x34c: {  	v51 =	vadd.s32 $0x15, v37;
	v36 =	vmul.f32 v48, v36;
	v44 =	vld.idx.msk [tilespmem:v44+s12+$0x0], $0xffff  }
0x34d: {  	v34 =	vadd.f32 v60, v45;
	v45 =	vadd.s32 $0x26, v22;
	[tilespmem:v26+s0+$0x0] =	vst.idx.msk $0xffff, v11;
	v11 =	vld.idx.msk [tilespmem:v12+s12+$0x0], $0xffff  }
0x34e: {  	v12 =	vor.u32 $0x1, v37;
	[tilespmem:v29+s0+$0x0] =	vst.idx.msk $0xffff, v36;
	v48 =	vld.idx.msk [tilespmem:v41+s29+$0x0], $0xffff  }
0x34f: {  	v36 =	vld.idx.msk [tilespmem:v54+s12+$0x0], $0xffff;
	v34 =	vmul.f32 v34, v52;
	v52 =	vadd.s32 $0x12, v22;
	v60 =	vmul.f32 v15, v57  }
0x350: {  	v56 =	vld.idx.msk [tilespmem:v63+s12+$0x0], $0xffff;
	v57 =	vor.u32 $0x1, v26  }
0x351: {  	v63 =	vadd.s32 $0x17, v16;
	v51 =	vld.idx.msk [tilespmem:v51+s12+$0x0], $0xffff;
	[tilespmem:v61+s0+$0x0] =	vst.idx.msk $0xffff, v34;
	v61 =	vadd.f32 v60, v44  }
0x352: {  	v38 =	vmul.f32 v38, v9;
	v45 =	vld.idx.msk [tilespmem:v45+s12+$0x0], $0xffff;
	v60 =	vor.u32 $0x3, v16  }
0x353: {  	v58 =	vor.u32 $0x12, v0;
	v59 =	vld.idx.msk [tilespmem:v12+s12+$0x0], $0xffff;
	v34 =	vmul.f32 v61, v48  }
0x354: {  	v38 =	vadd.f32 v38, v47;
	v47 =	vor.u32 $0x3, v10;
	v61 =	vmul.f32 v50, v6;
	v50 =	vld.idx.msk [tilespmem:v52+s12+$0x0], $0xffff  }
0x355: {  	v12 =	vor.u32 $0x11, v14;
	[tilespmem:v41+s0+$0x0] =	vst.idx.msk $0xffff, v34;
	v34 =	vld.idx.msk [tilespmem:v57+s29+$0x0], $0xffff  }
0x356: {  	v41 =	vor.u32 $0x1, v29;
	v48 =	vadd.f32 v61, v53;
	v44 =	vld.idx.msk [tilespmem:v63+s12+$0x0], $0xffff  }
0x357: {  	v35 =	vmul.f32 v35, v39;
	v52 =	vadd.s32 $0x20, v1;
	v53 =	vld.idx.msk [tilespmem:v60+s12+$0x0], $0xffff  }
0x358: {  	v54 =	vadd.s32 $0x20, v2;
	v60 =	vld.idx.msk [tilespmem:v58+s29+$0x0], $0xffff;
	v48 =	vmul.f32 v48, v55;
	v55 =	vmul.f32 v19, v36  }
0x359: {  	v38 =	vmul.f32 v38, v62;
	v45 =	vmul.f32 v45, v3;
	v61 =	vadd.s32 $0xC, v1;
	v62 =	vld.idx.msk [tilespmem:v47+s29+$0x0], $0xffff  }
0x35a: {  	v36 =	vld.idx.msk [tilespmem:v12+s29+$0x0], $0xffff;
	[tilespmem:v46+s0+$0x0] =	vst.idx.msk $0xffff, v48;
	v63 =	vadd.f32 v55, v56;
	v48 =	vadd.s32 $0x16, v5  }
0x35b: {  	[tilespmem:v49+s0+$0x0] =	vst.idx.msk $0xffff, v38;
	v38 =	vadd.s32 $0x27, v22;
	v45 =	vadd.f32 v45, v50;
	v55 =	vld.idx.msk [tilespmem:v41+s29+$0x0], $0xffff  }
0x35c: {  	v35 =	vadd.f32 v35, v40;
	v49 =	vor.u32 $0x2, v5;
	v50 =	vld.idx.msk [tilespmem:v52+s12+$0x0], $0xffff;
	v34 =	vmul.f32 v63, v34  }
0x35d: {  	v22 =	vadd.s32 $0x13, v22;
	v51 =	vmul.f32 v18, v51;
	v52 =	vld.idx.msk [tilespmem:v54+s12+$0x0], $0xffff;
	v45 =	vmul.f32 v45, v60  }
0x35e: {  	v46 =	vor.u32 $0xC, v27;
	v56 =	vld.idx.msk [tilespmem:v61+s12+$0x0], $0xffff;
	v44 =	vmul.f32 v15, v44;
	[tilespmem:v57+s0+$0x0] =	vst.idx.msk $0xffff, v34  }
0x35f: {  	v51 =	vadd.f32 v51, v59;
	v63 =	vadd.s32 $0x16, v37;
	[tilespmem:v58+s0+$0x0] =	vst.idx.msk $0xffff, v45;
	v48 =	vld.idx.msk [tilespmem:v48+s12+$0x0], $0xffff  }
0x360: {  	v35 =	vmul.f32 v35, v43;
	v60 =	vadd.s32 $0x18, v16;
	v44 =	vadd.f32 v44, v53;
	v34 =	vld.idx.msk [tilespmem:v38+s12+$0x0], $0xffff  }
0x361: {  	v61 =	vor.u32 $0x2, v37;
	v49 =	vld.idx.msk [tilespmem:v49+s12+$0x0], $0xffff;
	v51 =	vmul.f32 v51, v55  }
0x362: {  	[tilespmem:v42+s0+$0x0] =	vst.idx.msk $0xffff, v35;
	v38 =	vld.idx.msk [tilespmem:v22+s12+$0x0], $0xffff;
	v44 =	vmul.f32 v44, v62;
	v62 =	vor.u32 $0x4, v16  }
0x363: {  	v35 =	vld.idx.msk [tilespmem:v46+s29+$0x0], $0xffff;
	v55 =	vor.u32 $0x2, v26;
	[tilespmem:v41+s0+$0x0] =	vst.idx.msk $0xffff, v51  }
0x364: {  	[tilespmem:v47+s0+$0x0] =	vst.idx.msk $0xffff, v44;
	v44 =	vor.u32 $0x4, v10;
	v22 =	vld.idx.msk [tilespmem:v63+s12+$0x0], $0xffff  }
0x365: {  	v47 =	vor.u32 $0x2, v29;
	v45 =	vld.idx.msk [tilespmem:v60+s12+$0x0], $0xffff  }
0x366: {  	v41 =	vor.u32 $0x13, v0;
	v53 =	vld.idx.msk [tilespmem:v61+s12+$0x0], $0xffff  }
0x367: {  	v63 =	vadd.s32 $0xC, v2;
	v0 =	vld.idx.msk [tilespmem:v62+s12+$0x0], $0xffff  }
0x368: {  	v57 =	vor.u32 $0xC, v28;
	v54 =	vld.idx.msk [tilespmem:v55+s29+$0x0], $0xffff  }
0x369: {  	v59 =	vadd.s32 $0x26, v8;
	v60 =	vmul.f32 v19, v48;
	v58 =	vld.idx.msk [tilespmem:v44+s29+$0x0], $0xffff  }
0x36a: {  	v43 =	vadd.s32 $0x12, v8;
	v48 =	vld.idx.msk [tilespmem:v47+s29+$0x0], $0xffff;
	v45 =	vmul.f32 v15, v45  }
0x36b: {  	v49 =	vadd.f32 v60, v49;
	v60 =	vadd.s32 $0x17, v5;
	v40 =	vld.idx.msk [tilespmem:v41+s29+$0x0], $0xffff;
	v22 =	vmul.f32 v18, v22  }
0x36c: {  	v62 =	vadd.s32 $0x19, v16;
	v51 =	vld.idx.msk [tilespmem:v63+s12+$0x0], $0xffff;
	v61 =	vadd.f32 v45, v0  }
0x36d: {  	v22 =	vadd.f32 v22, v53;
	v53 =	vadd.s32 $0x17, v37;
	v49 =	vmul.f32 v49, v54;
	v54 =	vld.idx.msk [tilespmem:v57+s29+$0x0], $0xffff  }
0x36e: {  	v63 =	vor.u32 $0x5, v16;
	v0 =	vld.idx.msk [tilespmem:v59+s12+$0x0], $0xffff;
	v42 =	vmul.f32 v61, v58  }
0x36f: {  	[tilespmem:v55+s0+$0x0] =	vst.idx.msk $0xffff, v49;
	v61 =	vor.u32 $0x3, v5;
	v48 =	vmul.f32 v22, v48;
	v22 =	vld.idx.msk [tilespmem:v43+s12+$0x0], $0xffff  }
0x370: {  	v43 =	vld.idx.msk [tilespmem:v60+s12+$0x0], $0xffff;
	[tilespmem:v44+s0+$0x0] =	vst.idx.msk $0xffff, v42;
	v42 =	vor.u32 $0x5, v10  }
0x371: {  	v52 =	vmul.f32 v52, v9;
	v44 =	vor.u32 $0x3, v37;
	[tilespmem:v47+s0+$0x0] =	vst.idx.msk $0xffff, v48;
	v45 =	vld.idx.msk [tilespmem:v62+s12+$0x0], $0xffff  }
0x372: {  	v47 =	vor.u32 $0x3, v26;
	v62 =	vmul.f32 v50, v6;
	v50 =	vld.idx.msk [tilespmem:v53+s12+$0x0], $0xffff  }
0x373: {  	v51 =	vadd.f32 v52, v51;
	v53 =	vor.u32 $0x3, v29;
	v63 =	vld.idx.msk [tilespmem:v63+s12+$0x0], $0xffff  }
0x374: {  	v60 =	vadd.s32 $0x21, v1;
	v48 =	vadd.f32 v62, v56;
	v49 =	vld.idx.msk [tilespmem:v61+s12+$0x0], $0xffff  }
0x375: {  	v51 =	vmul.f32 v51, v54;
	v56 =	vadd.s32 $0x21, v2;
	v61 =	vld.idx.msk [tilespmem:v42+s29+$0x0], $0xffff  }
0x376: {  	v62 =	vadd.s32 $0xD, v1;
	v35 =	vmul.f32 v48, v35;
	v44 =	vld.idx.msk [tilespmem:v44+s12+$0x0], $0xffff  }
0x377: {  	[tilespmem:v57+s0+$0x0] =	vst.idx.msk $0xffff, v51;
	v48 =	vadd.s32 $0xD, v2;
	v54 =	vld.idx.msk [tilespmem:v47+s29+$0x0], $0xffff;
	v45 =	vmul.f32 v15, v45  }
0x378: {  	v57 =	vor.u32 $0xD, v28;
	[tilespmem:v46+s0+$0x0] =	vst.idx.msk $0xffff, v35;
	v46 =	vld.idx.msk [tilespmem:v53+s29+$0x0], $0xffff  }
0x379: {  	v43 =	vmul.f32 v19, v43;
	v35 =	vor.u32 $0xD, v27;
	v45 =	vadd.f32 v45, v63;
	v60 =	vld.idx.msk [tilespmem:v60+s12+$0x0], $0xffff  }
0x37a: {  	v50 =	vmul.f32 v18, v50;
	v63 =	vadd.s32 $0x1A, v16;
	v56 =	vld.idx.msk [tilespmem:v56+s12+$0x0], $0xffff  }
0x37b: {  	v58 =	vld.idx.msk [tilespmem:v62+s12+$0x0], $0xffff;
	v43 =	vadd.f32 v43, v49;
	v45 =	vmul.f32 v45, v61;
	v61 =	vor.u32 $0x6, v16  }
0x37c: {  	v62 =	vadd.s32 $0x18, v5;
	v48 =	vld.idx.msk [tilespmem:v48+s12+$0x0], $0xffff  }
0x37d: {  	v49 =	vadd.s32 $0x18, v37;
	v44 =	vadd.f32 v50, v44;
	v43 =	vmul.f32 v43, v54;
	v54 =	vld.idx.msk [tilespmem:v57+s29+$0x0], $0xffff  }
0x37e: {  	[tilespmem:v42+s0+$0x0] =	vst.idx.msk $0xffff, v45;
	v42 =	vor.u32 $0x6, v10;
	v45 =	vld.idx.msk [tilespmem:v35+s29+$0x0], $0xffff  }
0x37f: {  	v44 =	vmul.f32 v44, v46;
	v46 =	vor.u32 $0x4, v37;
	v50 =	vld.idx.msk [tilespmem:v63+s12+$0x0], $0xffff  }
0x380: {  	[tilespmem:v47+s0+$0x0] =	vst.idx.msk $0xffff, v43;
	v63 =	vor.u32 $0x4, v5;
	v43 =	vld.idx.msk [tilespmem:v61+s12+$0x0], $0xffff  }
0x381: {  	v47 =	vor.u32 $0x4, v26;
	v60 =	vmul.f32 v60, v6;
	[tilespmem:v53+s0+$0x0] =	vst.idx.msk $0xffff, v44;
	v61 =	vld.idx.msk [tilespmem:v62+s12+$0x0], $0xffff  }
0x382: {  	v59 =	vor.u32 $0x4, v29;
	v62 =	vmul.f32 v56, v9;
	v49 =	vld.idx.msk [tilespmem:v49+s12+$0x0], $0xffff  }
0x383: {  	v56 =	vadd.s32 $0x22, v1;
	v52 =	vadd.f32 v60, v58;
	v53 =	vld.idx.msk [tilespmem:v42+s29+$0x0], $0xffff  }
0x384: {  	v58 =	vadd.s32 $0x22, v2;
	v44 =	vadd.f32 v62, v48;
	v46 =	vld.idx.msk [tilespmem:v46+s12+$0x0], $0xffff;
	v50 =	vmul.f32 v50, v15  }
0x385: {  	v51 =	vadd.s32 $0xE, v1;
	v45 =	vmul.f32 v52, v45;
	v63 =	vld.idx.msk [tilespmem:v63+s12+$0x0], $0xffff  }
0x386: {  	v60 =	vadd.s32 $0x1B, v16;
	v52 =	vld.idx.msk [tilespmem:v47+s29+$0x0], $0xffff;
	v44 =	vmul.f32 v44, v54;
	v43 =	vadd.f32 v50, v43  }
0x387: {  	v62 =	vor.u32 $0x7, v16;
	[tilespmem:v35+s0+$0x0] =	vst.idx.msk $0xffff, v45;
	v45 =	vld.idx.msk [tilespmem:v59+s29+$0x0], $0xffff  }
0x388: {  	v61 =	vmul.f32 v19, v61;
	[tilespmem:v57+s0+$0x0] =	vst.idx.msk $0xffff, v44;
	v44 =	vld.idx.msk [tilespmem:v56+s12+$0x0], $0xffff;
	v43 =	vmul.f32 v43, v53  }
0x389: {  	v55 =	vor.u32 $0xE, v27;
	v56 =	vld.idx.msk [tilespmem:v58+s12+$0x0], $0xffff  }
0x38a: {  	v53 =	vadd.s32 $0x19, v5;
	v35 =	vadd.f32 v61, v63;
	[tilespmem:v42+s0+$0x0] =	vst.idx.msk $0xffff, v43;
	v43 =	vld.idx.msk [tilespmem:v51+s12+$0x0], $0xffff  }
0x38b: {  	v58 =	vmovc v6;
	v6 =	vor.u32 $0x13, v25;
	v63 =	vmul.f32 v18, v49;
	v42 =	vor.u32 $0x7, v10;
	v50 =	vld.idx.msk [tilespmem:v60+s12+$0x0], $0xffff  }
0x38c: {  	v35 =	vmul.f32 v35, v52;
	v48 =	vld.idx.msk [tilespmem:v62+s12+$0x0], $0xffff;
	[tilespmem:$0x1FB00] =	vst v6;
	v6 =	vor.u32 $0x13, v7  }
0x38d: {  	v46 =	vadd.f32 v63, v46;
	[tilespmem:$0x1FB10] =	vst v6  }
0x38e: {  	v49 =	vor.u32 $0x5, v5;
	v61 =	vor.u32 $0x12, v13;
	[tilespmem:v47+s0+$0x0] =	vst.idx.msk $0xffff, v35;
	v6 =	vld.idx.msk [tilespmem:v55+s29+$0x0], $0xffff  }
0x38f: {  	v13 =	vor.u32 $0x13, v13;
	v51 =	vadd.s32 $0x19, v37;
	v45 =	vmul.f32 v46, v45;
	v46 =	vld.idx.msk [tilespmem:v53+s12+$0x0], $0xffff  }
0x390: {  	v7 =	vor.u32 $0x5, v26;
	v57 =	vld.idx.msk [tilespmem:v42+s29+$0x0], $0xffff;
	[tilespmem:$0x1FB20] =	vst v13  }
0x391: {  	v44 =	vmul.f32 v44, v58;
	v35 =	vadd.s32 $0xE, v2;
	[tilespmem:v59+s0+$0x0] =	vst.idx.msk $0xffff, v45  }
0x392: {  	v63 =	vor.u32 $0x12, v14;
	v14 =	vor.u32 $0x13, v14;
	v17 =	vld [tilespmem:$0x1FB40]  }
0x393: {  	v47 =	vor.u32 $0x5, v37;
	v43 =	vadd.f32 v44, v43;
	v13 =	vmul.f32 v50, v15;
	v49 =	vld.idx.msk [tilespmem:v49+s12+$0x0], $0xffff;
	[tilespmem:$0x1FB30] =	vst v14  }
0x394: {  	v59 =	vld.idx.msk [tilespmem:v51+s12+$0x0], $0xffff  }
0x395: {  	v13 =	vadd.f32 v13, v48;
	v60 =	vld.idx.msk [tilespmem:v7+s29+$0x0], $0xffff;
	v43 =	vmul.f32 v43, v6  }
0x396: {  	v35 =	vld.idx.msk [tilespmem:v35+s12+$0x0], $0xffff  }
0x397: {  	v13 =	vmul.f32 v13, v57;
	[tilespmem:v55+s0+$0x0] =	vst.idx.msk $0xffff, v43;
	v21 =	vmul.f32 v17, v21;
	v17 =	vadd.s32 $0x12, v20  }
0x398: {  	v45 =	vor.u32 $0x5, v29;
	v47 =	vld.idx.msk [tilespmem:v47+s12+$0x0], $0xffff;
	[tilespmem:$0x1FB50] =	vst v17  }
0x399: {  	v14 =	vadd.s32 $0x23, v1;
	[tilespmem:v42+s0+$0x0] =	vst.idx.msk $0xffff, v13  }
0x39a: {  	v25 =	vadd.s32 $0x1C, v16;
	v17 =	vld [tilespmem:$0x1FB70]  }
0x39b: {  	v46 =	vmul.f32 v19, v46  }
0x39c: {  	v13 =	vadd.s32 $0x27, v8  }
0x39d: {  	v62 =	vadd.s32 $0xF, v1;
	v50 =	vor.u32 $0xE, v28;
	v46 =	vadd.f32 v46, v49;
	v53 =	vld.idx.msk [tilespmem:v45+s29+$0x0], $0xffff;
	[tilespmem:$0x1FB60] =	vst v13  }
0x39e: {  	v52 =	vadd.s32 $0x8, v16;
	v57 =	vmul.f32 v18, v59;
	v8 =	vadd.s32 $0x13, v8;
	v14 =	vld.idx.msk [tilespmem:v14+s12+$0x0], $0xffff  }
0x39f: {  	v59 =	vmul.f32 v46, v60;
	v25 =	vld.idx.msk [tilespmem:v25+s12+$0x0], $0xffff;
	[tilespmem:$0x1FB90] =	vst v8;
	v21 =	vadd.f32 v21, v17;
	v17 =	vadd.s32 $0x27, v20  }
0x3a0: {  	v13 =	vor.u32 $0xF, v27;
	[tilespmem:$0x1FB80] =	vst v17  }
0x3a1: {  	[tilespmem:v7+s0+$0x0] =	vst.idx.msk $0xffff, v59;
	v7 =	vadd.s32 $0x13, v20  }
0x3a2: {  	v24 =	vor.u32 $0x8, v10;
	v48 =	vld.idx.msk [tilespmem:v50+s29+$0x0], $0xffff;
	[tilespmem:$0x1FBA0] =	vst v7  }
0x3a3: {  	v3 =	vmul.f32 v34, v3;
	v60 =	vadd.s32 $0x1A, v5;
	v42 =	vld.idx.msk [tilespmem:v62+s12+$0x0], $0xffff  }
0x3a4: {  	v34 =	vor.u32 $0x6, v37;
	v8 =	vadd.f32 v57, v47;
	v7 =	vmul.f32 v21, v30;
	v30 =	vld.idx.msk [tilespmem:v52+s12+$0x0], $0xffff  }
0x3a5: {  	v6 =	vadd.s32 $0x26, v20;
	v20 =	vadd.s32 $0x1A, v37;
	v44 =	vld.idx.msk [tilespmem:v13+s29+$0x0], $0xffff  }
0x3a6: {  	v8 =	vmul.f32 v8, v53;
	v21 =	vor.u32 $0x6, v5;
	v52 =	vld [tilespmem:$0x1FBB0]  }
0x3a7: {  	v55 =	vld.idx.msk [tilespmem:v24+s29+$0x0], $0xffff  }
0x3a8: {  	[tilespmem:v45+s0+$0x0] =	vst.idx.msk $0xffff, v8;
	v57 =	vld.idx.msk [tilespmem:v60+s12+$0x0], $0xffff  }
0x3a9: {  	v34 =	vld.idx.msk [tilespmem:v34+s12+$0x0], $0xffff  }
0x3aa: {  	v60 =	vld.idx.msk [tilespmem:v20+s12+$0x0], $0xffff  }
0x3ab: {  	v62 =	vmul.f32 v56, v9;
	v8 =	vor.u32 $0x10, v27;
	v21 =	vld.idx.msk [tilespmem:v21+s12+$0x0], $0xffff  }
0x3ac: {  	[tilespmem:$0x1FBC0] =	vst v8;
	v8 =	vld [tilespmem:$0x1FBD0]  }
0x3ad: {  	v3 =	vadd.f32 v3, v38;
	v38 =	vor.u32 $0x6, v26;
	v35 =	vadd.f32 v62, v35  }
0x3ae: {  	v43 =	vor.u32 $0x6, v29;
	v25 =	vmul.f32 v25, v15  }
0x3af: {  	v35 =	vmul.f32 v35, v48  }
0x3b0: {  	v25 =	vadd.f32 v25, v30  }
0x3b1: {  	[tilespmem:v50+s0+$0x0] =	vst.idx.msk $0xffff, v35;
	v33 =	vmul.f32 v33, v8;
	v8 =	vor.u32 $0x10, v28  }
0x3b2: {  	v62 =	vld.idx.msk [tilespmem:v38+s29+$0x0], $0xffff;
	v25 =	vmul.f32 v25, v55;
	[tilespmem:$0x1FBE0] =	vst v8;
	v8 =	vor.u32 $0x11, v27  }
0x3b3: {  	v55 =	vld.idx.msk [tilespmem:v43+s29+$0x0], $0xffff;
	[tilespmem:$0x1FBF0] =	vst v8  }
0x3b4: {  	v59 =	vadd.s32 $0x23, v2;
	[tilespmem:v24+s0+$0x0] =	vst.idx.msk $0xffff, v25  }
0x3b5: {  	v30 =	vadd.s32 $0x1D, v16;
	v8 =	vld [tilespmem:$0x1FC00]  }
0x3b6: {  	v20 =	vmul.f32 v3, v40;
	v3 =	vadd.s32 $0xF, v2  }
0x3b7: {  	v54 =	vadd.s32 $0x9, v16;
	v31 =	vmul.f32 v31, v52;
	v45 =	vmul.f32 v57, v19  }
0x3b8: {  	v49 =	vor.u32 $0xF, v28;
	v46 =	vmul.f32 v60, v18  }
0x3b9: {  	v31 =	vadd.f32 v31, v32;
	v21 =	vadd.f32 v45, v21;
	v32 =	vld.idx.msk [tilespmem:v59+s12+$0x0], $0xffff;
	v24 =	vadd.s32 $0x1B, v5  }
0x3ba: {  	v25 =	vld.idx.msk [tilespmem:v30+s12+$0x0], $0xffff;
	v30 =	vadd.f32 v46, v34;
	v8 =	vmul.f32 v23, v8;
	v23 =	vadd.s32 $0x1B, v37  }
0x3bb: {  	v17 =	vor.u32 $0x12, v28;
	v56 =	vmovc v9;
	v9 =	vor.u32 $0x9, v10;
	v21 =	vmul.f32 v21, v62;
	v3 =	vld.idx.msk [tilespmem:v3+s12+$0x0], $0xffff  }
0x3bc: {  	v48 =	vor.u32 $0x7, v37;
	v62 =	vld.idx.msk [tilespmem:v54+s12+$0x0], $0xffff;
	[tilespmem:$0x1FC10] =	vst v17;
	v30 =	vmul.f32 v30, v55  }
0x3bd: {  	v14 =	vmul.f32 v14, v58;
	v60 =	vor.u32 $0x7, v5;
	v50 =	vld.idx.msk [tilespmem:v49+s29+$0x0], $0xffff;
	[tilespmem:v38+s0+$0x0] =	vst.idx.msk $0xffff, v21  }
0x3be: {  	v53 =	vadd.f32 v33, v4;
	v4 =	vld.idx.msk [tilespmem:v24+s12+$0x0], $0xffff;
	v24 =	vmul.f32 v32, v56;
	[tilespmem:v43+s0+$0x0] =	vst.idx.msk $0xffff, v30  }
0x3bf: {  	v14 =	vadd.f32 v14, v42;
	v43 =	vadd.f32 v8, v11;
	v8 =	vadd.s32 $0x25, v1;
	v23 =	vld.idx.msk [tilespmem:v23+s12+$0x0], $0xffff  }
0x3c0: {  	v0 =	vmul.f32 v0, v39;
	v21 =	vld.idx.msk [tilespmem:v9+s29+$0x0], $0xffff;
	v3 =	vadd.f32 v24, v3;
	[tilespmem:$0x1FC20] =	vst v8  }
0x3c1: {  	v17 =	vadd.s32 $0x11, v1;
	v8 =	vmul.f32 v25, v15;
	v25 =	vmul.f32 v14, v44;
	v14 =	vld.idx.msk [tilespmem:v48+s12+$0x0], $0xffff  }
0x3c2: {  	v59 =	vmul.f32 v3, v50;
	v3 =	vadd.s32 $0x11, v2;
	v11 =	vld.idx.msk [tilespmem:v60+s12+$0x0], $0xffff;
	[tilespmem:$0x1FC30] =	vst v17  }
0x3c3: {  	v57 =	vor.u32 $0x12, v27;
	v17 =	vadd.s32 $0x25, v2;
	[tilespmem:$0x1FC50] =	vst v3;
	v60 =	vadd.f32 v0, v22  }
0x3c4: {  	v0 =	vmul.f32 v4, v19;
	v4 =	vadd.s32 $0x26, v1;
	[tilespmem:$0x1FC40] =	vst v17;
	v3 =	vmul.f32 v23, v18  }
0x3c5: {  	v46 =	vor.u32 $0x13, v27;
	v27 =	vadd.s32 $0x24, v1;
	[tilespmem:$0x1FC60] =	vst v4;
	v4 =	vadd.s32 $0x26, v2  }
0x3c6: {  	v30 =	vadd.s32 $0x10, v1;
	[tilespmem:$0x1FC70] =	vst v4;
	v4 =	vadd.f32 v3, v14;
	v3 =	vadd.s32 $0x27, v1  }
0x3c7: {  	v8 =	vadd.f32 v8, v62;
	v62 =	vadd.s32 $0x12, v1;
	v1 =	vadd.s32 $0x13, v1;
	[tilespmem:$0x1FC80] =	vst v3  }
0x3c8: {  	[tilespmem:$0x1FC90] =	vst v1;
	v1 =	vadd.s32 $0x12, v2  }
0x3c9: {  	[tilespmem:$0x1FCA0] =	vst v1;
	v1 =	vadd.s32 $0x27, v2  }
0x3ca: {  	[tilespmem:$0x1FCB0] =	vst v1;
	v1 =	vadd.s32 $0x13, v2  }
0x3cb: {  	[tilespmem:$0x1FCC0] =	vst v1;
	v1 =	vor.u32 $0x9, v26  }
0x3cc: {  	[tilespmem:$0x1FCD0] =	vst v1;
	v1 =	vor.u32 $0xA, v26  }
0x3cd: {  	[tilespmem:$0x1FCE0] =	vst v1;
	v1 =	vor.u32 $0xB, v26  }
0x3ce: {  	[tilespmem:$0x1FCF0] =	vst v1;
	v1 =	vor.u32 $0xC, v26  }
0x3cf: {  	[tilespmem:$0x1FD00] =	vst v1;
	v1 =	vor.u32 $0xD, v26  }
0x3d0: {  	[tilespmem:$0x1FD10] =	vst v1;
	v1 =	vor.u32 $0x10, v26  }
0x3d1: {  	[tilespmem:$0x1FD20] =	vst v1;
	v1 =	vor.u32 $0x11, v26  }
0x3d2: {  	[tilespmem:$0x1FD30] =	vst v1;
	v1 =	vor.u32 $0x12, v26  }
0x3d3: {  	[tilespmem:$0x1FD40] =	vst v1;
	v1 =	vor.u32 $0x8, v29  }
0x3d4: {  	[tilespmem:$0x1FD50] =	vst v1;
	v1 =	vor.u32 $0x9, v29  }
0x3d5: {  	[tilespmem:$0x1FD60] =	vst v1;
	v1 =	vor.u32 $0xA, v29  }
0x3d6: {  	[tilespmem:$0x1FD70] =	vst v1;
	v1 =	vor.u32 $0xB, v29  }
0x3d7: {  	[tilespmem:$0x1FD80] =	vst v1;
	v1 =	vor.u32 $0xC, v29  }
0x3d8: {  	[tilespmem:$0x1FD90] =	vst v1;
	v1 =	vor.u32 $0xD, v29  }
0x3d9: {  	[tilespmem:$0x1FDA0] =	vst v1;
	v1 =	vor.u32 $0x10, v29  }
0x3da: {  	[tilespmem:$0x1FDB0] =	vst v1;
	v1 =	vor.u32 $0x11, v29  }
0x3db: {  	[tilespmem:$0x1FDC0] =	vst v1;
	v1 =	vor.u32 $0x12, v29  }
0x3dc: {  	[tilespmem:$0x1FDD0] =	vst v1;
	v1 =	vadd.s32 $0x9, v5  }
0x3dd: {  	[tilespmem:$0x1FDE0] =	vst v1;
	v1 =	vadd.s32 $0x1E, v5  }
0x3de: {  	[tilespmem:$0x1FDF0] =	vst v1;
	v1 =	vadd.s32 $0xA, v5  }
0x3df: {  	[tilespmem:$0x1FE00] =	vst v1;
	v1 =	vadd.s32 $0xB, v5  }
0x3e0: {  	[tilespmem:$0x1FE10] =	vst v1;
	v1 =	vadd.s32 $0x1F, v5  }
0x3e1: {  	[tilespmem:$0x1FE20] =	vst v1;
	v1 =	vadd.s32 $0x20, v5  }
0x3e2: {  	[tilespmem:$0x1FE30] =	vst v1;
	v1 =	vadd.s32 $0xC, v5  }
0x3e3: {  	[tilespmem:$0x1FE40] =	vst v1;
	v1 =	vadd.s32 $0x21, v5  }
0x3e4: {  	[tilespmem:$0x1FE50] =	vst v1;
	v1 =	vadd.s32 $0xD, v5  }
0x3e5: {  	[tilespmem:$0x1FE60] =	vst v1;
	v1 =	vadd.s32 $0x22, v5  }
0x3e6: {  	[tilespmem:$0x1FE70] =	vst v1;
	v1 =	vadd.s32 $0xE, v5  }
0x3e7: {  	[tilespmem:$0x1FE80] =	vst v1;
	v1 =	vadd.s32 $0x25, v5  }
0x3e8: {  	[tilespmem:$0x1FE90] =	vst v1;
	v1 =	vadd.s32 $0x11, v5  }
0x3e9: {  	v51 =	vor.u32 $0x11, v28;
	v47 =	vmovc v39;
	v39 =	vadd.s32 $0x8, v5;
	[tilespmem:$0x1FEA0] =	vst v1;
	v1 =	vadd.s32 $0x27, v5  }
0x3ea: {  	v40 =	vor.u32 $0x13, v26;
	v42 =	vor.u32 $0x7, v26;
	[tilespmem:$0x1FEB0] =	vst v1;
	v1 =	vadd.s32 $0x13, v5  }
0x3eb: {  	v35 =	vadd.s32 $0x12, v5;
	v31 =	vmul.f32 v31, v36;
	[tilespmem:$0x1FEC0] =	vst v1;
	v1 =	vadd.s32 $0x1C, v37  }
0x3ec: {  	v45 =	vor.u32 $0x13, v28;
	v28 =	vor.u32 $0xE, v26;
	[tilespmem:$0x1FED0] =	vst v1;
	v1 =	vadd.s32 $0x8, v37  }
0x3ed: {  	v36 =	vor.u32 $0xE, v29;
	v54 =	vadd.s32 $0x1C, v5;
	v38 =	vadd.s32 $0x23, v5;
	[tilespmem:$0x1FEE0] =	vst v1  }
0x3ee: {  	v55 =	vadd.s32 $0x26, v5;
	v24 =	vadd.s32 $0x10, v5;
	v1 =	vadd.s32 $0x1D, v37;
	[tilespmem:v12+s0+$0x0] =	vst.idx.msk $0xffff, v31  }
0x3ef: {  	v50 =	vor.u32 $0x13, v29;
	v22 =	vor.u32 $0xF, v26;
	[tilespmem:$0x1FEF0] =	vst v1;
	v1 =	vadd.s32 $0x9, v37  }
0x3f0: {  	v17 =	vadd.s32 $0x1D, v5;
	v21 =	vmul.f32 v8, v21;
	v8 =	vor.u32 $0x7, v29;
	[tilespmem:$0x1FF00] =	vst v1  }
0x3f1: {  	v23 =	vor.u32 $0xF, v29;
	v14 =	vor.u32 $0x8, v26;
	v1 =	vadd.s32 $0x1E, v37;
	[tilespmem:v13+s0+$0x0] =	vst.idx.msk $0xffff, v25  }
0x3f2: {  	v26 =	vadd.s32 $0x24, v5;
	v29 =	vadd.s32 $0xF, v5;
	v5 =	vld.idx.msk [tilespmem:v6+s12+$0x0], $0xffff;
	[tilespmem:$0x1FF10] =	vst v1;
	v1 =	vadd.s32 $0xA, v37  }
0x3f3: {  	[tilespmem:$0x1FF20] =	vst v1;
	v1 =	vadd.s32 $0x1F, v37  }
0x3f4: {  	v33 =	vadd.s32 $0x24, v2;
	[tilespmem:$0x1FF30] =	vst v1  }
0x3f5: {  	v1 =	vadd.s32 $0xB, v37;
	[tilespmem:v49+s0+$0x0] =	vst.idx.msk $0xffff, v59  }
0x3f6: {  	v0 =	vadd.f32 v0, v11;
	v11 =	vld.idx.msk [tilespmem:v27+s12+$0x0], $0xffff;
	[tilespmem:$0x1FF40] =	vst v1;
	v1 =	vadd.s32 $0x20, v37  }
0x3f7: {  	[tilespmem:$0x1FF50] =	vst v1;
	v1 =	vadd.s32 $0xC, v37  }
0x3f8: {  	v32 =	vadd.s32 $0x10, v2;
	v3 =	vadd.s32 $0x21, v37;
	v2 =	vadd.s32 $0x1E, v16;
	[tilespmem:$0x1FF60] =	vst v1  }
0x3f9: {  	v1 =	vld.idx.msk [tilespmem:v33+s12+$0x0], $0xffff;
	[tilespmem:$0x1FF70] =	vst v3;
	v3 =	vadd.s32 $0xD, v37  }
0x3fa: {  	[tilespmem:$0x1FF80] =	vst v3;
	v3 =	vadd.s32 $0x22, v37  }
0x3fb: {  	[tilespmem:$0x1FF90] =	vst v3  }
0x3fc: {  	[tilespmem:v9+s0+$0x0] =	vst.idx.msk $0xffff, v21  }
0x3fd: {  	v12 =	vld.idx.msk [tilespmem:v2+s12+$0x0], $0xffff;
	v2 =	vadd.s32 $0x25, v37  }
0x3fe: {  	v21 =	vld.idx.msk [tilespmem:v30+s12+$0x0], $0xffff;
	[tilespmem:$0x1FFA0] =	vst v2;
	v2 =	vadd.s32 $0x11, v37  }
0x3ff: {  	v31 =	vld.idx.msk [tilespmem:v32+s12+$0x0], $0xffff;
	[tilespmem:$0x1FFB0] =	vst v2;
	v2 =	vadd.s32 $0x12, v37  }
0x400: {  	[tilespmem:$0x1FFC0] =	vst v2;
	v2 =	vld [tilespmem:$0x1FFD0];
	_ =	sdelay $0x7  }
0x401: {  	[tilespmem:v2+s0+$0x0] =	vst.idx.msk $0xffff, v7;
	v2 =	vadd.s32 $0x27, v37  }
0x402: {  	p1 =	por @!p1 $0x1, $0x1;
	v34 =	vmov v52;
	v52 =	vadd.s32 $0xE, v37;
	[tilespmem:$0x1FFE0] =	vst v2;
	v2 =	vadd.s32 $0x13, v37  }
0x403: {  	p1 =	por @p2 $0x0, $0x0;
	v25 =	vadd.s32 $0x10, v37;
	v13 =	vadd.s32 $0xA, v16;
	v27 =	vadd.s32 $0x24, v37;
	[tilespmem:$0x1FFF0] =	vst v2  }
0x404: {  	s13 =	sor.u32 $0x1E0, s13;
	s15 =	simm.s32 $0x0;
	s16 =	simm.s32 $0x0;
	v48 =	vmul.f32 v5, v34;
	v33 =	vadd.s32 $0x23, v37;
	v44 =	vmul.f32 v11, v58;
	v9 =	vld.idx.msk [tilespmem:v42+s29+$0x0], $0xffff  }
0x405: {  	s17 =	simm.s32 $0x9;
	s18 =	sadd.s32 $0x30, s14;
	s14 =	simm.s32 $0x0;
	v11 =	vor.u32 $0xA, v10;
	v30 =	vadd.s32 $0xF, v37;
	v32 =	vadd.s32 $0x26, v37;
	[tilespmem:v41+s0+$0x0] =	vst.idx.msk $0xffff, v20;
	v5 =	vld.idx.msk [tilespmem:v8+s29+$0x0], $0xffff  }
.LBB2_7:
0x406: {  	[tilespmem:$0x1F6E0] =	vst v53  }
0x407: {  	[tilespmem:$0x1F6B0] =	vst v47  }
0x408: {  	[tilespmem:$0x1FBB0] =	vst v34  }
0x409: {  	[tilespmem:$0x1F710] =	vst v43  }
0x40a: {  	[tilespmem:$0x1F8C0] =	vst v28  }
0x40b: {  	[tilespmem:$0x1F7E0] =	vst v55  }
0x40c: {  	[tilespmem:$0x1F750] =	vst v46  }
0x40d: {  	[tilespmem:$0x1F7A0] =	vst v50  }
0x40e: {  	[tilespmem:$0x1F6D0] =	vst v62  }
0x40f: {  	[tilespmem:$0x1F760] =	vst v40  }
0x410: {  	[tilespmem:$0x1F790] =	vst v45  }
0x411: {  	[tilespmem:$0x1F950] =	vst v29;
	v62 =	vld [tilespmem:$0x1FBC0]  }
0x412: {  	[tilespmem:$0x1F810] =	vst v35  }
0x413: {  	[tilespmem:$0x1F800] =	vst v32  }
0x414: {  	[tilespmem:$0x1F8A0] =	vst v52  }
0x415: {  	[tilespmem:$0x1FAA0] =	vst v24  }
0x416: {  	[tilespmem:$0x1F940] =	vst v38;
	v3 =	vlaneseq.u32  }
0x417: {  	[tilespmem:$0x1F920] =	vst v36;
	s20 =	sadd.s32 $0xFFFFFFF0, s18;
	v2 =	vor.u32 s18, v3  }
0x418: {  	[tilespmem:$0x1FAD0] =	vst v25;
	v13 =	vld.idx.msk [tilespmem:v13+s14+$0x0], $0xffff;
	v20 =	vor.u32 s20, v3;
	v25 =	vshll.u32 v2, $0x4;
	v0 =	vmul.f32 v0, v9  }
0x419: {  	[tilespmem:$0x1FA90] =	vst v27;
	v27 =	vshll.u32 v20, $0x4;
	v9 =	vld.idx.msk [tilespmem:v62+s29+$0x0], $0xffff  }
0x41a: {  	v36 =	vshll.u32 v20, $0x5;
	v53 =	vor.u32 $0x2, v27;
	[tilespmem:v42+s0+$0x0] =	vst.idx.msk $0xffff, v0;
	v0 =	vld.idx.msk [tilespmem:v11+s29+$0x0], $0xffff  }
0x41b: {  	[tilespmem:$0x1F960] =	vst v22;
	v12 =	vmul.f32 v12, v15;
	v42 =	vshll.u32 v2, $0x5;
	v2 =	vor.u32 $0x1, v27  }
0x41c: {  	[tilespmem:$0x1F9D0] =	vst v33;
	v22 =	vld.idx.msk [tilespmem:v54+s14+$0x0], $0xffff;
	v54 =	vor.u32 $0x14, v36  }
0x41d: {  	[tilespmem:$0x1FA10] =	vst v23;
	v12 =	vadd.f32 v12, v13;
	v37 =	vld.idx.msk [tilespmem:v25+s30+$0x0], $0xffff  }
0x41e: {  	[tilespmem:$0x1F9F0] =	vst v30;
	s19 =	sadd.s32 $0xFFFFFFE0, s18;
	v4 =	vmul.f32 v4, v5;
	v27 =	vld.idx.msk [tilespmem:v27+s30+$0x0], $0xffff  }
0x41f: {  	[tilespmem:$0x1FA20] =	vst v26;
	v7 =	vor.u32 s19, v3;
	v32 =	vld.idx.msk [tilespmem:v53+s30+$0x0], $0xffff;
	v0 =	vmul.f32 v12, v0  }
0x420: {  	v26 =	vshll.u32 v7, $0x4;
	v7 =	vshll.u32 v7, $0x5;
	[tilespmem:v8+s0+$0x0] =	vst.idx.msk $0xffff, v4;
	v47 =	vld.idx.msk [tilespmem:v2+s30+$0x0], $0xffff  }
0x421: {  	v34 =	vld.idx.msk [tilespmem:v54+s29+$0x0], $0xffff;
	[tilespmem:v11+s0+$0x0] =	vst.idx.msk $0xffff, v0;
	v0 =	vor.u32 $0x2, v7  }
0x422: {  	v30 =	vor.u32 $0x1, v26;
	[tilespmem:$0x1F670] =	vst v0;
	v0 =	vor.u32 $0x1, v42  }
0x423: {  	v23 =	vor.u32 $0x14, v7;
	[tilespmem:$0x1F640] =	vst v0;
	v0 =	vor.u32 $0x2, v42  }
0x424: {  	v33 =	vor.u32 $0x15, v7;
	[tilespmem:$0x1F6A0] =	vst v0;
	v0 =	vor.u32 $0x3, v7  }
0x425: {  	v13 =	vadd.s32 $0x1F, v16;
	v20 =	vld.idx.msk [tilespmem:v39+s14+$0x0], $0xffff;
	[tilespmem:$0x1F780] =	vst v0;
	v0 =	vor.u32 $0x4, v7  }
0x426: {  	v55 =	vor.u32 $0x15, v36;
	v35 =	vld.idx.msk [tilespmem:v14+s29+$0x0], $0xffff;
	[tilespmem:$0x1F870] =	vst v0;
	v0 =	vor.u32 $0x3, v42  }
0x427: {  	v49 =	vor.u32 $0x16, v36;
	v30 =	vld.idx.msk [tilespmem:v30+s30+$0x0], $0xffff;
	[tilespmem:$0x1F7C0] =	vst v0;
	v0 =	vor.u32 $0x5, v7  }
0x428: {  	v59 =	vmov v51;
	v51 =	vor.u32 $0xB, v10;
	v23 =	vld.idx.msk [tilespmem:v23+s29+$0x0], $0xffff;
	[tilespmem:$0x1F900] =	vst v0;
	v0 =	vor.u32 $0x4, v42  }
0x429: {  	v33 =	vld.idx.msk [tilespmem:v33+s29+$0x0], $0xffff;
	v12 =	vadd.s32 $0xB, v16;
	[tilespmem:$0x1F880] =	vst v0;
	v0 =	vor.u32 $0x5, v42  }
0x42a: {  	v13 =	vld.idx.msk [tilespmem:v13+s14+$0x0], $0xffff;
	[tilespmem:$0x1F910] =	vst v0;
	v0 =	vor.u32 $0x6, v7  }
0x42b: {  	v40 =	vld.idx.msk [tilespmem:v55+s29+$0x0], $0xffff;
	[tilespmem:$0x1F9B0] =	vst v0;
	v0 =	vor.u32 $0x7, v7  }
0x42c: {  	v54 =	vor.u32 $0x7, v42;
	v49 =	vld.idx.msk [tilespmem:v49+s29+$0x0], $0xffff;
	[tilespmem:$0x1FA00] =	vst v0;
	v0 =	vor.u32 $0x6, v42  }
0x42d: {  	v2 =	vmov v54;
	v55 =	vld.idx.msk [tilespmem:v51+s29+$0x0], $0xffff;
	[tilespmem:$0x1F9C0] =	vst v0  }
0x42e: {  	v52 =	vld.idx.msk [tilespmem:v12+s14+$0x0], $0xffff;
	[tilespmem:$0x1FA70] =	vst v2;
	v2 =	vor.u32 $0xB, v7;
	_ =	sdelay $0x1  }
0x42f: {  	v53 =	vor.u32 $0x8, v7  }
0x430: {  	[tilespmem:$0x1F650] =	vst v2;
	v2 =	vmov v53  }
0x431: {  	[tilespmem:$0x1FAB0] =	vst v2;
	v2 =	vor.u32 $0xD, v42  }
0x432: {  	[tilespmem:$0x1F890] =	vst v2;
	v2 =	vor.u32 $0xE, v7  }
0x433: {  	[tilespmem:$0x1F930] =	vst v2;
	v2 =	vor.u32 $0xE, v42  }
0x434: {  	[tilespmem:$0x1F990] =	vst v2;
	v2 =	vld [tilespmem:$0x1FED0];
	_ =	sdelay $0x7  }
0x435: {  	v28 =	vld.idx.msk [tilespmem:v2+s14+$0x0], $0xffff;
	v2 =	vor.u32 $0xF, v7  }
0x436: {  	[tilespmem:$0x1F9E0] =	vst v2;
	v2 =	vld [tilespmem:$0x1FEE0];
	_ =	sdelay $0x7  }
0x437: {  	v29 =	vld.idx.msk [tilespmem:v2+s14+$0x0], $0xffff;
	v2 =	vor.u32 $0xF, v42  }
0x438: {  	[tilespmem:$0x1FA80] =	vst v2;
	v2 =	vld [tilespmem:$0x1FDE0]  }
0x439: {  	v43 =	vor.u32 $0x15, v42;
	v22 =	vmul.f32 v22, v19  }
0x43a: {  	v45 =	vor.u32 $0x2, v26  }
0x43b: {  	v20 =	vadd.f32 v22, v20;
	_ =	sdelay $0x1  }
0x43c: {  	v20 =	vmul.f32 v20, v35;
	v13 =	vmul.f32 v13, v15;
	v26 =	vld.idx.msk [tilespmem:v26+s30+$0x0], $0xffff  }
0x43d: {  	v41 =	vor.u32 $0x14, v42;
	v32 =	vsub.f32 v32, v49;
	v49 =	vld.idx.msk [tilespmem:v43+s29+$0x0], $0xffff  }
0x43e: {  	v13 =	vadd.f32 v13, v52;
	v52 =	vld.idx.msk [tilespmem:v45+s30+$0x0], $0xffff;
	[tilespmem:v14+s0+$0x0] =	vst.idx.msk $0xffff, v20  }
0x43f: {  	v43 =	vld.idx.msk [tilespmem:v2+s14+$0x0], $0xffff  }
0x440: {  	v40 =	vsub.f32 v47, v40;
	v2 =	vld [tilespmem:$0x1FB50]  }
0x441: {  	v22 =	vadd.s32 $0x20, v16;
	v13 =	vmul.f32 v13, v55  }
0x442: {  	v27 =	vsub.f32 v27, v34;
	v47 =	vadd.s32 $0xC, v16;
	v34 =	vmul.f32 v40, v40;
	v40 =	vld.idx.msk [tilespmem:v41+s29+$0x0], $0xffff  }
0x443: {  	[tilespmem:v51+s0+$0x0] =	vst.idx.msk $0xffff, v13;
	v51 =	vld.idx.msk [tilespmem:v17+s14+$0x0], $0xffff;
	_ =	sdelay $0x2  }
0x444: {  	v54 =	vld.idx.msk [tilespmem:v22+s14+$0x0], $0xffff  }
0x445: {  	v38 =	vor.u32 $0x1, v25;
	v22 =	vsub.f32 v26, v23;
	v26 =	vld.idx.msk [tilespmem:v47+s14+$0x0], $0xffff  }
0x446: {  	v47 =	vsub.f32 v37, v40;
	v40 =	vmul.f32 v51, v19;
	v51 =	vld.idx.msk [tilespmem:v2+s16+$0x0], $0xffff  }
0x447: {  	v46 =	vor.u32 $0x16, v7;
	v2 =	vld [tilespmem:$0x1FCA0];
	_ =	sdelay $0x1  }
0x448: {  	v3 =	vor.u32 $0xC, v42  }
0x449: {  	v27 =	vmul.f32 v27, v27;
	v38 =	vld.idx.msk [tilespmem:v38+s30+$0x0], $0xffff  }
0x44a: {  	v25 =	vor.u32 $0x2, v25;
	v13 =	vor.u32 $0xC, v10;
	v17 =	vld [tilespmem:$0x1FB00]  }
0x44b: {  	v32 =	vmul.f32 v32, v32;
	v27 =	vadd.f32 v34, v27;
	[tilespmem:$0x1F740] =	vst v3;
	v55 =	vld.idx.msk [tilespmem:v46+s29+$0x0], $0xffff;
	v3 =	vmov v2  }
0x44c: {  	v50 =	vor.u32 $0x16, v42;
	[tilespmem:$0x1FB50] =	vst v3;
	v3 =	vld [tilespmem:$0x1FFC0]  }
0x44d: {  	v8 =	vor.u32 $0xB, v42;
	v27 =	vadd.f32 v32, v27  }
0x44e: {  	[tilespmem:$0x1F660] =	vst v8;
	v8 =	vld [tilespmem:$0x1FD50]  }
0x44f: {  	v30 =	vsub.f32 v30, v33;
	v20 =	vmax.f32 v27, $1.000000020e-24;
	v34 =	vsub.f32 v38, v49;
	v49 =	vld.idx.msk [tilespmem:v13+s29+$0x0], $0xffff  }
0x450: {  	v25 =	vld.idx.msk [tilespmem:v25+s30+$0x0], $0xffff;
	v27 =	vshra.s32 v20, $0x1;
	v32 =	vmul.f32 v54, v15  }
0x451: {  	v46 =	vld.idx.msk [tilespmem:v50+s29+$0x0], $0xffff;
	v23 =	vmul.f32 v30, v30;
	v30 =	vmul.f32 $5.000000000e-01, v20;
	v33 =	vsub.f32 v52, v55;
	v2 =	vmovc v3  }
0x452: {  	v27 =	vsub.s32 $0x5F3759DF, v27;
	v22 =	vmul.f32 v22, v22;
	v26 =	vadd.f32 v32, v26;
	[tilespmem:$0x1FCA0] =	vst v2;
	v2 =	vld.idx.msk [tilespmem:v17+s29+$0x0], $0xffff  }
0x453: {  	v45 =	vmul.f32 v27, v30;
	v35 =	vmul.f32 v47, v47  }
0x454: {  	v33 =	vmul.f32 v33, v33;
	v50 =	vadd.f32 v23, v22;
	v26 =	vmul.f32 v26, v49  }
0x455: {  	v34 =	vmul.f32 v34, v34;
	v38 =	vmul.f32 v27, v45  }
0x456: {  	v23 =	vld [tilespmem:$0x1FBE0];
	v33 =	vadd.f32 v33, v50;
	v50 =	vsub.f32 v25, v46;
	[tilespmem:v13+s0+$0x0] =	vst.idx.msk $0xffff, v26  }
0x457: {  	v47 =	vsub.f32 $1.500000000e+00, v38;
	v38 =	vld.idx.msk [tilespmem:v8+s29+$0x0], $0xffff;
	[tilespmem:$0x1F6F0] =	vst v2;
	v2 =	vor.u32 $0x11, v7  }
0x458: {  	v34 =	vadd.f32 v34, v35;
	v13 =	vmax.f32 v33, $1.000000020e-24;
	v26 =	vmul.f32 v50, v50;
	[tilespmem:$0x1F6C0] =	vst v2;
	v2 =	vld [tilespmem:$0x1FEF0]  }
0x459: {  	v33 =	vshra.s32 v13, $0x1;
	v35 =	vmul.f32 $5.000000000e-01, v13;
	v28 =	vmul.f32 v28, v18  }
0x45a: {  	v33 =	vsub.s32 $0x5F3759DF, v33  }
0x45b: {  	v26 =	vadd.f32 v26, v34;
	v52 =	vmul.f32 v33, v35;
	v28 =	vadd.f32 v28, v29  }
0x45c: {  	v29 =	vmul.f32 v1, v56  }
0x45d: {  	v53 =	vld.idx.msk [tilespmem:v42+s29+$0x0], $0xffff;
	v1 =	vmax.f32 v26, $1.000000020e-24;
	v26 =	vmul.f32 v33, v52;
	v28 =	vmul.f32 v28, v38  }
0x45e: {  	v27 =	vmul.f32 v27, v47;
	v47 =	vld.idx.msk [tilespmem:v23+s29+$0x0], $0xffff  }
0x45f: {  	v0 =	vor.u32 $0x8, v42;
	v37 =	vsub.f32 $1.500000000e+00, v26;
	v26 =	vld.idx.msk [tilespmem:v63+s29+$0x0], $0xffff;
	[tilespmem:v8+s0+$0x0] =	vst.idx.msk $0xffff, v28  }
0x460: {  	v8 =	vld.idx.msk [tilespmem:v2+s14+$0x0], $0xffff;
	v2 =	vmov v0  }
0x461: {  	[tilespmem:$0x1FD50] =	vst v2;
	v2 =	vld [tilespmem:$0x1FF00];
	_ =	sdelay $0x7  }
0x462: {  	v14 =	vld.idx.msk [tilespmem:v2+s14+$0x0], $0xffff;
	v2 =	vor.u32 $0x11, v42  }
0x463: {  	[tilespmem:$0x1F700] =	vst v2;
	v2 =	vld [tilespmem:$0x1FB10]  }
0x464: {  	v55 =	vadd.s32 $0x21, v16  }
0x465: {  	v24 =	vor.u32 $0xC, v7;
	v49 =	vadd.s32 $0xD, v16  }
0x466: {  	[tilespmem:$0x1F730] =	vst v24;
	v24 =	vmul.f32 v27, v30  }
0x467: {  	v54 =	vld [tilespmem:$0x1FCD0]  }
0x468: {  	v45 =	vor.u32 $0xD, v10;
	v24 =	vmul.f32 v24, v27  }
0x469: {  	v32 =	vld.idx.msk [tilespmem:v55+s14+$0x0], $0xffff  }
0x46a: {  	v34 =	vld.idx.msk [tilespmem:v49+s14+$0x0], $0xffff;
	v24 =	vsub.f32 $1.500000000e+00, v24  }
0x46b: {  	v6 =	vor.u32 $0xD, v7;
	[tilespmem:$0x1FB10] =	vst v2;
	v2 =	vld.idx.msk [tilespmem:v2+s29+$0x0], $0xffff  }
0x46c: {  	[tilespmem:$0x1F860] =	vst v6;
	v6 =	vmul.f32 v24, v27  }
0x46d: {  	v49 =	vld.idx.msk [tilespmem:v45+s29+$0x0], $0xffff  }
0x46e: {  	v32 =	vmul.f32 v32, v15;
	v30 =	vmul.f32 v6, v30  }
0x46f: {  	v46 =	vld.idx.msk [tilespmem:v54+s29+$0x0], $0xffff  }
0x470: {  	v32 =	vadd.f32 v32, v34;
	v28 =	vmul.f32 v30, v6;
	[tilespmem:$0x1F720] =	vst v2;
	v2 =	vld [tilespmem:$0x1FDF0];
	_ =	sdelay $0x1  }
0x471: {  	v30 =	vmul.f32 v32, v49;
	v49 =	vadd.f32 v40, v43;
	v28 =	vsub.f32 $1.500000000e+00, v28  }
0x472: {  	v21 =	vadd.f32 v44, v21;
	v55 =	vshra.s32 v1, $0x1;
	v50 =	vmul.f32 $5.000000000e-01, v1  }
0x473: {  	v27 =	vsub.s32 $0x5F3759DF, v55;
	v6 =	vmul.f32 v28, v6;
	v28 =	vmul.f32 v49, v46  }
0x474: {  	v9 =	vmul.f32 v21, v9;
	v22 =	vld.idx.msk [tilespmem:v7+s29+$0x0], $0xffff;
	v52 =	vmul.f32 v27, v50  }
0x475: {  	v24 =	vld.idx.msk [tilespmem:v61+s29+$0x0], $0xffff;
	[tilespmem:v54+s0+$0x0] =	vst.idx.msk $0xffff, v28  }
0x476: {  	v12 =	vor.u32 $0x9, v7;
	v55 =	vmul.f32 v27, v52;
	[tilespmem:v62+s0+$0x0] =	vst.idx.msk $0xffff, v9  }
0x477: {  	v3 =	vld.idx.msk [tilespmem:v2+s14+$0x0], $0xffff;
	v2 =	vmov v12  }
0x478: {  	v33 =	vmul.f32 v33, v37;
	v37 =	vsub.f32 $1.500000000e+00, v55;
	[tilespmem:$0x1FCD0] =	vst v2;
	v2 =	vld [tilespmem:$0x1FE00];
	_ =	sdelay $0x1  }
0x479: {  	v27 =	vmul.f32 v27, v37;
	_ =	sdelay $0x1  }
0x47a: {  	v29 =	vadd.f32 v29, v31;
	v31 =	vmul.f32 v27, v50  }
0x47b: {  	v6 =	vmul.f32 v6, v20  }
0x47c: {  	v20 =	vmul.f32 v31, v27;
	v8 =	vmul.f32 v8, v18;
	_ =	sdelay $0x1  }
0x47d: {  	v8 =	vadd.f32 v8, v14;
	v14 =	vsub.f32 $1.500000000e+00, v20;
	v20 =	vld.idx.msk [tilespmem:v2+s14+$0x0], $0xffff  }
0x47e: {  	v2 =	vld [tilespmem:$0x1FD20];
	_ =	sdelay $0x4  }
0x47f: {  	v31 =	vmov v2;
	v2 =	vld [tilespmem:$0x1FC20];
	_ =	sdelay $0x5  }
0x480: {  	v52 =	vld [tilespmem:$0x1FD60]  }
0x481: {  	v41 =	vor.u32 $0x10, v7  }
0x482: {  	v46 =	vld.idx.msk [tilespmem:v2+s15+$0x0], $0xffff;
	v2 =	vmov v41  }
0x483: {  	[tilespmem:$0x1FD20] =	vst v2;
	v2 =	vld [tilespmem:$0x1FDB0];
	_ =	sdelay $0x2  }
0x484: {  	v9 =	vmul.f32 v29, v47;
	_ =	sdelay $0x1  }
0x485: {  	v55 =	vld.idx.msk [tilespmem:v52+s29+$0x0], $0xffff;
	[tilespmem:v23+s0+$0x0] =	vst.idx.msk $0xffff, v9;
	v23 =	vmov v2;
	v2 =	vor.u32 $0x13, v7  }
0x486: {  	[tilespmem:$0x1F770] =	vst v2;
	v2 =	vld [tilespmem:$0x1FC40];
	_ =	sdelay $0x4  }
0x487: {  	v8 =	vmul.f32 v8, v55;
	_ =	sdelay $0x1  }
0x488: {  	[tilespmem:v52+s0+$0x0] =	vst.idx.msk $0xffff, v8  }
0x489: {  	v8 =	vld.idx.msk [tilespmem:v2+s15+$0x0], $0xffff  }
0x48a: {  	v2 =	vld [tilespmem:$0x1FF10];
	_ =	sdelay $0x6  }
0x48b: {  	v11 =	vor.u32 $0x9, v42;
	v62 =	vld [tilespmem:$0x1FCE0]  }
0x48c: {  	v47 =	vld.idx.msk [tilespmem:v2+s14+$0x0], $0xffff;
	v2 =	vmov v11  }
0x48d: {  	[tilespmem:$0x1FD60] =	vst v2;
	v2 =	vld [tilespmem:$0x1FF20];
	_ =	sdelay $0x2  }
0x48e: {  	v52 =	vld [tilespmem:$0x1FE90]  }
0x48f: {  	v0 =	vmul.f32 v33, v35  }
0x490: {  	v6 =	vmul.f32 $6.400000000e+01, v6  }
0x491: {  	v0 =	vmul.f32 v0, v33  }
0x492: {  	[tilespmem:$0x1FBC0] =	vst v31;
	v31 =	vmin.f32 v6, $5.115000000e+02;
	v6 =	vld.idx.msk [tilespmem:v62+s29+$0x0], $0xffff  }
0x493: {  	v0 =	vsub.f32 $1.500000000e+00, v0;
	v49 =	vld.idx.msk [tilespmem:v2+s14+$0x0], $0xffff;
	v2 =	vmov v52  }
0x494: {  	v3 =	vmul.f32 v3, v19;
	[tilespmem:$0x1FC20] =	vst v2;
	v2 =	vor.u32 $0x13, v42  }
0x495: {  	v0 =	vmul.f32 v0, v33;
	[tilespmem:$0x1F7B0] =	vst v2;
	v2 =	vld [tilespmem:$0x1FC30]  }
0x496: {  	v3 =	vadd.f32 v3, v20  }
0x497: {  	v12 =	vmul.f32 v0, v35  }
0x498: {  	v3 =	vmul.f32 v3, v6;
	v6 =	vld [tilespmem:$0x1FFA0]  }
0x499: {  	v14 =	vmul.f32 v14, v27;
	v27 =	vmul.f32 v12, v0  }
0x49a: {  	v25 =	vor.u32 $0x10, v42  }
0x49b: {  	v11 =	vmul.f32 v14, v50;
	v50 =	vmov v25;
	v25 =	vsub.f32 $1.500000000e+00, v27;
	_ =	sdelay $0x1  }
0x49c: {  	v0 =	vmul.f32 v25, v0;
	v25 =	vld.idx.msk [tilespmem:v2+s15+$0x0], $0xffff;
	v2 =	vmov v6  }
0x49d: {  	v34 =	vadd.s32 $0x22, v16;
	[tilespmem:$0x1FC40] =	vst v2;
	v2 =	vld [tilespmem:$0x1FC50];
	_ =	sdelay $0x1  }
0x49e: {  	v32 =	vadd.s32 $0xE, v16;
	_ =	sdelay $0x1  }
0x49f: {  	[tilespmem:v45+s0+$0x0] =	vst.idx.msk $0xffff, v30;
	v30 =	vor.u32 $0xE, v10  }
0x4a0: {  	v34 =	vld.idx.msk [tilespmem:v34+s14+$0x0], $0xffff;
	_ =	sdelay $0x1  }
0x4a1: {  	v32 =	vld.idx.msk [tilespmem:v32+s14+$0x0], $0xffff  }
0x4a2: {  	v2 =	vld.idx.msk [tilespmem:v2+s15+$0x0], $0xffff  }
0x4a3: {  	v28 =	vld.idx.msk [tilespmem:v30+s29+$0x0], $0xffff  }
0x4a4: {  	v29 =	vmul.f32 v34, v15;
	_ =	sdelay $0x1  }
0x4a5: {  	v29 =	vadd.f32 v29, v32  }
0x4a6: {  	v44 =	vadd.s32 $0x23, v16;
	[tilespmem:$0x1F690] =	vst v2;
	v2 =	vld [tilespmem:$0x1FFB0]  }
0x4a7: {  	v28 =	vmul.f32 v29, v28;
	_ =	sdelay $0x1  }
0x4a8: {  	v29 =	vadd.s32 $0xF, v16;
	[tilespmem:v30+s0+$0x0] =	vst.idx.msk $0xffff, v28  }
0x4a9: {  	v5 =	vor.u32 $0xA, v7;
	[tilespmem:$0x1FBE0] =	vst v23;
	v23 =	vld [tilespmem:$0x1FD70];
	v11 =	vmul.f32 v11, v14  }
0x4aa: {  	v20 =	vld.idx.msk [tilespmem:v44+s14+$0x0], $0xffff;
	v0 =	vmul.f32 v0, v13;
	v13 =	vmov v2;
	v2 =	vmov v5  }
0x4ab: {  	v11 =	vsub.f32 $1.500000000e+00, v11;
	[tilespmem:$0x1FCE0] =	vst v2;
	v2 =	vld [tilespmem:$0x1FE20]  }
0x4ac: {  	v9 =	vtrunc.f32 v31  }
0x4ad: {  	v29 =	vld.idx.msk [tilespmem:v29+s14+$0x0], $0xffff;
	v9 =	vcvt.f32.s32 v9;
	v11 =	vmul.f32 v11, v14  }
0x4ae: {  	v30 =	vadd.f32 v48, v51;
	v0 =	vmul.f32 $6.400000000e+01, v0  }
0x4af: {  	v12 =	vmul.u32 $0x28, v9;
	v1 =	vmul.f32 v11, v1;
	v11 =	vmul.f32 v20, v15  }
0x4b0: {  	[tilespmem:$0x1FC50] =	vst v13;
	v13 =	vmul.f32 v60, v24;
	v24 =	vmul.f32 v30, v26  }
0x4b1: {  	v51 =	vadd.s32 $0x14, v12;
	v28 =	vld.idx.msk [tilespmem:v23+s29+$0x0], $0xffff;
	[tilespmem:v62+s0+$0x0] =	vst.idx.msk $0xffff, v3  }
0x4b2: {  	v4 =	vor.u32 $0xA, v42;
	v27 =	vor.u32 $0xF, v10;
	[tilespmem:v63+s0+$0x0] =	vst.idx.msk $0xffff, v24;
	v24 =	vadd.f32 v11, v29;
	v11 =	vld [tilespmem:$0x1FD40]  }
0x4b3: {  	v8 =	vmul.f32 v8, v56;
	v5 =	vld.idx.msk [tilespmem:v2+s14+$0x0], $0xffff;
	[tilespmem:v61+s0+$0x0] =	vst.idx.msk $0xffff, v13;
	v13 =	vmin.f32 v0, $5.115000000e+02;
	v0 =	vmov v4  }
0x4b4: {  	[tilespmem:$0x1FD70] =	vst v0;
	v0 =	vld [tilespmem:$0x1FF30]  }
0x4b5: {  	[tilespmem:$0x1F680] =	vst v8;
	v8 =	vmul.f32 v47, v18  }
0x4b6: {  	v14 =	vld.idx.msk [tilespmem:v51+s12+$0x0], $0xffff  }
0x4b7: {  	v8 =	vadd.f32 v8, v49;
	v3 =	vld.idx.msk [tilespmem:v27+s29+$0x0], $0xffff;
	v6 =	vcvt.s32.f32 v9;
	_ =	sdelay $0x1  }
0x4b8: {  	v8 =	vmul.f32 v8, v28;
	v9 =	vld.idx.msk [tilespmem:v12+s12+$0x0], $0xffff;
	v30 =	vmov v11;
	v11 =	vsub.f32 v31, v6  }
0x4b9: {  	v26 =	vadd.s32 $0x24, v16;
	v2 =	vld [tilespmem:$0x1FE10]  }
0x4ba: {  	v21 =	vor.u32 $0x12, v7;
	[tilespmem:v23+s0+$0x0] =	vst.idx.msk $0xffff, v8;
	v8 =	vmul.f32 v11, v14;
	v14 =	vld [tilespmem:$0x1FDD0]  }
0x4bb: {  	v6 =	vmul.f32 v24, v3;
	v4 =	vadd.s32 $0x10, v16;
	v38 =	vld.idx.msk [tilespmem:v0+s14+$0x0], $0xffff;
	v0 =	vmov v21  }
0x4bc: {  	[tilespmem:$0x1FD40] =	vst v0;
	v0 =	vld [tilespmem:$0x1FC10]  }
0x4bd: {  	v29 =	vld.idx.msk [tilespmem:v36+s29+$0x0], $0xffff;
	[tilespmem:v27+s0+$0x0] =	vst.idx.msk $0xffff, v6  }
0x4be: {  	v1 =	vmul.f32 $6.400000000e+01, v1;
	v43 =	vmul.f32 v5, v19;
	v5 =	vld.idx.msk [tilespmem:v26+s14+$0x0], $0xffff  }
0x4bf: {  	v34 =	vor.u32 $0x12, v42;
	v55 =	vld [tilespmem:$0x1FEA0]  }
0x4c0: {  	v1 =	vmin.f32 v1, $5.115000000e+02;
	v24 =	vor.u32 $0x10, v10;
	v3 =	vmovc v34;
	v28 =	vtrunc.f32 v13;
	v4 =	vld.idx.msk [tilespmem:v4+s14+$0x0], $0xffff  }
0x4c1: {  	[tilespmem:$0x1FDD0] =	vst v3;
	v3 =	vadd.f32 v8, v9;
	v20 =	vld.idx.msk [tilespmem:v2+s14+$0x0], $0xffff;
	v21 =	vmovc v14;
	v2 =	vmov v0;
	v0 =	vtrunc.f32 v1  }
0x4c2: {  	v14 =	vcvt.f32.s32 v28;
	[tilespmem:$0x1FC10] =	vst v21;
	v21 =	vcvt.f32.s32 v0  }
0x4c3: {  	v60 =	vmov v57;
	v3 =	vmul.f32 v3, v29;
	v5 =	vmul.f32 v5, v15  }
0x4c4: {  	[tilespmem:$0x1F7F0] =	vst v60;
	v45 =	vmul.u32 $0x28, v14;
	v60 =	vmul.u32 $0x28, v21;
	v21 =	vcvt.s32.f32 v21  }
0x4c5: {  	v8 =	vadd.s32 $0x15, v12;
	[tilespmem:v36+s0+$0x0] =	vst.idx.msk $0xffff, v3;
	v3 =	vor.u32 $0x1, v36  }
0x4c6: {  	v33 =	vmovc v55;
	v5 =	vadd.f32 v5, v4;
	v4 =	vadd.s32 $0x18, v45;
	v55 =	vsub.f32 v1, v21;
	v1 =	vld.idx.msk [tilespmem:v24+s29+$0x0], $0xffff  }
0x4c7: {  	v9 =	vcvt.s32.f32 v14;
	v14 =	vor.u32 $0x1, v12;
	[tilespmem:$0x1F820] =	vst v4;
	v4 =	vadd.s32 $0x18, v60  }
0x4c8: {  	[tilespmem:$0x1F830] =	vst v4;
	v4 =	vor.u32 $0x4, v45  }
0x4c9: {  	[tilespmem:$0x1F840] =	vst v4;
	v4 =	vor.u32 $0x4, v60  }
0x4ca: {  	v8 =	vld.idx.msk [tilespmem:v8+s12+$0x0], $0xffff;
	[tilespmem:$0x1F850] =	vst v4;
	v4 =	vadd.s32 $0x19, v45  }
0x4cb: {  	v28 =	vld.idx.msk [tilespmem:v3+s29+$0x0], $0xffff;
	[tilespmem:$0x1F8D0] =	vst v4;
	v4 =	vadd.s32 $0x19, v60;
	v1 =	vmul.f32 v5, v1  }
0x4cc: {  	v14 =	vld.idx.msk [tilespmem:v14+s12+$0x0], $0xffff;
	[tilespmem:$0x1F8E0] =	vst v4  }
0x4cd: {  	v4 =	vld [tilespmem:$0x1FC80];
	[tilespmem:v24+s0+$0x0] =	vst.idx.msk $0xffff, v1;
	v1 =	vor.u32 $0x5, v45  }
0x4ce: {  	[tilespmem:$0x1F8F0] =	vst v1;
	v1 =	vadd.s32 $0x1A, v45  }
0x4cf: {  	[tilespmem:$0x1F970] =	vst v1;
	v1 =	vld [tilespmem:$0x1FB60];
	_ =	sdelay $0x1  }
0x4d0: {  	v54 =	vmul.f32 v46, v58  }
0x4d1: {  	v5 =	vmov v17;
	v17 =	vmov v4;
	v4 =	vld [tilespmem:$0x1FEB0]  }
0x4d2: {  	v46 =	vadd.f32 v54, v25;
	v54 =	vsub.f32 v13, v9;
	v9 =	vadd.s32 $0x14, v45;
	_ =	sdelay $0x2  }
0x4d3: {  	v52 =	vld [tilespmem:$0x1FCB0]  }
0x4d4: {  	v40 =	vld.idx.msk [tilespmem:v1+s16+$0x0], $0xffff;
	v1 =	vmov v4  }
0x4d5: {  	v21 =	vld.idx.msk [tilespmem:v9+s12+$0x0], $0xffff;
	[tilespmem:$0x1FC80] =	vst v1;
	v1 =	vadd.s32 $0x1A, v60  }
0x4d6: {  	[tilespmem:$0x1F980] =	vst v1;
	v1 =	vor.u32 $0x6, v60  }
0x4d7: {  	[tilespmem:$0x1F9A0] =	vst v1;
	v1 =	vld [tilespmem:$0x1FB80];
	_ =	sdelay $0x1  }
0x4d8: {  	[tilespmem:$0x1F7D0] =	vst v2;
	v2 =	vld [tilespmem:$0x1FF40]  }
0x4d9: {  	v61 =	vmul.f32 v54, v21;
	v21 =	vmov v52;
	v52 =	vld [tilespmem:$0x1FFE0]  }
0x4da: {  	v34 =	vld.idx.msk [tilespmem:v45+s12+$0x0], $0xffff;
	_ =	sdelay $0x1  }
0x4db: {  	[tilespmem:$0x1F8B0] =	vst v30;
	v30 =	vld.idx.msk [tilespmem:v59+s29+$0x0], $0xffff  }
0x4dc: {  	v6 =	vld [tilespmem:$0x1FD80]  }
0x4dd: {  	[tilespmem:$0x1FC30] =	vst v33;
	v4 =	vmov v58;
	v58 =	vld.idx.msk [tilespmem:v1+s16+$0x0], $0xffff;
	v1 =	vmov v52  }
0x4de: {  	v23 =	vmovc v19;
	v19 =	vld [tilespmem:$0x1FBF0];
	v25 =	vadd.s32 $0x14, v60;
	v34 =	vadd.f32 v61, v34;
	[tilespmem:$0x1FCB0] =	vst v1;
	v1 =	vadd.s32 $0x1B, v45  }
0x4df: {  	v33 =	vld.idx.msk [tilespmem:v2+s14+$0x0], $0xffff;
	[tilespmem:$0x1FA30] =	vst v1;
	v1 =	vor.u32 $0x7, v45  }
0x4e0: {  	v34 =	vmul.f32 v34, v22;
	v22 =	vld [tilespmem:$0x1FC90];
	[tilespmem:$0x1FA50] =	vst v1;
	v1 =	vadd.s32 $0x1B, v60  }
0x4e1: {  	v2 =	vld [tilespmem:$0x1FCF0];
	[tilespmem:$0x1FA40] =	vst v1;
	v1 =	vor.u32 $0x7, v60  }
0x4e2: {  	[tilespmem:$0x1FA60] =	vst v1;
	v1 =	vld [tilespmem:$0x1FB90]  }
0x4e3: {  	v27 =	vadd.s32 $0x25, v16;
	v29 =	vld.idx.msk [tilespmem:v25+s12+$0x0], $0xffff  }
0x4e4: {  	v31 =	vadd.s32 $0x11, v16;
	v8 =	vmul.f32 v11, v8;
	v51 =	vld.idx.msk [tilespmem:v60+s12+$0x0], $0xffff  }
0x4e5: {  	v61 =	vmov v22;
	v22 =	vld [tilespmem:$0x1FEC0]  }
0x4e6: {  	v35 =	vld.idx.msk [tilespmem:v6+s29+$0x0], $0xffff;
	v8 =	vadd.f32 v8, v14  }
0x4e7: {  	v26 =	vld.idx.msk [tilespmem:v19+s29+$0x0], $0xffff  }
0x4e8: {  	v14 =	vadd.s32 $0x16, v12;
	v8 =	vmul.f32 v8, v28;
	v24 =	vld.idx.msk [tilespmem:v27+s14+$0x0], $0xffff;
	v29 =	vmul.f32 v55, v29  }
0x4e9: {  	v13 =	vmov v59;
	[tilespmem:$0x1FB60] =	vst v17;
	v17 =	vld.idx.msk [tilespmem:v31+s14+$0x0], $0xffff  }
0x4ea: {  	v59 =	vor.u32 $0x11, v10;
	[tilespmem:v3+s0+$0x0] =	vst.idx.msk $0xffff, v8;
	v29 =	vadd.f32 v29, v51;
	v51 =	vld.idx.msk [tilespmem:v1+s16+$0x0], $0xffff;
	v1 =	vmov v22  }
0x4eb: {  	v28 =	vor.u32 $0x2, v12;
	v0 =	vld.idx.msk [tilespmem:v2+s29+$0x0], $0xffff;
	[tilespmem:$0x1FC90] =	vst v1;
	v1 =	vadd.s32 $0x8, v45  }
0x4ec: {  	v3 =	vor.u32 $0x2, v36;
	[tilespmem:$0x1FAE0] =	vst v1;
	v1 =	vld [tilespmem:$0x1FBA0]  }
0x4ed: {  	v39 =	vor.u32 $0x1, v7;
	v14 =	vld.idx.msk [tilespmem:v14+s12+$0x0], $0xffff  }
0x4ee: {  	v22 =	vld [tilespmem:$0x1FCC0]  }
0x4ef: {  	v8 =	vld.idx.msk [tilespmem:v59+s29+$0x0], $0xffff;
	v24 =	vmul.f32 v24, v15  }
0x4f0: {  	v57 =	vadd.s32 $0x15, v45;
	[tilespmem:$0x1FB90] =	vst v61;
	v61 =	vld.idx.msk [tilespmem:v28+s12+$0x0], $0xffff  }
0x4f1: {  	v62 =	vor.u32 $0x1, v45;
	[tilespmem:v7+s0+$0x0] =	vst.idx.msk $0xffff, v34;
	v7 =	vadd.f32 v24, v17;
	v24 =	vld.idx.msk [tilespmem:v3+s29+$0x0], $0xffff  }
0x4f2: {  	v29 =	vmul.f32 v29, v53;
	v53 =	vmul.f32 v11, v14;
	v14 =	vld.idx.msk [tilespmem:v39+s29+$0x0], $0xffff  }
0x4f3: {  	v20 =	vadd.f32 v43, v20;
	v28 =	vmov v22;
	v22 =	vld [tilespmem:$0x1FFF0]  }
0x4f4: {  	v48 =	vadd.s32 $0x15, v60;
	v34 =	vld.idx.msk [tilespmem:v1+s16+$0x0], $0xffff;
	s16 =	smov.u32 s15;
	s15 =	smov.u32 s14;
	s14 =	smov.u32 s12  }
0x4f5: {  	v0 =	vmul.f32 v20, v0;
	[tilespmem:v42+s0+$0x0] =	vst.idx.msk $0xffff, v29;
	v42 =	vld.idx.msk [tilespmem:v57+s14+$0x0], $0xffff  }
0x4f6: {  	v63 =	vor.u32 $0x1, v60;
	v62 =	vld.idx.msk [tilespmem:v62+s14+$0x0], $0xffff  }
0x4f7: {  	v17 =	vadd.s32 $0x26, v16;
	[tilespmem:v2+s0+$0x0] =	vst.idx.msk $0xffff, v0;
	v0 =	vld [tilespmem:$0x1FE30]  }
0x4f8: {  	v7 =	vmul.f32 v7, v8;
	v8 =	vadd.s32 $0x12, v16;
	v2 =	vld [tilespmem:$0x1F650]  }
0x4f9: {  	v48 =	vld.idx.msk [tilespmem:v48+s14+$0x0], $0xffff;
	v57 =	vadd.f32 v53, v61  }
0x4fa: {  	v1 =	vmov v22;
	v22 =	vld [tilespmem:$0x1F640]  }
0x4fb: {  	[tilespmem:v59+s0+$0x0] =	vst.idx.msk $0xffff, v7;
	v61 =	vld.idx.msk [tilespmem:v63+s14+$0x0], $0xffff;
	v24 =	vmul.f32 v57, v24  }
0x4fc: {  	v17 =	vld.idx.msk [tilespmem:v17+s15+$0x0], $0xffff  }
0x4fd: {  	v8 =	vld.idx.msk [tilespmem:v8+s15+$0x0], $0xffff;
	[tilespmem:v3+s0+$0x0] =	vst.idx.msk $0xffff, v24;
	v2 =	vmov v2  }
0x4fe: {  	v52 =	vadd.s32 $0x1D, v45;
	v7 =	vor.u32 $0x12, v10;
	v24 =	vmul.f32 v55, v48;
	[tilespmem:$0x1FCF0] =	vst v2;
	v2 =	vld [tilespmem:$0x1FF50]  }
0x4ff: {  	v38 =	vmul.f32 v38, v18;
	[tilespmem:$0x1FAC0] =	vst v52;
	v52 =	vadd.s32 $0x17, v12;
	v53 =	vadd.s32 $0x20, v45  }
0x500: {  	v24 =	vadd.f32 v24, v61;
	v61 =	vld.idx.msk [tilespmem:v0+s15+$0x0], $0xffff;
	v0 =	vmov v53  }
0x501: {  	v20 =	vadd.f32 v38, v33;
	[tilespmem:$0x1FE30] =	vst v0;
	v0 =	vld [tilespmem:$0x1F660]  }
0x502: {  	[tilespmem:$0x1FDB0] =	vst v50;
	v29 =	vadd.s32 $0x8, v60  }
0x503: {  	v20 =	vmul.f32 v20, v35;
	[tilespmem:$0x1FEE0] =	vst v29;
	v48 =	vld.idx.msk [tilespmem:v7+s29+$0x0], $0xffff  }
0x504: {  	[tilespmem:$0x1FCC0] =	vst v1;
	v59 =	vld.idx.msk [tilespmem:v52+s14+$0x0], $0xffff  }
0x505: {  	v1 =	vadd.s32 $0x1E, v45;
	v63 =	vor.u32 $0x3, v12;
	v52 =	vld.idx.msk [tilespmem:v22+s29+$0x0], $0xffff;
	[tilespmem:v6+s0+$0x0] =	vst.idx.msk $0xffff, v20  }
0x506: {  	[tilespmem:$0x1FDF0] =	vst v1;
	v29 =	vld.idx.msk [tilespmem:v2+s15+$0x0], $0xffff;
	v2 =	vmov v0  }
0x507: {  	v1 =	vadd.s32 $0x9, v60;
	v3 =	vor.u32 $0x3, v36;
	v42 =	vmul.f32 v54, v42;
	[tilespmem:$0x1FD80] =	vst v2;
	v2 =	vld [tilespmem:$0x1FE40]  }
0x508: {  	[tilespmem:$0x1FF00] =	vst v1;
	v1 =	vadd.s32 $0xA, v45;
	v17 =	vmul.f32 v17, v15  }
0x509: {  	v37 =	vadd.s32 $0x16, v45;
	[tilespmem:$0x1FE00] =	vst v1;
	v1 =	vadd.s32 $0x1E, v60;
	v42 =	vadd.f32 v42, v62  }
0x50a: {  	[tilespmem:$0x1FF10] =	vst v1;
	v1 =	vadd.s32 $0xA, v60;
	v57 =	vld.idx.msk [tilespmem:v63+s14+$0x0], $0xffff;
	v8 =	vadd.f32 v17, v8  }
0x50b: {  	[tilespmem:$0x1FF20] =	vst v1;
	v1 =	vadd.s32 $0xB, v45;
	v17 =	vadd.s32 $0x27, v16;
	v14 =	vmul.f32 v42, v14  }
0x50c: {  	v49 =	vor.u32 $0x2, v45;
	[tilespmem:$0x1FE10] =	vst v1;
	v53 =	vld.idx.msk [tilespmem:v3+s29+$0x0], $0xffff;
	v8 =	vmul.f32 v8, v48  }
0x50d: {  	v1 =	vadd.s32 $0x1F, v45;
	v6 =	vld [tilespmem:$0x1F690];
	v48 =	vadd.s32 $0x13, v16;
	v16 =	vmovc v12;
	v12 =	vmul.f32 v11, v59;
	[tilespmem:v39+s0+$0x0] =	vst.idx.msk $0xffff, v14  }
0x50e: {  	[tilespmem:$0x1FE20] =	vst v1;
	v59 =	vld.idx.msk [tilespmem:v37+s14+$0x0], $0xffff  }
0x50f: {  	v1 =	vadd.s32 $0x1F, v60;
	[tilespmem:v7+s0+$0x0] =	vst.idx.msk $0xffff, v8;
	v8 =	vor.u32 $0x13, v10;
	v7 =	vadd.f32 v12, v57;
	v14 =	vld.idx.msk [tilespmem:v2+s15+$0x0], $0xffff  }
0x510: {  	[tilespmem:$0x1FF30] =	vst v1;
	v1 =	vadd.s32 $0xB, v60;
	v39 =	vadd.s32 $0x18, v16;
	v24 =	vmul.f32 v24, v52;
	v17 =	vld.idx.msk [tilespmem:v17+s15+$0x0], $0xffff  }
0x511: {  	[tilespmem:$0x1FF40] =	vst v1;
	v52 =	vld.idx.msk [tilespmem:v49+s14+$0x0], $0xffff;
	v7 =	vmul.f32 v7, v53;
	v53 =	vor.u32 $0x4, v16  }
0x512: {  	[tilespmem:v22+s0+$0x0] =	vst.idx.msk $0xffff, v24;
	v24 =	vmul.f32 v61, v23;
	v48 =	vld.idx.msk [tilespmem:v48+s15+$0x0], $0xffff  }
0x513: {  	v1 =	vadd.s32 $0xC, v45;
	v10 =	vld [tilespmem:$0x1F670];
	[tilespmem:v3+s0+$0x0] =	vst.idx.msk $0xffff, v7  }
0x514: {  	[tilespmem:$0x1FBA0] =	vst v28;
	v2 =	vmov v1;
	v24 =	vadd.f32 v24, v14;
	v14 =	vld.idx.msk [tilespmem:v8+s29+$0x0], $0xffff  }
0x515: {  	v22 =	vld.idx.msk [tilespmem:v39+s14+$0x0], $0xffff;
	v17 =	vmul.f32 v17, v15;
	[tilespmem:$0x1FE40] =	vst v2;
	v2 =	vadd.s32 $0x25, v45  }
0x516: {  	v41 =	vadd.s32 $0x16, v60;
	v0 =	vmovc v36;
	v59 =	vmul.f32 v54, v59;
	v36 =	vld.idx.msk [tilespmem:v53+s14+$0x0], $0xffff;
	[tilespmem:$0x1FE90] =	vst v2;
	v2 =	vadd.s32 $0x11, v45  }
0x517: {  	v53 =	vld [tilespmem:$0x1F6A0];
	v17 =	vadd.f32 v17, v48;
	[tilespmem:$0x1FEA0] =	vst v2;
	v2 =	vadd.s32 $0x25, v60  }
0x518: {  	v50 =	vor.u32 $0x2, v60;
	v15 =	vmovc v11;
	v11 =	vadd.f32 v59, v52;
	v52 =	vld [tilespmem:$0x1FD90];
	[tilespmem:$0x1FFA0] =	vst v2;
	v2 =	vadd.s32 $0x11, v60  }
0x519: {  	[tilespmem:$0x1FFB0] =	vst v2;
	v2 =	vld [tilespmem:$0x1F680];
	v17 =	vmul.f32 v17, v14;
	v14 =	vadd.s32 $0x12, v60  }
0x51a: {  	v26 =	vmul.f32 v46, v26;
	v28 =	vadd.s32 $0x20, v60;
	[tilespmem:$0x1FFC0] =	vst v14;
	v14 =	vld [tilespmem:$0x1FF60]  }
0x51b: {  	v1 =	vmov v28;
	v28 =	vld.idx.msk [tilespmem:v41+s14+$0x0], $0xffff;
	v41 =	vor.u32 $0x4, v0  }
0x51c: {  	v59 =	vld.idx.msk [tilespmem:v10+s29+$0x0], $0xffff;
	[tilespmem:v19+s0+$0x0] =	vst.idx.msk $0xffff, v26;
	v19 =	vadd.s32 $0x27, v45  }
0x51d: {  	v50 =	vld.idx.msk [tilespmem:v50+s14+$0x0], $0xffff;
	[tilespmem:$0x1FEB0] =	vst v19;
	v19 =	vadd.s32 $0x27, v60  }
0x51e: {  	[tilespmem:$0x1FFE0] =	vst v19;
	v19 =	vld [tilespmem:$0x1F6B0]  }
0x51f: {  	v22 =	vmul.f32 v15, v22;
	v46 =	vld.idx.msk [tilespmem:v53+s29+$0x0], $0xffff;
	v2 =	vadd.f32 v2, v6  }
0x520: {  	v48 =	vld.idx.msk [tilespmem:v41+s29+$0x0], $0xffff;
	[tilespmem:v8+s0+$0x0] =	vst.idx.msk $0xffff, v17;
	v8 =	vadd.s32 $0x13, v45  }
0x521: {  	v2 =	vmul.f32 v2, v30;
	[tilespmem:$0x1FEC0] =	vst v8;
	v8 =	vadd.f32 v22, v36;
	v22 =	vld.idx.msk [tilespmem:v52+s29+$0x0], $0xffff  }
0x522: {  	v14 =	vld.idx.msk [tilespmem:v14+s15+$0x0], $0xffff  }
0x523: {  	[tilespmem:v13+s0+$0x0] =	vst.idx.msk $0xffff, v2;
	v2 =	vmul.f32 v11, v59;
	v59 =	vld [tilespmem:$0x1FD30];
	_ =	sdelay $0x4  }
0x524: {  	v36 =	vmul.f32 v40, v19;
	v19 =	vmov v59  }
0x525: {  	[tilespmem:$0x1FBF0] =	vst v19;
	v19 =	vld [tilespmem:$0x1FC70]  }
0x526: {  	v28 =	vmul.f32 v55, v28  }
0x527: {  	[tilespmem:$0x1FB80] =	vst v21;
	v21 =	vadd.s32 $0x1C, v60  }
0x528: {  	[tilespmem:$0x1FED0] =	vst v21;
	v26 =	vadd.f32 v28, v50;
	v50 =	vld [tilespmem:$0x1FD00];
	v11 =	vadd.s32 $0x13, v60  }
0x529: {  	v9 =	vadd.s32 $0x17, v60;
	v44 =	vor.u32 $0x3, v60;
	v21 =	vadd.s32 $0x1D, v60;
	[tilespmem:$0x1FFF0] =	vst v11;
	v11 =	vld [tilespmem:$0x1FC60]  }
0x52a: {  	v27 =	vor.u32 $0x5, v60;
	v38 =	vadd.s32 $0x22, v60;
	[tilespmem:$0x1FEF0] =	vst v21;
	v21 =	vadd.s32 $0x9, v45  }
0x52b: {  	v35 =	vadd.s32 $0xD, v60;
	[tilespmem:$0x1FDE0] =	vst v21;
	v21 =	vadd.s32 $0x21, v60;
	v63 =	vadd.s32 $0xC, v60  }
0x52c: {  	v42 =	vadd.s32 $0xF, v60;
	v57 =	vadd.s32 $0xE, v60;
	v12 =	vadd.s32 $0x23, v60;
	v13 =	vld [tilespmem:$0x1F6C0]  }
0x52d: {  	v3 =	vadd.s32 $0x24, v60;
	v39 =	vadd.s32 $0x10, v60;
	v6 =	vadd.s32 $0x26, v60;
	v60 =	vld.idx.msk [tilespmem:v19+s16+$0x0], $0xffff  }
0x52e: {  	v19 =	vld [tilespmem:$0x1FBB0];
	_ =	sdelay $0x1  }
0x52f: {  	v28 =	vld.idx.msk [tilespmem:v50+s29+$0x0], $0xffff;
	v8 =	vmul.f32 v8, v48  }
0x530: {  	v11 =	vld.idx.msk [tilespmem:v11+s16+$0x0], $0xffff;
	[tilespmem:v10+s0+$0x0] =	vst.idx.msk $0xffff, v2;
	v2 =	vmul.f32 v26, v46  }
0x531: {  	[tilespmem:v41+s0+$0x0] =	vst.idx.msk $0xffff, v8  }
0x532: {  	v8 =	vor.u32 $0x5, v0;
	v10 =	vmovc v0;
	v0 =	vld [tilespmem:$0x1F6E0];
	[tilespmem:v53+s0+$0x0] =	vst.idx.msk $0xffff, v2;
	v58 =	vmul.f32 v58, v19;
	v19 =	vmov v13  }
0x533: {  	[tilespmem:$0x1FD30] =	vst v19;
	v19 =	vld [tilespmem:$0x1F6D0]  }
0x534: {  	v2 =	vmul.f32 v24, v28;
	v28 =	vld.idx.msk [tilespmem:v9+s14+$0x0], $0xffff  }
0x535: {  	v9 =	vld [tilespmem:$0x1F6F0]  }
0x536: {  	v29 =	vmul.f32 v29, v18;
	_ =	sdelay $0x1  }
0x537: {  	v14 =	vadd.f32 v29, v14;
	_ =	sdelay $0x1  }
0x538: {  	v47 =	vadd.s32 $0x17, v45;
	v14 =	vmul.f32 v14, v22;
	v22 =	vmul.f32 v0, v9;
	v0 =	vld [tilespmem:$0x1F700]  }
0x539: {  	v26 =	vld.idx.msk [tilespmem:v19+s16+$0x0], $0xffff  }
0x53a: {  	v19 =	vld [tilespmem:$0x1FDC0];
	_ =	sdelay $0x2  }
0x53b: {  	v59 =	vld.idx.msk [tilespmem:v47+s14+$0x0], $0xffff  }
0x53c: {  	v47 =	vmov v4;
	v4 =	vld [tilespmem:$0x1F710]  }
0x53d: {  	v36 =	vadd.f32 v36, v51;
	v51 =	vmov v19;
	v19 =	vmov v0;
	v0 =	vld [tilespmem:$0x1F720];
	_ =	sdelay $0x4  }
0x53e: {  	[tilespmem:v50+s0+$0x0] =	vst.idx.msk $0xffff, v2;
	v2 =	vmul.f32 v11, v47;
	v11 =	vmul.f32 v4, v0;
	v0 =	vld [tilespmem:$0x1F730];
	_ =	sdelay $0x4  }
0x53f: {  	v9 =	vmov v0;
	v0 =	vld [tilespmem:$0x1F740];
	_ =	sdelay $0x4  }
0x540: {  	v48 =	vmul.f32 v60, v56;
	v60 =	vadd.f32 v2, v26;
	v2 =	vld [tilespmem:$0x1FB20];
	v4 =	vmov v0  }
0x541: {  	[tilespmem:$0x1FD90] =	vst v4;
	v4 =	vld [tilespmem:$0x1F750];
	_ =	sdelay $0x4  }
0x542: {  	v0 =	vmov v2;
	v2 =	vmov v4;
	v4 =	vld [tilespmem:$0x1F760];
	_ =	sdelay $0x3  }
0x543: {  	v32 =	vor.u32 $0x3, v45  }
0x544: {  	v46 =	vmov v4;
	v4 =	vld [tilespmem:$0x1FB30];
	_ =	sdelay $0x3  }
0x545: {  	v13 =	vld.idx.msk [tilespmem:v32+s14+$0x0], $0xffff;
	[tilespmem:v5+s0+$0x0] =	vst.idx.msk $0xffff, v22  }
0x546: {  	[tilespmem:$0x1FB00] =	vst v0;
	v0 =	vld [tilespmem:$0x1FB10];
	v5 =	vmov v4  }
0x547: {  	[tilespmem:$0x1FB10] =	vst v5;
	v5 =	vld [tilespmem:$0x1F790];
	_ =	sdelay $0x4  }
0x548: {  	v4 =	vmov v5  }
0x549: {  	[tilespmem:$0x1FB30] =	vst v4;
	v4 =	vld [tilespmem:$0x1F7A0]  }
0x54a: {  	v43 =	vadd.s32 $0x21, v45;
	v17 =	vadd.s32 $0x19, v16  }
0x54b: {  	v25 =	vadd.s32 $0x1C, v45;
	v31 =	vor.u32 $0x6, v45;
	v33 =	vadd.s32 $0x22, v45  }
0x54c: {  	v62 =	vadd.s32 $0xD, v45;
	v20 =	vadd.s32 $0x23, v45;
	v40 =	vor.u32 $0x5, v16  }
0x54d: {  	v37 =	vadd.s32 $0xE, v45;
	v49 =	vadd.s32 $0xF, v45;
	v61 =	vadd.s32 $0x26, v45  }
0x54e: {  	v7 =	vadd.s32 $0x10, v45;
	[tilespmem:$0x1FF50] =	vst v1;
	v1 =	vadd.s32 $0x24, v45;
	v30 =	vadd.s32 $0x12, v45;
	v45 =	vmovc v4;
	v4 =	vld [tilespmem:$0x1FE50]  }
0x54f: {  	v17 =	vld.idx.msk [tilespmem:v17+s14+$0x0], $0xffff;
	_ =	sdelay $0x1  }
0x550: {  	v29 =	vld.idx.msk [tilespmem:v40+s14+$0x0], $0xffff;
	_ =	sdelay $0x2  }
0x551: {  	v17 =	vmul.f32 v15, v17;
	_ =	sdelay $0x1  }
0x552: {  	v17 =	vadd.f32 v17, v29;
	v29 =	vld.idx.msk [tilespmem:v4+s15+$0x0], $0xffff;
	v4 =	vmov v43  }
0x553: {  	[tilespmem:$0x1FE50] =	vst v4;
	v4 =	vld [tilespmem:$0x1FF70];
	_ =	sdelay $0x3  }
0x554: {  	[tilespmem:v52+s0+$0x0] =	vst.idx.msk $0xffff, v14  }
0x555: {  	[tilespmem:$0x1FD00] =	vst v9  }
0x556: {  	v9 =	vld.idx.msk [tilespmem:v44+s14+$0x0], $0xffff;
	[tilespmem:$0x1FB20] =	vst v2;
	v2 =	vmul.f32 v54, v59  }
0x557: {  	[tilespmem:v0+s0+$0x0] =	vst.idx.msk $0xffff, v11;
	v0 =	vld [tilespmem:$0x1F770]  }
0x558: {  	v2 =	vadd.f32 v2, v13;
	v13 =	vld.idx.msk [tilespmem:v4+s15+$0x0], $0xffff;
	v4 =	vmov v21  }
0x559: {  	[tilespmem:$0x1FF70] =	vst v4;
	v4 =	vld [tilespmem:$0x1F7E0];
	_ =	sdelay $0x3  }
0x55a: {  	v40 =	vmov v0;
	v0 =	vld [tilespmem:$0x1F7B0]  }
0x55b: {  	v21 =	vmov v4;
	v4 =	vld [tilespmem:$0x1F800];
	_ =	sdelay $0x4  }
0x55c: {  	v50 =	vmov v0;
	v0 =	vmov v4;
	v4 =	vld [tilespmem:$0x1FE60];
	_ =	sdelay $0x2  }
0x55d: {  	v14 =	vld.idx.msk [tilespmem:v8+s29+$0x0], $0xffff;
	_ =	sdelay $0x3  }
0x55e: {  	v5 =	vld [tilespmem:$0x1F7C0]  }
0x55f: {  	[tilespmem:$0x1FC70] =	vst v0;
	v0 =	vmul.f32 v17, v14;
	v17 =	vld.idx.msk [tilespmem:v4+s15+$0x0], $0xffff;
	v4 =	vmov v62  }
0x560: {  	[tilespmem:$0x1FE60] =	vst v4;
	v4 =	vld [tilespmem:$0x1F810];
	_ =	sdelay $0x1  }
0x561: {  	v24 =	vadd.f32 v58, v34;
	_ =	sdelay $0x1  }
0x562: {  	v43 =	vmov v24;
	v24 =	vld [tilespmem:$0x1FDA0]  }
0x563: {  	v62 =	vmov v4;
	v4 =	vld [tilespmem:$0x1FF80]  }
0x564: {  	v41 =	vld [tilespmem:$0x1F780]  }
0x565: {  	v26 =	vld.idx.msk [tilespmem:v5+s29+$0x0], $0xffff  }
0x566: {  	v22 =	vmul.f32 v55, v28;
	_ =	sdelay $0x1  }
0x567: {  	v58 =	vmovc v23;
	v23 =	vmov v63;
	v32 =	vmov v6;
	v6 =	vadd.f32 v22, v9  }
0x568: {  	[tilespmem:$0x1FF60] =	vst v23;
	v23 =	vld [tilespmem:$0x1FD10]  }
0x569: {  	v6 =	vmul.f32 v6, v26;
	v22 =	vld.idx.msk [tilespmem:v24+s29+$0x0], $0xffff  }
0x56a: {  	v9 =	vld.idx.msk [tilespmem:v4+s15+$0x0], $0xffff  }
0x56b: {  	[tilespmem:v5+s0+$0x0] =	vst.idx.msk $0xffff, v6;
	v5 =	vld [tilespmem:$0x1F830]  }
0x56c: {  	v28 =	vadd.s32 $0x1A, v16;
	v11 =	vld.idx.msk [tilespmem:v41+s29+$0x0], $0xffff;
	_ =	sdelay $0x3  }
0x56d: {  	v34 =	vmov v56;
	v56 =	vmov v18;
	[tilespmem:v8+s0+$0x0] =	vst.idx.msk $0xffff, v0;
	v8 =	vld.idx.msk [tilespmem:v23+s29+$0x0], $0xffff  }
0x56e: {  	v2 =	vmul.f32 v2, v11;
	v14 =	vor.u32 $0x6, v16;
	v11 =	vld.idx.msk [tilespmem:v28+s14+$0x0], $0xffff;
	v4 =	vmovc v35;
	v6 =	vmul.f32 v13, v56  }
0x56f: {  	[tilespmem:$0x1FF80] =	vst v4;
	v4 =	vld [tilespmem:$0x1F820]  }
0x570: {  	[tilespmem:$0x1FC60] =	vst v21;
	v0 =	vor.u32 $0x6, v10;
	v21 =	vadd.f32 v6, v9;
	v9 =	vld.idx.msk [tilespmem:v5+s14+$0x0], $0xffff  }
0x571: {  	[tilespmem:v41+s0+$0x0] =	vst.idx.msk $0xffff, v2;
	v2 =	vmul.f32 v29, v58;
	v5 =	vld [tilespmem:$0x1F840];
	_ =	sdelay $0x1  }
0x572: {  	v14 =	vld.idx.msk [tilespmem:v14+s14+$0x0], $0xffff;
	v2 =	vadd.f32 v2, v17  }
0x573: {  	v21 =	vmul.f32 v21, v22;
	v22 =	vld [tilespmem:$0x1F890]  }
0x574: {  	v2 =	vmul.f32 v2, v8;
	v13 =	vld.idx.msk [tilespmem:v0+s29+$0x0], $0xffff  }
0x575: {  	[tilespmem:$0x1FDC0] =	vst v19;
	v19 =	vmov v54;
	v54 =	vmov v25;
	v25 =	vld [tilespmem:$0x1F870];
	v11 =	vmul.f32 v11, v15  }
0x576: {  	v17 =	vld [tilespmem:$0x1F860]  }
0x577: {  	v11 =	vadd.f32 v11, v14;
	v4 =	vld.idx.msk [tilespmem:v4+s14+$0x0], $0xffff  }
0x578: {  	v8 =	vld.idx.msk [tilespmem:v5+s14+$0x0], $0xffff;
	[tilespmem:v23+s0+$0x0] =	vst.idx.msk $0xffff, v2;
	v2 =	vmov v22  }
0x579: {  	[tilespmem:$0x1FDA0] =	vst v2;
	v2 =	vmul.f32 v11, v13;
	v13 =	vld [tilespmem:$0x1FE70];
	_ =	sdelay $0x1  }
0x57a: {  	[tilespmem:v0+s0+$0x0] =	vst.idx.msk $0xffff, v2;
	v2 =	vld [tilespmem:$0x1FE80]  }
0x57b: {  	v26 =	vld [tilespmem:$0x1F880]  }
0x57c: {  	v14 =	vadd.s32 $0x1B, v16  }
0x57d: {  	v6 =	vmov v17;
	v5 =	vld [tilespmem:$0x1F850]  }
0x57e: {  	[tilespmem:$0x1FD10] =	vst v6;
	v4 =	vmul.f32 v19, v4;
	v22 =	vmov v33;
	v6 =	vld.idx.msk [tilespmem:v25+s29+$0x0], $0xffff  }
0x57f: {  	[tilespmem:$0x1FE70] =	vst v22;
	v22 =	vld [tilespmem:$0x1FF90]  }
0x580: {  	v4 =	vadd.f32 v4, v8;
	v8 =	vmov v37;
	v13 =	vld.idx.msk [tilespmem:v13+s15+$0x0], $0xffff  }
0x581: {  	[tilespmem:$0x1FE80] =	vst v8;
	v8 =	vld.idx.msk [tilespmem:v14+s14+$0x0], $0xffff  }
0x582: {  	v2 =	vld.idx.msk [tilespmem:v2+s15+$0x0], $0xffff  }
0x583: {  	v17 =	vld.idx.msk [tilespmem:v26+s29+$0x0], $0xffff;
	v4 =	vmul.f32 v4, v6  }
0x584: {  	v6 =	vld [tilespmem:$0x1F8A0]  }
0x585: {  	v23 =	vmov v38;
	v5 =	vld.idx.msk [tilespmem:v5+s14+$0x0], $0xffff;
	[tilespmem:v25+s0+$0x0] =	vst.idx.msk $0xffff, v4;
	v4 =	vmul.f32 v13, v58  }
0x586: {  	v11 =	vor.u32 $0x7, v16;
	[tilespmem:$0x1FF90] =	vst v23;
	v23 =	vld [tilespmem:$0x1F8C0]  }
0x587: {  	v18 =	vmovc v55;
	v0 =	vor.u32 $0x7, v10;
	v2 =	vadd.f32 v4, v2;
	v4 =	vmul.f32 v8, v15;
	v8 =	vld [tilespmem:$0x1F8E0]  }
0x588: {  	v9 =	vmul.f32 v18, v9;
	v14 =	vld [tilespmem:$0x1F8D0];
	[tilespmem:v24+s0+$0x0] =	vst.idx.msk $0xffff, v21  }
0x589: {  	v22 =	vld.idx.msk [tilespmem:v22+s15+$0x0], $0xffff  }
0x58a: {  	v25 =	vld [tilespmem:$0x1F900];
	v5 =	vadd.f32 v9, v5  }
0x58b: {  	v9 =	vld.idx.msk [tilespmem:v11+s14+$0x0], $0xffff  }
0x58c: {  	v13 =	vld.idx.msk [tilespmem:v0+s29+$0x0], $0xffff;
	v5 =	vmul.f32 v5, v17  }
0x58d: {  	v6 =	vld.idx.msk [tilespmem:v6+s15+$0x0], $0xffff  }
0x58e: {  	v17 =	vld [tilespmem:$0x1F8F0];
	[tilespmem:v26+s0+$0x0] =	vst.idx.msk $0xffff, v5  }
0x58f: {  	v8 =	vld.idx.msk [tilespmem:v8+s14+$0x0], $0xffff  }
0x590: {  	v4 =	vadd.f32 v4, v9  }
0x591: {  	v11 =	vld.idx.msk [tilespmem:v23+s29+$0x0], $0xffff  }
0x592: {  	v24 =	vld [tilespmem:$0x1F910];
	v4 =	vmul.f32 v4, v13  }
0x593: {  	v14 =	vld.idx.msk [tilespmem:v14+s14+$0x0], $0xffff  }
0x594: {  	[tilespmem:v0+s0+$0x0] =	vst.idx.msk $0xffff, v4;
	v4 =	vmul.f32 v18, v8;
	v8 =	vld [tilespmem:$0x1F940]  }
0x595: {  	v9 =	vld.idx.msk [tilespmem:v27+s14+$0x0], $0xffff  }
0x596: {  	v5 =	vmul.f32 v22, v56;
	v2 =	vmul.f32 v2, v11;
	v22 =	vld.idx.msk [tilespmem:v25+s29+$0x0], $0xffff  }
0x597: {  	v17 =	vld.idx.msk [tilespmem:v17+s14+$0x0], $0xffff  }
0x598: {  	v5 =	vadd.f32 v5, v6;
	v6 =	vadd.s32 $0x1C, v16;
	[tilespmem:v23+s0+$0x0] =	vst.idx.msk $0xffff, v2;
	v23 =	vld [tilespmem:$0x1F920]  }
0x599: {  	v11 =	vadd.s32 $0x8, v16  }
0x59a: {  	v13 =	vld.idx.msk [tilespmem:v24+s29+$0x0], $0xffff  }
0x59b: {  	v38 =	vmov v20;
	v20 =	vld [tilespmem:$0x1F960]  }
0x59c: {  	v8 =	vld.idx.msk [tilespmem:v8+s15+$0x0], $0xffff  }
0x59d: {  	v6 =	vld.idx.msk [tilespmem:v6+s14+$0x0], $0xffff;
	v4 =	vadd.f32 v4, v9  }
0x59e: {  	v11 =	vld.idx.msk [tilespmem:v11+s14+$0x0], $0xffff  }
0x59f: {  	v9 =	vld [tilespmem:$0x1F950];
	v4 =	vmul.f32 v4, v13  }
0x5a0: {  	v2 =	vld.idx.msk [tilespmem:v23+s29+$0x0], $0xffff  }
0x5a1: {  	[tilespmem:v24+s0+$0x0] =	vst.idx.msk $0xffff, v4;
	v4 =	vmul.f32 v8, v58;
	v8 =	vld [tilespmem:$0x1F980]  }
0x5a2: {  	v14 =	vmul.f32 v19, v14;
	v6 =	vmul.f32 v6, v15  }
0x5a3: {  	v52 =	vmov v57;
	v57 =	vld [tilespmem:$0x1F8B0];
	v0 =	vor.u32 $0x8, v10  }
0x5a4: {  	v14 =	vadd.f32 v14, v17;
	v6 =	vadd.f32 v6, v11;
	v11 =	vld [tilespmem:$0x1F9A0]  }
0x5a5: {  	v13 =	vld.idx.msk [tilespmem:v20+s29+$0x0], $0xffff  }
0x5a6: {  	v14 =	vmul.f32 v14, v22;
	v2 =	vmul.f32 v5, v2;
	v5 =	vld [tilespmem:$0x1F970]  }
0x5a7: {  	v9 =	vld.idx.msk [tilespmem:v9+s15+$0x0], $0xffff  }
0x5a8: {  	[tilespmem:v25+s0+$0x0] =	vst.idx.msk $0xffff, v14;
	v14 =	vld.idx.msk [tilespmem:v0+s29+$0x0], $0xffff  }
0x5a9: {  	v8 =	vld.idx.msk [tilespmem:v8+s14+$0x0], $0xffff  }
0x5aa: {  	[tilespmem:v23+s0+$0x0] =	vst.idx.msk $0xffff, v2;
	v23 =	vld [tilespmem:$0x1F9B0]  }
0x5ab: {  	v2 =	vld [tilespmem:$0x1F990]  }
0x5ac: {  	v33 =	vmov v12;
	v12 =	vld [tilespmem:$0x1FA20]  }
0x5ad: {  	v21 =	vld [tilespmem:$0x1F9C0]  }
0x5ae: {  	v5 =	vld.idx.msk [tilespmem:v5+s14+$0x0], $0xffff  }
0x5af: {  	v4 =	vadd.f32 v4, v9;
	v6 =	vmul.f32 v6, v14;
	v11 =	vld.idx.msk [tilespmem:v11+s14+$0x0], $0xffff  }
0x5b0: {  	v53 =	vmov v36;
	v9 =	vadd.s32 $0x1D, v16;
	v36 =	vmov v2;
	v2 =	vld.idx.msk [tilespmem:v31+s14+$0x0], $0xffff  }
0x5b1: {  	v4 =	vmul.f32 v4, v13;
	[tilespmem:v0+s0+$0x0] =	vst.idx.msk $0xffff, v6;
	v6 =	vmul.f32 v8, v18;
	v8 =	vld [tilespmem:$0x1F9F0]  }
0x5b2: {  	v13 =	vadd.s32 $0x9, v16;
	v17 =	vld.idx.msk [tilespmem:v23+s29+$0x0], $0xffff  }
0x5b3: {  	v5 =	vmul.f32 v5, v19;
	[tilespmem:v20+s0+$0x0] =	vst.idx.msk $0xffff, v4;
	v4 =	vld [tilespmem:$0x1F9D0]  }
0x5b4: {  	v20 =	vld [tilespmem:$0x1F9E0]  }
0x5b5: {  	v2 =	vadd.f32 v5, v2;
	v5 =	vld.idx.msk [tilespmem:v9+s14+$0x0], $0xffff  }
0x5b6: {  	v26 =	vld [tilespmem:$0x1F930]  }
0x5b7: {  	v6 =	vadd.f32 v6, v11;
	v11 =	vld.idx.msk [tilespmem:v13+s14+$0x0], $0xffff  }
0x5b8: {  	v14 =	vld.idx.msk [tilespmem:v21+s29+$0x0], $0xffff  }
0x5b9: {  	v0 =	vor.u32 $0x9, v10;
	v22 =	vmov v20;
	v20 =	vld [tilespmem:$0x1FA10]  }
0x5ba: {  	v12 =	vld.idx.msk [tilespmem:v12+s15+$0x0], $0xffff;
	v5 =	vmul.f32 v5, v15  }
0x5bb: {  	v4 =	vld.idx.msk [tilespmem:v4+s15+$0x0], $0xffff  }
0x5bc: {  	v5 =	vadd.f32 v5, v11;
	v11 =	vld [tilespmem:$0x1FA60]  }
0x5bd: {  	v8 =	vld.idx.msk [tilespmem:v8+s15+$0x0], $0xffff  }
0x5be: {  	v28 =	vmov v26;
	v26 =	vmov v1;
	v1 =	vld.idx.msk [tilespmem:v0+s29+$0x0], $0xffff;
	v2 =	vmul.f32 v2, v17  }
0x5bf: {  	v44 =	vmul.f32 v12, v58;
	v12 =	vld [tilespmem:$0x1FA70]  }
0x5c0: {  	[tilespmem:v23+s0+$0x0] =	vst.idx.msk $0xffff, v2;
	v2 =	vmul.f32 v4, v56;
	v4 =	vld [tilespmem:$0x1FA30]  }
0x5c1: {  	v6 =	vmul.f32 v6, v14;
	v9 =	vld.idx.msk [tilespmem:v20+s29+$0x0], $0xffff  }
0x5c2: {  	v2 =	vadd.f32 v2, v8;
	v8 =	vld [tilespmem:$0x1FA50]  }
0x5c3: {  	[tilespmem:v21+s0+$0x0] =	vst.idx.msk $0xffff, v6;
	v6 =	vld [tilespmem:$0x1FA40]  }
0x5c4: {  	v17 =	vld.idx.msk [tilespmem:v11+s14+$0x0], $0xffff;
	v11 =	vmul.f32 v5, v1  }
0x5c5: {  	v63 =	vld [tilespmem:$0x1F7D0]  }
0x5c6: {  	[tilespmem:v0+s0+$0x0] =	vst.idx.msk $0xffff, v11;
	v0 =	vld [tilespmem:$0x1FAA0]  }
0x5c7: {  	v1 =	vld [tilespmem:$0x1FA80]  }
0x5c8: {  	v4 =	vld.idx.msk [tilespmem:v4+s14+$0x0], $0xffff  }
0x5c9: {  	v35 =	vmov v30;
	v30 =	vmov v42;
	v42 =	vld [tilespmem:$0x1FA00]  }
0x5ca: {  	v8 =	vld.idx.msk [tilespmem:v8+s14+$0x0], $0xffff  }
0x5cb: {  	v5 =	vld.idx.msk [tilespmem:v12+s29+$0x0], $0xffff;
	v2 =	vmul.f32 v2, v9  }
0x5cc: {  	v6 =	vld.idx.msk [tilespmem:v6+s14+$0x0], $0xffff  }
0x5cd: {  	[tilespmem:v20+s0+$0x0] =	vst.idx.msk $0xffff, v2;
	v23 =	vmov v1;
	v1 =	vld [tilespmem:$0x1FA90];
	v2 =	vmul.f32 v4, v19  }
0x5ce: {  	v14 =	vadd.s32 $0x1E, v16;
	v21 =	vld.idx.msk [tilespmem:v0+s15+$0x0], $0xffff  }
0x5cf: {  	v0 =	vadd.f32 v2, v8;
	v2 =	vld [tilespmem:$0x1FAD0]  }
0x5d0: {  	v55 =	vmov v61;
	v61 =	vld [tilespmem:$0x1F7F0]  }
0x5d1: {  	s17 =	sadd.s32 $0x3, s17;
	v25 =	vmov v39;
	v39 =	vld [tilespmem:$0x1FAE0]  }
0x5d2: {  	p2 =	slt.u32 s17, $0x1B;
	v9 =	vld.idx.msk [tilespmem:v42+s29+$0x0], $0xffff  }
.Ltmp2:
0x5d3: {  	v27 =	vmov v3;
	v3 =	vmul.f32 v6, v18;
	v8 =	vmov v12;
	v12 =	vld.idx.msk [tilespmem:v14+s14+$0x0], $0xffff;
	(pc) =	sbr.rel @p2 .LBB2_7-.Ltmp2, $4  }
0x5d4: {  	v14 =	vld [tilespmem:$0x1FAB0]  }
0x5d5: {  	v4 =	vadd.f32 v3, v17;
	v17 =	vld [tilespmem:$0x1FAC0]  }
0x5d6: {  	v1 =	vld.idx.msk [tilespmem:v1+s15+$0x0], $0xffff  }
0x5d7: {  	s18 =	sadd.s32 $0x30, s18;
	v29 =	vmovc v49;
	v24 =	vmov v7;
	v13 =	vadd.s32 $0xA, v16;
	v11 =	vor.u32 $0xA, v10;
	v31 =	vld.idx.msk [tilespmem:v2+s15+$0x0], $0xffff  }
0x5d8: {  	_ =	sdelay $0x3  }
0x5d9: {  	v20 =	vld.idx.msk [tilespmem:v13+s14+$0x0], $0xffff;
	_ =	sdelay $0x1  }
0x5da: {  	v0 =	vmul.f32 v0, v9;
	v37 =	vld.idx.msk [tilespmem:v11+s29+$0x0], $0xffff  }
0x5db: {  	v4 =	vmul.f32 v4, v5;
	v6 =	vmul.f32 v12, v15  }
0x5dc: {  	[tilespmem:v42+s0+$0x0] =	vst.idx.msk $0xffff, v0  }
0x5dd: {  	[tilespmem:v8+s0+$0x0] =	vst.idx.msk $0xffff, v4;
	v0 =	vadd.f32 v6, v20  }
0x5de: {  	v41 =	vld [tilespmem:$0x1FED0]  }
0x5df: {  	v0 =	vmul.f32 v0, v37  }
0x5e0: {  	v49 =	vld [tilespmem:$0x1FEE0]  }
0x5e1: {  	v2 =	vld.idx.msk [tilespmem:v54+s14+$0x0], $0xffff;
	[tilespmem:v11+s0+$0x0] =	vst.idx.msk $0xffff, v0  }
0x5e2: {  	v59 =	vld [tilespmem:$0x1FD50]  }
0x5e3: {  	v3 =	vld.idx.msk [tilespmem:v39+s14+$0x0], $0xffff;
	_ =	sdelay $0x1  }
0x5e4: {  	v39 =	vld.idx.msk [tilespmem:v14+s29+$0x0], $0xffff  }
0x5e5: {  	v7 =	vadd.s32 $0x1F, v16;
	v2 =	vmul.f32 v2, v19;
	v6 =	vld.idx.msk [tilespmem:v41+s14+$0x0], $0xffff;
	_ =	sdelay $0x1  }
0x5e6: {  	v42 =	vadd.s32 $0xB, v16;
	v2 =	vadd.f32 v2, v3;
	v3 =	vld.idx.msk [tilespmem:v49+s14+$0x0], $0xffff;
	_ =	sdelay $0x1  }
0x5e7: {  	v54 =	vmul.f32 v2, v39;
	v2 =	vor.u32 $0xB, v10;
	v12 =	vld.idx.msk [tilespmem:v59+s29+$0x0], $0xffff  }
0x5e8: {  	v13 =	vld.idx.msk [tilespmem:v7+s14+$0x0], $0xffff;
	v6 =	vmul.f32 v6, v18;
	_ =	sdelay $0x1  }
0x5e9: {  	[tilespmem:v14+s0+$0x0] =	vst.idx.msk $0xffff, v54;
	v14 =	vld.idx.msk [tilespmem:v42+s14+$0x0], $0xffff;
	v3 =	vadd.f32 v6, v3  }
0x5ea: {  	v37 =	vld [tilespmem:$0x1FDE0]  }
0x5eb: {  	v39 =	vld.idx.msk [tilespmem:v2+s29+$0x0], $0xffff;
	v3 =	vmul.f32 v3, v12  }
0x5ec: {  	v5 =	vmul.f32 v13, v15  }
0x5ed: {  	[tilespmem:v59+s0+$0x0] =	vst.idx.msk $0xffff, v3  }
0x5ee: {  	v0 =	vadd.f32 v5, v14;
	v11 =	vld [tilespmem:$0x1FCD0]  }
0x5ef: {  	v49 =	vld [tilespmem:$0x1FEF0]  }
0x5f0: {  	v20 =	vld.idx.msk [tilespmem:v17+s14+$0x0], $0xffff;
	v0 =	vmul.f32 v0, v39  }
0x5f1: {  	v17 =	vld [tilespmem:$0x1FF00]  }
0x5f2: {  	v7 =	vld.idx.msk [tilespmem:v37+s14+$0x0], $0xffff;
	[tilespmem:v2+s0+$0x0] =	vst.idx.msk $0xffff, v0  }
0x5f3: {  	v37 =	vld [tilespmem:$0x1FD60];
	_ =	sdelay $0x2  }
0x5f4: {  	v41 =	vld.idx.msk [tilespmem:v11+s29+$0x0], $0xffff  }
0x5f5: {  	v54 =	vadd.s32 $0x20, v16;
	v6 =	vld.idx.msk [tilespmem:v49+s14+$0x0], $0xffff  }
0x5f6: {  	v42 =	vmul.f32 v20, v19  }
0x5f7: {  	v59 =	vadd.s32 $0xC, v16;
	v5 =	vld.idx.msk [tilespmem:v17+s14+$0x0], $0xffff  }
0x5f8: {  	v14 =	vadd.f32 v42, v7  }
0x5f9: {  	v2 =	vor.u32 $0xC, v10;
	v39 =	vld.idx.msk [tilespmem:v37+s29+$0x0], $0xffff  }
0x5fa: {  	v20 =	vmul.f32 v14, v41;
	v41 =	vld.idx.msk [tilespmem:v54+s14+$0x0], $0xffff;
	v6 =	vmul.f32 v6, v18;
	_ =	sdelay $0x1  }
0x5fb: {  	v42 =	vld.idx.msk [tilespmem:v59+s14+$0x0], $0xffff;
	[tilespmem:v11+s0+$0x0] =	vst.idx.msk $0xffff, v20;
	v5 =	vadd.f32 v6, v5  }
0x5fc: {  	v49 =	vld [tilespmem:$0x1FDF0]  }
0x5fd: {  	v59 =	vld.idx.msk [tilespmem:v2+s29+$0x0], $0xffff;
	v3 =	vmul.f32 v5, v39  }
0x5fe: {  	v54 =	vld [tilespmem:$0x1FE00];
	v4 =	vmul.f32 v41, v15  }
0x5ff: {  	[tilespmem:v37+s0+$0x0] =	vst.idx.msk $0xffff, v3  }
0x600: {  	v12 =	vld [tilespmem:$0x1FCE0];
	v0 =	vadd.f32 v4, v42  }
0x601: {  	v17 =	vld [tilespmem:$0x1FF10]  }
0x602: {  	v0 =	vmul.f32 v0, v59  }
0x603: {  	v41 =	vld [tilespmem:$0x1FF20]  }
0x604: {  	v6 =	vld.idx.msk [tilespmem:v49+s14+$0x0], $0xffff;
	[tilespmem:v2+s0+$0x0] =	vst.idx.msk $0xffff, v0  }
0x605: {  	v11 =	vld [tilespmem:$0x1FD70]  }
0x606: {  	v7 =	vld.idx.msk [tilespmem:v54+s14+$0x0], $0xffff;
	_ =	sdelay $0x1  }
0x607: {  	v14 =	vld.idx.msk [tilespmem:v12+s29+$0x0], $0xffff  }
0x608: {  	v20 =	vadd.s32 $0x21, v16;
	v4 =	vld.idx.msk [tilespmem:v17+s14+$0x0], $0xffff;
	v6 =	vmul.f32 v6, v19;
	_ =	sdelay $0x1  }
0x609: {  	v37 =	vadd.s32 $0xD, v16;
	v39 =	vadd.f32 v6, v7;
	v6 =	vld.idx.msk [tilespmem:v41+s14+$0x0], $0xffff;
	_ =	sdelay $0x1  }
0x60a: {  	v2 =	vor.u32 $0xD, v10;
	v49 =	vld.idx.msk [tilespmem:v11+s29+$0x0], $0xffff  }
0x60b: {  	v54 =	vld.idx.msk [tilespmem:v20+s14+$0x0], $0xffff;
	v42 =	vmul.f32 v39, v14;
	v4 =	vmul.f32 v4, v18;
	_ =	sdelay $0x1  }
0x60c: {  	v59 =	vld.idx.msk [tilespmem:v37+s14+$0x0], $0xffff;
	[tilespmem:v12+s0+$0x0] =	vst.idx.msk $0xffff, v42;
	v4 =	vadd.f32 v4, v6  }
0x60d: {  	v12 =	vld [tilespmem:$0x1FE20]  }
0x60e: {  	v14 =	vld.idx.msk [tilespmem:v2+s29+$0x0], $0xffff;
	v3 =	vmul.f32 v4, v49  }
0x60f: {  	v5 =	vmul.f32 v54, v15;
	v13 =	vld [tilespmem:$0x1FE10]  }
0x610: {  	[tilespmem:v11+s0+$0x0] =	vst.idx.msk $0xffff, v3  }
0x611: {  	v0 =	vadd.f32 v5, v59;
	v11 =	vld [tilespmem:$0x1FCF0]  }
0x612: {  	v20 =	vld [tilespmem:$0x1FF30]  }
0x613: {  	v0 =	vmul.f32 v0, v14  }
0x614: {  	v42 =	vld [tilespmem:$0x1FF40]  }
0x615: {  	[tilespmem:v2+s0+$0x0] =	vst.idx.msk $0xffff, v0;
	v6 =	vld.idx.msk [tilespmem:v12+s14+$0x0], $0xffff  }
0x616: {  	v12 =	vld [tilespmem:$0x1FD80]  }
0x617: {  	v7 =	vld.idx.msk [tilespmem:v13+s14+$0x0], $0xffff;
	_ =	sdelay $0x1  }
0x618: {  	v17 =	vld.idx.msk [tilespmem:v11+s29+$0x0], $0xffff  }
0x619: {  	v5 =	vld.idx.msk [tilespmem:v20+s14+$0x0], $0xffff;
	v6 =	vmul.f32 v6, v19;
	_ =	sdelay $0x1  }
0x61a: {  	v41 =	vadd.f32 v6, v7;
	v6 =	vld.idx.msk [tilespmem:v42+s14+$0x0], $0xffff;
	_ =	sdelay $0x1  }
0x61b: {  	v54 =	vld.idx.msk [tilespmem:v12+s29+$0x0], $0xffff  }
0x61c: {  	v49 =	vmul.f32 v41, v17;
	v5 =	vmul.f32 v5, v18  }
0x61d: {  	v37 =	vadd.s32 $0x22, v16  }
0x61e: {  	[tilespmem:v11+s0+$0x0] =	vst.idx.msk $0xffff, v49;
	v5 =	vadd.f32 v5, v6  }
0x61f: {  	v39 =	vadd.s32 $0xE, v16;
	v14 =	vld [tilespmem:$0x1FE30]  }
0x620: {  	v3 =	vmul.f32 v5, v54  }
0x621: {  	v2 =	vor.u32 $0xE, v10;
	v17 =	vld [tilespmem:$0x1FE40]  }
0x622: {  	v59 =	vld.idx.msk [tilespmem:v37+s14+$0x0], $0xffff;
	[tilespmem:v12+s0+$0x0] =	vst.idx.msk $0xffff, v3  }
0x623: {  	v11 =	vld [tilespmem:$0x1FD00]  }
0x624: {  	v13 =	vld.idx.msk [tilespmem:v39+s14+$0x0], $0xffff;
	_ =	sdelay $0x1  }
0x625: {  	v20 =	vld.idx.msk [tilespmem:v2+s29+$0x0], $0xffff  }
0x626: {  	v4 =	vmul.f32 v59, v15;
	v6 =	vld.idx.msk [tilespmem:v14+s14+$0x0], $0xffff;
	_ =	sdelay $0x1  }
0x627: {  	v0 =	vadd.f32 v4, v13;
	v7 =	vld.idx.msk [tilespmem:v17+s14+$0x0], $0xffff  }
0x628: {  	v39 =	vld [tilespmem:$0x1FF50]  }
0x629: {  	v0 =	vmul.f32 v0, v20;
	v37 =	vld.idx.msk [tilespmem:v11+s29+$0x0], $0xffff  }
0x62a: {  	v54 =	vld [tilespmem:$0x1FF60];
	v6 =	vmul.f32 v6, v19  }
0x62b: {  	[tilespmem:v2+s0+$0x0] =	vst.idx.msk $0xffff, v0  }
0x62c: {  	v12 =	vld [tilespmem:$0x1FD90];
	v49 =	vadd.f32 v6, v7;
	_ =	sdelay $0x1  }
0x62d: {  	v59 =	vmul.f32 v49, v37;
	_ =	sdelay $0x1  }
0x62e: {  	v4 =	vld.idx.msk [tilespmem:v39+s14+$0x0], $0xffff;
	[tilespmem:v11+s0+$0x0] =	vst.idx.msk $0xffff, v59  }
0x62f: {  	v42 =	vadd.s32 $0xF, v16;
	v17 =	vld [tilespmem:$0x1FBC0]  }
0x630: {  	v41 =	vadd.s32 $0x23, v16;
	v6 =	vld.idx.msk [tilespmem:v54+s14+$0x0], $0xffff  }
0x631: {  	v5 =	vor.u32 $0xF, v10  }
0x632: {  	v13 =	vld.idx.msk [tilespmem:v12+s29+$0x0], $0xffff  }
0x633: {  	v4 =	vmul.f32 v4, v18  }
0x634: {  	v20 =	vld.idx.msk [tilespmem:v42+s14+$0x0], $0xffff  }
0x635: {  	v14 =	vld.idx.msk [tilespmem:v41+s14+$0x0], $0xffff;
	v4 =	vadd.f32 v4, v6  }
0x636: {  	v49 =	vld.idx.msk [tilespmem:v5+s29+$0x0], $0xffff  }
0x637: {  	v2 =	vmul.f32 v4, v13;
	v42 =	vld.idx.msk [tilespmem:v17+s29+$0x0], $0xffff  }
0x638: {  	v39 =	vld [tilespmem:$0x1FE50]  }
0x639: {  	v41 =	vld [tilespmem:$0x1FE60];
	[tilespmem:v12+s0+$0x0] =	vst.idx.msk $0xffff, v2  }
0x63a: {  	v54 =	vmul.f32 v14, v15;
	v37 =	vadd.f32 v44, v21;
	v14 =	vld [tilespmem:$0x1FBE0]  }
0x63b: {  	v11 =	vld [tilespmem:$0x1FF70]  }
0x63c: {  	v0 =	vadd.f32 v54, v20;
	v20 =	vld [tilespmem:$0x1FD10];
	v4 =	vmul.f32 v37, v42  }
0x63d: {  	v42 =	vld [tilespmem:$0x1FF80]  }
0x63e: {  	v44 =	vld [tilespmem:$0x1FB50];
	[tilespmem:v17+s0+$0x0] =	vst.idx.msk $0xffff, v4  }
0x63f: {  	v17 =	vld [tilespmem:$0x1FDA0]  }
0x640: {  	v6 =	vld.idx.msk [tilespmem:v39+s14+$0x0], $0xffff  }
0x641: {  	v7 =	vld.idx.msk [tilespmem:v41+s14+$0x0], $0xffff  }
0x642: {  	v1 =	vmul.f32 v1, v56;
	v59 =	vld.idx.msk [tilespmem:v14+s29+$0x0], $0xffff  }
0x643: {  	v11 =	vld.idx.msk [tilespmem:v11+s14+$0x0], $0xffff  }
0x644: {  	v1 =	vadd.f32 v1, v31;
	v39 =	vadd.s32 $0x24, v16;
	v41 =	vld.idx.msk [tilespmem:v20+s29+$0x0], $0xffff  }
0x645: {  	v0 =	vmul.f32 v0, v49;
	v49 =	vadd.s32 $0x10, v16;
	v6 =	vmul.f32 v6, v19;
	v9 =	vld.idx.msk [tilespmem:v42+s14+$0x0], $0xffff  }
0x646: {  	v8 =	vld.idx.msk [tilespmem:v44+s16+$0x0], $0xffff  }
0x647: {  	v54 =	vadd.f32 v6, v7;
	[tilespmem:v5+s0+$0x0] =	vst.idx.msk $0xffff, v0;
	v1 =	vmul.f32 v1, v59;
	v59 =	vld.idx.msk [tilespmem:v17+s29+$0x0], $0xffff  }
0x648: {  	v6 =	vor.u32 $0x10, v10;
	v0 =	vld [tilespmem:$0x1FC20];
	v11 =	vmul.f32 v11, v18  }
0x649: {  	v2 =	vld.idx.msk [tilespmem:v39+s14+$0x0], $0xffff;
	v21 =	vmul.f32 v54, v41  }
0x64a: {  	v39 =	vld.idx.msk [tilespmem:v49+s14+$0x0], $0xffff;
	[tilespmem:v14+s0+$0x0] =	vst.idx.msk $0xffff, v1;
	v31 =	vadd.f32 v11, v9  }
0x64b: {  	v37 =	vld [tilespmem:$0x1FC40];
	[tilespmem:v20+s0+$0x0] =	vst.idx.msk $0xffff, v21  }
0x64c: {  	v41 =	vld [tilespmem:$0x1FE70];
	v3 =	vmul.f32 v31, v59  }
0x64d: {  	v42 =	vld.idx.msk [tilespmem:v6+s29+$0x0], $0xffff  }
0x64e: {  	v54 =	vld.idx.msk [tilespmem:v28+s29+$0x0], $0xffff;
	[tilespmem:v17+s0+$0x0] =	vst.idx.msk $0xffff, v3  }
0x64f: {  	v2 =	vmul.f32 v2, v15;
	v3 =	vld [tilespmem:$0x1FE80]  }
0x650: {  	v44 =	vld [tilespmem:$0x1FF90]  }
0x651: {  	v1 =	vadd.f32 v2, v39;
	v39 =	vld.idx.msk [tilespmem:v61+s29+$0x0], $0xffff  }
0x652: {  	v0 =	vld.idx.msk [tilespmem:v0+s15+$0x0], $0xffff  }
0x653: {  	v1 =	vmul.f32 v1, v42;
	v5 =	vld.idx.msk [tilespmem:v37+s15+$0x0], $0xffff  }
0x654: {  	v4 =	vld.idx.msk [tilespmem:v41+s14+$0x0], $0xffff  }
0x655: {  	v20 =	vld [tilespmem:$0x1FC30];
	[tilespmem:v6+s0+$0x0] =	vst.idx.msk $0xffff, v1  }
0x656: {  	v1 =	vld [tilespmem:$0x1FC50]  }
0x657: {  	v49 =	vadd.s32 $0x25, v16;
	v3 =	vld.idx.msk [tilespmem:v3+s14+$0x0], $0xffff  }
0x658: {  	v17 =	vadd.s32 $0x11, v16;
	v9 =	vld.idx.msk [tilespmem:v44+s14+$0x0], $0xffff  }
0x659: {  	v59 =	vld.idx.msk [tilespmem:v52+s14+$0x0], $0xffff  }
0x65a: {  	v4 =	vmul.f32 v4, v19;
	v44 =	vld.idx.msk [tilespmem:v63+s29+$0x0], $0xffff  }
0x65b: {  	v41 =	vor.u32 $0x11, v10;
	v21 =	vld.idx.msk [tilespmem:v36+s29+$0x0], $0xffff  }
0x65c: {  	v2 =	vld.idx.msk [tilespmem:v49+s14+$0x0], $0xffff;
	v3 =	vadd.f32 v4, v3  }
0x65d: {  	v8 =	vadd.f32 v48, v8;
	v37 =	vld.idx.msk [tilespmem:v17+s14+$0x0], $0xffff;
	v31 =	vmul.f32 v9, v18  }
0x65e: {  	v7 =	vld.idx.msk [tilespmem:v20+s15+$0x0], $0xffff;
	v3 =	vmul.f32 v3, v54  }
0x65f: {  	v1 =	vld.idx.msk [tilespmem:v1+s15+$0x0], $0xffff;
	v6 =	vadd.f32 v31, v59;
	v59 =	vmul.f32 v8, v44  }
0x660: {  	v54 =	vld.idx.msk [tilespmem:v41+s29+$0x0], $0xffff;
	[tilespmem:v28+s0+$0x0] =	vst.idx.msk $0xffff, v3  }
0x661: {  	[tilespmem:v63+s0+$0x0] =	vst.idx.msk $0xffff, v59;
	v63 =	vld.idx.msk [tilespmem:v51+s29+$0x0], $0xffff  }
0x662: {  	v4 =	vmul.f32 v6, v21;
	v42 =	vld.idx.msk [tilespmem:v38+s14+$0x0], $0xffff  }
0x663: {  	v2 =	vmul.f32 v2, v15;
	v49 =	vld.idx.msk [tilespmem:v29+s14+$0x0], $0xffff  }
0x664: {  	v3 =	vmul.f32 v60, v39;
	v60 =	vld.idx.msk [tilespmem:v22+s29+$0x0], $0xffff;
	[tilespmem:v36+s0+$0x0] =	vst.idx.msk $0xffff, v4  }
0x665: {  	v2 =	vadd.f32 v2, v37;
	v52 =	vld.idx.msk [tilespmem:v33+s14+$0x0], $0xffff  }
0x666: {  	[tilespmem:v61+s0+$0x0] =	vst.idx.msk $0xffff, v3;
	v17 =	vld.idx.msk [tilespmem:v30+s14+$0x0], $0xffff  }
0x667: {  	v29 =	vadd.s32 $0x12, v16;
	v2 =	vmul.f32 v2, v54;
	v30 =	vld [tilespmem:$0x1FB80]  }
0x668: {  	v38 =	vor.u32 $0x12, v10;
	v31 =	vld [tilespmem:$0x1FB90]  }
0x669: {  	v61 =	vadd.s32 $0x26, v16;
	v3 =	vld [tilespmem:$0x1FB60];
	[tilespmem:v41+s0+$0x0] =	vst.idx.msk $0xffff, v2  }
0x66a: {  	v6 =	vmul.f32 v42, v19;
	v36 =	vld [tilespmem:$0x1FBA0]  }
0x66b: {  	v28 =	vld.idx.msk [tilespmem:v23+s29+$0x0], $0xffff  }
0x66c: {  	v39 =	vld.idx.msk [tilespmem:v29+s14+$0x0], $0xffff;
	v13 =	vmul.f32 v52, v18;
	v4 =	vadd.f32 v6, v49  }
0x66d: {  	v48 =	vld.idx.msk [tilespmem:v38+s29+$0x0], $0xffff  }
0x66e: {  	v9 =	vld.idx.msk [tilespmem:v61+s14+$0x0], $0xffff;
	v13 =	vadd.f32 v13, v17;
	v33 =	vmul.f32 v4, v60  }
0x66f: {  	v6 =	vld.idx.msk [tilespmem:v30+s16+$0x0], $0xffff  }
0x670: {  	v14 =	vld.idx.msk [tilespmem:v31+s16+$0x0], $0xffff;
	v37 =	vmul.f32 v13, v28;
	[tilespmem:v22+s0+$0x0] =	vst.idx.msk $0xffff, v33  }
0x671: {  	v41 =	vld.idx.msk [tilespmem:v26+s14+$0x0], $0xffff  }
0x672: {  	v4 =	vld.idx.msk [tilespmem:v36+s16+$0x0], $0xffff;
	[tilespmem:v23+s0+$0x0] =	vst.idx.msk $0xffff, v37  }
0x673: {  	v9 =	vmul.f32 v9, v15;
	v52 =	vld [tilespmem:$0x1FBF0]  }
0x674: {  	v30 =	vld [tilespmem:$0x1FD20]  }
0x675: {  	v2 =	vadd.f32 v9, v39;
	v36 =	vld [tilespmem:$0x1FDB0]  }
0x676: {  	v44 =	vld.idx.msk [tilespmem:v24+s14+$0x0], $0xffff  }
0x677: {  	v42 =	vld.idx.msk [tilespmem:v27+s14+$0x0], $0xffff;
	v2 =	vmul.f32 v2, v48  }
0x678: {  	v49 =	vld.idx.msk [tilespmem:v25+s14+$0x0], $0xffff  }
0x679: {  	v59 =	vld [tilespmem:$0x1FB00];
	[tilespmem:v38+s0+$0x0] =	vst.idx.msk $0xffff, v2  }
0x67a: {  	v60 =	vadd.s32 $0x27, v16;
	v24 =	vld [tilespmem:$0x1FB10]  }
0x67b: {  	v5 =	vmul.f32 v5, v56;
	v61 =	vadd.s32 $0x13, v16;
	v54 =	vld.idx.msk [tilespmem:v52+s29+$0x0], $0xffff  }
0x67c: {  	v0 =	vmul.f32 v0, v58;
	v25 =	vmov v18;
	v18 =	vmov v19;
	v31 =	vld.idx.msk [tilespmem:v30+s29+$0x0], $0xffff  }
0x67d: {  	v1 =	vadd.f32 v5, v1;
	v33 =	vmul.f32 v41, v18;
	v37 =	vld.idx.msk [tilespmem:v36+s29+$0x0], $0xffff  }
0x67e: {  	v0 =	vadd.f32 v0, v7;
	v3 =	vld.idx.msk [tilespmem:v3+s16+$0x0], $0xffff;
	v38 =	vmul.f32 v42, v25  }
0x67f: {  	v1 =	vmul.f32 v1, v63;
	v9 =	vld.idx.msk [tilespmem:v60+s14+$0x0], $0xffff;
	v7 =	vadd.f32 v33, v44  }
0x680: {  	v11 =	vld.idx.msk [tilespmem:v61+s14+$0x0], $0xffff;
	v2 =	vadd.f32 v38, v49;
	v0 =	vmul.f32 v0, v54  }
0x681: {  	[tilespmem:v51+s0+$0x0] =	vst.idx.msk $0xffff, v1;
	v21 =	vld.idx.msk [tilespmem:v59+s29+$0x0], $0xffff;
	v39 =	vmul.f32 v7, v31  }
0x682: {  	v5 =	vld.idx.msk [tilespmem:v24+s29+$0x0], $0xffff;
	v41 =	vmul.f32 v2, v37;
	[tilespmem:v52+s0+$0x0] =	vst.idx.msk $0xffff, v0  }
0x683: {  	v42 =	vld [tilespmem:$0x1FC60];
	[tilespmem:v30+s0+$0x0] =	vst.idx.msk $0xffff, v39  }
0x684: {  	v0 =	vld [tilespmem:$0x1FC70];
	[tilespmem:v36+s0+$0x0] =	vst.idx.msk $0xffff, v41  }
0x685: {  	v1 =	vld [tilespmem:$0x1FE90]  }
0x686: {  	v44 =	vld [tilespmem:$0x1FFA0]  }
0x687: {  	v48 =	vld [tilespmem:$0x1FEA0]  }
0x688: {  	v49 =	vld [tilespmem:$0x1FFB0]  }
0x689: {  	v19 =	vld [tilespmem:$0x1FD30]  }
0x68a: {  	v26 =	vld [tilespmem:$0x1FDC0]  }
0x68b: {  	v60 =	vld [tilespmem:$0x1FCA0]  }
0x68c: {  	v2 =	vld.idx.msk [tilespmem:v42+s15+$0x0], $0xffff  }
0x68d: {  	v1 =	vld.idx.msk [tilespmem:v1+s14+$0x0], $0xffff  }
0x68e: {  	v8 =	vld.idx.msk [tilespmem:v44+s14+$0x0], $0xffff  }
0x68f: {  	v10 =	vor.u32 $0x13, v10;
	v12 =	vld.idx.msk [tilespmem:v48+s14+$0x0], $0xffff  }
0x690: {  	v13 =	vld.idx.msk [tilespmem:v49+s14+$0x0], $0xffff  }
0x691: {  	v51 =	vld.idx.msk [tilespmem:v19+s29+$0x0], $0xffff  }
0x692: {  	v54 =	vld.idx.msk [tilespmem:v62+s15+$0x0], $0xffff;
	v1 =	vmul.f32 v1, v18  }
0x693: {  	v52 =	vld.idx.msk [tilespmem:v26+s29+$0x0], $0xffff  }
0x694: {  	v7 =	vld.idx.msk [tilespmem:v10+s29+$0x0], $0xffff;
	v8 =	vmul.f32 v8, v25;
	v1 =	vadd.f32 v1, v12  }
0x695: {  	v61 =	vld.idx.msk [tilespmem:v57+s29+$0x0], $0xffff  }
0x696: {  	v27 =	vld [tilespmem:$0x1FC10];
	v29 =	vmul.f32 v2, v58;
	v8 =	vadd.f32 v8, v13;
	v1 =	vmul.f32 v1, v51  }
0x697: {  	v63 =	vld [tilespmem:$0x1FB20]  }
0x698: {  	v0 =	vld.idx.msk [tilespmem:v0+s15+$0x0], $0xffff;
	v8 =	vmul.f32 v8, v52;
	[tilespmem:v19+s0+$0x0] =	vst.idx.msk $0xffff, v1;
	v1 =	vadd.f32 v29, v54  }
0x699: {  	v12 =	vld.idx.msk [tilespmem:v60+s15+$0x0], $0xffff  }
0x69a: {  	v30 =	vld [tilespmem:$0x1FB30];
	[tilespmem:v26+s0+$0x0] =	vst.idx.msk $0xffff, v8;
	v1 =	vmul.f32 v1, v61  }
0x69b: {  	v38 =	vld [tilespmem:$0x1FFC0]  }
0x69c: {  	v19 =	vld [tilespmem:$0x1FD40];
	[tilespmem:v57+s0+$0x0] =	vst.idx.msk $0xffff, v1  }
0x69d: {  	v26 =	vld [tilespmem:$0x1FDD0]  }
0x69e: {  	v62 =	vld.idx.msk [tilespmem:v27+s29+$0x0], $0xffff  }
0x69f: {  	v28 =	vld.idx.msk [tilespmem:v63+s29+$0x0], $0xffff  }
0x6a0: {  	v0 =	vmul.f32 v0, v56;
	v33 =	vld.idx.msk [tilespmem:v55+s14+$0x0], $0xffff  }
0x6a1: {  	v36 =	vld.idx.msk [tilespmem:v32+s14+$0x0], $0xffff  }
0x6a2: {  	v0 =	vadd.f32 v0, v12;
	v37 =	vld.idx.msk [tilespmem:v35+s14+$0x0], $0xffff  }
0x6a3: {  	v13 =	vld.idx.msk [tilespmem:v38+s14+$0x0], $0xffff  }
0x6a4: {  	v0 =	vmul.f32 v0, v62;
	v39 =	vld.idx.msk [tilespmem:v19+s29+$0x0], $0xffff  }
0x6a5: {  	v41 =	vmul.f32 v33, v18;
	v42 =	vld.idx.msk [tilespmem:v26+s29+$0x0], $0xffff  }
0x6a6: {  	[tilespmem:v27+s0+$0x0] =	vst.idx.msk $0xffff, v0;
	v51 =	vld.idx.msk [tilespmem:v46+s29+$0x0], $0xffff;
	v20 =	vmul.f32 v36, v25  }
0x6a7: {  	v0 =	vld [tilespmem:$0x1FC80];
	v1 =	vadd.f32 v41, v37  }
0x6a8: {  	v9 =	vmul.f32 v9, v15;
	v44 =	vld [tilespmem:$0x1FCB0];
	v13 =	vadd.f32 v20, v13  }
0x6a9: {  	v48 =	vld [tilespmem:$0x1FC90];
	v1 =	vmul.f32 v1, v39  }
0x6aa: {  	v9 =	vadd.f32 v9, v11;
	v49 =	vld [tilespmem:$0x1FCC0];
	v8 =	vmul.f32 v13, v42  }
0x6ab: {  	v52 =	vld.idx.msk [tilespmem:v45+s29+$0x0], $0xffff;
	[tilespmem:v19+s0+$0x0] =	vst.idx.msk $0xffff, v1  }
0x6ac: {  	v7 =	vmul.f32 v9, v7;
	v31 =	vld.idx.msk [tilespmem:v30+s29+$0x0], $0xffff;
	[tilespmem:v26+s0+$0x0] =	vst.idx.msk $0xffff, v8  }
0x6ad: {  	v54 =	vmul.f32 v53, v21;
	v8 =	vld [tilespmem:$0x1FEB0]  }
0x6ae: {  	v55 =	vld [tilespmem:$0x1FFE0];
	[tilespmem:v10+s0+$0x0] =	vst.idx.msk $0xffff, v7  }
0x6af: {  	v7 =	vld [tilespmem:$0x1FEC0];
	[tilespmem:v59+s0+$0x0] =	vst.idx.msk $0xffff, v54  }
0x6b0: {  	v9 =	vld [tilespmem:$0x1FFF0]  }
0x6b1: {  	v0 =	vld.idx.msk [tilespmem:v0+s15+$0x0], $0xffff  }
0x6b2: {  	v12 =	vld.idx.msk [tilespmem:v44+s15+$0x0], $0xffff  }
0x6b3: {  	v15 =	vld.idx.msk [tilespmem:v48+s15+$0x0], $0xffff  }
0x6b4: {  	v16 =	vld.idx.msk [tilespmem:v49+s15+$0x0], $0xffff  }
0x6b5: {  	v3 =	vmul.f32 v3, v47;
	v8 =	vld.idx.msk [tilespmem:v8+s14+$0x0], $0xffff  }
0x6b6: {  	v6 =	vmul.f32 v6, v34;
	v13 =	vld.idx.msk [tilespmem:v55+s14+$0x0], $0xffff  }
0x6b7: {  	v3 =	vadd.f32 v3, v14;
	v7 =	vld.idx.msk [tilespmem:v7+s14+$0x0], $0xffff  }
0x6b8: {  	v4 =	vadd.f32 v6, v4;
	v5 =	vmul.f32 v43, v5;
	v0 =	vmul.f32 v0, v58;
	v9 =	vld.idx.msk [tilespmem:v9+s14+$0x0], $0xffff  }
0x6b9: {  	v3 =	vmul.f32 v3, v28;
	v57 =	vld.idx.msk [tilespmem:v40+s29+$0x0], $0xffff;
	v56 =	vmul.f32 v12, v56  }
0x6ba: {  	v2 =	vmul.f32 v4, v31;
	v0 =	vadd.f32 v0, v15;
	v58 =	vld.idx.msk [tilespmem:v50+s29+$0x0], $0xffff;
	v8 =	vmul.f32 v8, v18  }
0x6bb: {  	[tilespmem:v24+s0+$0x0] =	vst.idx.msk $0xffff, v5;
	v5 =	vadd.f32 v56, v16;
	v59 =	vmul.f32 v13, v25  }
0x6bc: {  	[tilespmem:v63+s0+$0x0] =	vst.idx.msk $0xffff, v3;
	v0 =	vmul.f32 v0, v51;
	v60 =	vadd.f32 v8, v7  }
0x6bd: {  	[tilespmem:v30+s0+$0x0] =	vst.idx.msk $0xffff, v2;
	v1 =	vmul.f32 v5, v52;
	v61 =	vadd.f32 v59, v9  }
0x6be: {  	[tilespmem:v46+s0+$0x0] =	vst.idx.msk $0xffff, v0;
	v62 =	vmul.f32 v60, v57  }
0x6bf: {  	[tilespmem:v45+s0+$0x0] =	vst.idx.msk $0xffff, v1;
	v63 =	vmul.f32 v61, v58  }
0x6c0: {  	[tilespmem:v40+s0+$0x0] =	vst.idx.msk $0xffff, v62  }
0x6c1: {  	v57 =	vlaneseq.u32;
	[tilespmem:v50+s0+$0x0] =	vst.idx.msk $0xffff, v63  }
.LBB2_9:
0x6c2: {  	s14 =	sadd.s32 s12, s13  }
0x6c3: {  	v0 =	vor.u32 s14, v57  }
0x6c4: {  	v1 =	vshll.u32 v0, $0x4  }
0x6c5: {  	v0 =	vshll.u32 v0, $0x5;
	v2 =	vor.u32 $0x1, v1  }
0x6c6: {  	v3 =	vor.u32 $0x14, v0  }
0x6c7: {  	v4 =	vor.u32 $0x15, v0  }
0x6c8: {  	v5 =	vor.u32 $0x2, v1  }
0x6c9: {  	v6 =	vor.u32 $0x16, v0;
	v1 =	vld.idx.msk [tilespmem:v1+s30+$0x0], $0xffff  }
0x6ca: {  	v2 =	vld.idx.msk [tilespmem:v2+s30+$0x0], $0xffff  }
0x6cb: {  	v3 =	vld.idx.msk [tilespmem:v3+s29+$0x0], $0xffff  }
0x6cc: {  	v4 =	vld.idx.msk [tilespmem:v4+s29+$0x0], $0xffff  }
0x6cd: {  	v5 =	vld.idx.msk [tilespmem:v5+s30+$0x0], $0xffff  }
0x6ce: {  	v6 =	vld.idx.msk [tilespmem:v6+s29+$0x0], $0xffff;
	_ =	sdelay $0x2  }
0x6cf: {  	v1 =	vsub.f32 v1, v3;
	v2 =	vsub.f32 v2, v4;
	_ =	sdelay $0x1  }
0x6d0: {  	v21 =	vsub.f32 v5, v6;
	v1 =	vmul.f32 v1, v1;
	v2 =	vmul.f32 v2, v2;
	_ =	sdelay $0x1  }
0x6d1: {  	v22 =	vmul.f32 v21, v21;
	v1 =	vadd.f32 v2, v1;
	_ =	sdelay $0x1  }
0x6d2: {  	v1 =	vadd.f32 v22, v1;
	_ =	sdelay $0x1  }
0x6d3: {  	v1 =	vmax.f32 v1, $1.000000020e-24  }
0x6d4: {  	v23 =	vshra.s32 v1, $0x1;
	v24 =	vmul.f32 $5.000000000e-01, v1  }
0x6d5: {  	v2 =	vsub.s32 $0x5F3759DF, v23  }
0x6d6: {  	v25 =	vmul.f32 v2, v24;
	_ =	sdelay $0x1  }
0x6d7: {  	v4 =	vmul.f32 v2, v25;
	_ =	sdelay $0x1  }
0x6d8: {  	v4 =	vsub.f32 $1.500000000e+00, v4;
	_ =	sdelay $0x1  }
0x6d9: {  	v2 =	vmul.f32 v2, v4;
	_ =	sdelay $0x1  }
0x6da: {  	v4 =	vmul.f32 v2, v24;
	_ =	sdelay $0x1  }
0x6db: {  	v4 =	vmul.f32 v4, v2;
	_ =	sdelay $0x1  }
0x6dc: {  	v4 =	vsub.f32 $1.500000000e+00, v4;
	_ =	sdelay $0x1  }
0x6dd: {  	v2 =	vmul.f32 v4, v2;
	_ =	sdelay $0x1  }
0x6de: {  	v3 =	vmul.f32 v2, v24;
	_ =	sdelay $0x1  }
0x6df: {  	v3 =	vmul.f32 v3, v2;
	_ =	sdelay $0x1  }
0x6e0: {  	v3 =	vsub.f32 $1.500000000e+00, v3;
	_ =	sdelay $0x1  }
0x6e1: {  	v2 =	vmul.f32 v3, v2;
	_ =	sdelay $0x1  }
0x6e2: {  	v1 =	vmul.f32 v2, v1;
	_ =	sdelay $0x1  }
0x6e3: {  	v1 =	vmul.f32 $6.400000000e+01, v1;
	_ =	sdelay $0x1  }
0x6e4: {  	v1 =	vmin.f32 v1, $5.115000000e+02  }
0x6e5: {  	v26 =	vtrunc.f32 v1  }
0x6e6: {  	v27 =	vcvt.f32.s32 v26;
	_ =	sdelay $0x1  }
0x6e7: {  	v2 =	vmul.u32 $0x28, v27;
	_ =	sdelay $0x1  }
0x6e8: {  	v28 =	vadd.s32 $0x14, v2;
	_ =	sdelay $0x4  }
0x6e9: {  	v4 =	vld.idx.msk [tilespmem:v28+s4+$0x0], $0xffff  }
0x6ea: {  	v3 =	vcvt.s32.f32 v27  }
0x6eb: {  	v29 =	vld.idx.msk [tilespmem:v2+s4+$0x0], $0xffff  }
0x6ec: {  	v1 =	vsub.f32 v1, v3  }
0x6ed: {  	v30 =	vld.idx.msk [tilespmem:v0+s29+$0x0], $0xffff  }
0x6ee: {  	v4 =	vmul.f32 v1, v4;
	_ =	sdelay $0x1  }
0x6ef: {  	v31 =	vadd.s32 $0x15, v2;
	v4 =	vadd.f32 v4, v29;
	_ =	sdelay $0x1  }
0x6f0: {  	v32 =	vor.u32 $0x1, v2;
	v3 =	vmul.f32 v4, v30;
	_ =	sdelay $0x1  }
0x6f1: {  	v33 =	vor.u32 $0x1, v0;
	[tilespmem:v0+s0+$0x0] =	vst.idx.msk $0xffff, v3  }
0x6f2: {  	v5 =	vld.idx.msk [tilespmem:v31+s4+$0x0], $0xffff;
	_ =	sdelay $0x1  }
0x6f3: {  	v4 =	vld.idx.msk [tilespmem:v32+s4+$0x0], $0xffff;
	_ =	sdelay $0x1  }
0x6f4: {  	v34 =	vld.idx.msk [tilespmem:v33+s29+$0x0], $0xffff  }
0x6f5: {  	v5 =	vmul.f32 v1, v5;
	_ =	sdelay $0x1  }
0x6f6: {  	v35 =	vadd.s32 $0x16, v2;
	v4 =	vadd.f32 v5, v4;
	_ =	sdelay $0x1  }
0x6f7: {  	v36 =	vor.u32 $0x2, v2;
	v4 =	vmul.f32 v4, v34;
	_ =	sdelay $0x1  }
0x6f8: {  	v37 =	vor.u32 $0x2, v0;
	[tilespmem:v33+s0+$0x0] =	vst.idx.msk $0xffff, v4  }
0x6f9: {  	v4 =	vld.idx.msk [tilespmem:v35+s4+$0x0], $0xffff;
	_ =	sdelay $0x1  }
0x6fa: {  	v38 =	vld.idx.msk [tilespmem:v36+s4+$0x0], $0xffff;
	_ =	sdelay $0x1  }
0x6fb: {  	v39 =	vld.idx.msk [tilespmem:v37+s29+$0x0], $0xffff  }
0x6fc: {  	v4 =	vmul.f32 v1, v4;
	_ =	sdelay $0x1  }
0x6fd: {  	v40 =	vadd.s32 $0x17, v2;
	v4 =	vadd.f32 v4, v38;
	_ =	sdelay $0x1  }
0x6fe: {  	v41 =	vor.u32 $0x3, v2;
	v4 =	vmul.f32 v4, v39;
	_ =	sdelay $0x1  }
0x6ff: {  	v42 =	vor.u32 $0x3, v0;
	[tilespmem:v37+s0+$0x0] =	vst.idx.msk $0xffff, v4  }
0x700: {  	v4 =	vld.idx.msk [tilespmem:v40+s4+$0x0], $0xffff;
	_ =	sdelay $0x1  }
0x701: {  	v43 =	vld.idx.msk [tilespmem:v41+s4+$0x0], $0xffff;
	_ =	sdelay $0x1  }
0x702: {  	v44 =	vld.idx.msk [tilespmem:v42+s29+$0x0], $0xffff  }
0x703: {  	v4 =	vmul.f32 v1, v4;
	_ =	sdelay $0x1  }
0x704: {  	v45 =	vadd.s32 $0x18, v2;
	v4 =	vadd.f32 v4, v43;
	_ =	sdelay $0x1  }
0x705: {  	v46 =	vor.u32 $0x4, v2;
	v4 =	vmul.f32 v4, v44;
	_ =	sdelay $0x1  }
0x706: {  	v47 =	vor.u32 $0x4, v0;
	[tilespmem:v42+s0+$0x0] =	vst.idx.msk $0xffff, v4  }
0x707: {  	v4 =	vld.idx.msk [tilespmem:v45+s4+$0x0], $0xffff;
	_ =	sdelay $0x1  }
0x708: {  	v48 =	vld.idx.msk [tilespmem:v46+s4+$0x0], $0xffff;
	_ =	sdelay $0x1  }
0x709: {  	v49 =	vld.idx.msk [tilespmem:v47+s29+$0x0], $0xffff  }
0x70a: {  	v4 =	vmul.f32 v1, v4;
	_ =	sdelay $0x1  }
0x70b: {  	v50 =	vadd.s32 $0x19, v2;
	v4 =	vadd.f32 v4, v48;
	_ =	sdelay $0x1  }
0x70c: {  	v51 =	vor.u32 $0x5, v2;
	v4 =	vmul.f32 v4, v49;
	_ =	sdelay $0x1  }
0x70d: {  	v52 =	vor.u32 $0x5, v0;
	[tilespmem:v47+s0+$0x0] =	vst.idx.msk $0xffff, v4  }
0x70e: {  	v4 =	vld.idx.msk [tilespmem:v50+s4+$0x0], $0xffff;
	_ =	sdelay $0x1  }
0x70f: {  	v53 =	vld.idx.msk [tilespmem:v51+s4+$0x0], $0xffff;
	_ =	sdelay $0x1  }
0x710: {  	v54 =	vld.idx.msk [tilespmem:v52+s29+$0x0], $0xffff  }
0x711: {  	v4 =	vmul.f32 v1, v4;
	_ =	sdelay $0x1  }
0x712: {  	v55 =	vadd.s32 $0x1A, v2;
	v4 =	vadd.f32 v4, v53;
	_ =	sdelay $0x1  }
0x713: {  	v56 =	vor.u32 $0x6, v2;
	v4 =	vmul.f32 v4, v54;
	_ =	sdelay $0x1  }
0x714: {  	v58 =	vor.u32 $0x6, v0;
	[tilespmem:v52+s0+$0x0] =	vst.idx.msk $0xffff, v4  }
0x715: {  	v4 =	vld.idx.msk [tilespmem:v55+s4+$0x0], $0xffff;
	_ =	sdelay $0x1  }
0x716: {  	v59 =	vld.idx.msk [tilespmem:v56+s4+$0x0], $0xffff;
	_ =	sdelay $0x1  }
0x717: {  	v60 =	vld.idx.msk [tilespmem:v58+s29+$0x0], $0xffff  }
0x718: {  	v4 =	vmul.f32 v4, v1;
	_ =	sdelay $0x1  }
0x719: {  	v61 =	vadd.s32 $0x1B, v2;
	v4 =	vadd.f32 v4, v59;
	_ =	sdelay $0x1  }
0x71a: {  	v62 =	vor.u32 $0x7, v2;
	v4 =	vmul.f32 v4, v60;
	_ =	sdelay $0x1  }
0x71b: {  	v63 =	vor.u32 $0x7, v0;
	[tilespmem:v58+s0+$0x0] =	vst.idx.msk $0xffff, v4  }
0x71c: {  	v4 =	vld.idx.msk [tilespmem:v61+s4+$0x0], $0xffff;
	_ =	sdelay $0x1  }
0x71d: {  	v9 =	vld.idx.msk [tilespmem:v62+s4+$0x0], $0xffff;
	_ =	sdelay $0x1  }
0x71e: {  	v10 =	vld.idx.msk [tilespmem:v63+s29+$0x0], $0xffff  }
0x71f: {  	v4 =	vmul.f32 v4, v1;
	_ =	sdelay $0x1  }
0x720: {  	v11 =	vadd.s32 $0x1C, v2;
	v4 =	vadd.f32 v4, v9;
	_ =	sdelay $0x1  }
0x721: {  	v12 =	vadd.s32 $0x8, v2;
	v4 =	vmul.f32 v4, v10;
	_ =	sdelay $0x1  }
0x722: {  	v13 =	vor.u32 $0x8, v0;
	[tilespmem:v63+s0+$0x0] =	vst.idx.msk $0xffff, v4  }
0x723: {  	v4 =	vld.idx.msk [tilespmem:v11+s4+$0x0], $0xffff;
	_ =	sdelay $0x1  }
0x724: {  	v14 =	vld.idx.msk [tilespmem:v12+s4+$0x0], $0xffff;
	_ =	sdelay $0x1  }
0x725: {  	v15 =	vld.idx.msk [tilespmem:v13+s29+$0x0], $0xffff  }
0x726: {  	v4 =	vmul.f32 v4, v1;
	_ =	sdelay $0x1  }
0x727: {  	v16 =	vadd.s32 $0x1D, v2;
	v4 =	vadd.f32 v4, v14;
	_ =	sdelay $0x1  }
0x728: {  	v17 =	vadd.s32 $0x9, v2;
	v4 =	vmul.f32 v4, v15;
	_ =	sdelay $0x1  }
0x729: {  	v18 =	vor.u32 $0x9, v0;
	[tilespmem:v13+s0+$0x0] =	vst.idx.msk $0xffff, v4  }
0x72a: {  	v4 =	vld.idx.msk [tilespmem:v16+s4+$0x0], $0xffff;
	_ =	sdelay $0x1  }
0x72b: {  	v19 =	vld.idx.msk [tilespmem:v17+s4+$0x0], $0xffff;
	_ =	sdelay $0x1  }
0x72c: {  	v20 =	vld.idx.msk [tilespmem:v18+s29+$0x0], $0xffff  }
0x72d: {  	v4 =	vmul.f32 v4, v1;
	_ =	sdelay $0x1  }
0x72e: {  	v21 =	vadd.s32 $0x1E, v2;
	v4 =	vadd.f32 v4, v19;
	_ =	sdelay $0x1  }
0x72f: {  	v22 =	vadd.s32 $0xA, v2;
	v4 =	vmul.f32 v4, v20;
	_ =	sdelay $0x1  }
0x730: {  	v23 =	vor.u32 $0xA, v0;
	[tilespmem:v18+s0+$0x0] =	vst.idx.msk $0xffff, v4  }
0x731: {  	v4 =	vld.idx.msk [tilespmem:v21+s4+$0x0], $0xffff;
	_ =	sdelay $0x1  }
0x732: {  	v24 =	vld.idx.msk [tilespmem:v22+s4+$0x0], $0xffff;
	_ =	sdelay $0x1  }
0x733: {  	v25 =	vld.idx.msk [tilespmem:v23+s29+$0x0], $0xffff  }
0x734: {  	v4 =	vmul.f32 v4, v1;
	_ =	sdelay $0x1  }
0x735: {  	v26 =	vadd.s32 $0x1F, v2;
	v4 =	vadd.f32 v4, v24;
	_ =	sdelay $0x1  }
0x736: {  	v27 =	vadd.s32 $0xB, v2;
	v4 =	vmul.f32 v4, v25;
	_ =	sdelay $0x1  }
0x737: {  	v28 =	vor.u32 $0xB, v0;
	[tilespmem:v23+s0+$0x0] =	vst.idx.msk $0xffff, v4  }
0x738: {  	v4 =	vld.idx.msk [tilespmem:v26+s4+$0x0], $0xffff;
	_ =	sdelay $0x1  }
0x739: {  	v29 =	vld.idx.msk [tilespmem:v27+s4+$0x0], $0xffff;
	_ =	sdelay $0x1  }
0x73a: {  	v30 =	vld.idx.msk [tilespmem:v28+s29+$0x0], $0xffff  }
0x73b: {  	v4 =	vmul.f32 v4, v1;
	_ =	sdelay $0x1  }
0x73c: {  	v31 =	vadd.s32 $0x20, v2;
	v4 =	vadd.f32 v4, v29;
	_ =	sdelay $0x1  }
0x73d: {  	v32 =	vadd.s32 $0xC, v2;
	v4 =	vmul.f32 v4, v30;
	_ =	sdelay $0x1  }
0x73e: {  	v33 =	vor.u32 $0xC, v0;
	[tilespmem:v28+s0+$0x0] =	vst.idx.msk $0xffff, v4  }
0x73f: {  	v4 =	vld.idx.msk [tilespmem:v31+s4+$0x0], $0xffff;
	_ =	sdelay $0x1  }
0x740: {  	v34 =	vld.idx.msk [tilespmem:v32+s4+$0x0], $0xffff;
	_ =	sdelay $0x1  }
0x741: {  	v35 =	vld.idx.msk [tilespmem:v33+s29+$0x0], $0xffff  }
0x742: {  	v4 =	vmul.f32 v4, v1;
	_ =	sdelay $0x1  }
0x743: {  	v36 =	vadd.s32 $0x21, v2;
	v4 =	vadd.f32 v4, v34;
	_ =	sdelay $0x1  }
0x744: {  	v37 =	vadd.s32 $0xD, v2;
	v4 =	vmul.f32 v4, v35;
	_ =	sdelay $0x1  }
0x745: {  	v38 =	vor.u32 $0xD, v0;
	[tilespmem:v33+s0+$0x0] =	vst.idx.msk $0xffff, v4  }
0x746: {  	v4 =	vld.idx.msk [tilespmem:v36+s4+$0x0], $0xffff;
	_ =	sdelay $0x1  }
0x747: {  	v39 =	vld.idx.msk [tilespmem:v37+s4+$0x0], $0xffff;
	_ =	sdelay $0x1  }
0x748: {  	v40 =	vld.idx.msk [tilespmem:v38+s29+$0x0], $0xffff  }
0x749: {  	v4 =	vmul.f32 v4, v1;
	_ =	sdelay $0x1  }
0x74a: {  	v41 =	vadd.s32 $0x22, v2;
	v4 =	vadd.f32 v4, v39;
	_ =	sdelay $0x1  }
0x74b: {  	v42 =	vadd.s32 $0xE, v2;
	v4 =	vmul.f32 v4, v40;
	_ =	sdelay $0x1  }
0x74c: {  	v43 =	vor.u32 $0xE, v0;
	[tilespmem:v38+s0+$0x0] =	vst.idx.msk $0xffff, v4  }
0x74d: {  	v4 =	vld.idx.msk [tilespmem:v41+s4+$0x0], $0xffff;
	_ =	sdelay $0x1  }
0x74e: {  	v44 =	vld.idx.msk [tilespmem:v42+s4+$0x0], $0xffff;
	_ =	sdelay $0x1  }
0x74f: {  	v45 =	vld.idx.msk [tilespmem:v43+s29+$0x0], $0xffff  }
0x750: {  	v4 =	vmul.f32 v4, v1;
	_ =	sdelay $0x1  }
0x751: {  	v46 =	vadd.s32 $0x23, v2;
	v4 =	vadd.f32 v4, v44;
	_ =	sdelay $0x1  }
0x752: {  	v47 =	vadd.s32 $0xF, v2;
	v4 =	vmul.f32 v4, v45;
	_ =	sdelay $0x1  }
0x753: {  	v48 =	vor.u32 $0xF, v0;
	[tilespmem:v43+s0+$0x0] =	vst.idx.msk $0xffff, v4  }
0x754: {  	v4 =	vld.idx.msk [tilespmem:v46+s4+$0x0], $0xffff;
	_ =	sdelay $0x1  }
0x755: {  	v49 =	vld.idx.msk [tilespmem:v47+s4+$0x0], $0xffff;
	_ =	sdelay $0x1  }
0x756: {  	v50 =	vld.idx.msk [tilespmem:v48+s29+$0x0], $0xffff  }
0x757: {  	v4 =	vmul.f32 v4, v1;
	_ =	sdelay $0x1  }
0x758: {  	v51 =	vadd.s32 $0x24, v2;
	v4 =	vadd.f32 v4, v49;
	_ =	sdelay $0x1  }
0x759: {  	v7 =	vadd.s32 $0x10, v2;
	v4 =	vmul.f32 v4, v50;
	_ =	sdelay $0x1  }
0x75a: {  	v52 =	vor.u32 $0x10, v0;
	[tilespmem:v48+s0+$0x0] =	vst.idx.msk $0xffff, v4  }
0x75b: {  	v3 =	vld.idx.msk [tilespmem:v51+s4+$0x0], $0xffff;
	_ =	sdelay $0x1  }
0x75c: {  	v4 =	vld.idx.msk [tilespmem:v7+s4+$0x0], $0xffff;
	_ =	sdelay $0x1  }
0x75d: {  	v53 =	vld.idx.msk [tilespmem:v52+s29+$0x0], $0xffff  }
0x75e: {  	v3 =	vmul.f32 v3, v1;
	_ =	sdelay $0x1  }
0x75f: {  	v54 =	vadd.s32 $0x25, v2;
	v3 =	vadd.f32 v3, v4;
	_ =	sdelay $0x1  }
0x760: {  	v55 =	vadd.s32 $0x11, v2;
	v3 =	vmul.f32 v3, v53;
	_ =	sdelay $0x1  }
0x761: {  	v56 =	vor.u32 $0x11, v0;
	[tilespmem:v52+s0+$0x0] =	vst.idx.msk $0xffff, v3  }
0x762: {  	v4 =	vld.idx.msk [tilespmem:v54+s4+$0x0], $0xffff;
	_ =	sdelay $0x1  }
0x763: {  	v5 =	vld.idx.msk [tilespmem:v55+s4+$0x0], $0xffff;
	_ =	sdelay $0x1  }
0x764: {  	v6 =	vld.idx.msk [tilespmem:v56+s29+$0x0], $0xffff  }
0x765: {  	v4 =	vmul.f32 v4, v1;
	_ =	sdelay $0x1  }
0x766: {  	v58 =	vadd.s32 $0x26, v2;
	v4 =	vadd.f32 v4, v5;
	_ =	sdelay $0x1  }
0x767: {  	v59 =	vadd.s32 $0x12, v2;
	v4 =	vmul.f32 v4, v6;
	_ =	sdelay $0x1  }
0x768: {  	v60 =	vor.u32 $0x12, v0;
	[tilespmem:v56+s0+$0x0] =	vst.idx.msk $0xffff, v4  }
0x769: {  	v4 =	vld.idx.msk [tilespmem:v58+s4+$0x0], $0xffff;
	_ =	sdelay $0x1  }
0x76a: {  	v61 =	vld.idx.msk [tilespmem:v59+s4+$0x0], $0xffff;
	_ =	sdelay $0x1  }
0x76b: {  	v62 =	vld.idx.msk [tilespmem:v60+s29+$0x0], $0xffff  }
0x76c: {  	v4 =	vmul.f32 v4, v1;
	_ =	sdelay $0x1  }
0x76d: {  	v63 =	vadd.s32 $0x27, v2;
	v4 =	vadd.f32 v4, v61;
	_ =	sdelay $0x1  }
0x76e: {  	v2 =	vadd.s32 $0x13, v2;
	v4 =	vmul.f32 v4, v62;
	_ =	sdelay $0x1  }
0x76f: {  	v0 =	vor.u32 $0x13, v0;
	[tilespmem:v60+s0+$0x0] =	vst.idx.msk $0xffff, v4  }
0x770: {  	v3 =	vld.idx.msk [tilespmem:v63+s4+$0x0], $0xffff;
	_ =	sdelay $0x1  }
0x771: {  	v2 =	vld.idx.msk [tilespmem:v2+s4+$0x0], $0xffff;
	_ =	sdelay $0x1  }
0x772: {  	v4 =	vld.idx.msk [tilespmem:v0+s29+$0x0], $0xffff  }
0x773: {  	v1 =	vmul.f32 v3, v1  }
0x774: {  	p2 =	sne.s32 s12, $0x10  }
.Ltmp3:
0x775: {  	v1 =	vadd.f32 v1, v2;
	(pc) =	sbr.rel @p2 .LBB2_9-.Ltmp3, $3  }
0x776: {  	_ = 	snop  }
0x777: {  	v1 =	vmul.f32 v1, v4;
	_ =	sdelay $0x1  }
0x778: {  	s12 =	sadd.s32 $0x10, s12;
	[tilespmem:v0+s0+$0x0] =	vst.idx.msk $0xffff, v1  }
0x779: {  	s12 =	simm.s32 @!p1 $0x3  }
0x77a: {  	_ =	swait.ge @!p1 [sflag:s12], $0x200  }
0x77b: {  	[sflag:s12] =	ssyncset.done @!p1 $0x0  }
0x77c: {  	[sflag:s12] =	ssyncadd.s32 @!p1 $0xFFFFFE00  }
0x77d: {  	_ =	swait.ge @!p1 [sflag:s12], $0x200  }
0x77e: {  	[sflag:s12] =	ssyncset.done @!p1 $0x0  }
0x77f: {  	s13 =	sor.u32 @!p1 $0x5000, s10;
	[sflag:s12] =	ssyncadd.s32 @!p1 $0xFFFFFE00;
	s12 =	sshll.u32 @!p1 s11, $0xE  }
0x780: {  	s14 =	simm.s32 @!p1 $0x80;
	s11 =	sshll.u32 @!p1 s11, $0xD;
	s12 =	sadd.s32 @!p1 $0x5800, s12  }
0x781: {  	[tilespmem:s12], [sflag:$0x1] =	stream.indirect.gather @!p1 [hbm4b:s5+s14], $0x20, s13, s14, $0xb8;
	[tilespmem:$0x1F200] =	vst v63  }
0x782: {  	s11 =	sor.u32 @!p1 $0xD800, s11;
	s12 =	sor.u32 @!p1 $0x5400, s10  }
0x783: {  	[tilespmem:s11], [sflag:$0x1] =	stream.indirect.gather @!p1 [hbm4b:s2+s14], $0x10, s12, s14, $0xb8;
	[tilespmem:$0x1F200] =	vst v63  }
0x784: {  	s11 =	sor.u32 @!p1 $0x80, s10  }
0x785: {  	s12 =	sshll.u32 @!p1 s11, $0x5  }
0x786: {  	s13 =	sor.u32 @!p1 $0x5080, s10;
	s11 =	sshll.u32 @!p1 s11, $0x4;
	s12 =	sadd.s32 @!p1 $0x5800, s12  }
0x787: {  	[tilespmem:s12], [sflag:$0x1] =	stream.indirect.gather @!p1 [hbm4b:s5+s14], $0x20, s13, s14, $0xb8;
	[tilespmem:$0x1F200] =	vst v63  }
0x788: {  	s11 =	sadd.s32 @!p1 $0xD800, s11;
	s12 =	sor.u32 @!p1 $0x5480, s10  }
0x789: {  	[tilespmem:s11], [sflag:$0x1] =	stream.indirect.gather @!p1 [hbm4b:s2+s14], $0x10, s12, s14, $0xb8;
	[tilespmem:$0x1F200] =	vst v63  }
0x78a: {  	s11 =	sor.u32 @!p1 $0x100, s10  }
0x78b: {  	s12 =	sshll.u32 @!p1 s11, $0x5  }
0x78c: {  	s13 =	sor.u32 @!p1 $0x5100, s10;
	s11 =	sshll.u32 @!p1 s11, $0x4;
	s12 =	sadd.s32 @!p1 $0x5800, s12  }
0x78d: {  	[tilespmem:s12], [sflag:$0x1] =	stream.indirect.gather @!p1 [hbm4b:s5+s14], $0x20, s13, s14, $0xb8;
	[tilespmem:$0x1F200] =	vst v63  }
0x78e: {  	s11 =	sadd.s32 @!p1 $0xD800, s11;
	s12 =	sor.u32 @!p1 $0x5500, s10  }
0x78f: {  	[tilespmem:s11], [sflag:$0x1] =	stream.indirect.gather @!p1 [hbm4b:s2+s14], $0x10, s12, s14, $0xb8;
	[tilespmem:$0x1F200] =	vst v63  }
0x790: {  	s11 =	sor.u32 @!p1 $0x180, s10  }
0x791: {  	s12 =	sshll.u32 @!p1 s11, $0x5  }
0x792: {  	s13 =	sor.u32 @!p1 $0x5180, s10;
	s11 =	sshll.u32 @!p1 s11, $0x4;
	s12 =	sadd.s32 @!p1 $0x5800, s12  }
0x793: {  	[tilespmem:s12], [sflag:$0x1] =	stream.indirect.gather @!p1 [hbm4b:s5+s14], $0x20, s13, s14, $0xb8;
	[tilespmem:$0x1F200] =	vst v63  }
0x794: {  	s10 =	sor.u32 @!p1 $0x5580, s10;
	s11 =	sadd.s32 @!p1 $0xD800, s11  }
0x795: {  	[tilespmem:s11], [sflag:$0x1] =	stream.indirect.gather @!p1 [hbm4b:s2+s14], $0x10, s10, s14, $0xb8;
	[tilespmem:$0x1F200] =	vst v63  }
0x796: {  	s13 =	sshll.u32 s8, $0xE;
	s14 =	sshll.u32 s8, $0x9  }
0x797: {  	s26 =	sadd.s32 $0x1, s26;
	s15 =	sor.u32 $0x11800, s13;
	s16 =	sor.u32 $0x5400, s14  }
0x798: {  	[spmem:s3] =	stream.indirect.scatter.add.f32 [tilespmem:s15], [sflag:$0x2], $0x20, s16, s28, $0xb8;
	[tilespmem:$0x1F200] =	vst v63  }
0x799: {  	s17 =	sor.u32 $0x12800, s13;
	p1 =	sne.s32 s26, $0x14;
	s18 =	sor.u32 $0x5480, s14  }
0x79a: {  	[spmem:s3] =	stream.indirect.scatter.add.f32 [tilespmem:s17], [sflag:$0x2], $0x20, s18, s28, $0xb8;
	[tilespmem:$0x1F200] =	vst v63  }
.Ltmp4:
0x79b: {  	_ = 	snop;
	(pc) =	sbr.rel @p1 .LBB2_6-.Ltmp4, $4  }
0x79c: {  	s19 =	sor.u32 $0x13800, s13;
	s20 =	sor.u32 $0x5500, s14  }
0x79d: {  	[spmem:s3] =	stream.indirect.scatter.add.f32 [tilespmem:s19], [sflag:$0x2], $0x20, s20, s28, $0xb8;
	[tilespmem:$0x1F200] =	vst v63  }
0x79e: {  	p0 =	por !p0, !p0;
	s10 =	sadd.s32 $0x14800, s13;
	s8 =	sor.u32 $0x5580, s14  }
0x79f: {  	[spmem:s3] =	stream.indirect.scatter.add.f32 [tilespmem:s10], [sflag:$0x2], $0x20, s8, s28, $0xb8;
	[tilespmem:$0x1F200] =	vst v63  }
0x7a0: {  	_ =	swait.ge [sflag:s1], $0x1000  }
0x7a1: {  	[sflag:s1] =	ssyncset.done $0x0  }
0x7a2: {  	[sflag:s1] =	ssyncadd.s32 $0xFFFFF000  }
0x7a3: {  	_ =	swait.ge [sflag:s1], $0x1000  }
0x7a4: {  	[sflag:s1] =	ssyncset.done $0x0  }
0x7a5: {  	[sflag:s1] =	ssyncadd.s32 $0xFFFFF000  }
0x7a6: {  	_ =	swait.ge [sflag:s1], $0x1000  }
0x7a7: {  	[sflag:s1] =	ssyncset.done $0x0  }
0x7a8: {  	[sflag:s1] =	ssyncadd.s32 $0xFFFFF000  }
0x7a9: {  	_ =	swait.ge [sflag:s1], $0x1000  }
0x7aa: {  	[sflag:s1] =	ssyncset.done $0x0  }
0x7ab: {  	s8 =	stileid.u32;
	[sflag:s1] =	ssyncadd.s32 $0xFFFFF000  }
0x7ac: {  	s8 =	sshll.u32 s8, $0x6;
	[bflag:$0x0] =	sbarrier.arrive $0xFFFF  }
0x7ad: {  	s10 =	sshrl.u32 s9, $0x3;
	s8 =	sor.u32 $0x1C04, s8;
	s11 =	rddreg [dreg:$0xe]  }
0x7ae: {  	[hbm:s11], [sflag:s8] =	dma.local [spmem:s10], $0xA00  }
0x7af: {  	_ =	swait.ge [sflag:s22], $0xA00  }
0x7b0: {  	s25 =	sadd.s32 $0x1, s25;
	s26 =	rddreg [dreg:$0xf]  }
0x7b1: {  	p0 =	sne.s32 s25, s26  }
.Ltmp5:
0x7b2: {  	_ = 	snop;
	(pc) =	sbr.rel @p0 .LBB2_1-.Ltmp5, $3  }
0x7b3: {  	_ =	sdelay $0x1  }
0x7b4: {  	[sflag:s22] =	ssyncset.done $0x0  }
0x7b5: {  	v0 =	vimm.f32 $0.0e+00;
	[sflag:s22] =	ssyncadd.s32 $0xFFFFF600  }
0x7b6: {  	_ =	sfence.sel $0x180000  }
0x7b7: {  	[bflag:$0x0] =	sbarrier.arrive $0xFFFF  }
0x7b8: {  	_ =	strace $0x90000047  }
0x7b9: {  	s0 =	stileid.u32;
	[bflag:$0x2] =	sbarrier.arrive $0xFFFF  }
0x7ba: {  	p0 =	sne.s32 s0, $0x0;
	s0 =	rddreg [dreg:$0x3]  }
0x7bb: {  	s0 =	sadd.s32 @!p0 $0x100000, s0  }
0x7bc: {  	[sflag:s0] =	ssyncadd.tile.s32 @!p0 $0x1;
	_ =	shalt  }
.Lfunc_end2:
_tile_overlayer_lowered:
.L_overlay_start_2:
0x7bd: {  	(tag) =	ssettag $0x2  }
0x7be: {  	s0 =	rddreg [dreg:$0x0];
	s2 =	stileid.u32  }
0x7bf: {  	s1 =	rddreg [dreg:$0x1];
	p0 =	sne.s32 s2, $0x0  }
0x7c0: {  	s3 =	rddreg [dreg:$0x2];
	[bflag:$0x3] =	sbarrier.arrive $0xFFFF;
	s2 =	simm.s32 @!p0 $0x1C04  }
0x7c1: {  	[timem:s3], [sflag:s2] =	dma.local @!p0 [hbm:s0], s1  }
0x7c2: {  	s0 =	simm.s32 @!p0 $0x4  }
0x7c3: {  	_ =	swait.ge @!p0 [sflag:s0], s1  }
0x7c4: {  	s1 =	ssub.s32 @!p0 $0x0, s1;
	[sflag:s0] =	ssyncset.done @!p0 $0x0  }
0x7c5: {  	[sflag:s0] =	ssyncadd.s32 @!p0 s1  }
0x7c6: {  	[bflag:$0x3] =	sbarrier.arrive $0xFFFF  }
0x7c7: {  	_ =	shalt  }

</sc_bundles>
